<compile_context>
chip_gen: v7x
topology: tpu7x:2x2x1
jax: 0.10.2.dev20260603
libtpu: 0.0.44.dev20260713+nightly
codegen_flags: <defaults>
</compile_context>

<pallas_src>
import jax
import jax.numpy as jnp
from jax import lax
from jax.experimental import pallas as pl
from jax.experimental.pallas import tpu as pltpu
from jax.experimental.pallas import tpu_sc as plsc

NUM_CLASSES = 100000
FEAT_DIM = 128
BATCH = 16384

NC = 2
NS = 16
NW = NC * NS
LANES = 16
NVEC = BATCH // LANES
NCHUNK = FEAT_DIM // LANES
GW = 64
NSUB = GW // LANES


def _rsqrt(x):
    i = plsc.bitcast(x, jnp.int32)
    i = 0x5F3759DF - lax.shift_right_logical(i, 1)
    y = plsc.bitcast(i, jnp.float32)
    for _ in range(3):
        y = y * (1.5 - 0.5 * x * y * y)
    return y


def _body(feat_hbm, lbl_hbm, proto_hbm,
          lbl_v, own_idx_v, own_lbl_v, tbl_v,
          prows_v, frows_v, nrows_v, frow_v, nrow_v,
          perm_v, dupj_v, sem1, sem2):
    wid = lax.axis_index("s") * NC + lax.axis_index("c")
    wid = wid.astype(jnp.int32)

    pltpu.sync_copy(lbl_hbm, lbl_v)

    def scan_step(i, n):
        lbl = lbl_v[pl.ds(i * LANES, LANES)]
        mask = (lbl & (NW - 1)) == wid
        plsc.store_compressed(own_lbl_v.at[pl.ds(n, LANES)], lbl, mask=mask)
        idx = lax.iota(jnp.int32, LANES) + i * LANES
        plsc.store_compressed(own_idx_v.at[pl.ds(n, LANES)], idx, mask=mask)
        return n + plsc.all_reduce_population_count(mask)[0]

    n_own = lax.fori_loop(0, NVEC, scan_step, jnp.int32(0), unroll=4)

    rows16 = lax.iota(jnp.int32, LANES)

    @pl.when(n_own > 0)
    def _pad():
        last_l = own_lbl_v[pl.ds(n_own - 1, LANES)][0]
        last_i = own_idx_v[pl.ds(n_own - 1, LANES)][0]
        for t in range(NSUB):
            own_lbl_v[pl.ds(n_own + t * LANES, LANES)] = jnp.full(
                (LANES,), last_l)
            own_idx_v[pl.ds(n_own + t * LANES, LANES)] = jnp.full(
                (LANES,), last_i)

    def serial_one(j):
        l = own_lbl_v[pl.ds(j, LANES)][0]
        s = own_idx_v[pl.ds(j, LANES)][0]
        pltpu.sync_copy(feat_hbm.at[s], frow_v)
        pltpu.sync_copy(proto_hbm.at[l], nrow_v)
        acc = jnp.zeros((LANES,), jnp.float32)
        for kk in range(NCHUNK):
            sl = pl.ds(kk * LANES, LANES)
            nv = (nrow_v[sl] + frow_v[sl]) * 0.5
            nrow_v[sl] = nv
            acc = acc + nv * nv
        s2 = lax.reduce_sum(acc, axes=(0,))
        s2v = jnp.maximum(jnp.full((LANES,), s2), 1e-30)
        inv = 1.0 / jnp.maximum(s2v * _rsqrt(s2v), 1e-12)
        for kk in range(NCHUNK):
            sl = pl.ds(kk * LANES, LANES)
            nrow_v[sl] = nrow_v[sl] * inv
        pltpu.sync_copy(nrow_v, proto_hbm.at[l])

    def grp(g, carry):
        base = g * GW
        lbls = [own_lbl_v[pl.ds(base + t * LANES, LANES)]
                for t in range(NSUB)]
        idxs = [own_idx_v[pl.ds(base + t * LANES, LANES)]
                for t in range(NSUB)]

        for t in reversed(range(NSUB)):
            lid_t = lax.shift_right_logical(lbls[t], 5)
            plsc.store_scatter(tbl_v, [lax.rev(lid_t, (0,))],
                               lax.rev(rows16, (0,)) + t * LANES)
        firsts = [plsc.load_gather(tbl_v, [lax.shift_right_logical(lbls[t], 5)])
                  for t in range(NSUB)]

        n_d = jnp.int32(0)
        for t in range(NSUB):
            gl = rows16 + t * LANES
            dmask = (firsts[t] != gl) & (base + gl < n_own)
            plsc.store_compressed(dupj_v.at[pl.ds(n_d, LANES)],
                                  base + gl, mask=dmask)
            n_d = n_d + plsc.all_reduce_population_count(dmask)[0]

        cp1 = pltpu.async_copy(
            proto_hbm.at[own_lbl_v.at[pl.ds(base, GW)]], prows_v, sem1)
        cp2 = pltpu.async_copy(
            feat_hbm.at[own_idx_v.at[pl.ds(base, GW)]], frows_v, sem2)
        cp1.wait()
        cp2.wait()

        accs = [jnp.zeros((LANES,), jnp.float32) for _ in range(NSUB)]

        def col(c, accs):
            cols = jnp.full((LANES,), c, jnp.int32)
            nvs = []
            for t in range(NSUB):
                rt = rows16 + t * LANES
                pv = plsc.load_gather(prows_v, [rt, cols])
                fv = plsc.load_gather(frows_v, [rt, cols])
                nvs.append((pv + fv) * 0.5)
            for t in range(NSUB):
                perm_v[pl.ds(t * LANES, LANES)] = nvs[t]
            out = []
            for t in range(NSUB):
                nvp = plsc.load_gather(perm_v, [firsts[t]])
                plsc.store_scatter(nrows_v, [rows16 + t * LANES, cols], nvp)
                out.append(accs[t] + nvp * nvp)
            return out

        accs = lax.fori_loop(0, FEAT_DIM, col, accs, unroll=4)
        invs = []
        for t in range(NSUB):
            x = jnp.maximum(accs[t], 1e-30)
            invs.append(1.0 / jnp.maximum(x * _rsqrt(x), 1e-12))

        def col2(c, carry):
            cols = jnp.full((LANES,), c, jnp.int32)
            for t in range(NSUB):
                rt = rows16 + t * LANES
                nv = plsc.load_gather(nrows_v, [rt, cols])
                plsc.store_scatter(nrows_v, [rt, cols], nv * invs[t])
            return carry

        lax.fori_loop(0, FEAT_DIM, col2, jnp.int32(0), unroll=4)

        cps = [pltpu.async_copy(nrows_v.at[pl.ds(t * LANES, LANES)],
                                proto_hbm.at[lbls[t]], sem1)
               for t in range(NSUB)]
        for cp in cps:
            cp.wait()

        def fstep(k, carry):
            serial_one(dupj_v[pl.ds(k, LANES)][0])
            return carry

        lax.fori_loop(0, n_d, fstep, jnp.int32(0))
        return carry

    n_grp = (n_own + GW - 1) // GW
    lax.fori_loop(0, n_grp, grp, jnp.int32(0))


_sc_update = pl.kernel(
    _body,
    out_type=(),
    mesh=plsc.VectorSubcoreMesh(core_axis_name="c", subcore_axis_name="s"),
    compiler_params=pltpu.CompilerParams(needs_layout_passes=False),
    scratch_types=[
        pltpu.VMEM((BATCH,), jnp.int32),
        pltpu.VMEM((BATCH + 2 * GW,), jnp.int32),
        pltpu.VMEM((BATCH + 2 * GW,), jnp.int32),
        pltpu.VMEM((NUM_CLASSES // NW + LANES,), jnp.int32),
        pltpu.VMEM((GW, FEAT_DIM), jnp.float32),
        pltpu.VMEM((GW, FEAT_DIM), jnp.float32),
        pltpu.VMEM((GW, FEAT_DIM), jnp.float32),
        pltpu.VMEM((FEAT_DIM,), jnp.float32),
        pltpu.VMEM((FEAT_DIM,), jnp.float32),
        pltpu.VMEM((GW,), jnp.float32),
        pltpu.VMEM((GW + LANES,), jnp.int32),
        pltpu.SemaphoreType.DMA,
        pltpu.SemaphoreType.DMA,
    ],
)


def kernel(features, labels, prototypes):
    labels = labels.astype(jnp.int32)
    proto_ref = jax.new_ref(prototypes)
    _sc_update(features, labels, proto_ref)
    return proto_ref[...]

# --- scband reference (transcript-rebuilt; emitter-appended) ---
"""Pipeline reference for scband-dis-loss-65575560675586 (READ-ONLY COPY).

The authoritative reference and input builder live on the scoring server;
editing this copy changes nothing except your own understanding.
"""

import jax, jax.numpy as jnp
import numpy as np

NUM_CLASSES = 100000
FEAT_DIM = 128
BATCH = 16384


def setup_inputs(seed: int = 0) -> dict:
    key = jax.random.key(seed)
    k1, k2, k3 = jax.random.split(key, 3)
    features = jax.random.normal(k1, (BATCH, FEAT_DIM), dtype=jnp.float32)
    labels = jax.random.randint(k2, (BATCH,), 0, NUM_CLASSES, dtype=jnp.int64)
    # prototypes buffer: init_class_prototypes ends with row-normalized prototypes
    protos = jax.random.normal(k3, (NUM_CLASSES, FEAT_DIM), dtype=jnp.float32)
    nrm = jnp.maximum(jnp.linalg.norm(protos, axis=1, keepdims=True), 1e-12)
    prototypes = protos / nrm
    return {"features": features, "labels": labels, "prototypes": prototypes}


def reference(features, labels, prototypes):
    # Sequential EMA update per sample, exactly like the python for-loop:
    # prototypes[labels[j]] = normalize(prototypes[labels[j]] * 0.5 + features[j] * 0.5, dim=0)
    def body(protos, fl):
        f, l = fl
        p = jnp.take(protos, l, axis=0)
        new = p * 0.5 + f * 0.5
        nrm = jnp.maximum(jnp.linalg.norm(new), 1e-12)  # F.normalize eps
        new = new / nrm
        protos = protos.at[l].set(new)
        return protos, None

    out, _ = jax.lax.scan(body, prototypes, (features, labels))
    return out

if __name__ == "__main__":
    import jax
    _d = setup_inputs()
    print(jax.jit(kernel)(*tuple(_d.values())))

</pallas_src>

<mosaic_0001>
#map = affine_map<(d0, d1) -> (0, 0)>
#map1 = affine_map<(d0, d1) -> (0)>
module attributes {stable_mosaic.version = 14 : i64} {
  func.func @new_body(%arg0: i32, %arg1: i32, %arg2: memref<16384x128xf32, #tpu.memory_space<hbm>>, %arg3: memref<16384xi32, #tpu.memory_space<hbm>>, %arg4: memref<100000x128xf32, #tpu.memory_space<hbm>>, %arg5: memref<100000x128xf32, #tpu.memory_space<hbm>>, %arg6: memref<16384xi32, #tpu.memory_space<vmem>>, %arg7: memref<16512xi32, #tpu.memory_space<vmem>>, %arg8: memref<16512xi32, #tpu.memory_space<vmem>>, %arg9: memref<3141xi32, #tpu.memory_space<vmem>>, %arg10: memref<64x128xf32, #tpu.memory_space<vmem>>, %arg11: memref<64x128xf32, #tpu.memory_space<vmem>>, %arg12: memref<64x128xf32, #tpu.memory_space<vmem>>, %arg13: memref<128xf32, #tpu.memory_space<vmem>>, %arg14: memref<128xf32, #tpu.memory_space<vmem>>, %arg15: memref<64xf32, #tpu.memory_space<vmem>>, %arg16: memref<80xi32, #tpu.memory_space<vmem>>, %arg17: memref<!tpu.dma_semaphore, #tpu.memory_space<semaphore_mem>>, %arg18: memref<!tpu.dma_semaphore, #tpu.memory_space<semaphore_mem>>) attributes {dimension_semantics = [#tpu.dimension_semantics<core_parallel>, #tpu.dimension_semantics<subcore_parallel>], iteration_bounds = array<i64: 2, 16>, scalar_prefetch = 0 : i64, scratch_operands = 13 : i64, tpu.core_type = #tpu.core_type<sc_vector_subcore>, window_params = [{transform_indices = #map}, {transform_indices = #map1}, {transform_indices = #map}, {transform_indices = #map}]} {
    %mul3A = arith.constant 2 : i32
    %mul3A_0 = arith.muli %arg1, %mul3A : i32
    %add3A = arith.addi %mul3A_0, %arg0 : i32
    "tpu.region"() ({
      %run_scoped3A = tpu.sem_alloc : memref<!tpu.dma_semaphore, #tpu.memory_space<semaphore_mem>>
      tpu.enqueue_dma source(%arg3 : memref<16384xi32, #tpu.memory_space<hbm>>) target(%arg6 : memref<16384xi32, #tpu.memory_space<vmem>>) target_semaphore(%run_scoped3A : memref<!tpu.dma_semaphore, #tpu.memory_space<semaphore_mem>>)
      tpu.wait_dma2 semaphore(%run_scoped3A : memref<!tpu.dma_semaphore, #tpu.memory_space<semaphore_mem>>) src(%arg3 : memref<16384xi32, #tpu.memory_space<hbm>>) dst(%arg6 : memref<16384xi32, #tpu.memory_space<vmem>>)
      tpu.yield
    }) : () -> ()
    %scan3A = arith.constant 0 : i32
    %scan3A_1 = arith.constant 0 : i32
    %scan3A_2 = arith.constant 1024 : i32
    %scan3A_3 = arith.addi %scan3A_1, %scan3A_2 : i32
    %scan3A_4 = arith.constant 4 : i32
    %scan3A_5 = scf.for %scan3A_38 = %scan3A_1 to %scan3A_3 step %scan3A_4 iter_args(%scan3A_39 = %scan3A) -> (i32)  : i32 {
      %mul3A_40 = arith.constant 16 : i32
      %mul3A_41 = arith.muli %scan3A_38, %mul3A_40 : i32
      %get3A = arith.index_cast %mul3A_41 : i32 to index
      %get3A_42 = tpu.vector_load %arg6[%get3A] {strides = array<i32>} : memref<16384xi32, #tpu.memory_space<vmem>>, vector<16xi32>,
      %and3A_43 = arith.constant 31 : i32
      %and3A_44 = vector.broadcast %and3A_43 : i32 to vector<16xi32>
      %and3A_45 = arith.andi %get3A_42, %and3A_44 : vector<16xi32>
      %eq3A = vector.broadcast %add3A : i32 to vector<16xi32>
      %eq3A_46 = arith.cmpi eq, %and3A_45, %eq3A : vector<16xi32>
      %swap3A = arith.index_cast %scan3A_39 : i32 to index
      %swap3A_47 = tpu.vector_load %arg8[%swap3A] masked %eq3A_46 {strides = array<i32>} : memref<16512xi32, #tpu.memory_space<vmem>>, vector<16xi32>, vector<16xi1>
      tpu.vector_store %arg8[%swap3A], %get3A_42 masked %eq3A_46 {strides = array<i32>} : memref<16512xi32, #tpu.memory_space<vmem>>, vector<16xi32>, vector<16xi1>
      %iota3A_48 = tpu.iota {dimensions = array<i32: 0>} : vector<16xi32>
      %mul3A_49 = arith.constant 16 : i32
      %mul3A_50 = arith.muli %scan3A_38, %mul3A_49 : i32
      %add3A_51 = vector.broadcast %mul3A_50 : i32 to vector<16xi32>
      %add3A_52 = arith.addi %iota3A_48, %add3A_51 : vector<16xi32>
      %swap3A_53 = arith.index_cast %scan3A_39 : i32 to index
      %swap3A_54 = tpu.vector_load %arg7[%swap3A_53] masked %eq3A_46 {strides = array<i32>} : memref<16512xi32, #tpu.memory_space<vmem>>, vector<16xi32>, vector<16xi1>
      tpu.vector_store %arg7[%swap3A_53], %add3A_52 masked %eq3A_46 {strides = array<i32>} : memref<16512xi32, #tpu.memory_space<vmem>>, vector<16xi32>, vector<16xi1>
      %all_reduce_population_count3A = tpu.all_reduce %eq3A_46 {dim = 0 : i64, kind = #tpu.reduction_kind<sum>} : vector<16xi1> -> vector<16xi32>
      %slice3A = vector.extract_strided_slice %all_reduce_population_count3A {offsets = [0], sizes = [1], strides = [1]} : vector<16xi32> to vector<1xi32>
      %squeeze3A = vector.extract %slice3A[0] : i32 from vector<1xi32>
      %add3A_55 = arith.addi %scan3A_39, %squeeze3A : i32
      %scan3A_56 = arith.constant 1 : i32
      %scan3A_57 = arith.addi %scan3A_38, %scan3A_56 : i32
      %mul3A_58 = arith.constant 16 : i32
      %mul3A_59 = arith.muli %scan3A_57, %mul3A_58 : i32
      %get3A_60 = arith.index_cast %mul3A_59 : i32 to index
      %get3A_61 = tpu.vector_load %arg6[%get3A_60] {strides = array<i32>} : memref<16384xi32, #tpu.memory_space<vmem>>, vector<16xi32>,
      %and3A_62 = arith.constant 31 : i32
      %and3A_63 = vector.broadcast %and3A_62 : i32 to vector<16xi32>
      %and3A_64 = arith.andi %get3A_61, %and3A_63 : vector<16xi32>
      %eq3A_65 = vector.broadcast %add3A : i32 to vector<16xi32>
      %eq3A_66 = arith.cmpi eq, %and3A_64, %eq3A_65 : vector<16xi32>
      %swap3A_67 = arith.index_cast %add3A_55 : i32 to index
      %swap3A_68 = tpu.vector_load %arg8[%swap3A_67] masked %eq3A_66 {strides = array<i32>} : memref<16512xi32, #tpu.memory_space<vmem>>, vector<16xi32>, vector<16xi1>
      tpu.vector_store %arg8[%swap3A_67], %get3A_61 masked %eq3A_66 {strides = array<i32>} : memref<16512xi32, #tpu.memory_space<vmem>>, vector<16xi32>, vector<16xi1>
      %iota3A_69 = tpu.iota {dimensions = array<i32: 0>} : vector<16xi32>
      %mul3A_70 = arith.constant 16 : i32
      %mul3A_71 = arith.muli %scan3A_57, %mul3A_70 : i32
      %add3A_72 = vector.broadcast %mul3A_71 : i32 to vector<16xi32>
      %add3A_73 = arith.addi %iota3A_69, %add3A_72 : vector<16xi32>
      %swap3A_74 = arith.index_cast %add3A_55 : i32 to index
      %swap3A_75 = tpu.vector_load %arg7[%swap3A_74] masked %eq3A_66 {strides = array<i32>} : memref<16512xi32, #tpu.memory_space<vmem>>, vector<16xi32>, vector<16xi1>
      tpu.vector_store %arg7[%swap3A_74], %add3A_73 masked %eq3A_66 {strides = array<i32>} : memref<16512xi32, #tpu.memory_space<vmem>>, vector<16xi32>, vector<16xi1>
      %all_reduce_population_count3A_76 = tpu.all_reduce %eq3A_66 {dim = 0 : i64, kind = #tpu.reduction_kind<sum>} : vector<16xi1> -> vector<16xi32>
      %slice3A_77 = vector.extract_strided_slice %all_reduce_population_count3A_76 {offsets = [0], sizes = [1], strides = [1]} : vector<16xi32> to vector<1xi32>
      %squeeze3A_78 = vector.extract %slice3A_77[0] : i32 from vector<1xi32>
      %add3A_79 = arith.addi %add3A_55, %squeeze3A_78 : i32
      %scan3A_80 = arith.constant 2 : i32
      %scan3A_81 = arith.addi %scan3A_38, %scan3A_80 : i32
      %mul3A_82 = arith.constant 16 : i32
      %mul3A_83 = arith.muli %scan3A_81, %mul3A_82 : i32
      %get3A_84 = arith.index_cast %mul3A_83 : i32 to index
      %get3A_85 = tpu.vector_load %arg6[%get3A_84] {strides = array<i32>} : memref<16384xi32, #tpu.memory_space<vmem>>, vector<16xi32>,
      %and3A_86 = arith.constant 31 : i32
      %and3A_87 = vector.broadcast %and3A_86 : i32 to vector<16xi32>
      %and3A_88 = arith.andi %get3A_85, %and3A_87 : vector<16xi32>
      %eq3A_89 = vector.broadcast %add3A : i32 to vector<16xi32>
      %eq3A_90 = arith.cmpi eq, %and3A_88, %eq3A_89 : vector<16xi32>
      %swap3A_91 = arith.index_cast %add3A_79 : i32 to index
      %swap3A_92 = tpu.vector_load %arg8[%swap3A_91] masked %eq3A_90 {strides = array<i32>} : memref<16512xi32, #tpu.memory_space<vmem>>, vector<16xi32>, vector<16xi1>
      tpu.vector_store %arg8[%swap3A_91], %get3A_85 masked %eq3A_90 {strides = array<i32>} : memref<16512xi32, #tpu.memory_space<vmem>>, vector<16xi32>, vector<16xi1>
      %iota3A_93 = tpu.iota {dimensions = array<i32: 0>} : vector<16xi32>
      %mul3A_94 = arith.constant 16 : i32
      %mul3A_95 = arith.muli %scan3A_81, %mul3A_94 : i32
      %add3A_96 = vector.broadcast %mul3A_95 : i32 to vector<16xi32>
      %add3A_97 = arith.addi %iota3A_93, %add3A_96 : vector<16xi32>
      %swap3A_98 = arith.index_cast %add3A_79 : i32 to index
      %swap3A_99 = tpu.vector_load %arg7[%swap3A_98] masked %eq3A_90 {strides = array<i32>} : memref<16512xi32, #tpu.memory_space<vmem>>, vector<16xi32>, vector<16xi1>
      tpu.vector_store %arg7[%swap3A_98], %add3A_97 masked %eq3A_90 {strides = array<i32>} : memref<16512xi32, #tpu.memory_space<vmem>>, vector<16xi32>, vector<16xi1>
      %all_reduce_population_count3A_100 = tpu.all_reduce %eq3A_90 {dim = 0 : i64, kind = #tpu.reduction_kind<sum>} : vector<16xi1> -> vector<16xi32>
      %slice3A_101 = vector.extract_strided_slice %all_reduce_population_count3A_100 {offsets = [0], sizes = [1], strides = [1]} : vector<16xi32> to vector<1xi32>
      %squeeze3A_102 = vector.extract %slice3A_101[0] : i32 from vector<1xi32>
      %add3A_103 = arith.addi %add3A_79, %squeeze3A_102 : i32
      %scan3A_104 = arith.constant 3 : i32
      %scan3A_105 = arith.addi %scan3A_38, %scan3A_104 : i32
      %mul3A_106 = arith.constant 16 : i32
      %mul3A_107 = arith.muli %scan3A_105, %mul3A_106 : i32
      %get3A_108 = arith.index_cast %mul3A_107 : i32 to index
      %get3A_109 = tpu.vector_load %arg6[%get3A_108] {strides = array<i32>} : memref<16384xi32, #tpu.memory_space<vmem>>, vector<16xi32>,
      %and3A_110 = arith.constant 31 : i32
      %and3A_111 = vector.broadcast %and3A_110 : i32 to vector<16xi32>
      %and3A_112 = arith.andi %get3A_109, %and3A_111 : vector<16xi32>
      %eq3A_113 = vector.broadcast %add3A : i32 to vector<16xi32>
      %eq3A_114 = arith.cmpi eq, %and3A_112, %eq3A_113 : vector<16xi32>
      %swap3A_115 = arith.index_cast %add3A_103 : i32 to index
      %swap3A_116 = tpu.vector_load %arg8[%swap3A_115] masked %eq3A_114 {strides = array<i32>} : memref<16512xi32, #tpu.memory_space<vmem>>, vector<16xi32>, vector<16xi1>
      tpu.vector_store %arg8[%swap3A_115], %get3A_109 masked %eq3A_114 {strides = array<i32>} : memref<16512xi32, #tpu.memory_space<vmem>>, vector<16xi32>, vector<16xi1>
      %iota3A_117 = tpu.iota {dimensions = array<i32: 0>} : vector<16xi32>
      %mul3A_118 = arith.constant 16 : i32
      %mul3A_119 = arith.muli %scan3A_105, %mul3A_118 : i32
      %add3A_120 = vector.broadcast %mul3A_119 : i32 to vector<16xi32>
      %add3A_121 = arith.addi %iota3A_117, %add3A_120 : vector<16xi32>
      %swap3A_122 = arith.index_cast %add3A_103 : i32 to index
      %swap3A_123 = tpu.vector_load %arg7[%swap3A_122] masked %eq3A_114 {strides = array<i32>} : memref<16512xi32, #tpu.memory_space<vmem>>, vector<16xi32>, vector<16xi1>
      tpu.vector_store %arg7[%swap3A_122], %add3A_121 masked %eq3A_114 {strides = array<i32>} : memref<16512xi32, #tpu.memory_space<vmem>>, vector<16xi32>, vector<16xi1>
      %all_reduce_population_count3A_124 = tpu.all_reduce %eq3A_114 {dim = 0 : i64, kind = #tpu.reduction_kind<sum>} : vector<16xi1> -> vector<16xi32>
      %slice3A_125 = vector.extract_strided_slice %all_reduce_population_count3A_124 {offsets = [0], sizes = [1], strides = [1]} : vector<16xi32> to vector<1xi32>
      %squeeze3A_126 = vector.extract %slice3A_125[0] : i32 from vector<1xi32>
      %add3A_127 = arith.addi %add3A_103, %squeeze3A_126 : i32
      scf.yield %add3A_127 : i32
    }
    %scan3A_6 = arith.constant 1024 : i32
    %iota3A = tpu.iota {dimensions = array<i32: 0>} : vector<16xi32>
    %gt3A = arith.constant 0 : i32
    %gt3A_7 = arith.cmpi sgt, %scan3A_5, %gt3A : i32
    %convert_element_type3A = arith.extui %gt3A_7 : i1 to i32
    %cond3A = arith.constant 0 : i32
    %cond3A_8 = arith.cmpi ne, %convert_element_type3A, %cond3A : i32
    scf.if %cond3A_8 {
      %sub3A_38 = arith.constant 1 : i32
      %sub3A_39 = arith.subi %scan3A_5, %sub3A_38 : i32
      %get3A = arith.index_cast %sub3A_39 : i32 to index
      %get3A_40 = tpu.vector_load %arg8[%get3A] {strides = array<i32>} : memref<16512xi32, #tpu.memory_space<vmem>>, vector<16xi32>,
      %slice3A = vector.extract_strided_slice %get3A_40 {offsets = [0], sizes = [1], strides = [1]} : vector<16xi32> to vector<1xi32>
      %squeeze3A = vector.extract %slice3A[0] : i32 from vector<1xi32>
      %sub3A_41 = arith.constant 1 : i32
      %sub3A_42 = arith.subi %scan3A_5, %sub3A_41 : i32
      %get3A_43 = arith.index_cast %sub3A_42 : i32 to index
      %get3A_44 = tpu.vector_load %arg7[%get3A_43] {strides = array<i32>} : memref<16512xi32, #tpu.memory_space<vmem>>, vector<16xi32>,
      %slice3A_45 = vector.extract_strided_slice %get3A_44 {offsets = [0], sizes = [1], strides = [1]} : vector<16xi32> to vector<1xi32>
      %squeeze3A_46 = vector.extract %slice3A_45[0] : i32 from vector<1xi32>
      %broadcast_in_dim3A = vector.broadcast %squeeze3A : i32 to vector<16xi32>
      %add3A_47 = arith.constant 0 : i32
      %add3A_48 = arith.addi %scan3A_5, %add3A_47 : i32
      %swap3A = arith.index_cast %add3A_48 : i32 to index
      %swap3A_49 = tpu.vector_load %arg8[%swap3A] {strides = array<i32>} : memref<16512xi32, #tpu.memory_space<vmem>>, vector<16xi32>,
      tpu.vector_store %arg8[%swap3A], %broadcast_in_dim3A {strides = array<i32>} : memref<16512xi32, #tpu.memory_space<vmem>>, vector<16xi32>,
      %broadcast_in_dim3A_50 = vector.broadcast %squeeze3A_46 : i32 to vector<16xi32>
      %add3A_51 = arith.constant 0 : i32
      %add3A_52 = arith.addi %scan3A_5, %add3A_51 : i32
      %swap3A_53 = arith.index_cast %add3A_52 : i32 to index
      %swap3A_54 = tpu.vector_load %arg7[%swap3A_53] {strides = array<i32>} : memref<16512xi32, #tpu.memory_space<vmem>>, vector<16xi32>,
      tpu.vector_store %arg7[%swap3A_53], %broadcast_in_dim3A_50 {strides = array<i32>} : memref<16512xi32, #tpu.memory_space<vmem>>, vector<16xi32>,
      %broadcast_in_dim3A_55 = vector.broadcast %squeeze3A : i32 to vector<16xi32>
      %add3A_56 = arith.constant 16 : i32
      %add3A_57 = arith.addi %scan3A_5, %add3A_56 : i32
      %swap3A_58 = arith.index_cast %add3A_57 : i32 to index
      %swap3A_59 = tpu.vector_load %arg8[%swap3A_58] {strides = array<i32>} : memref<16512xi32, #tpu.memory_space<vmem>>, vector<16xi32>,
      tpu.vector_store %arg8[%swap3A_58], %broadcast_in_dim3A_55 {strides = array<i32>} : memref<16512xi32, #tpu.memory_space<vmem>>, vector<16xi32>,
      %broadcast_in_dim3A_60 = vector.broadcast %squeeze3A_46 : i32 to vector<16xi32>
      %add3A_61 = arith.constant 16 : i32
      %add3A_62 = arith.addi %scan3A_5, %add3A_61 : i32
      %swap3A_63 = arith.index_cast %add3A_62 : i32 to index
      %swap3A_64 = tpu.vector_load %arg7[%swap3A_63] {strides = array<i32>} : memref<16512xi32, #tpu.memory_space<vmem>>, vector<16xi32>,
      tpu.vector_store %arg7[%swap3A_63], %broadcast_in_dim3A_60 {strides = array<i32>} : memref<16512xi32, #tpu.memory_space<vmem>>, vector<16xi32>,
      %broadcast_in_dim3A_65 = vector.broadcast %squeeze3A : i32 to vector<16xi32>
      %add3A_66 = arith.constant 32 : i32
      %add3A_67 = arith.addi %scan3A_5, %add3A_66 : i32
      %swap3A_68 = arith.index_cast %add3A_67 : i32 to index
      %swap3A_69 = tpu.vector_load %arg8[%swap3A_68] {strides = array<i32>} : memref<16512xi32, #tpu.memory_space<vmem>>, vector<16xi32>,
      tpu.vector_store %arg8[%swap3A_68], %broadcast_in_dim3A_65 {strides = array<i32>} : memref<16512xi32, #tpu.memory_space<vmem>>, vector<16xi32>,
      %broadcast_in_dim3A_70 = vector.broadcast %squeeze3A_46 : i32 to vector<16xi32>
      %add3A_71 = arith.constant 32 : i32
      %add3A_72 = arith.addi %scan3A_5, %add3A_71 : i32
      %swap3A_73 = arith.index_cast %add3A_72 : i32 to index
      %swap3A_74 = tpu.vector_load %arg7[%swap3A_73] {strides = array<i32>} : memref<16512xi32, #tpu.memory_space<vmem>>, vector<16xi32>,
      tpu.vector_store %arg7[%swap3A_73], %broadcast_in_dim3A_70 {strides = array<i32>} : memref<16512xi32, #tpu.memory_space<vmem>>, vector<16xi32>,
      %broadcast_in_dim3A_75 = vector.broadcast %squeeze3A : i32 to vector<16xi32>
      %add3A_76 = arith.constant 48 : i32
      %add3A_77 = arith.addi %scan3A_5, %add3A_76 : i32
      %swap3A_78 = arith.index_cast %add3A_77 : i32 to index
      %swap3A_79 = tpu.vector_load %arg8[%swap3A_78] {strides = array<i32>} : memref<16512xi32, #tpu.memory_space<vmem>>, vector<16xi32>,
      tpu.vector_store %arg8[%swap3A_78], %broadcast_in_dim3A_75 {strides = array<i32>} : memref<16512xi32, #tpu.memory_space<vmem>>, vector<16xi32>,
      %broadcast_in_dim3A_80 = vector.broadcast %squeeze3A_46 : i32 to vector<16xi32>
      %add3A_81 = arith.constant 48 : i32
      %add3A_82 = arith.addi %scan3A_5, %add3A_81 : i32
      %swap3A_83 = arith.index_cast %add3A_82 : i32 to index
      %swap3A_84 = tpu.vector_load %arg7[%swap3A_83] {strides = array<i32>} : memref<16512xi32, #tpu.memory_space<vmem>>, vector<16xi32>,
      tpu.vector_store %arg7[%swap3A_83], %broadcast_in_dim3A_80 {strides = array<i32>} : memref<16512xi32, #tpu.memory_space<vmem>>, vector<16xi32>,
    } else {
    }
    %add3A_9 = arith.constant 64 : i32
    %add3A_10 = arith.addi %scan3A_5, %add3A_9 : i32
    %sub3A = arith.constant 1 : i32
    %sub3A_11 = arith.subi %add3A_10, %sub3A : i32
    %jit3A = arith.constant 64 : i32
    %div3A = arith.divsi %sub3A_11, %jit3A : i32
    %sign3A = arith.constant 0 : i32
    %sign3A_12 = arith.cmpi sgt, %sub3A_11, %sign3A : i32
    %sign3A_13 = arith.extui %sign3A_12 : i1 to i32
    %sign3A_14 = arith.constant 0 : i32
    %sign3A_15 = arith.cmpi slt, %sub3A_11, %sign3A_14 : i32
    %sign3A_16 = arith.extui %sign3A_15 : i1 to i32
    %sign3A_17 = arith.subi %sign3A_13, %sign3A_16 : i32
    %sign3A_18 = arith.constant 0 : i32
    %sign3A_19 = arith.cmpi sgt, %jit3A, %sign3A_18 : i32
    %sign3A_20 = arith.extui %sign3A_19 : i1 to i32
    %sign3A_21 = arith.constant 0 : i32
    %sign3A_22 = arith.cmpi slt, %jit3A, %sign3A_21 : i32
    %sign3A_23 = arith.extui %sign3A_22 : i1 to i32
    %sign3A_24 = arith.subi %sign3A_20, %sign3A_23 : i32
    %ne3A = arith.cmpi ne, %sign3A_17, %sign3A_24 : i32
    %rem3A = arith.remsi %sub3A_11, %jit3A : i32
    %ne3A_25 = arith.constant 0 : i32
    %ne3A_26 = arith.cmpi ne, %rem3A, %ne3A_25 : i32
    %and3A = arith.andi %ne3A, %ne3A_26 : i1
    %sub3A_27 = arith.constant 1 : i32
    %sub3A_28 = arith.subi %div3A, %sub3A_27 : i32
    %select_n3A = arith.select %and3A, %sub3A_28, %div3A : i32
    %while3A = arith.constant 0 : i32
    %while3A_29 = arith.constant 0 : i32
    %while3A_30 = arith.subi %select_n3A, %while3A_29 : i32
    %while3A_31 = arith.addi %while3A_29, %while3A_30 : i32
    %while3A_32 = arith.constant 1 : i32
    %while3A_33 = arith.divsi %while3A_30, %while3A_32 : i32
    %while3A_34 = arith.muli %while3A_33, %while3A_32 : i32
    %while3A_35 = arith.addi %while3A_29, %while3A_34 : i32
    %while3A_36 = arith.constant 1 : i32
    scf.for %while3A_38 = %while3A_29 to %while3A_35 step %while3A_36  : i32 {
      %mul3A_39 = arith.constant 64 : i32
      %mul3A_40 = arith.muli %while3A_38, %mul3A_39 : i32
      %add3A_41 = arith.constant 0 : i32
      %add3A_42 = arith.addi %mul3A_40, %add3A_41 : i32
      %get3A = arith.index_cast %add3A_42 : i32 to index
      %get3A_43 = tpu.vector_load %arg8[%get3A] {strides = array<i32>} : memref<16512xi32, #tpu.memory_space<vmem>>, vector<16xi32>,
      %add3A_44 = arith.constant 16 : i32
      %add3A_45 = arith.addi %mul3A_40, %add3A_44 : i32
      %get3A_46 = arith.index_cast %add3A_45 : i32 to index
      %get3A_47 = tpu.vector_load %arg8[%get3A_46] {strides = array<i32>} : memref<16512xi32, #tpu.memory_space<vmem>>, vector<16xi32>,
      %add3A_48 = arith.constant 32 : i32
      %add3A_49 = arith.addi %mul3A_40, %add3A_48 : i32
      %get3A_50 = arith.index_cast %add3A_49 : i32 to index
      %get3A_51 = tpu.vector_load %arg8[%get3A_50] {strides = array<i32>} : memref<16512xi32, #tpu.memory_space<vmem>>, vector<16xi32>,
      %add3A_52 = arith.constant 48 : i32
      %add3A_53 = arith.addi %mul3A_40, %add3A_52 : i32
      %get3A_54 = arith.index_cast %add3A_53 : i32 to index
      %get3A_55 = tpu.vector_load %arg8[%get3A_54] {strides = array<i32>} : memref<16512xi32, #tpu.memory_space<vmem>>, vector<16xi32>,
      %add3A_56 = arith.constant 0 : i32
      %add3A_57 = arith.addi %mul3A_40, %add3A_56 : i32
      %get3A_58 = arith.index_cast %add3A_57 : i32 to index
      %get3A_59 = tpu.vector_load %arg7[%get3A_58] {strides = array<i32>} : memref<16512xi32, #tpu.memory_space<vmem>>, vector<16xi32>,
      %add3A_60 = arith.constant 16 : i32
      %add3A_61 = arith.addi %mul3A_40, %add3A_60 : i32
      %get3A_62 = arith.index_cast %add3A_61 : i32 to index
      %get3A_63 = tpu.vector_load %arg7[%get3A_62] {strides = array<i32>} : memref<16512xi32, #tpu.memory_space<vmem>>, vector<16xi32>,
      %add3A_64 = arith.constant 32 : i32
      %add3A_65 = arith.addi %mul3A_40, %add3A_64 : i32
      %get3A_66 = arith.index_cast %add3A_65 : i32 to index
      %get3A_67 = tpu.vector_load %arg7[%get3A_66] {strides = array<i32>} : memref<16512xi32, #tpu.memory_space<vmem>>, vector<16xi32>,
      %add3A_68 = arith.constant 48 : i32
      %add3A_69 = arith.addi %mul3A_40, %add3A_68 : i32
      %get3A_70 = arith.index_cast %add3A_69 : i32 to index
      %get3A_71 = tpu.vector_load %arg7[%get3A_70] {strides = array<i32>} : memref<16512xi32, #tpu.memory_space<vmem>>, vector<16xi32>,
      %shift_right_logical3A = arith.constant 5 : i32
      %shift_right_logical3A_72 = vector.broadcast %shift_right_logical3A : i32 to vector<16xi32>
      %shift_right_logical3A_73 = arith.shrui %get3A_55, %shift_right_logical3A_72 : vector<16xi32>
      %rev3A = arith.constant 15 : i32
      %rev3A_74 = vector.broadcast %rev3A : i32 to vector<16xi32>
      %rev3A_75 = tpu.iota {dimensions = array<i32: 0>} : vector<16xi32>
      %rev3A_76 = arith.subi %rev3A_74, %rev3A_75 : vector<16xi32>
      %rev3A_77 = tpu.dynamic_gather %shift_right_logical3A_73[%rev3A_76] in [0] : vector<16xi32>, vector<16xi32> -> vector<16xi32>
      %rev3A_78 = arith.constant 15 : i32
      %rev3A_79 = vector.broadcast %rev3A_78 : i32 to vector<16xi32>
      %rev3A_80 = tpu.iota {dimensions = array<i32: 0>} : vector<16xi32>
      %rev3A_81 = arith.subi %rev3A_79, %rev3A_80 : vector<16xi32>
      %rev3A_82 = tpu.dynamic_gather %iota3A[%rev3A_81] in [0] : vector<16xi32>, vector<16xi32> -> vector<16xi32>
      %add3A_83 = arith.constant 48 : i32
      %add3A_84 = vector.broadcast %add3A_83 : i32 to vector<16xi32>
      %add3A_85 = arith.addi %rev3A_82, %add3A_84 : vector<16xi32>
      tpu.vector_store_idx %arg9[%rev3A_77], %add3A_85 : memref<3141xi32, #tpu.memory_space<vmem>>[vector<16xi32>], vector<16xi32>,
      %shift_right_logical3A_86 = arith.constant 5 : i32
      %shift_right_logical3A_87 = vector.broadcast %shift_right_logical3A_86 : i32 to vector<16xi32>
      %shift_right_logical3A_88 = arith.shrui %get3A_51, %shift_right_logical3A_87 : vector<16xi32>
      %rev3A_89 = arith.constant 15 : i32
      %rev3A_90 = vector.broadcast %rev3A_89 : i32 to vector<16xi32>
      %rev3A_91 = tpu.iota {dimensions = array<i32: 0>} : vector<16xi32>
      %rev3A_92 = arith.subi %rev3A_90, %rev3A_91 : vector<16xi32>
      %rev3A_93 = tpu.dynamic_gather %shift_right_logical3A_88[%rev3A_92] in [0] : vector<16xi32>, vector<16xi32> -> vector<16xi32>
      %rev3A_94 = arith.constant 15 : i32
      %rev3A_95 = vector.broadcast %rev3A_94 : i32 to vector<16xi32>
      %rev3A_96 = tpu.iota {dimensions = array<i32: 0>} : vector<16xi32>
      %rev3A_97 = arith.subi %rev3A_95, %rev3A_96 : vector<16xi32>
      %rev3A_98 = tpu.dynamic_gather %iota3A[%rev3A_97] in [0] : vector<16xi32>, vector<16xi32> -> vector<16xi32>
      %add3A_99 = arith.constant 32 : i32
      %add3A_100 = vector.broadcast %add3A_99 : i32 to vector<16xi32>
      %add3A_101 = arith.addi %rev3A_98, %add3A_100 : vector<16xi32>
      tpu.vector_store_idx %arg9[%rev3A_93], %add3A_101 : memref<3141xi32, #tpu.memory_space<vmem>>[vector<16xi32>], vector<16xi32>,
      %shift_right_logical3A_102 = arith.constant 5 : i32
      %shift_right_logical3A_103 = vector.broadcast %shift_right_logical3A_102 : i32 to vector<16xi32>
      %shift_right_logical3A_104 = arith.shrui %get3A_47, %shift_right_logical3A_103 : vector<16xi32>
      %rev3A_105 = arith.constant 15 : i32
      %rev3A_106 = vector.broadcast %rev3A_105 : i32 to vector<16xi32>
      %rev3A_107 = tpu.iota {dimensions = array<i32: 0>} : vector<16xi32>
      %rev3A_108 = arith.subi %rev3A_106, %rev3A_107 : vector<16xi32>
      %rev3A_109 = tpu.dynamic_gather %shift_right_logical3A_104[%rev3A_108] in [0] : vector<16xi32>, vector<16xi32> -> vector<16xi32>
      %rev3A_110 = arith.constant 15 : i32
      %rev3A_111 = vector.broadcast %rev3A_110 : i32 to vector<16xi32>
      %rev3A_112 = tpu.iota {dimensions = array<i32: 0>} : vector<16xi32>
      %rev3A_113 = arith.subi %rev3A_111, %rev3A_112 : vector<16xi32>
      %rev3A_114 = tpu.dynamic_gather %iota3A[%rev3A_113] in [0] : vector<16xi32>, vector<16xi32> -> vector<16xi32>
      %add3A_115 = arith.constant 16 : i32
      %add3A_116 = vector.broadcast %add3A_115 : i32 to vector<16xi32>
      %add3A_117 = arith.addi %rev3A_114, %add3A_116 : vector<16xi32>
      tpu.vector_store_idx %arg9[%rev3A_109], %add3A_117 : memref<3141xi32, #tpu.memory_space<vmem>>[vector<16xi32>], vector<16xi32>,
      %shift_right_logical3A_118 = arith.constant 5 : i32
      %shift_right_logical3A_119 = vector.broadcast %shift_right_logical3A_118 : i32 to vector<16xi32>
      %shift_right_logical3A_120 = arith.shrui %get3A_43, %shift_right_logical3A_119 : vector<16xi32>
      %rev3A_121 = arith.constant 15 : i32
      %rev3A_122 = vector.broadcast %rev3A_121 : i32 to vector<16xi32>
      %rev3A_123 = tpu.iota {dimensions = array<i32: 0>} : vector<16xi32>
      %rev3A_124 = arith.subi %rev3A_122, %rev3A_123 : vector<16xi32>
      %rev3A_125 = tpu.dynamic_gather %shift_right_logical3A_120[%rev3A_124] in [0] : vector<16xi32>, vector<16xi32> -> vector<16xi32>
      %rev3A_126 = arith.constant 15 : i32
      %rev3A_127 = vector.broadcast %rev3A_126 : i32 to vector<16xi32>
      %rev3A_128 = tpu.iota {dimensions = array<i32: 0>} : vector<16xi32>
      %rev3A_129 = arith.subi %rev3A_127, %rev3A_128 : vector<16xi32>
      %rev3A_130 = tpu.dynamic_gather %iota3A[%rev3A_129] in [0] : vector<16xi32>, vector<16xi32> -> vector<16xi32>
      %add3A_131 = arith.constant 0 : i32
      %add3A_132 = vector.broadcast %add3A_131 : i32 to vector<16xi32>
      %add3A_133 = arith.addi %rev3A_130, %add3A_132 : vector<16xi32>
      tpu.vector_store_idx %arg9[%rev3A_125], %add3A_133 : memref<3141xi32, #tpu.memory_space<vmem>>[vector<16xi32>], vector<16xi32>,
      %shift_right_logical3A_134 = arith.constant 5 : i32
      %shift_right_logical3A_135 = vector.broadcast %shift_right_logical3A_134 : i32 to vector<16xi32>
      %shift_right_logical3A_136 = arith.shrui %get3A_43, %shift_right_logical3A_135 : vector<16xi32>
      %gather3A = tpu.vector_load_idx %arg9[%shift_right_logical3A_136] : memref<3141xi32, #tpu.memory_space<vmem>>[vector<16xi32>], vector<16xi32>,
      %shift_right_logical3A_137 = arith.constant 5 : i32
      %shift_right_logical3A_138 = vector.broadcast %shift_right_logical3A_137 : i32 to vector<16xi32>
      %shift_right_logical3A_139 = arith.shrui %get3A_47, %shift_right_logical3A_138 : vector<16xi32>
      %gather3A_140 = tpu.vector_load_idx %arg9[%shift_right_logical3A_139] : memref<3141xi32, #tpu.memory_space<vmem>>[vector<16xi32>], vector<16xi32>,
      %shift_right_logical3A_141 = arith.constant 5 : i32
      %shift_right_logical3A_142 = vector.broadcast %shift_right_logical3A_141 : i32 to vector<16xi32>
      %shift_right_logical3A_143 = arith.shrui %get3A_51, %shift_right_logical3A_142 : vector<16xi32>
      %gather3A_144 = tpu.vector_load_idx %arg9[%shift_right_logical3A_143] : memref<3141xi32, #tpu.memory_space<vmem>>[vector<16xi32>], vector<16xi32>,
      %shift_right_logical3A_145 = arith.constant 5 : i32
      %shift_right_logical3A_146 = vector.broadcast %shift_right_logical3A_145 : i32 to vector<16xi32>
      %shift_right_logical3A_147 = arith.shrui %get3A_55, %shift_right_logical3A_146 : vector<16xi32>
      %gather3A_148 = tpu.vector_load_idx %arg9[%shift_right_logical3A_147] : memref<3141xi32, #tpu.memory_space<vmem>>[vector<16xi32>], vector<16xi32>,
      %add3A_149 = arith.constant 0 : i32
      %add3A_150 = vector.broadcast %add3A_149 : i32 to vector<16xi32>
      %add3A_151 = arith.addi %iota3A, %add3A_150 : vector<16xi32>
      %ne3A_152 = arith.cmpi ne, %gather3A, %add3A_151 : vector<16xi32>
      %add3A_153 = vector.broadcast %mul3A_40 : i32 to vector<16xi32>
      %add3A_154 = arith.addi %add3A_153, %add3A_151 : vector<16xi32>
      %lt3A = vector.broadcast %scan3A_5 : i32 to vector<16xi32>
      %lt3A_155 = arith.cmpi slt, %add3A_154, %lt3A : vector<16xi32>
      %and3A_156 = arith.andi %ne3A_152, %lt3A_155 : vector<16xi1>
      %add3A_157 = vector.broadcast %mul3A_40 : i32 to vector<16xi32>
      %add3A_158 = arith.addi %add3A_157, %add3A_151 : vector<16xi32>
      %swap3A = arith.constant 0 : i32
      %swap3A_159 = arith.index_cast %swap3A : i32 to index
      %swap3A_160 = tpu.vector_load %arg16[%swap3A_159] masked %and3A_156 {strides = array<i32>} : memref<80xi32, #tpu.memory_space<vmem>>, vector<16xi32>, vector<16xi1>
      tpu.vector_store %arg16[%swap3A_159], %add3A_158 masked %and3A_156 {strides = array<i32>} : memref<80xi32, #tpu.memory_space<vmem>>, vector<16xi32>, vector<16xi1>
      %all_reduce_population_count3A = tpu.all_reduce %and3A_156 {dim = 0 : i64, kind = #tpu.reduction_kind<sum>} : vector<16xi1> -> vector<16xi32>
      %slice3A = vector.extract_strided_slice %all_reduce_population_count3A {offsets = [0], sizes = [1], strides = [1]} : vector<16xi32> to vector<1xi32>
      %squeeze3A = vector.extract %slice3A[0] : i32 from vector<1xi32>
      %add3A_161 = arith.constant 0 : i32
      %add3A_162 = arith.addi %add3A_161, %squeeze3A : i32
      %add3A_163 = arith.constant 16 : i32
      %add3A_164 = vector.broadcast %add3A_163 : i32 to vector<16xi32>
      %add3A_165 = arith.addi %iota3A, %add3A_164 : vector<16xi32>
      %ne3A_166 = arith.cmpi ne, %gather3A_140, %add3A_165 : vector<16xi32>
      %add3A_167 = vector.broadcast %mul3A_40 : i32 to vector<16xi32>
      %add3A_168 = arith.addi %add3A_167, %add3A_165 : vector<16xi32>
      %lt3A_169 = vector.broadcast %scan3A_5 : i32 to vector<16xi32>
      %lt3A_170 = arith.cmpi slt, %add3A_168, %lt3A_169 : vector<16xi32>
      %and3A_171 = arith.andi %ne3A_166, %lt3A_170 : vector<16xi1>
      %add3A_172 = vector.broadcast %mul3A_40 : i32 to vector<16xi32>
      %add3A_173 = arith.addi %add3A_172, %add3A_165 : vector<16xi32>
      %swap3A_174 = arith.index_cast %add3A_162 : i32 to index
      %swap3A_175 = tpu.vector_load %arg16[%swap3A_174] masked %and3A_171 {strides = array<i32>} : memref<80xi32, #tpu.memory_space<vmem>>, vector<16xi32>, vector<16xi1>
      tpu.vector_store %arg16[%swap3A_174], %add3A_173 masked %and3A_171 {strides = array<i32>} : memref<80xi32, #tpu.memory_space<vmem>>, vector<16xi32>, vector<16xi1>
      %all_reduce_population_count3A_176 = tpu.all_reduce %and3A_171 {dim = 0 : i64, kind = #tpu.reduction_kind<sum>} : vector<16xi1> -> vector<16xi32>
      %slice3A_177 = vector.extract_strided_slice %all_reduce_population_count3A_176 {offsets = [0], sizes = [1], strides = [1]} : vector<16xi32> to vector<1xi32>
      %squeeze3A_178 = vector.extract %slice3A_177[0] : i32 from vector<1xi32>
      %add3A_179 = arith.addi %add3A_162, %squeeze3A_178 : i32
      %add3A_180 = arith.constant 32 : i32
      %add3A_181 = vector.broadcast %add3A_180 : i32 to vector<16xi32>
      %add3A_182 = arith.addi %iota3A, %add3A_181 : vector<16xi32>
      %ne3A_183 = arith.cmpi ne, %gather3A_144, %add3A_182 : vector<16xi32>
      %add3A_184 = vector.broadcast %mul3A_40 : i32 to vector<16xi32>
      %add3A_185 = arith.addi %add3A_184, %add3A_182 : vector<16xi32>
      %lt3A_186 = vector.broadcast %scan3A_5 : i32 to vector<16xi32>
      %lt3A_187 = arith.cmpi slt, %add3A_185, %lt3A_186 : vector<16xi32>
      %and3A_188 = arith.andi %ne3A_183, %lt3A_187 : vector<16xi1>
      %add3A_189 = vector.broadcast %mul3A_40 : i32 to vector<16xi32>
      %add3A_190 = arith.addi %add3A_189, %add3A_182 : vector<16xi32>
      %swap3A_191 = arith.index_cast %add3A_179 : i32 to index
      %swap3A_192 = tpu.vector_load %arg16[%swap3A_191] masked %and3A_188 {strides = array<i32>} : memref<80xi32, #tpu.memory_space<vmem>>, vector<16xi32>, vector<16xi1>
      tpu.vector_store %arg16[%swap3A_191], %add3A_190 masked %and3A_188 {strides = array<i32>} : memref<80xi32, #tpu.memory_space<vmem>>, vector<16xi32>, vector<16xi1>
      %all_reduce_population_count3A_193 = tpu.all_reduce %and3A_188 {dim = 0 : i64, kind = #tpu.reduction_kind<sum>} : vector<16xi1> -> vector<16xi32>
      %slice3A_194 = vector.extract_strided_slice %all_reduce_population_count3A_193 {offsets = [0], sizes = [1], strides = [1]} : vector<16xi32> to vector<1xi32>
      %squeeze3A_195 = vector.extract %slice3A_194[0] : i32 from vector<1xi32>
      %add3A_196 = arith.addi %add3A_179, %squeeze3A_195 : i32
      %add3A_197 = arith.constant 48 : i32
      %add3A_198 = vector.broadcast %add3A_197 : i32 to vector<16xi32>
      %add3A_199 = arith.addi %iota3A, %add3A_198 : vector<16xi32>
      %ne3A_200 = arith.cmpi ne, %gather3A_148, %add3A_199 : vector<16xi32>
      %add3A_201 = vector.broadcast %mul3A_40 : i32 to vector<16xi32>
      %add3A_202 = arith.addi %add3A_201, %add3A_199 : vector<16xi32>
      %lt3A_203 = vector.broadcast %scan3A_5 : i32 to vector<16xi32>
      %lt3A_204 = arith.cmpi slt, %add3A_202, %lt3A_203 : vector<16xi32>
      %and3A_205 = arith.andi %ne3A_200, %lt3A_204 : vector<16xi1>
      %add3A_206 = vector.broadcast %mul3A_40 : i32 to vector<16xi32>
      %add3A_207 = arith.addi %add3A_206, %add3A_199 : vector<16xi32>
      %swap3A_208 = arith.index_cast %add3A_196 : i32 to index
      %swap3A_209 = tpu.vector_load %arg16[%swap3A_208] masked %and3A_205 {strides = array<i32>} : memref<80xi32, #tpu.memory_space<vmem>>, vector<16xi32>, vector<16xi1>
      tpu.vector_store %arg16[%swap3A_208], %add3A_207 masked %and3A_205 {strides = array<i32>} : memref<80xi32, #tpu.memory_space<vmem>>, vector<16xi32>, vector<16xi1>
      %all_reduce_population_count3A_210 = tpu.all_reduce %and3A_205 {dim = 0 : i64, kind = #tpu.reduction_kind<sum>} : vector<16xi1> -> vector<16xi32>
      %slice3A_211 = vector.extract_strided_slice %all_reduce_population_count3A_210 {offsets = [0], sizes = [1], strides = [1]} : vector<16xi32> to vector<1xi32>
      %squeeze3A_212 = vector.extract %slice3A_211[0] : i32 from vector<1xi32>
      %add3A_213 = arith.addi %add3A_196, %squeeze3A_212 : i32
      %dma_start3A = tpu.memref_slice %arg8[%mul3A_40] : memref<16512xi32, #tpu.memory_space<vmem>> -> memref<64xi32, #tpu.memory_space<vmem>>
      %dma_start3A_214 = arith.constant 0 : i32
      %dma_start3A_215 = arith.constant 0 : i32
      %dma_start3A_216 = tpu.memref_slice %arg4[%dma_start3A_214, %dma_start3A_215] : memref<100000x128xf32, #tpu.memory_space<hbm>> -> memref<100000x128xf32, #tpu.memory_space<hbm>>
      tpu.enqueue_indirect_dma source(%dma_start3A_216 : memref<100000x128xf32, #tpu.memory_space<hbm>>) target(%arg10 : memref<64x128xf32, #tpu.memory_space<vmem>>) offsets(%dma_start3A : memref<64xi32, #tpu.memory_space<vmem>>) semaphore(%arg17 : memref<!tpu.dma_semaphore, #tpu.memory_space<semaphore_mem>>)
      %dma_start3A_217 = tpu.memref_slice %arg7[%mul3A_40] : memref<16512xi32, #tpu.memory_space<vmem>> -> memref<64xi32, #tpu.memory_space<vmem>>
      %dma_start3A_218 = arith.constant 0 : i32
      %dma_start3A_219 = arith.constant 0 : i32
      %dma_start3A_220 = tpu.memref_slice %arg2[%dma_start3A_218, %dma_start3A_219] : memref<16384x128xf32, #tpu.memory_space<hbm>> -> memref<16384x128xf32, #tpu.memory_space<hbm>>
      tpu.enqueue_indirect_dma source(%dma_start3A_220 : memref<16384x128xf32, #tpu.memory_space<hbm>>) target(%arg11 : memref<64x128xf32, #tpu.memory_space<vmem>>) offsets(%dma_start3A_217 : memref<64xi32, #tpu.memory_space<vmem>>) semaphore(%arg18 : memref<!tpu.dma_semaphore, #tpu.memory_space<semaphore_mem>>)
      %dma_wait3A = tpu.memref_slice %arg8[%mul3A_40] : memref<16512xi32, #tpu.memory_space<vmem>> -> memref<64xi32, #tpu.memory_space<vmem>>
      %dma_wait3A_221 = arith.constant 0 : i32
      %dma_wait3A_222 = arith.constant 0 : i32
      %dma_wait3A_223 = tpu.memref_slice %arg4[%dma_wait3A_221, %dma_wait3A_222] : memref<100000x128xf32, #tpu.memory_space<hbm>> -> memref<100000x128xf32, #tpu.memory_space<hbm>>
      tpu.wait_indirect_dma semaphore(%arg17 : memref<!tpu.dma_semaphore, #tpu.memory_space<semaphore_mem>>) src(%dma_wait3A_223 : memref<100000x128xf32, #tpu.memory_space<hbm>>) dst(%arg10 : memref<64x128xf32, #tpu.memory_space<vmem>>)
      %dma_wait3A_224 = tpu.memref_slice %arg7[%mul3A_40] : memref<16512xi32, #tpu.memory_space<vmem>> -> memref<64xi32, #tpu.memory_space<vmem>>
      %dma_wait3A_225 = arith.constant 0 : i32
      %dma_wait3A_226 = arith.constant 0 : i32
      %dma_wait3A_227 = tpu.memref_slice %arg2[%dma_wait3A_225, %dma_wait3A_226] : memref<16384x128xf32, #tpu.memory_space<hbm>> -> memref<16384x128xf32, #tpu.memory_space<hbm>>
      tpu.wait_indirect_dma semaphore(%arg18 : memref<!tpu.dma_semaphore, #tpu.memory_space<semaphore_mem>>) src(%dma_wait3A_227 : memref<16384x128xf32, #tpu.memory_space<hbm>>) dst(%arg11 : memref<64x128xf32, #tpu.memory_space<vmem>>)
      %broadcast_in_dim3A = arith.constant 0.000000e+00 : f32
      %broadcast_in_dim3A_228 = vector.broadcast %broadcast_in_dim3A : f32 to vector<16xf32>
      %broadcast_in_dim3A_229 = arith.constant 0.000000e+00 : f32
      %broadcast_in_dim3A_230 = vector.broadcast %broadcast_in_dim3A_229 : f32 to vector<16xf32>
      %broadcast_in_dim3A_231 = arith.constant 0.000000e+00 : f32
      %broadcast_in_dim3A_232 = vector.broadcast %broadcast_in_dim3A_231 : f32 to vector<16xf32>
      %broadcast_in_dim3A_233 = arith.constant 0.000000e+00 : f32
      %broadcast_in_dim3A_234 = vector.broadcast %broadcast_in_dim3A_233 : f32 to vector<16xf32>
      %scan3A_235 = arith.constant 0 : i32
      %scan3A_236 = arith.constant 128 : i32
      %scan3A_237 = arith.addi %scan3A_235, %scan3A_236 : i32
      %scan3A_238 = arith.constant 4 : i32
      %scan3A_239:4 = scf.for %scan3A_483 = %scan3A_235 to %scan3A_237 step %scan3A_238 iter_args(%scan3A_484 = %broadcast_in_dim3A_228, %scan3A_485 = %broadcast_in_dim3A_230, %scan3A_486 = %broadcast_in_dim3A_232, %scan3A_487 = %broadcast_in_dim3A_234) -> (vector<16xf32>, vector<16xf32>, vector<16xf32>, vector<16xf32>)  : i32 {
        %broadcast_in_dim3A_488 = vector.broadcast %scan3A_483 : i32 to vector<16xi32>
        %add3A_489 = arith.constant 0 : i32
        %add3A_490 = vector.broadcast %add3A_489 : i32 to vector<16xi32>
        %add3A_491 = arith.addi %iota3A, %add3A_490 : vector<16xi32>
        %gather3A_492 = tpu.vector_load_idx %arg10[%add3A_491, %broadcast_in_dim3A_488] : memref<64x128xf32, #tpu.memory_space<vmem>>[vector<16xi32>, vector<16xi32>], vector<16xf32>,
        %gather3A_493 = tpu.vector_load_idx %arg11[%add3A_491, %broadcast_in_dim3A_488] : memref<64x128xf32, #tpu.memory_space<vmem>>[vector<16xi32>, vector<16xi32>], vector<16xf32>,
        %add3A_494 = arith.addf %gather3A_492, %gather3A_493 : vector<16xf32>
        %mul3A_495 = arith.constant 5.000000e-01 : f32
        %mul3A_496 = vector.broadcast %mul3A_495 : f32 to vector<16xf32>
        %mul3A_497 = arith.mulf %add3A_494, %mul3A_496 : vector<16xf32>
        %add3A_498 = arith.constant 16 : i32
        %add3A_499 = vector.broadcast %add3A_498 : i32 to vector<16xi32>
        %add3A_500 = arith.addi %iota3A, %add3A_499 : vector<16xi32>
        %gather3A_501 = tpu.vector_load_idx %arg10[%add3A_500, %broadcast_in_dim3A_488] : memref<64x128xf32, #tpu.memory_space<vmem>>[vector<16xi32>, vector<16xi32>], vector<16xf32>,
        %gather3A_502 = tpu.vector_load_idx %arg11[%add3A_500, %broadcast_in_dim3A_488] : memref<64x128xf32, #tpu.memory_space<vmem>>[vector<16xi32>, vector<16xi32>], vector<16xf32>,
        %add3A_503 = arith.addf %gather3A_501, %gather3A_502 : vector<16xf32>
        %mul3A_504 = arith.constant 5.000000e-01 : f32
        %mul3A_505 = vector.broadcast %mul3A_504 : f32 to vector<16xf32>
        %mul3A_506 = arith.mulf %add3A_503, %mul3A_505 : vector<16xf32>
        %add3A_507 = arith.constant 32 : i32
        %add3A_508 = vector.broadcast %add3A_507 : i32 to vector<16xi32>
        %add3A_509 = arith.addi %iota3A, %add3A_508 : vector<16xi32>
        %gather3A_510 = tpu.vector_load_idx %arg10[%add3A_509, %broadcast_in_dim3A_488] : memref<64x128xf32, #tpu.memory_space<vmem>>[vector<16xi32>, vector<16xi32>], vector<16xf32>,
        %gather3A_511 = tpu.vector_load_idx %arg11[%add3A_509, %broadcast_in_dim3A_488] : memref<64x128xf32, #tpu.memory_space<vmem>>[vector<16xi32>, vector<16xi32>], vector<16xf32>,
        %add3A_512 = arith.addf %gather3A_510, %gather3A_511 : vector<16xf32>
        %mul3A_513 = arith.constant 5.000000e-01 : f32
        %mul3A_514 = vector.broadcast %mul3A_513 : f32 to vector<16xf32>
        %mul3A_515 = arith.mulf %add3A_512, %mul3A_514 : vector<16xf32>
        %add3A_516 = arith.constant 48 : i32
        %add3A_517 = vector.broadcast %add3A_516 : i32 to vector<16xi32>
        %add3A_518 = arith.addi %iota3A, %add3A_517 : vector<16xi32>
        %gather3A_519 = tpu.vector_load_idx %arg10[%add3A_518, %broadcast_in_dim3A_488] : memref<64x128xf32, #tpu.memory_space<vmem>>[vector<16xi32>, vector<16xi32>], vector<16xf32>,
        %gather3A_520 = tpu.vector_load_idx %arg11[%add3A_518, %broadcast_in_dim3A_488] : memref<64x128xf32, #tpu.memory_space<vmem>>[vector<16xi32>, vector<16xi32>], vector<16xf32>,
        %add3A_521 = arith.addf %gather3A_519, %gather3A_520 : vector<16xf32>
        %mul3A_522 = arith.constant 5.000000e-01 : f32
        %mul3A_523 = vector.broadcast %mul3A_522 : f32 to vector<16xf32>
        %mul3A_524 = arith.mulf %add3A_521, %mul3A_523 : vector<16xf32>
        %swap3A_525 = arith.constant 0 : index
        %swap3A_526 = tpu.vector_load %arg15[%swap3A_525] {strides = array<i32>} : memref<64xf32, #tpu.memory_space<vmem>>, vector<16xf32>,
        tpu.vector_store %arg15[%swap3A_525], %mul3A_497 {strides = array<i32>} : memref<64xf32, #tpu.memory_space<vmem>>, vector<16xf32>,
        %swap3A_527 = arith.constant 16 : index
        %swap3A_528 = tpu.vector_load %arg15[%swap3A_527] {strides = array<i32>} : memref<64xf32, #tpu.memory_space<vmem>>, vector<16xf32>,
        tpu.vector_store %arg15[%swap3A_527], %mul3A_506 {strides = array<i32>} : memref<64xf32, #tpu.memory_space<vmem>>, vector<16xf32>,
        %swap3A_529 = arith.constant 32 : index
        %swap3A_530 = tpu.vector_load %arg15[%swap3A_529] {strides = array<i32>} : memref<64xf32, #tpu.memory_space<vmem>>, vector<16xf32>,
        tpu.vector_store %arg15[%swap3A_529], %mul3A_515 {strides = array<i32>} : memref<64xf32, #tpu.memory_space<vmem>>, vector<16xf32>,
        %swap3A_531 = arith.constant 48 : index
        %swap3A_532 = tpu.vector_load %arg15[%swap3A_531] {strides = array<i32>} : memref<64xf32, #tpu.memory_space<vmem>>, vector<16xf32>,
        tpu.vector_store %arg15[%swap3A_531], %mul3A_524 {strides = array<i32>} : memref<64xf32, #tpu.memory_space<vmem>>, vector<16xf32>,
        %gather3A_533 = tpu.vector_load_idx %arg15[%gather3A] : memref<64xf32, #tpu.memory_space<vmem>>[vector<16xi32>], vector<16xf32>,
        %add3A_534 = arith.constant 0 : i32
        %add3A_535 = vector.broadcast %add3A_534 : i32 to vector<16xi32>
        %add3A_536 = arith.addi %iota3A, %add3A_535 : vector<16xi32>
        tpu.vector_store_idx %arg12[%add3A_536, %broadcast_in_dim3A_488], %gather3A_533 : memref<64x128xf32, #tpu.memory_space<vmem>>[vector<16xi32>, vector<16xi32>], vector<16xf32>,
        %mul3A_537 = arith.mulf %gather3A_533, %gather3A_533 : vector<16xf32>
        %add3A_538 = arith.addf %scan3A_484, %mul3A_537 : vector<16xf32>
        %gather3A_539 = tpu.vector_load_idx %arg15[%gather3A_140] : memref<64xf32, #tpu.memory_space<vmem>>[vector<16xi32>], vector<16xf32>,
        %add3A_540 = arith.constant 16 : i32
        %add3A_541 = vector.broadcast %add3A_540 : i32 to vector<16xi32>
        %add3A_542 = arith.addi %iota3A, %add3A_541 : vector<16xi32>
        tpu.vector_store_idx %arg12[%add3A_542, %broadcast_in_dim3A_488], %gather3A_539 : memref<64x128xf32, #tpu.memory_space<vmem>>[vector<16xi32>, vector<16xi32>], vector<16xf32>,
        %mul3A_543 = arith.mulf %gather3A_539, %gather3A_539 : vector<16xf32>
        %add3A_544 = arith.addf %scan3A_485, %mul3A_543 : vector<16xf32>
        %gather3A_545 = tpu.vector_load_idx %arg15[%gather3A_144] : memref<64xf32, #tpu.memory_space<vmem>>[vector<16xi32>], vector<16xf32>,
        %add3A_546 = arith.constant 32 : i32
        %add3A_547 = vector.broadcast %add3A_546 : i32 to vector<16xi32>
        %add3A_548 = arith.addi %iota3A, %add3A_547 : vector<16xi32>
        tpu.vector_store_idx %arg12[%add3A_548, %broadcast_in_dim3A_488], %gather3A_545 : memref<64x128xf32, #tpu.memory_space<vmem>>[vector<16xi32>, vector<16xi32>], vector<16xf32>,
        %mul3A_549 = arith.mulf %gather3A_545, %gather3A_545 : vector<16xf32>
        %add3A_550 = arith.addf %scan3A_486, %mul3A_549 : vector<16xf32>
        %gather3A_551 = tpu.vector_load_idx %arg15[%gather3A_148] : memref<64xf32, #tpu.memory_space<vmem>>[vector<16xi32>], vector<16xf32>,
        %add3A_552 = arith.constant 48 : i32
        %add3A_553 = vector.broadcast %add3A_552 : i32 to vector<16xi32>
        %add3A_554 = arith.addi %iota3A, %add3A_553 : vector<16xi32>
        tpu.vector_store_idx %arg12[%add3A_554, %broadcast_in_dim3A_488], %gather3A_551 : memref<64x128xf32, #tpu.memory_space<vmem>>[vector<16xi32>, vector<16xi32>], vector<16xf32>,
        %mul3A_555 = arith.mulf %gather3A_551, %gather3A_551 : vector<16xf32>
        %add3A_556 = arith.addf %scan3A_487, %mul3A_555 : vector<16xf32>
        %scan3A_557 = arith.constant 1 : i32
        %scan3A_558 = arith.addi %scan3A_483, %scan3A_557 : i32
        %broadcast_in_dim3A_559 = vector.broadcast %scan3A_558 : i32 to vector<16xi32>
        %add3A_560 = arith.constant 0 : i32
        %add3A_561 = vector.broadcast %add3A_560 : i32 to vector<16xi32>
        %add3A_562 = arith.addi %iota3A, %add3A_561 : vector<16xi32>
        %gather3A_563 = tpu.vector_load_idx %arg10[%add3A_562, %broadcast_in_dim3A_559] : memref<64x128xf32, #tpu.memory_space<vmem>>[vector<16xi32>, vector<16xi32>], vector<16xf32>,
        %gather3A_564 = tpu.vector_load_idx %arg11[%add3A_562, %broadcast_in_dim3A_559] : memref<64x128xf32, #tpu.memory_space<vmem>>[vector<16xi32>, vector<16xi32>], vector<16xf32>,
        %add3A_565 = arith.addf %gather3A_563, %gather3A_564 : vector<16xf32>
        %mul3A_566 = arith.constant 5.000000e-01 : f32
        %mul3A_567 = vector.broadcast %mul3A_566 : f32 to vector<16xf32>
        %mul3A_568 = arith.mulf %add3A_565, %mul3A_567 : vector<16xf32>
        %add3A_569 = arith.constant 16 : i32
        %add3A_570 = vector.broadcast %add3A_569 : i32 to vector<16xi32>
        %add3A_571 = arith.addi %iota3A, %add3A_570 : vector<16xi32>
        %gather3A_572 = tpu.vector_load_idx %arg10[%add3A_571, %broadcast_in_dim3A_559] : memref<64x128xf32, #tpu.memory_space<vmem>>[vector<16xi32>, vector<16xi32>], vector<16xf32>,
        %gather3A_573 = tpu.vector_load_idx %arg11[%add3A_571, %broadcast_in_dim3A_559] : memref<64x128xf32, #tpu.memory_space<vmem>>[vector<16xi32>, vector<16xi32>], vector<16xf32>,
        %add3A_574 = arith.addf %gather3A_572, %gather3A_573 : vector<16xf32>
        %mul3A_575 = arith.constant 5.000000e-01 : f32
        %mul3A_576 = vector.broadcast %mul3A_575 : f32 to vector<16xf32>
        %mul3A_577 = arith.mulf %add3A_574, %mul3A_576 : vector<16xf32>
        %add3A_578 = arith.constant 32 : i32
        %add3A_579 = vector.broadcast %add3A_578 : i32 to vector<16xi32>
        %add3A_580 = arith.addi %iota3A, %add3A_579 : vector<16xi32>
        %gather3A_581 = tpu.vector_load_idx %arg10[%add3A_580, %broadcast_in_dim3A_559] : memref<64x128xf32, #tpu.memory_space<vmem>>[vector<16xi32>, vector<16xi32>], vector<16xf32>,
        %gather3A_582 = tpu.vector_load_idx %arg11[%add3A_580, %broadcast_in_dim3A_559] : memref<64x128xf32, #tpu.memory_space<vmem>>[vector<16xi32>, vector<16xi32>], vector<16xf32>,
        %add3A_583 = arith.addf %gather3A_581, %gather3A_582 : vector<16xf32>
        %mul3A_584 = arith.constant 5.000000e-01 : f32
        %mul3A_585 = vector.broadcast %mul3A_584 : f32 to vector<16xf32>
        %mul3A_586 = arith.mulf %add3A_583, %mul3A_585 : vector<16xf32>
        %add3A_587 = arith.constant 48 : i32
        %add3A_588 = vector.broadcast %add3A_587 : i32 to vector<16xi32>
        %add3A_589 = arith.addi %iota3A, %add3A_588 : vector<16xi32>
        %gather3A_590 = tpu.vector_load_idx %arg10[%add3A_589, %broadcast_in_dim3A_559] : memref<64x128xf32, #tpu.memory_space<vmem>>[vector<16xi32>, vector<16xi32>], vector<16xf32>,
        %gather3A_591 = tpu.vector_load_idx %arg11[%add3A_589, %broadcast_in_dim3A_559] : memref<64x128xf32, #tpu.memory_space<vmem>>[vector<16xi32>, vector<16xi32>], vector<16xf32>,
        %add3A_592 = arith.addf %gather3A_590, %gather3A_591 : vector<16xf32>
        %mul3A_593 = arith.constant 5.000000e-01 : f32
        %mul3A_594 = vector.broadcast %mul3A_593 : f32 to vector<16xf32>
        %mul3A_595 = arith.mulf %add3A_592, %mul3A_594 : vector<16xf32>
        %swap3A_596 = arith.constant 0 : index
        %swap3A_597 = tpu.vector_load %arg15[%swap3A_596] {strides = array<i32>} : memref<64xf32, #tpu.memory_space<vmem>>, vector<16xf32>,
        tpu.vector_store %arg15[%swap3A_596], %mul3A_568 {strides = array<i32>} : memref<64xf32, #tpu.memory_space<vmem>>, vector<16xf32>,
        %swap3A_598 = arith.constant 16 : index
        %swap3A_599 = tpu.vector_load %arg15[%swap3A_598] {strides = array<i32>} : memref<64xf32, #tpu.memory_space<vmem>>, vector<16xf32>,
        tpu.vector_store %arg15[%swap3A_598], %mul3A_577 {strides = array<i32>} : memref<64xf32, #tpu.memory_space<vmem>>, vector<16xf32>,
        %swap3A_600 = arith.constant 32 : index
        %swap3A_601 = tpu.vector_load %arg15[%swap3A_600] {strides = array<i32>} : memref<64xf32, #tpu.memory_space<vmem>>, vector<16xf32>,
        tpu.vector_store %arg15[%swap3A_600], %mul3A_586 {strides = array<i32>} : memref<64xf32, #tpu.memory_space<vmem>>, vector<16xf32>,
        %swap3A_602 = arith.constant 48 : index
        %swap3A_603 = tpu.vector_load %arg15[%swap3A_602] {strides = array<i32>} : memref<64xf32, #tpu.memory_space<vmem>>, vector<16xf32>,
        tpu.vector_store %arg15[%swap3A_602], %mul3A_595 {strides = array<i32>} : memref<64xf32, #tpu.memory_space<vmem>>, vector<16xf32>,
        %gather3A_604 = tpu.vector_load_idx %arg15[%gather3A] : memref<64xf32, #tpu.memory_space<vmem>>[vector<16xi32>], vector<16xf32>,
        %add3A_605 = arith.constant 0 : i32
        %add3A_606 = vector.broadcast %add3A_605 : i32 to vector<16xi32>
        %add3A_607 = arith.addi %iota3A, %add3A_606 : vector<16xi32>
        tpu.vector_store_idx %arg12[%add3A_607, %broadcast_in_dim3A_559], %gather3A_604 : memref<64x128xf32, #tpu.memory_space<vmem>>[vector<16xi32>, vector<16xi32>], vector<16xf32>,
        %mul3A_608 = arith.mulf %gather3A_604, %gather3A_604 : vector<16xf32>
        %add3A_609 = arith.addf %add3A_538, %mul3A_608 : vector<16xf32>
        %gather3A_610 = tpu.vector_load_idx %arg15[%gather3A_140] : memref<64xf32, #tpu.memory_space<vmem>>[vector<16xi32>], vector<16xf32>,
        %add3A_611 = arith.constant 16 : i32
        %add3A_612 = vector.broadcast %add3A_611 : i32 to vector<16xi32>
        %add3A_613 = arith.addi %iota3A, %add3A_612 : vector<16xi32>
        tpu.vector_store_idx %arg12[%add3A_613, %broadcast_in_dim3A_559], %gather3A_610 : memref<64x128xf32, #tpu.memory_space<vmem>>[vector<16xi32>, vector<16xi32>], vector<16xf32>,
        %mul3A_614 = arith.mulf %gather3A_610, %gather3A_610 : vector<16xf32>
        %add3A_615 = arith.addf %add3A_544, %mul3A_614 : vector<16xf32>
        %gather3A_616 = tpu.vector_load_idx %arg15[%gather3A_144] : memref<64xf32, #tpu.memory_space<vmem>>[vector<16xi32>], vector<16xf32>,
        %add3A_617 = arith.constant 32 : i32
        %add3A_618 = vector.broadcast %add3A_617 : i32 to vector<16xi32>
        %add3A_619 = arith.addi %iota3A, %add3A_618 : vector<16xi32>
        tpu.vector_store_idx %arg12[%add3A_619, %broadcast_in_dim3A_559], %gather3A_616 : memref<64x128xf32, #tpu.memory_space<vmem>>[vector<16xi32>, vector<16xi32>], vector<16xf32>,
        %mul3A_620 = arith.mulf %gather3A_616, %gather3A_616 : vector<16xf32>
        %add3A_621 = arith.addf %add3A_550, %mul3A_620 : vector<16xf32>
        %gather3A_622 = tpu.vector_load_idx %arg15[%gather3A_148] : memref<64xf32, #tpu.memory_space<vmem>>[vector<16xi32>], vector<16xf32>,
        %add3A_623 = arith.constant 48 : i32
        %add3A_624 = vector.broadcast %add3A_623 : i32 to vector<16xi32>
        %add3A_625 = arith.addi %iota3A, %add3A_624 : vector<16xi32>
        tpu.vector_store_idx %arg12[%add3A_625, %broadcast_in_dim3A_559], %gather3A_622 : memref<64x128xf32, #tpu.memory_space<vmem>>[vector<16xi32>, vector<16xi32>], vector<16xf32>,
        %mul3A_626 = arith.mulf %gather3A_622, %gather3A_622 : vector<16xf32>
        %add3A_627 = arith.addf %add3A_556, %mul3A_626 : vector<16xf32>
        %scan3A_628 = arith.constant 2 : i32
        %scan3A_629 = arith.addi %scan3A_483, %scan3A_628 : i32
        %broadcast_in_dim3A_630 = vector.broadcast %scan3A_629 : i32 to vector<16xi32>
        %add3A_631 = arith.constant 0 : i32
        %add3A_632 = vector.broadcast %add3A_631 : i32 to vector<16xi32>
        %add3A_633 = arith.addi %iota3A, %add3A_632 : vector<16xi32>
        %gather3A_634 = tpu.vector_load_idx %arg10[%add3A_633, %broadcast_in_dim3A_630] : memref<64x128xf32, #tpu.memory_space<vmem>>[vector<16xi32>, vector<16xi32>], vector<16xf32>,
        %gather3A_635 = tpu.vector_load_idx %arg11[%add3A_633, %broadcast_in_dim3A_630] : memref<64x128xf32, #tpu.memory_space<vmem>>[vector<16xi32>, vector<16xi32>], vector<16xf32>,
        %add3A_636 = arith.addf %gather3A_634, %gather3A_635 : vector<16xf32>
        %mul3A_637 = arith.constant 5.000000e-01 : f32
        %mul3A_638 = vector.broadcast %mul3A_637 : f32 to vector<16xf32>
        %mul3A_639 = arith.mulf %add3A_636, %mul3A_638 : vector<16xf32>
        %add3A_640 = arith.constant 16 : i32
        %add3A_641 = vector.broadcast %add3A_640 : i32 to vector<16xi32>
        %add3A_642 = arith.addi %iota3A, %add3A_641 : vector<16xi32>
        %gather3A_643 = tpu.vector_load_idx %arg10[%add3A_642, %broadcast_in_dim3A_630] : memref<64x128xf32, #tpu.memory_space<vmem>>[vector<16xi32>, vector<16xi32>], vector<16xf32>,
        %gather3A_644 = tpu.vector_load_idx %arg11[%add3A_642, %broadcast_in_dim3A_630] : memref<64x128xf32, #tpu.memory_space<vmem>>[vector<16xi32>, vector<16xi32>], vector<16xf32>,
        %add3A_645 = arith.addf %gather3A_643, %gather3A_644 : vector<16xf32>
        %mul3A_646 = arith.constant 5.000000e-01 : f32
        %mul3A_647 = vector.broadcast %mul3A_646 : f32 to vector<16xf32>
        %mul3A_648 = arith.mulf %add3A_645, %mul3A_647 : vector<16xf32>
        %add3A_649 = arith.constant 32 : i32
        %add3A_650 = vector.broadcast %add3A_649 : i32 to vector<16xi32>
        %add3A_651 = arith.addi %iota3A, %add3A_650 : vector<16xi32>
        %gather3A_652 = tpu.vector_load_idx %arg10[%add3A_651, %broadcast_in_dim3A_630] : memref<64x128xf32, #tpu.memory_space<vmem>>[vector<16xi32>, vector<16xi32>], vector<16xf32>,
        %gather3A_653 = tpu.vector_load_idx %arg11[%add3A_651, %broadcast_in_dim3A_630] : memref<64x128xf32, #tpu.memory_space<vmem>>[vector<16xi32>, vector<16xi32>], vector<16xf32>,
        %add3A_654 = arith.addf %gather3A_652, %gather3A_653 : vector<16xf32>
        %mul3A_655 = arith.constant 5.000000e-01 : f32
        %mul3A_656 = vector.broadcast %mul3A_655 : f32 to vector<16xf32>
        %mul3A_657 = arith.mulf %add3A_654, %mul3A_656 : vector<16xf32>
        %add3A_658 = arith.constant 48 : i32
        %add3A_659 = vector.broadcast %add3A_658 : i32 to vector<16xi32>
        %add3A_660 = arith.addi %iota3A, %add3A_659 : vector<16xi32>
        %gather3A_661 = tpu.vector_load_idx %arg10[%add3A_660, %broadcast_in_dim3A_630] : memref<64x128xf32, #tpu.memory_space<vmem>>[vector<16xi32>, vector<16xi32>], vector<16xf32>,
        %gather3A_662 = tpu.vector_load_idx %arg11[%add3A_660, %broadcast_in_dim3A_630] : memref<64x128xf32, #tpu.memory_space<vmem>>[vector<16xi32>, vector<16xi32>], vector<16xf32>,
        %add3A_663 = arith.addf %gather3A_661, %gather3A_662 : vector<16xf32>
        %mul3A_664 = arith.constant 5.000000e-01 : f32
        %mul3A_665 = vector.broadcast %mul3A_664 : f32 to vector<16xf32>
        %mul3A_666 = arith.mulf %add3A_663, %mul3A_665 : vector<16xf32>
        %swap3A_667 = arith.constant 0 : index
        %swap3A_668 = tpu.vector_load %arg15[%swap3A_667] {strides = array<i32>} : memref<64xf32, #tpu.memory_space<vmem>>, vector<16xf32>,
        tpu.vector_store %arg15[%swap3A_667], %mul3A_639 {strides = array<i32>} : memref<64xf32, #tpu.memory_space<vmem>>, vector<16xf32>,
        %swap3A_669 = arith.constant 16 : index
        %swap3A_670 = tpu.vector_load %arg15[%swap3A_669] {strides = array<i32>} : memref<64xf32, #tpu.memory_space<vmem>>, vector<16xf32>,
        tpu.vector_store %arg15[%swap3A_669], %mul3A_648 {strides = array<i32>} : memref<64xf32, #tpu.memory_space<vmem>>, vector<16xf32>,
        %swap3A_671 = arith.constant 32 : index
        %swap3A_672 = tpu.vector_load %arg15[%swap3A_671] {strides = array<i32>} : memref<64xf32, #tpu.memory_space<vmem>>, vector<16xf32>,
        tpu.vector_store %arg15[%swap3A_671], %mul3A_657 {strides = array<i32>} : memref<64xf32, #tpu.memory_space<vmem>>, vector<16xf32>,
        %swap3A_673 = arith.constant 48 : index
        %swap3A_674 = tpu.vector_load %arg15[%swap3A_673] {strides = array<i32>} : memref<64xf32, #tpu.memory_space<vmem>>, vector<16xf32>,
        tpu.vector_store %arg15[%swap3A_673], %mul3A_666 {strides = array<i32>} : memref<64xf32, #tpu.memory_space<vmem>>, vector<16xf32>,
        %gather3A_675 = tpu.vector_load_idx %arg15[%gather3A] : memref<64xf32, #tpu.memory_space<vmem>>[vector<16xi32>], vector<16xf32>,
        %add3A_676 = arith.constant 0 : i32
        %add3A_677 = vector.broadcast %add3A_676 : i32 to vector<16xi32>
        %add3A_678 = arith.addi %iota3A, %add3A_677 : vector<16xi32>
        tpu.vector_store_idx %arg12[%add3A_678, %broadcast_in_dim3A_630], %gather3A_675 : memref<64x128xf32, #tpu.memory_space<vmem>>[vector<16xi32>, vector<16xi32>], vector<16xf32>,
        %mul3A_679 = arith.mulf %gather3A_675, %gather3A_675 : vector<16xf32>
        %add3A_680 = arith.addf %add3A_609, %mul3A_679 : vector<16xf32>
        %gather3A_681 = tpu.vector_load_idx %arg15[%gather3A_140] : memref<64xf32, #tpu.memory_space<vmem>>[vector<16xi32>], vector<16xf32>,
        %add3A_682 = arith.constant 16 : i32
        %add3A_683 = vector.broadcast %add3A_682 : i32 to vector<16xi32>
        %add3A_684 = arith.addi %iota3A, %add3A_683 : vector<16xi32>
        tpu.vector_store_idx %arg12[%add3A_684, %broadcast_in_dim3A_630], %gather3A_681 : memref<64x128xf32, #tpu.memory_space<vmem>>[vector<16xi32>, vector<16xi32>], vector<16xf32>,
        %mul3A_685 = arith.mulf %gather3A_681, %gather3A_681 : vector<16xf32>
        %add3A_686 = arith.addf %add3A_615, %mul3A_685 : vector<16xf32>
        %gather3A_687 = tpu.vector_load_idx %arg15[%gather3A_144] : memref<64xf32, #tpu.memory_space<vmem>>[vector<16xi32>], vector<16xf32>,
        %add3A_688 = arith.constant 32 : i32
        %add3A_689 = vector.broadcast %add3A_688 : i32 to vector<16xi32>
        %add3A_690 = arith.addi %iota3A, %add3A_689 : vector<16xi32>
        tpu.vector_store_idx %arg12[%add3A_690, %broadcast_in_dim3A_630], %gather3A_687 : memref<64x128xf32, #tpu.memory_space<vmem>>[vector<16xi32>, vector<16xi32>], vector<16xf32>,
        %mul3A_691 = arith.mulf %gather3A_687, %gather3A_687 : vector<16xf32>
        %add3A_692 = arith.addf %add3A_621, %mul3A_691 : vector<16xf32>
        %gather3A_693 = tpu.vector_load_idx %arg15[%gather3A_148] : memref<64xf32, #tpu.memory_space<vmem>>[vector<16xi32>], vector<16xf32>,
        %add3A_694 = arith.constant 48 : i32
        %add3A_695 = vector.broadcast %add3A_694 : i32 to vector<16xi32>
        %add3A_696 = arith.addi %iota3A, %add3A_695 : vector<16xi32>
        tpu.vector_store_idx %arg12[%add3A_696, %broadcast_in_dim3A_630], %gather3A_693 : memref<64x128xf32, #tpu.memory_space<vmem>>[vector<16xi32>, vector<16xi32>], vector<16xf32>,
        %mul3A_697 = arith.mulf %gather3A_693, %gather3A_693 : vector<16xf32>
        %add3A_698 = arith.addf %add3A_627, %mul3A_697 : vector<16xf32>
        %scan3A_699 = arith.constant 3 : i32
        %scan3A_700 = arith.addi %scan3A_483, %scan3A_699 : i32
        %broadcast_in_dim3A_701 = vector.broadcast %scan3A_700 : i32 to vector<16xi32>
        %add3A_702 = arith.constant 0 : i32
        %add3A_703 = vector.broadcast %add3A_702 : i32 to vector<16xi32>
        %add3A_704 = arith.addi %iota3A, %add3A_703 : vector<16xi32>
        %gather3A_705 = tpu.vector_load_idx %arg10[%add3A_704, %broadcast_in_dim3A_701] : memref<64x128xf32, #tpu.memory_space<vmem>>[vector<16xi32>, vector<16xi32>], vector<16xf32>,
        %gather3A_706 = tpu.vector_load_idx %arg11[%add3A_704, %broadcast_in_dim3A_701] : memref<64x128xf32, #tpu.memory_space<vmem>>[vector<16xi32>, vector<16xi32>], vector<16xf32>,
        %add3A_707 = arith.addf %gather3A_705, %gather3A_706 : vector<16xf32>
        %mul3A_708 = arith.constant 5.000000e-01 : f32
        %mul3A_709 = vector.broadcast %mul3A_708 : f32 to vector<16xf32>
        %mul3A_710 = arith.mulf %add3A_707, %mul3A_709 : vector<16xf32>
        %add3A_711 = arith.constant 16 : i32
        %add3A_712 = vector.broadcast %add3A_711 : i32 to vector<16xi32>
        %add3A_713 = arith.addi %iota3A, %add3A_712 : vector<16xi32>
        %gather3A_714 = tpu.vector_load_idx %arg10[%add3A_713, %broadcast_in_dim3A_701] : memref<64x128xf32, #tpu.memory_space<vmem>>[vector<16xi32>, vector<16xi32>], vector<16xf32>,
        %gather3A_715 = tpu.vector_load_idx %arg11[%add3A_713, %broadcast_in_dim3A_701] : memref<64x128xf32, #tpu.memory_space<vmem>>[vector<16xi32>, vector<16xi32>], vector<16xf32>,
        %add3A_716 = arith.addf %gather3A_714, %gather3A_715 : vector<16xf32>
        %mul3A_717 = arith.constant 5.000000e-01 : f32
        %mul3A_718 = vector.broadcast %mul3A_717 : f32 to vector<16xf32>
        %mul3A_719 = arith.mulf %add3A_716, %mul3A_718 : vector<16xf32>
        %add3A_720 = arith.constant 32 : i32
        %add3A_721 = vector.broadcast %add3A_720 : i32 to vector<16xi32>
        %add3A_722 = arith.addi %iota3A, %add3A_721 : vector<16xi32>
        %gather3A_723 = tpu.vector_load_idx %arg10[%add3A_722, %broadcast_in_dim3A_701] : memref<64x128xf32, #tpu.memory_space<vmem>>[vector<16xi32>, vector<16xi32>], vector<16xf32>,
        %gather3A_724 = tpu.vector_load_idx %arg11[%add3A_722, %broadcast_in_dim3A_701] : memref<64x128xf32, #tpu.memory_space<vmem>>[vector<16xi32>, vector<16xi32>], vector<16xf32>,
        %add3A_725 = arith.addf %gather3A_723, %gather3A_724 : vector<16xf32>
        %mul3A_726 = arith.constant 5.000000e-01 : f32
        %mul3A_727 = vector.broadcast %mul3A_726 : f32 to vector<16xf32>
        %mul3A_728 = arith.mulf %add3A_725, %mul3A_727 : vector<16xf32>
        %add3A_729 = arith.constant 48 : i32
        %add3A_730 = vector.broadcast %add3A_729 : i32 to vector<16xi32>
        %add3A_731 = arith.addi %iota3A, %add3A_730 : vector<16xi32>
        %gather3A_732 = tpu.vector_load_idx %arg10[%add3A_731, %broadcast_in_dim3A_701] : memref<64x128xf32, #tpu.memory_space<vmem>>[vector<16xi32>, vector<16xi32>], vector<16xf32>,
        %gather3A_733 = tpu.vector_load_idx %arg11[%add3A_731, %broadcast_in_dim3A_701] : memref<64x128xf32, #tpu.memory_space<vmem>>[vector<16xi32>, vector<16xi32>], vector<16xf32>,
        %add3A_734 = arith.addf %gather3A_732, %gather3A_733 : vector<16xf32>
        %mul3A_735 = arith.constant 5.000000e-01 : f32
        %mul3A_736 = vector.broadcast %mul3A_735 : f32 to vector<16xf32>
        %mul3A_737 = arith.mulf %add3A_734, %mul3A_736 : vector<16xf32>
        %swap3A_738 = arith.constant 0 : index
        %swap3A_739 = tpu.vector_load %arg15[%swap3A_738] {strides = array<i32>} : memref<64xf32, #tpu.memory_space<vmem>>, vector<16xf32>,
        tpu.vector_store %arg15[%swap3A_738], %mul3A_710 {strides = array<i32>} : memref<64xf32, #tpu.memory_space<vmem>>, vector<16xf32>,
        %swap3A_740 = arith.constant 16 : index
        %swap3A_741 = tpu.vector_load %arg15[%swap3A_740] {strides = array<i32>} : memref<64xf32, #tpu.memory_space<vmem>>, vector<16xf32>,
        tpu.vector_store %arg15[%swap3A_740], %mul3A_719 {strides = array<i32>} : memref<64xf32, #tpu.memory_space<vmem>>, vector<16xf32>,
        %swap3A_742 = arith.constant 32 : index
        %swap3A_743 = tpu.vector_load %arg15[%swap3A_742] {strides = array<i32>} : memref<64xf32, #tpu.memory_space<vmem>>, vector<16xf32>,
        tpu.vector_store %arg15[%swap3A_742], %mul3A_728 {strides = array<i32>} : memref<64xf32, #tpu.memory_space<vmem>>, vector<16xf32>,
        %swap3A_744 = arith.constant 48 : index
        %swap3A_745 = tpu.vector_load %arg15[%swap3A_744] {strides = array<i32>} : memref<64xf32, #tpu.memory_space<vmem>>, vector<16xf32>,
        tpu.vector_store %arg15[%swap3A_744], %mul3A_737 {strides = array<i32>} : memref<64xf32, #tpu.memory_space<vmem>>, vector<16xf32>,
        %gather3A_746 = tpu.vector_load_idx %arg15[%gather3A] : memref<64xf32, #tpu.memory_space<vmem>>[vector<16xi32>], vector<16xf32>,
        %add3A_747 = arith.constant 0 : i32
        %add3A_748 = vector.broadcast %add3A_747 : i32 to vector<16xi32>
        %add3A_749 = arith.addi %iota3A, %add3A_748 : vector<16xi32>
        tpu.vector_store_idx %arg12[%add3A_749, %broadcast_in_dim3A_701], %gather3A_746 : memref<64x128xf32, #tpu.memory_space<vmem>>[vector<16xi32>, vector<16xi32>], vector<16xf32>,
        %mul3A_750 = arith.mulf %gather3A_746, %gather3A_746 : vector<16xf32>
        %add3A_751 = arith.addf %add3A_680, %mul3A_750 : vector<16xf32>
        %gather3A_752 = tpu.vector_load_idx %arg15[%gather3A_140] : memref<64xf32, #tpu.memory_space<vmem>>[vector<16xi32>], vector<16xf32>,
        %add3A_753 = arith.constant 16 : i32
        %add3A_754 = vector.broadcast %add3A_753 : i32 to vector<16xi32>
        %add3A_755 = arith.addi %iota3A, %add3A_754 : vector<16xi32>
        tpu.vector_store_idx %arg12[%add3A_755, %broadcast_in_dim3A_701], %gather3A_752 : memref<64x128xf32, #tpu.memory_space<vmem>>[vector<16xi32>, vector<16xi32>], vector<16xf32>,
        %mul3A_756 = arith.mulf %gather3A_752, %gather3A_752 : vector<16xf32>
        %add3A_757 = arith.addf %add3A_686, %mul3A_756 : vector<16xf32>
        %gather3A_758 = tpu.vector_load_idx %arg15[%gather3A_144] : memref<64xf32, #tpu.memory_space<vmem>>[vector<16xi32>], vector<16xf32>,
        %add3A_759 = arith.constant 32 : i32
        %add3A_760 = vector.broadcast %add3A_759 : i32 to vector<16xi32>
        %add3A_761 = arith.addi %iota3A, %add3A_760 : vector<16xi32>
        tpu.vector_store_idx %arg12[%add3A_761, %broadcast_in_dim3A_701], %gather3A_758 : memref<64x128xf32, #tpu.memory_space<vmem>>[vector<16xi32>, vector<16xi32>], vector<16xf32>,
        %mul3A_762 = arith.mulf %gather3A_758, %gather3A_758 : vector<16xf32>
        %add3A_763 = arith.addf %add3A_692, %mul3A_762 : vector<16xf32>
        %gather3A_764 = tpu.vector_load_idx %arg15[%gather3A_148] : memref<64xf32, #tpu.memory_space<vmem>>[vector<16xi32>], vector<16xf32>,
        %add3A_765 = arith.constant 48 : i32
        %add3A_766 = vector.broadcast %add3A_765 : i32 to vector<16xi32>
        %add3A_767 = arith.addi %iota3A, %add3A_766 : vector<16xi32>
        tpu.vector_store_idx %arg12[%add3A_767, %broadcast_in_dim3A_701], %gather3A_764 : memref<64x128xf32, #tpu.memory_space<vmem>>[vector<16xi32>, vector<16xi32>], vector<16xf32>,
        %mul3A_768 = arith.mulf %gather3A_764, %gather3A_764 : vector<16xf32>
        %add3A_769 = arith.addf %add3A_698, %mul3A_768 : vector<16xf32>
        scf.yield %add3A_751, %add3A_757, %add3A_763, %add3A_769 : vector<16xf32>, vector<16xf32>, vector<16xf32>, vector<16xf32>
      }
      %scan3A_240 = arith.constant 128 : i32
      %max3A = arith.constant 1.000000e-30 : f32
      %max3A_241 = vector.broadcast %max3A : f32 to vector<16xf32>
      %max3A_242 = arith.maximumf %scan3A_239#0, %max3A_241 : vector<16xf32>
      %bitcast3A = vector.bitcast %max3A_242 : vector<16xf32> to vector<16xi32>
      %shift_right_logical3A_243 = arith.constant 1 : i32
      %shift_right_logical3A_244 = vector.broadcast %shift_right_logical3A_243 : i32 to vector<16xi32>
      %shift_right_logical3A_245 = arith.shrui %bitcast3A, %shift_right_logical3A_244 : vector<16xi32>
      %sub3A_246 = arith.constant 1597463007 : i32
      %sub3A_247 = vector.broadcast %sub3A_246 : i32 to vector<16xi32>
      %sub3A_248 = arith.subi %sub3A_247, %shift_right_logical3A_245 : vector<16xi32>
      %bitcast3A_249 = vector.bitcast %sub3A_248 : vector<16xi32> to vector<16xf32>
      %mul3A_250 = arith.constant 5.000000e-01 : f32
      %mul3A_251 = vector.broadcast %mul3A_250 : f32 to vector<16xf32>
      %mul3A_252 = arith.mulf %mul3A_251, %max3A_242 : vector<16xf32>
      %mul3A_253 = arith.mulf %mul3A_252, %bitcast3A_249 : vector<16xf32>
      %mul3A_254 = arith.mulf %mul3A_253, %bitcast3A_249 : vector<16xf32>
      %sub3A_255 = arith.constant 1.500000e+00 : f32
      %sub3A_256 = vector.broadcast %sub3A_255 : f32 to vector<16xf32>
      %sub3A_257 = arith.subf %sub3A_256, %mul3A_254 : vector<16xf32>
      %mul3A_258 = arith.mulf %bitcast3A_249, %sub3A_257 : vector<16xf32>
      %mul3A_259 = arith.constant 5.000000e-01 : f32
      %mul3A_260 = vector.broadcast %mul3A_259 : f32 to vector<16xf32>
      %mul3A_261 = arith.mulf %mul3A_260, %max3A_242 : vector<16xf32>
      %mul3A_262 = arith.mulf %mul3A_261, %mul3A_258 : vector<16xf32>
      %mul3A_263 = arith.mulf %mul3A_262, %mul3A_258 : vector<16xf32>
      %sub3A_264 = arith.constant 1.500000e+00 : f32
      %sub3A_265 = vector.broadcast %sub3A_264 : f32 to vector<16xf32>
      %sub3A_266 = arith.subf %sub3A_265, %mul3A_263 : vector<16xf32>
      %mul3A_267 = arith.mulf %mul3A_258, %sub3A_266 : vector<16xf32>
      %mul3A_268 = arith.constant 5.000000e-01 : f32
      %mul3A_269 = vector.broadcast %mul3A_268 : f32 to vector<16xf32>
      %mul3A_270 = arith.mulf %mul3A_269, %max3A_242 : vector<16xf32>
      %mul3A_271 = arith.mulf %mul3A_270, %mul3A_267 : vector<16xf32>
      %mul3A_272 = arith.mulf %mul3A_271, %mul3A_267 : vector<16xf32>
      %sub3A_273 = arith.constant 1.500000e+00 : f32
      %sub3A_274 = vector.broadcast %sub3A_273 : f32 to vector<16xf32>
      %sub3A_275 = arith.subf %sub3A_274, %mul3A_272 : vector<16xf32>
      %mul3A_276 = arith.mulf %mul3A_267, %sub3A_275 : vector<16xf32>
      %mul3A_277 = arith.mulf %max3A_242, %mul3A_276 : vector<16xf32>
      %max3A_278 = arith.constant 9.99999996E-13 : f32
      %max3A_279 = vector.broadcast %max3A_278 : f32 to vector<16xf32>
      %max3A_280 = arith.maximumf %mul3A_277, %max3A_279 : vector<16xf32>
      %div3A_281 = arith.constant 1.000000e+00 : f32
      %div3A_282 = vector.broadcast %div3A_281 : f32 to vector<16xf32>
      %div3A_283 = arith.divf %div3A_282, %max3A_280 : vector<16xf32>
      %max3A_284 = arith.constant 1.000000e-30 : f32
      %max3A_285 = vector.broadcast %max3A_284 : f32 to vector<16xf32>
      %max3A_286 = arith.maximumf %scan3A_239#1, %max3A_285 : vector<16xf32>
      %bitcast3A_287 = vector.bitcast %max3A_286 : vector<16xf32> to vector<16xi32>
      %shift_right_logical3A_288 = arith.constant 1 : i32
      %shift_right_logical3A_289 = vector.broadcast %shift_right_logical3A_288 : i32 to vector<16xi32>
      %shift_right_logical3A_290 = arith.shrui %bitcast3A_287, %shift_right_logical3A_289 : vector<16xi32>
      %sub3A_291 = arith.constant 1597463007 : i32
      %sub3A_292 = vector.broadcast %sub3A_291 : i32 to vector<16xi32>
      %sub3A_293 = arith.subi %sub3A_292, %shift_right_logical3A_290 : vector<16xi32>
      %bitcast3A_294 = vector.bitcast %sub3A_293 : vector<16xi32> to vector<16xf32>
      %mul3A_295 = arith.constant 5.000000e-01 : f32
      %mul3A_296 = vector.broadcast %mul3A_295 : f32 to vector<16xf32>
      %mul3A_297 = arith.mulf %mul3A_296, %max3A_286 : vector<16xf32>
      %mul3A_298 = arith.mulf %mul3A_297, %bitcast3A_294 : vector<16xf32>
      %mul3A_299 = arith.mulf %mul3A_298, %bitcast3A_294 : vector<16xf32>
      %sub3A_300 = arith.constant 1.500000e+00 : f32
      %sub3A_301 = vector.broadcast %sub3A_300 : f32 to vector<16xf32>
      %sub3A_302 = arith.subf %sub3A_301, %mul3A_299 : vector<16xf32>
      %mul3A_303 = arith.mulf %bitcast3A_294, %sub3A_302 : vector<16xf32>
      %mul3A_304 = arith.constant 5.000000e-01 : f32
      %mul3A_305 = vector.broadcast %mul3A_304 : f32 to vector<16xf32>
      %mul3A_306 = arith.mulf %mul3A_305, %max3A_286 : vector<16xf32>
      %mul3A_307 = arith.mulf %mul3A_306, %mul3A_303 : vector<16xf32>
      %mul3A_308 = arith.mulf %mul3A_307, %mul3A_303 : vector<16xf32>
      %sub3A_309 = arith.constant 1.500000e+00 : f32
      %sub3A_310 = vector.broadcast %sub3A_309 : f32 to vector<16xf32>
      %sub3A_311 = arith.subf %sub3A_310, %mul3A_308 : vector<16xf32>
      %mul3A_312 = arith.mulf %mul3A_303, %sub3A_311 : vector<16xf32>
      %mul3A_313 = arith.constant 5.000000e-01 : f32
      %mul3A_314 = vector.broadcast %mul3A_313 : f32 to vector<16xf32>
      %mul3A_315 = arith.mulf %mul3A_314, %max3A_286 : vector<16xf32>
      %mul3A_316 = arith.mulf %mul3A_315, %mul3A_312 : vector<16xf32>
      %mul3A_317 = arith.mulf %mul3A_316, %mul3A_312 : vector<16xf32>
      %sub3A_318 = arith.constant 1.500000e+00 : f32
      %sub3A_319 = vector.broadcast %sub3A_318 : f32 to vector<16xf32>
      %sub3A_320 = arith.subf %sub3A_319, %mul3A_317 : vector<16xf32>
      %mul3A_321 = arith.mulf %mul3A_312, %sub3A_320 : vector<16xf32>
      %mul3A_322 = arith.mulf %max3A_286, %mul3A_321 : vector<16xf32>
      %max3A_323 = arith.constant 9.99999996E-13 : f32
      %max3A_324 = vector.broadcast %max3A_323 : f32 to vector<16xf32>
      %max3A_325 = arith.maximumf %mul3A_322, %max3A_324 : vector<16xf32>
      %div3A_326 = arith.constant 1.000000e+00 : f32
      %div3A_327 = vector.broadcast %div3A_326 : f32 to vector<16xf32>
      %div3A_328 = arith.divf %div3A_327, %max3A_325 : vector<16xf32>
      %max3A_329 = arith.constant 1.000000e-30 : f32
      %max3A_330 = vector.broadcast %max3A_329 : f32 to vector<16xf32>
      %max3A_331 = arith.maximumf %scan3A_239#2, %max3A_330 : vector<16xf32>
      %bitcast3A_332 = vector.bitcast %max3A_331 : vector<16xf32> to vector<16xi32>
      %shift_right_logical3A_333 = arith.constant 1 : i32
      %shift_right_logical3A_334 = vector.broadcast %shift_right_logical3A_333 : i32 to vector<16xi32>
      %shift_right_logical3A_335 = arith.shrui %bitcast3A_332, %shift_right_logical3A_334 : vector<16xi32>
      %sub3A_336 = arith.constant 1597463007 : i32
      %sub3A_337 = vector.broadcast %sub3A_336 : i32 to vector<16xi32>
      %sub3A_338 = arith.subi %sub3A_337, %shift_right_logical3A_335 : vector<16xi32>
      %bitcast3A_339 = vector.bitcast %sub3A_338 : vector<16xi32> to vector<16xf32>
      %mul3A_340 = arith.constant 5.000000e-01 : f32
      %mul3A_341 = vector.broadcast %mul3A_340 : f32 to vector<16xf32>
      %mul3A_342 = arith.mulf %mul3A_341, %max3A_331 : vector<16xf32>
      %mul3A_343 = arith.mulf %mul3A_342, %bitcast3A_339 : vector<16xf32>
      %mul3A_344 = arith.mulf %mul3A_343, %bitcast3A_339 : vector<16xf32>
      %sub3A_345 = arith.constant 1.500000e+00 : f32
      %sub3A_346 = vector.broadcast %sub3A_345 : f32 to vector<16xf32>
      %sub3A_347 = arith.subf %sub3A_346, %mul3A_344 : vector<16xf32>
      %mul3A_348 = arith.mulf %bitcast3A_339, %sub3A_347 : vector<16xf32>
      %mul3A_349 = arith.constant 5.000000e-01 : f32
      %mul3A_350 = vector.broadcast %mul3A_349 : f32 to vector<16xf32>
      %mul3A_351 = arith.mulf %mul3A_350, %max3A_331 : vector<16xf32>
      %mul3A_352 = arith.mulf %mul3A_351, %mul3A_348 : vector<16xf32>
      %mul3A_353 = arith.mulf %mul3A_352, %mul3A_348 : vector<16xf32>
      %sub3A_354 = arith.constant 1.500000e+00 : f32
      %sub3A_355 = vector.broadcast %sub3A_354 : f32 to vector<16xf32>
      %sub3A_356 = arith.subf %sub3A_355, %mul3A_353 : vector<16xf32>
      %mul3A_357 = arith.mulf %mul3A_348, %sub3A_356 : vector<16xf32>
      %mul3A_358 = arith.constant 5.000000e-01 : f32
      %mul3A_359 = vector.broadcast %mul3A_358 : f32 to vector<16xf32>
      %mul3A_360 = arith.mulf %mul3A_359, %max3A_331 : vector<16xf32>
      %mul3A_361 = arith.mulf %mul3A_360, %mul3A_357 : vector<16xf32>
      %mul3A_362 = arith.mulf %mul3A_361, %mul3A_357 : vector<16xf32>
      %sub3A_363 = arith.constant 1.500000e+00 : f32
      %sub3A_364 = vector.broadcast %sub3A_363 : f32 to vector<16xf32>
      %sub3A_365 = arith.subf %sub3A_364, %mul3A_362 : vector<16xf32>
      %mul3A_366 = arith.mulf %mul3A_357, %sub3A_365 : vector<16xf32>
      %mul3A_367 = arith.mulf %max3A_331, %mul3A_366 : vector<16xf32>
      %max3A_368 = arith.constant 9.99999996E-13 : f32
      %max3A_369 = vector.broadcast %max3A_368 : f32 to vector<16xf32>
      %max3A_370 = arith.maximumf %mul3A_367, %max3A_369 : vector<16xf32>
      %div3A_371 = arith.constant 1.000000e+00 : f32
      %div3A_372 = vector.broadcast %div3A_371 : f32 to vector<16xf32>
      %div3A_373 = arith.divf %div3A_372, %max3A_370 : vector<16xf32>
      %max3A_374 = arith.constant 1.000000e-30 : f32
      %max3A_375 = vector.broadcast %max3A_374 : f32 to vector<16xf32>
      %max3A_376 = arith.maximumf %scan3A_239#3, %max3A_375 : vector<16xf32>
      %bitcast3A_377 = vector.bitcast %max3A_376 : vector<16xf32> to vector<16xi32>
      %shift_right_logical3A_378 = arith.constant 1 : i32
      %shift_right_logical3A_379 = vector.broadcast %shift_right_logical3A_378 : i32 to vector<16xi32>
      %shift_right_logical3A_380 = arith.shrui %bitcast3A_377, %shift_right_logical3A_379 : vector<16xi32>
      %sub3A_381 = arith.constant 1597463007 : i32
      %sub3A_382 = vector.broadcast %sub3A_381 : i32 to vector<16xi32>
      %sub3A_383 = arith.subi %sub3A_382, %shift_right_logical3A_380 : vector<16xi32>
      %bitcast3A_384 = vector.bitcast %sub3A_383 : vector<16xi32> to vector<16xf32>
      %mul3A_385 = arith.constant 5.000000e-01 : f32
      %mul3A_386 = vector.broadcast %mul3A_385 : f32 to vector<16xf32>
      %mul3A_387 = arith.mulf %mul3A_386, %max3A_376 : vector<16xf32>
      %mul3A_388 = arith.mulf %mul3A_387, %bitcast3A_384 : vector<16xf32>
      %mul3A_389 = arith.mulf %mul3A_388, %bitcast3A_384 : vector<16xf32>
      %sub3A_390 = arith.constant 1.500000e+00 : f32
      %sub3A_391 = vector.broadcast %sub3A_390 : f32 to vector<16xf32>
      %sub3A_392 = arith.subf %sub3A_391, %mul3A_389 : vector<16xf32>
      %mul3A_393 = arith.mulf %bitcast3A_384, %sub3A_392 : vector<16xf32>
      %mul3A_394 = arith.constant 5.000000e-01 : f32
      %mul3A_395 = vector.broadcast %mul3A_394 : f32 to vector<16xf32>
      %mul3A_396 = arith.mulf %mul3A_395, %max3A_376 : vector<16xf32>
      %mul3A_397 = arith.mulf %mul3A_396, %mul3A_393 : vector<16xf32>
      %mul3A_398 = arith.mulf %mul3A_397, %mul3A_393 : vector<16xf32>
      %sub3A_399 = arith.constant 1.500000e+00 : f32
      %sub3A_400 = vector.broadcast %sub3A_399 : f32 to vector<16xf32>
      %sub3A_401 = arith.subf %sub3A_400, %mul3A_398 : vector<16xf32>
      %mul3A_402 = arith.mulf %mul3A_393, %sub3A_401 : vector<16xf32>
      %mul3A_403 = arith.constant 5.000000e-01 : f32
      %mul3A_404 = vector.broadcast %mul3A_403 : f32 to vector<16xf32>
      %mul3A_405 = arith.mulf %mul3A_404, %max3A_376 : vector<16xf32>
      %mul3A_406 = arith.mulf %mul3A_405, %mul3A_402 : vector<16xf32>
      %mul3A_407 = arith.mulf %mul3A_406, %mul3A_402 : vector<16xf32>
      %sub3A_408 = arith.constant 1.500000e+00 : f32
      %sub3A_409 = vector.broadcast %sub3A_408 : f32 to vector<16xf32>
      %sub3A_410 = arith.subf %sub3A_409, %mul3A_407 : vector<16xf32>
      %mul3A_411 = arith.mulf %mul3A_402, %sub3A_410 : vector<16xf32>
      %mul3A_412 = arith.mulf %max3A_376, %mul3A_411 : vector<16xf32>
      %max3A_413 = arith.constant 9.99999996E-13 : f32
      %max3A_414 = vector.broadcast %max3A_413 : f32 to vector<16xf32>
      %max3A_415 = arith.maximumf %mul3A_412, %max3A_414 : vector<16xf32>
      %div3A_416 = arith.constant 1.000000e+00 : f32
      %div3A_417 = vector.broadcast %div3A_416 : f32 to vector<16xf32>
      %div3A_418 = arith.divf %div3A_417, %max3A_415 : vector<16xf32>
      %scan3A_419 = arith.constant 0 : i32
      %scan3A_420 = arith.constant 0 : i32
      %scan3A_421 = arith.constant 128 : i32
      %scan3A_422 = arith.addi %scan3A_420, %scan3A_421 : i32
      %scan3A_423 = arith.constant 4 : i32
      scf.for %scan3A_483 = %scan3A_420 to %scan3A_422 step %scan3A_423  : i32 {
        %broadcast_in_dim3A_484 = vector.broadcast %scan3A_483 : i32 to vector<16xi32>
        %add3A_485 = arith.constant 0 : i32
        %add3A_486 = vector.broadcast %add3A_485 : i32 to vector<16xi32>
        %add3A_487 = arith.addi %iota3A, %add3A_486 : vector<16xi32>
        %gather3A_488 = tpu.vector_load_idx %arg12[%add3A_487, %broadcast_in_dim3A_484] : memref<64x128xf32, #tpu.memory_space<vmem>>[vector<16xi32>, vector<16xi32>], vector<16xf32>,
        %mul3A_489 = arith.mulf %gather3A_488, %div3A_283 : vector<16xf32>
        tpu.vector_store_idx %arg12[%add3A_487, %broadcast_in_dim3A_484], %mul3A_489 : memref<64x128xf32, #tpu.memory_space<vmem>>[vector<16xi32>, vector<16xi32>], vector<16xf32>,
        %add3A_490 = arith.constant 16 : i32
        %add3A_491 = vector.broadcast %add3A_490 : i32 to vector<16xi32>
        %add3A_492 = arith.addi %iota3A, %add3A_491 : vector<16xi32>
        %gather3A_493 = tpu.vector_load_idx %arg12[%add3A_492, %broadcast_in_dim3A_484] : memref<64x128xf32, #tpu.memory_space<vmem>>[vector<16xi32>, vector<16xi32>], vector<16xf32>,
        %mul3A_494 = arith.mulf %gather3A_493, %div3A_328 : vector<16xf32>
        tpu.vector_store_idx %arg12[%add3A_492, %broadcast_in_dim3A_484], %mul3A_494 : memref<64x128xf32, #tpu.memory_space<vmem>>[vector<16xi32>, vector<16xi32>], vector<16xf32>,
        %add3A_495 = arith.constant 32 : i32
        %add3A_496 = vector.broadcast %add3A_495 : i32 to vector<16xi32>
        %add3A_497 = arith.addi %iota3A, %add3A_496 : vector<16xi32>
        %gather3A_498 = tpu.vector_load_idx %arg12[%add3A_497, %broadcast_in_dim3A_484] : memref<64x128xf32, #tpu.memory_space<vmem>>[vector<16xi32>, vector<16xi32>], vector<16xf32>,
        %mul3A_499 = arith.mulf %gather3A_498, %div3A_373 : vector<16xf32>
        tpu.vector_store_idx %arg12[%add3A_497, %broadcast_in_dim3A_484], %mul3A_499 : memref<64x128xf32, #tpu.memory_space<vmem>>[vector<16xi32>, vector<16xi32>], vector<16xf32>,
        %add3A_500 = arith.constant 48 : i32
        %add3A_501 = vector.broadcast %add3A_500 : i32 to vector<16xi32>
        %add3A_502 = arith.addi %iota3A, %add3A_501 : vector<16xi32>
        %gather3A_503 = tpu.vector_load_idx %arg12[%add3A_502, %broadcast_in_dim3A_484] : memref<64x128xf32, #tpu.memory_space<vmem>>[vector<16xi32>, vector<16xi32>], vector<16xf32>,
        %mul3A_504 = arith.mulf %gather3A_503, %div3A_418 : vector<16xf32>
        tpu.vector_store_idx %arg12[%add3A_502, %broadcast_in_dim3A_484], %mul3A_504 : memref<64x128xf32, #tpu.memory_space<vmem>>[vector<16xi32>, vector<16xi32>], vector<16xf32>,
        %scan3A_505 = arith.constant 1 : i32
        %scan3A_506 = arith.addi %scan3A_483, %scan3A_505 : i32
        %broadcast_in_dim3A_507 = vector.broadcast %scan3A_506 : i32 to vector<16xi32>
        %add3A_508 = arith.constant 0 : i32
        %add3A_509 = vector.broadcast %add3A_508 : i32 to vector<16xi32>
        %add3A_510 = arith.addi %iota3A, %add3A_509 : vector<16xi32>
        %gather3A_511 = tpu.vector_load_idx %arg12[%add3A_510, %broadcast_in_dim3A_507] : memref<64x128xf32, #tpu.memory_space<vmem>>[vector<16xi32>, vector<16xi32>], vector<16xf32>,
        %mul3A_512 = arith.mulf %gather3A_511, %div3A_283 : vector<16xf32>
        tpu.vector_store_idx %arg12[%add3A_510, %broadcast_in_dim3A_507], %mul3A_512 : memref<64x128xf32, #tpu.memory_space<vmem>>[vector<16xi32>, vector<16xi32>], vector<16xf32>,
        %add3A_513 = arith.constant 16 : i32
        %add3A_514 = vector.broadcast %add3A_513 : i32 to vector<16xi32>
        %add3A_515 = arith.addi %iota3A, %add3A_514 : vector<16xi32>
        %gather3A_516 = tpu.vector_load_idx %arg12[%add3A_515, %broadcast_in_dim3A_507] : memref<64x128xf32, #tpu.memory_space<vmem>>[vector<16xi32>, vector<16xi32>], vector<16xf32>,
        %mul3A_517 = arith.mulf %gather3A_516, %div3A_328 : vector<16xf32>
        tpu.vector_store_idx %arg12[%add3A_515, %broadcast_in_dim3A_507], %mul3A_517 : memref<64x128xf32, #tpu.memory_space<vmem>>[vector<16xi32>, vector<16xi32>], vector<16xf32>,
        %add3A_518 = arith.constant 32 : i32
        %add3A_519 = vector.broadcast %add3A_518 : i32 to vector<16xi32>
        %add3A_520 = arith.addi %iota3A, %add3A_519 : vector<16xi32>
        %gather3A_521 = tpu.vector_load_idx %arg12[%add3A_520, %broadcast_in_dim3A_507] : memref<64x128xf32, #tpu.memory_space<vmem>>[vector<16xi32>, vector<16xi32>], vector<16xf32>,
        %mul3A_522 = arith.mulf %gather3A_521, %div3A_373 : vector<16xf32>
        tpu.vector_store_idx %arg12[%add3A_520, %broadcast_in_dim3A_507], %mul3A_522 : memref<64x128xf32, #tpu.memory_space<vmem>>[vector<16xi32>, vector<16xi32>], vector<16xf32>,
        %add3A_523 = arith.constant 48 : i32
        %add3A_524 = vector.broadcast %add3A_523 : i32 to vector<16xi32>
        %add3A_525 = arith.addi %iota3A, %add3A_524 : vector<16xi32>
        %gather3A_526 = tpu.vector_load_idx %arg12[%add3A_525, %broadcast_in_dim3A_507] : memref<64x128xf32, #tpu.memory_space<vmem>>[vector<16xi32>, vector<16xi32>], vector<16xf32>,
        %mul3A_527 = arith.mulf %gather3A_526, %div3A_418 : vector<16xf32>
        tpu.vector_store_idx %arg12[%add3A_525, %broadcast_in_dim3A_507], %mul3A_527 : memref<64x128xf32, #tpu.memory_space<vmem>>[vector<16xi32>, vector<16xi32>], vector<16xf32>,
        %scan3A_528 = arith.constant 2 : i32
        %scan3A_529 = arith.addi %scan3A_483, %scan3A_528 : i32
        %broadcast_in_dim3A_530 = vector.broadcast %scan3A_529 : i32 to vector<16xi32>
        %add3A_531 = arith.constant 0 : i32
        %add3A_532 = vector.broadcast %add3A_531 : i32 to vector<16xi32>
        %add3A_533 = arith.addi %iota3A, %add3A_532 : vector<16xi32>
        %gather3A_534 = tpu.vector_load_idx %arg12[%add3A_533, %broadcast_in_dim3A_530] : memref<64x128xf32, #tpu.memory_space<vmem>>[vector<16xi32>, vector<16xi32>], vector<16xf32>,
        %mul3A_535 = arith.mulf %gather3A_534, %div3A_283 : vector<16xf32>
        tpu.vector_store_idx %arg12[%add3A_533, %broadcast_in_dim3A_530], %mul3A_535 : memref<64x128xf32, #tpu.memory_space<vmem>>[vector<16xi32>, vector<16xi32>], vector<16xf32>,
        %add3A_536 = arith.constant 16 : i32
        %add3A_537 = vector.broadcast %add3A_536 : i32 to vector<16xi32>
        %add3A_538 = arith.addi %iota3A, %add3A_537 : vector<16xi32>
        %gather3A_539 = tpu.vector_load_idx %arg12[%add3A_538, %broadcast_in_dim3A_530] : memref<64x128xf32, #tpu.memory_space<vmem>>[vector<16xi32>, vector<16xi32>], vector<16xf32>,
        %mul3A_540 = arith.mulf %gather3A_539, %div3A_328 : vector<16xf32>
        tpu.vector_store_idx %arg12[%add3A_538, %broadcast_in_dim3A_530], %mul3A_540 : memref<64x128xf32, #tpu.memory_space<vmem>>[vector<16xi32>, vector<16xi32>], vector<16xf32>,
        %add3A_541 = arith.constant 32 : i32
        %add3A_542 = vector.broadcast %add3A_541 : i32 to vector<16xi32>
        %add3A_543 = arith.addi %iota3A, %add3A_542 : vector<16xi32>
        %gather3A_544 = tpu.vector_load_idx %arg12[%add3A_543, %broadcast_in_dim3A_530] : memref<64x128xf32, #tpu.memory_space<vmem>>[vector<16xi32>, vector<16xi32>], vector<16xf32>,
        %mul3A_545 = arith.mulf %gather3A_544, %div3A_373 : vector<16xf32>
        tpu.vector_store_idx %arg12[%add3A_543, %broadcast_in_dim3A_530], %mul3A_545 : memref<64x128xf32, #tpu.memory_space<vmem>>[vector<16xi32>, vector<16xi32>], vector<16xf32>,
        %add3A_546 = arith.constant 48 : i32
        %add3A_547 = vector.broadcast %add3A_546 : i32 to vector<16xi32>
        %add3A_548 = arith.addi %iota3A, %add3A_547 : vector<16xi32>
        %gather3A_549 = tpu.vector_load_idx %arg12[%add3A_548, %broadcast_in_dim3A_530] : memref<64x128xf32, #tpu.memory_space<vmem>>[vector<16xi32>, vector<16xi32>], vector<16xf32>,
        %mul3A_550 = arith.mulf %gather3A_549, %div3A_418 : vector<16xf32>
        tpu.vector_store_idx %arg12[%add3A_548, %broadcast_in_dim3A_530], %mul3A_550 : memref<64x128xf32, #tpu.memory_space<vmem>>[vector<16xi32>, vector<16xi32>], vector<16xf32>,
        %scan3A_551 = arith.constant 3 : i32
        %scan3A_552 = arith.addi %scan3A_483, %scan3A_551 : i32
        %broadcast_in_dim3A_553 = vector.broadcast %scan3A_552 : i32 to vector<16xi32>
        %add3A_554 = arith.constant 0 : i32
        %add3A_555 = vector.broadcast %add3A_554 : i32 to vector<16xi32>
        %add3A_556 = arith.addi %iota3A, %add3A_555 : vector<16xi32>
        %gather3A_557 = tpu.vector_load_idx %arg12[%add3A_556, %broadcast_in_dim3A_553] : memref<64x128xf32, #tpu.memory_space<vmem>>[vector<16xi32>, vector<16xi32>], vector<16xf32>,
        %mul3A_558 = arith.mulf %gather3A_557, %div3A_283 : vector<16xf32>
        tpu.vector_store_idx %arg12[%add3A_556, %broadcast_in_dim3A_553], %mul3A_558 : memref<64x128xf32, #tpu.memory_space<vmem>>[vector<16xi32>, vector<16xi32>], vector<16xf32>,
        %add3A_559 = arith.constant 16 : i32
        %add3A_560 = vector.broadcast %add3A_559 : i32 to vector<16xi32>
        %add3A_561 = arith.addi %iota3A, %add3A_560 : vector<16xi32>
        %gather3A_562 = tpu.vector_load_idx %arg12[%add3A_561, %broadcast_in_dim3A_553] : memref<64x128xf32, #tpu.memory_space<vmem>>[vector<16xi32>, vector<16xi32>], vector<16xf32>,
        %mul3A_563 = arith.mulf %gather3A_562, %div3A_328 : vector<16xf32>
        tpu.vector_store_idx %arg12[%add3A_561, %broadcast_in_dim3A_553], %mul3A_563 : memref<64x128xf32, #tpu.memory_space<vmem>>[vector<16xi32>, vector<16xi32>], vector<16xf32>,
        %add3A_564 = arith.constant 32 : i32
        %add3A_565 = vector.broadcast %add3A_564 : i32 to vector<16xi32>
        %add3A_566 = arith.addi %iota3A, %add3A_565 : vector<16xi32>
        %gather3A_567 = tpu.vector_load_idx %arg12[%add3A_566, %broadcast_in_dim3A_553] : memref<64x128xf32, #tpu.memory_space<vmem>>[vector<16xi32>, vector<16xi32>], vector<16xf32>,
        %mul3A_568 = arith.mulf %gather3A_567, %div3A_373 : vector<16xf32>
        tpu.vector_store_idx %arg12[%add3A_566, %broadcast_in_dim3A_553], %mul3A_568 : memref<64x128xf32, #tpu.memory_space<vmem>>[vector<16xi32>, vector<16xi32>], vector<16xf32>,
        %add3A_569 = arith.constant 48 : i32
        %add3A_570 = vector.broadcast %add3A_569 : i32 to vector<16xi32>
        %add3A_571 = arith.addi %iota3A, %add3A_570 : vector<16xi32>
        %gather3A_572 = tpu.vector_load_idx %arg12[%add3A_571, %broadcast_in_dim3A_553] : memref<64x128xf32, #tpu.memory_space<vmem>>[vector<16xi32>, vector<16xi32>], vector<16xf32>,
        %mul3A_573 = arith.mulf %gather3A_572, %div3A_418 : vector<16xf32>
        tpu.vector_store_idx %arg12[%add3A_571, %broadcast_in_dim3A_553], %mul3A_573 : memref<64x128xf32, #tpu.memory_space<vmem>>[vector<16xi32>, vector<16xi32>], vector<16xf32>,
      }
      %scan3A_424 = arith.constant 128 : i32
      %dma_start3A_425 = arith.constant 0 : i32
      %dma_start3A_426 = arith.constant 0 : i32
      %dma_start3A_427 = tpu.memref_slice %arg12[%dma_start3A_425, %dma_start3A_426] : memref<64x128xf32, #tpu.memory_space<vmem>> -> memref<16x128xf32, #tpu.memory_space<vmem>>
      %dma_start3A_428 = arith.constant 0 : i32
      %dma_start3A_429 = arith.constant 0 : i32
      %dma_start3A_430 = tpu.memref_slice %arg4[%dma_start3A_428, %dma_start3A_429] : memref<100000x128xf32, #tpu.memory_space<hbm>> -> memref<100000x128xf32, #tpu.memory_space<hbm>>
      tpu.enqueue_indirect_dma source(%dma_start3A_427 : memref<16x128xf32, #tpu.memory_space<vmem>>) target(%dma_start3A_430 : memref<100000x128xf32, #tpu.memory_space<hbm>>) offsets(%get3A_43 : vector<16xi32>) semaphore(%arg17 : memref<!tpu.dma_semaphore, #tpu.memory_space<semaphore_mem>>)
      %dma_start3A_431 = arith.constant 16 : i32
      %dma_start3A_432 = arith.constant 0 : i32
      %dma_start3A_433 = tpu.memref_slice %arg12[%dma_start3A_431, %dma_start3A_432] : memref<64x128xf32, #tpu.memory_space<vmem>> -> memref<16x128xf32, #tpu.memory_space<vmem>>
      %dma_start3A_434 = arith.constant 0 : i32
      %dma_start3A_435 = arith.constant 0 : i32
      %dma_start3A_436 = tpu.memref_slice %arg4[%dma_start3A_434, %dma_start3A_435] : memref<100000x128xf32, #tpu.memory_space<hbm>> -> memref<100000x128xf32, #tpu.memory_space<hbm>>
      tpu.enqueue_indirect_dma source(%dma_start3A_433 : memref<16x128xf32, #tpu.memory_space<vmem>>) target(%dma_start3A_436 : memref<100000x128xf32, #tpu.memory_space<hbm>>) offsets(%get3A_47 : vector<16xi32>) semaphore(%arg17 : memref<!tpu.dma_semaphore, #tpu.memory_space<semaphore_mem>>)
      %dma_start3A_437 = arith.constant 32 : i32
      %dma_start3A_438 = arith.constant 0 : i32
      %dma_start3A_439 = tpu.memref_slice %arg12[%dma_start3A_437, %dma_start3A_438] : memref<64x128xf32, #tpu.memory_space<vmem>> -> memref<16x128xf32, #tpu.memory_space<vmem>>
      %dma_start3A_440 = arith.constant 0 : i32
      %dma_start3A_441 = arith.constant 0 : i32
      %dma_start3A_442 = tpu.memref_slice %arg4[%dma_start3A_440, %dma_start3A_441] : memref<100000x128xf32, #tpu.memory_space<hbm>> -> memref<100000x128xf32, #tpu.memory_space<hbm>>
      tpu.enqueue_indirect_dma source(%dma_start3A_439 : memref<16x128xf32, #tpu.memory_space<vmem>>) target(%dma_start3A_442 : memref<100000x128xf32, #tpu.memory_space<hbm>>) offsets(%get3A_51 : vector<16xi32>) semaphore(%arg17 : memref<!tpu.dma_semaphore, #tpu.memory_space<semaphore_mem>>)
      %dma_start3A_443 = arith.constant 48 : i32
      %dma_start3A_444 = arith.constant 0 : i32
      %dma_start3A_445 = tpu.memref_slice %arg12[%dma_start3A_443, %dma_start3A_444] : memref<64x128xf32, #tpu.memory_space<vmem>> -> memref<16x128xf32, #tpu.memory_space<vmem>>
      %dma_start3A_446 = arith.constant 0 : i32
      %dma_start3A_447 = arith.constant 0 : i32
      %dma_start3A_448 = tpu.memref_slice %arg4[%dma_start3A_446, %dma_start3A_447] : memref<100000x128xf32, #tpu.memory_space<hbm>> -> memref<100000x128xf32, #tpu.memory_space<hbm>>
      tpu.enqueue_indirect_dma source(%dma_start3A_445 : memref<16x128xf32, #tpu.memory_space<vmem>>) target(%dma_start3A_448 : memref<100000x128xf32, #tpu.memory_space<hbm>>) offsets(%get3A_55 : vector<16xi32>) semaphore(%arg17 : memref<!tpu.dma_semaphore, #tpu.memory_space<semaphore_mem>>)
      %dma_wait3A_449 = arith.constant 0 : i32
      %dma_wait3A_450 = arith.constant 0 : i32
      %dma_wait3A_451 = tpu.memref_slice %arg12[%dma_wait3A_449, %dma_wait3A_450] : memref<64x128xf32, #tpu.memory_space<vmem>> -> memref<16x128xf32, #tpu.memory_space<vmem>>
      %dma_wait3A_452 = arith.constant 0 : i32
      %dma_wait3A_453 = arith.constant 0 : i32
      %dma_wait3A_454 = tpu.memref_slice %arg4[%dma_wait3A_452, %dma_wait3A_453] : memref<100000x128xf32, #tpu.memory_space<hbm>> -> memref<100000x128xf32, #tpu.memory_space<hbm>>
      tpu.wait_indirect_dma semaphore(%arg17 : memref<!tpu.dma_semaphore, #tpu.memory_space<semaphore_mem>>) src(%dma_wait3A_451 : memref<16x128xf32, #tpu.memory_space<vmem>>) dst(%dma_wait3A_454 : memref<100000x128xf32, #tpu.memory_space<hbm>>)
      %dma_wait3A_455 = arith.constant 16 : i32
      %dma_wait3A_456 = arith.constant 0 : i32
      %dma_wait3A_457 = tpu.memref_slice %arg12[%dma_wait3A_455, %dma_wait3A_456] : memref<64x128xf32, #tpu.memory_space<vmem>> -> memref<16x128xf32, #tpu.memory_space<vmem>>
      %dma_wait3A_458 = arith.constant 0 : i32
      %dma_wait3A_459 = arith.constant 0 : i32
      %dma_wait3A_460 = tpu.memref_slice %arg4[%dma_wait3A_458, %dma_wait3A_459] : memref<100000x128xf32, #tpu.memory_space<hbm>> -> memref<100000x128xf32, #tpu.memory_space<hbm>>
      tpu.wait_indirect_dma semaphore(%arg17 : memref<!tpu.dma_semaphore, #tpu.memory_space<semaphore_mem>>) src(%dma_wait3A_457 : memref<16x128xf32, #tpu.memory_space<vmem>>) dst(%dma_wait3A_460 : memref<100000x128xf32, #tpu.memory_space<hbm>>)
      %dma_wait3A_461 = arith.constant 32 : i32
      %dma_wait3A_462 = arith.constant 0 : i32
      %dma_wait3A_463 = tpu.memref_slice %arg12[%dma_wait3A_461, %dma_wait3A_462] : memref<64x128xf32, #tpu.memory_space<vmem>> -> memref<16x128xf32, #tpu.memory_space<vmem>>
      %dma_wait3A_464 = arith.constant 0 : i32
      %dma_wait3A_465 = arith.constant 0 : i32
      %dma_wait3A_466 = tpu.memref_slice %arg4[%dma_wait3A_464, %dma_wait3A_465] : memref<100000x128xf32, #tpu.memory_space<hbm>> -> memref<100000x128xf32, #tpu.memory_space<hbm>>
      tpu.wait_indirect_dma semaphore(%arg17 : memref<!tpu.dma_semaphore, #tpu.memory_space<semaphore_mem>>) src(%dma_wait3A_463 : memref<16x128xf32, #tpu.memory_space<vmem>>) dst(%dma_wait3A_466 : memref<100000x128xf32, #tpu.memory_space<hbm>>)
      %dma_wait3A_467 = arith.constant 48 : i32
      %dma_wait3A_468 = arith.constant 0 : i32
      %dma_wait3A_469 = tpu.memref_slice %arg12[%dma_wait3A_467, %dma_wait3A_468] : memref<64x128xf32, #tpu.memory_space<vmem>> -> memref<16x128xf32, #tpu.memory_space<vmem>>
      %dma_wait3A_470 = arith.constant 0 : i32
      %dma_wait3A_471 = arith.constant 0 : i32
      %dma_wait3A_472 = tpu.memref_slice %arg4[%dma_wait3A_470, %dma_wait3A_471] : memref<100000x128xf32, #tpu.memory_space<hbm>> -> memref<100000x128xf32, #tpu.memory_space<hbm>>
      tpu.wait_indirect_dma semaphore(%arg17 : memref<!tpu.dma_semaphore, #tpu.memory_space<semaphore_mem>>) src(%dma_wait3A_469 : memref<16x128xf32, #tpu.memory_space<vmem>>) dst(%dma_wait3A_472 : memref<100000x128xf32, #tpu.memory_space<hbm>>)
      %while3A_473 = arith.constant 0 : i32
      %while3A_474 = arith.constant 0 : i32
      %while3A_475 = arith.subi %add3A_213, %while3A_474 : i32
      %while3A_476 = arith.addi %while3A_474, %while3A_475 : i32
      %while3A_477 = arith.constant 1 : i32
      %while3A_478 = arith.divsi %while3A_475, %while3A_477 : i32
      %while3A_479 = arith.muli %while3A_478, %while3A_477 : i32
      %while3A_480 = arith.addi %while3A_474, %while3A_479 : i32
      %while3A_481 = arith.constant 1 : i32
      scf.for %while3A_483 = %while3A_474 to %while3A_480 step %while3A_481  : i32 {
        %get3A_484 = arith.index_cast %while3A_483 : i32 to index
        %get3A_485 = tpu.vector_load %arg16[%get3A_484] {strides = array<i32>} : memref<80xi32, #tpu.memory_space<vmem>>, vector<16xi32>,
        %slice3A_486 = vector.extract_strided_slice %get3A_485 {offsets = [0], sizes = [1], strides = [1]} : vector<16xi32> to vector<1xi32>
        %squeeze3A_487 = vector.extract %slice3A_486[0] : i32 from vector<1xi32>
        %get3A_488 = arith.index_cast %squeeze3A_487 : i32 to index
        %get3A_489 = tpu.vector_load %arg8[%get3A_488] {strides = array<i32>} : memref<16512xi32, #tpu.memory_space<vmem>>, vector<16xi32>,
        %slice3A_490 = vector.extract_strided_slice %get3A_489 {offsets = [0], sizes = [1], strides = [1]} : vector<16xi32> to vector<1xi32>
        %squeeze3A_491 = vector.extract %slice3A_490[0] : i32 from vector<1xi32>
        %get3A_492 = arith.index_cast %squeeze3A_487 : i32 to index
        %get3A_493 = tpu.vector_load %arg7[%get3A_492] {strides = array<i32>} : memref<16512xi32, #tpu.memory_space<vmem>>, vector<16xi32>,
        %slice3A_494 = vector.extract_strided_slice %get3A_493 {offsets = [0], sizes = [1], strides = [1]} : vector<16xi32> to vector<1xi32>
        %squeeze3A_495 = vector.extract %slice3A_494[0] : i32 from vector<1xi32>
        "tpu.region"() ({
          %run_scoped3A = tpu.sem_alloc : memref<!tpu.dma_semaphore, #tpu.memory_space<semaphore_mem>>
          %dma_start3A_683 = arith.constant 0 : i32
          %dma_start3A_684 = tpu.memref_slice %arg2[%squeeze3A_495, %dma_start3A_683] : memref<16384x128xf32, #tpu.memory_space<hbm>> -> memref<1x128xf32, #tpu.memory_space<hbm>>
          %dma_start3A_685 = tpu.memref_squeeze %dma_start3A_684 : memref<1x128xf32, #tpu.memory_space<hbm>> -> memref<128xf32, #tpu.memory_space<hbm>>
          %dma_start3A_686 = arith.constant 0 : i32
          %dma_start3A_687 = tpu.memref_slice %arg2[%squeeze3A_495, %dma_start3A_686] : memref<16384x128xf32, #tpu.memory_space<hbm>> -> memref<1x128xf32, #tpu.memory_space<hbm>>
          %dma_start3A_688 = tpu.memref_squeeze %dma_start3A_687 : memref<1x128xf32, #tpu.memory_space<hbm>> -> memref<128xf32, #tpu.memory_space<hbm>>
          tpu.enqueue_dma source(%dma_start3A_688 : memref<128xf32, #tpu.memory_space<hbm>>) target(%arg13 : memref<128xf32, #tpu.memory_space<vmem>>) target_semaphore(%run_scoped3A : memref<!tpu.dma_semaphore, #tpu.memory_space<semaphore_mem>>)
          %dma_wait3A_689 = arith.constant 0 : i32
          %dma_wait3A_690 = tpu.memref_slice %arg2[%squeeze3A_495, %dma_wait3A_689] : memref<16384x128xf32, #tpu.memory_space<hbm>> -> memref<1x128xf32, #tpu.memory_space<hbm>>
          %dma_wait3A_691 = tpu.memref_squeeze %dma_wait3A_690 : memref<1x128xf32, #tpu.memory_space<hbm>> -> memref<128xf32, #tpu.memory_space<hbm>>
          %dma_wait3A_692 = arith.constant 0 : i32
          %dma_wait3A_693 = tpu.memref_slice %arg2[%squeeze3A_495, %dma_wait3A_692] : memref<16384x128xf32, #tpu.memory_space<hbm>> -> memref<1x128xf32, #tpu.memory_space<hbm>>
          %dma_wait3A_694 = tpu.memref_squeeze %dma_wait3A_693 : memref<1x128xf32, #tpu.memory_space<hbm>> -> memref<128xf32, #tpu.memory_space<hbm>>
          tpu.wait_dma2 semaphore(%run_scoped3A : memref<!tpu.dma_semaphore, #tpu.memory_space<semaphore_mem>>) src(%dma_wait3A_694 : memref<128xf32, #tpu.memory_space<hbm>>) dst(%arg13 : memref<128xf32, #tpu.memory_space<vmem>>)
          tpu.yield
        }) : () -> ()
        "tpu.region"() ({
          %run_scoped3A = tpu.sem_alloc : memref<!tpu.dma_semaphore, #tpu.memory_space<semaphore_mem>>
          %dma_start3A_683 = arith.constant 0 : i32
          %dma_start3A_684 = tpu.memref_slice %arg4[%squeeze3A_491, %dma_start3A_683] : memref<100000x128xf32, #tpu.memory_space<hbm>> -> memref<1x128xf32, #tpu.memory_space<hbm>>
          %dma_start3A_685 = tpu.memref_squeeze %dma_start3A_684 : memref<1x128xf32, #tpu.memory_space<hbm>> -> memref<128xf32, #tpu.memory_space<hbm>>
          %dma_start3A_686 = arith.constant 0 : i32
          %dma_start3A_687 = tpu.memref_slice %arg4[%squeeze3A_491, %dma_start3A_686] : memref<100000x128xf32, #tpu.memory_space<hbm>> -> memref<1x128xf32, #tpu.memory_space<hbm>>
          %dma_start3A_688 = tpu.memref_squeeze %dma_start3A_687 : memref<1x128xf32, #tpu.memory_space<hbm>> -> memref<128xf32, #tpu.memory_space<hbm>>
          tpu.enqueue_dma source(%dma_start3A_688 : memref<128xf32, #tpu.memory_space<hbm>>) target(%arg14 : memref<128xf32, #tpu.memory_space<vmem>>) target_semaphore(%run_scoped3A : memref<!tpu.dma_semaphore, #tpu.memory_space<semaphore_mem>>)
          %dma_wait3A_689 = arith.constant 0 : i32
          %dma_wait3A_690 = tpu.memref_slice %arg4[%squeeze3A_491, %dma_wait3A_689] : memref<100000x128xf32, #tpu.memory_space<hbm>> -> memref<1x128xf32, #tpu.memory_space<hbm>>
          %dma_wait3A_691 = tpu.memref_squeeze %dma_wait3A_690 : memref<1x128xf32, #tpu.memory_space<hbm>> -> memref<128xf32, #tpu.memory_space<hbm>>
          %dma_wait3A_692 = arith.constant 0 : i32
          %dma_wait3A_693 = tpu.memref_slice %arg4[%squeeze3A_491, %dma_wait3A_692] : memref<100000x128xf32, #tpu.memory_space<hbm>> -> memref<1x128xf32, #tpu.memory_space<hbm>>
          %dma_wait3A_694 = tpu.memref_squeeze %dma_wait3A_693 : memref<1x128xf32, #tpu.memory_space<hbm>> -> memref<128xf32, #tpu.memory_space<hbm>>
          tpu.wait_dma2 semaphore(%run_scoped3A : memref<!tpu.dma_semaphore, #tpu.memory_space<semaphore_mem>>) src(%dma_wait3A_694 : memref<128xf32, #tpu.memory_space<hbm>>) dst(%arg14 : memref<128xf32, #tpu.memory_space<vmem>>)
          tpu.yield
        }) : () -> ()
        %broadcast_in_dim3A_496 = arith.constant 0.000000e+00 : f32
        %broadcast_in_dim3A_497 = vector.broadcast %broadcast_in_dim3A_496 : f32 to vector<16xf32>
        %get3A_498 = arith.constant 0 : index
        %get3A_499 = tpu.vector_load %arg14[%get3A_498] {strides = array<i32>} : memref<128xf32, #tpu.memory_space<vmem>>, vector<16xf32>,
        %get3A_500 = arith.constant 0 : index
        %get3A_501 = tpu.vector_load %arg13[%get3A_500] {strides = array<i32>} : memref<128xf32, #tpu.memory_space<vmem>>, vector<16xf32>,
        %add3A_502 = arith.addf %get3A_499, %get3A_501 : vector<16xf32>
        %mul3A_503 = arith.constant 5.000000e-01 : f32
        %mul3A_504 = vector.broadcast %mul3A_503 : f32 to vector<16xf32>
        %mul3A_505 = arith.mulf %add3A_502, %mul3A_504 : vector<16xf32>
        %swap3A_506 = arith.constant 0 : index
        %swap3A_507 = tpu.vector_load %arg14[%swap3A_506] {strides = array<i32>} : memref<128xf32, #tpu.memory_space<vmem>>, vector<16xf32>,
        tpu.vector_store %arg14[%swap3A_506], %mul3A_505 {strides = array<i32>} : memref<128xf32, #tpu.memory_space<vmem>>, vector<16xf32>,
        %mul3A_508 = arith.mulf %mul3A_505, %mul3A_505 : vector<16xf32>
        %add3A_509 = arith.addf %broadcast_in_dim3A_497, %mul3A_508 : vector<16xf32>
        %get3A_510 = arith.constant 16 : index
        %get3A_511 = tpu.vector_load %arg14[%get3A_510] {strides = array<i32>} : memref<128xf32, #tpu.memory_space<vmem>>, vector<16xf32>,
        %get3A_512 = arith.constant 16 : index
        %get3A_513 = tpu.vector_load %arg13[%get3A_512] {strides = array<i32>} : memref<128xf32, #tpu.memory_space<vmem>>, vector<16xf32>,
        %add3A_514 = arith.addf %get3A_511, %get3A_513 : vector<16xf32>
        %mul3A_515 = arith.constant 5.000000e-01 : f32
        %mul3A_516 = vector.broadcast %mul3A_515 : f32 to vector<16xf32>
        %mul3A_517 = arith.mulf %add3A_514, %mul3A_516 : vector<16xf32>
        %swap3A_518 = arith.constant 16 : index
        %swap3A_519 = tpu.vector_load %arg14[%swap3A_518] {strides = array<i32>} : memref<128xf32, #tpu.memory_space<vmem>>, vector<16xf32>,
        tpu.vector_store %arg14[%swap3A_518], %mul3A_517 {strides = array<i32>} : memref<128xf32, #tpu.memory_space<vmem>>, vector<16xf32>,
        %mul3A_520 = arith.mulf %mul3A_517, %mul3A_517 : vector<16xf32>
        %add3A_521 = arith.addf %add3A_509, %mul3A_520 : vector<16xf32>
        %get3A_522 = arith.constant 32 : index
        %get3A_523 = tpu.vector_load %arg14[%get3A_522] {strides = array<i32>} : memref<128xf32, #tpu.memory_space<vmem>>, vector<16xf32>,
        %get3A_524 = arith.constant 32 : index
        %get3A_525 = tpu.vector_load %arg13[%get3A_524] {strides = array<i32>} : memref<128xf32, #tpu.memory_space<vmem>>, vector<16xf32>,
        %add3A_526 = arith.addf %get3A_523, %get3A_525 : vector<16xf32>
        %mul3A_527 = arith.constant 5.000000e-01 : f32
        %mul3A_528 = vector.broadcast %mul3A_527 : f32 to vector<16xf32>
        %mul3A_529 = arith.mulf %add3A_526, %mul3A_528 : vector<16xf32>
        %swap3A_530 = arith.constant 32 : index
        %swap3A_531 = tpu.vector_load %arg14[%swap3A_530] {strides = array<i32>} : memref<128xf32, #tpu.memory_space<vmem>>, vector<16xf32>,
        tpu.vector_store %arg14[%swap3A_530], %mul3A_529 {strides = array<i32>} : memref<128xf32, #tpu.memory_space<vmem>>, vector<16xf32>,
        %mul3A_532 = arith.mulf %mul3A_529, %mul3A_529 : vector<16xf32>
        %add3A_533 = arith.addf %add3A_521, %mul3A_532 : vector<16xf32>
        %get3A_534 = arith.constant 48 : index
        %get3A_535 = tpu.vector_load %arg14[%get3A_534] {strides = array<i32>} : memref<128xf32, #tpu.memory_space<vmem>>, vector<16xf32>,
        %get3A_536 = arith.constant 48 : index
        %get3A_537 = tpu.vector_load %arg13[%get3A_536] {strides = array<i32>} : memref<128xf32, #tpu.memory_space<vmem>>, vector<16xf32>,
        %add3A_538 = arith.addf %get3A_535, %get3A_537 : vector<16xf32>
        %mul3A_539 = arith.constant 5.000000e-01 : f32
        %mul3A_540 = vector.broadcast %mul3A_539 : f32 to vector<16xf32>
        %mul3A_541 = arith.mulf %add3A_538, %mul3A_540 : vector<16xf32>
        %swap3A_542 = arith.constant 48 : index
        %swap3A_543 = tpu.vector_load %arg14[%swap3A_542] {strides = array<i32>} : memref<128xf32, #tpu.memory_space<vmem>>, vector<16xf32>,
        tpu.vector_store %arg14[%swap3A_542], %mul3A_541 {strides = array<i32>} : memref<128xf32, #tpu.memory_space<vmem>>, vector<16xf32>,
        %mul3A_544 = arith.mulf %mul3A_541, %mul3A_541 : vector<16xf32>
        %add3A_545 = arith.addf %add3A_533, %mul3A_544 : vector<16xf32>
        %get3A_546 = arith.constant 64 : index
        %get3A_547 = tpu.vector_load %arg14[%get3A_546] {strides = array<i32>} : memref<128xf32, #tpu.memory_space<vmem>>, vector<16xf32>,
        %get3A_548 = arith.constant 64 : index
        %get3A_549 = tpu.vector_load %arg13[%get3A_548] {strides = array<i32>} : memref<128xf32, #tpu.memory_space<vmem>>, vector<16xf32>,
        %add3A_550 = arith.addf %get3A_547, %get3A_549 : vector<16xf32>
        %mul3A_551 = arith.constant 5.000000e-01 : f32
        %mul3A_552 = vector.broadcast %mul3A_551 : f32 to vector<16xf32>
        %mul3A_553 = arith.mulf %add3A_550, %mul3A_552 : vector<16xf32>
        %swap3A_554 = arith.constant 64 : index
        %swap3A_555 = tpu.vector_load %arg14[%swap3A_554] {strides = array<i32>} : memref<128xf32, #tpu.memory_space<vmem>>, vector<16xf32>,
        tpu.vector_store %arg14[%swap3A_554], %mul3A_553 {strides = array<i32>} : memref<128xf32, #tpu.memory_space<vmem>>, vector<16xf32>,
        %mul3A_556 = arith.mulf %mul3A_553, %mul3A_553 : vector<16xf32>
        %add3A_557 = arith.addf %add3A_545, %mul3A_556 : vector<16xf32>
        %get3A_558 = arith.constant 80 : index
        %get3A_559 = tpu.vector_load %arg14[%get3A_558] {strides = array<i32>} : memref<128xf32, #tpu.memory_space<vmem>>, vector<16xf32>,
        %get3A_560 = arith.constant 80 : index
        %get3A_561 = tpu.vector_load %arg13[%get3A_560] {strides = array<i32>} : memref<128xf32, #tpu.memory_space<vmem>>, vector<16xf32>,
        %add3A_562 = arith.addf %get3A_559, %get3A_561 : vector<16xf32>
        %mul3A_563 = arith.constant 5.000000e-01 : f32
        %mul3A_564 = vector.broadcast %mul3A_563 : f32 to vector<16xf32>
        %mul3A_565 = arith.mulf %add3A_562, %mul3A_564 : vector<16xf32>
        %swap3A_566 = arith.constant 80 : index
        %swap3A_567 = tpu.vector_load %arg14[%swap3A_566] {strides = array<i32>} : memref<128xf32, #tpu.memory_space<vmem>>, vector<16xf32>,
        tpu.vector_store %arg14[%swap3A_566], %mul3A_565 {strides = array<i32>} : memref<128xf32, #tpu.memory_space<vmem>>, vector<16xf32>,
        %mul3A_568 = arith.mulf %mul3A_565, %mul3A_565 : vector<16xf32>
        %add3A_569 = arith.addf %add3A_557, %mul3A_568 : vector<16xf32>
        %get3A_570 = arith.constant 96 : index
        %get3A_571 = tpu.vector_load %arg14[%get3A_570] {strides = array<i32>} : memref<128xf32, #tpu.memory_space<vmem>>, vector<16xf32>,
        %get3A_572 = arith.constant 96 : index
        %get3A_573 = tpu.vector_load %arg13[%get3A_572] {strides = array<i32>} : memref<128xf32, #tpu.memory_space<vmem>>, vector<16xf32>,
        %add3A_574 = arith.addf %get3A_571, %get3A_573 : vector<16xf32>
        %mul3A_575 = arith.constant 5.000000e-01 : f32
        %mul3A_576 = vector.broadcast %mul3A_575 : f32 to vector<16xf32>
        %mul3A_577 = arith.mulf %add3A_574, %mul3A_576 : vector<16xf32>
        %swap3A_578 = arith.constant 96 : index
        %swap3A_579 = tpu.vector_load %arg14[%swap3A_578] {strides = array<i32>} : memref<128xf32, #tpu.memory_space<vmem>>, vector<16xf32>,
        tpu.vector_store %arg14[%swap3A_578], %mul3A_577 {strides = array<i32>} : memref<128xf32, #tpu.memory_space<vmem>>, vector<16xf32>,
        %mul3A_580 = arith.mulf %mul3A_577, %mul3A_577 : vector<16xf32>
        %add3A_581 = arith.addf %add3A_569, %mul3A_580 : vector<16xf32>
        %get3A_582 = arith.constant 112 : index
        %get3A_583 = tpu.vector_load %arg14[%get3A_582] {strides = array<i32>} : memref<128xf32, #tpu.memory_space<vmem>>, vector<16xf32>,
        %get3A_584 = arith.constant 112 : index
        %get3A_585 = tpu.vector_load %arg13[%get3A_584] {strides = array<i32>} : memref<128xf32, #tpu.memory_space<vmem>>, vector<16xf32>,
        %add3A_586 = arith.addf %get3A_583, %get3A_585 : vector<16xf32>
        %mul3A_587 = arith.constant 5.000000e-01 : f32
        %mul3A_588 = vector.broadcast %mul3A_587 : f32 to vector<16xf32>
        %mul3A_589 = arith.mulf %add3A_586, %mul3A_588 : vector<16xf32>
        %swap3A_590 = arith.constant 112 : index
        %swap3A_591 = tpu.vector_load %arg14[%swap3A_590] {strides = array<i32>} : memref<128xf32, #tpu.memory_space<vmem>>, vector<16xf32>,
        tpu.vector_store %arg14[%swap3A_590], %mul3A_589 {strides = array<i32>} : memref<128xf32, #tpu.memory_space<vmem>>, vector<16xf32>,
        %mul3A_592 = arith.mulf %mul3A_589, %mul3A_589 : vector<16xf32>
        %add3A_593 = arith.addf %add3A_581, %mul3A_592 : vector<16xf32>
        %reduce_sum3A = arith.constant true
        %reduce_sum3A_594 = vector.broadcast %reduce_sum3A : i1 to vector<16xi1>
        %reduce_sum3A_595 = tpu.scan <sum>, %add3A_593 masked %reduce_sum3A_594 : vector<16xf32>, vector<16xi1> -> vector<16xf32>
        %reduce_sum3A_596 = vector.extract %reduce_sum3A_595[15] : f32 from vector<16xf32>
        %broadcast_in_dim3A_597 = vector.broadcast %reduce_sum3A_596 : f32 to vector<16xf32>
        %max3A_598 = arith.constant 1.000000e-30 : f32
        %max3A_599 = vector.broadcast %max3A_598 : f32 to vector<16xf32>
        %max3A_600 = arith.maximumf %broadcast_in_dim3A_597, %max3A_599 : vector<16xf32>
        %bitcast3A_601 = vector.bitcast %max3A_600 : vector<16xf32> to vector<16xi32>
        %shift_right_logical3A_602 = arith.constant 1 : i32
        %shift_right_logical3A_603 = vector.broadcast %shift_right_logical3A_602 : i32 to vector<16xi32>
        %shift_right_logical3A_604 = arith.shrui %bitcast3A_601, %shift_right_logical3A_603 : vector<16xi32>
        %sub3A_605 = arith.constant 1597463007 : i32
        %sub3A_606 = vector.broadcast %sub3A_605 : i32 to vector<16xi32>
        %sub3A_607 = arith.subi %sub3A_606, %shift_right_logical3A_604 : vector<16xi32>
        %bitcast3A_608 = vector.bitcast %sub3A_607 : vector<16xi32> to vector<16xf32>
        %mul3A_609 = arith.constant 5.000000e-01 : f32
        %mul3A_610 = vector.broadcast %mul3A_609 : f32 to vector<16xf32>
        %mul3A_611 = arith.mulf %mul3A_610, %max3A_600 : vector<16xf32>
        %mul3A_612 = arith.mulf %mul3A_611, %bitcast3A_608 : vector<16xf32>
        %mul3A_613 = arith.mulf %mul3A_612, %bitcast3A_608 : vector<16xf32>
        %sub3A_614 = arith.constant 1.500000e+00 : f32
        %sub3A_615 = vector.broadcast %sub3A_614 : f32 to vector<16xf32>
        %sub3A_616 = arith.subf %sub3A_615, %mul3A_613 : vector<16xf32>
        %mul3A_617 = arith.mulf %bitcast3A_608, %sub3A_616 : vector<16xf32>
        %mul3A_618 = arith.constant 5.000000e-01 : f32
        %mul3A_619 = vector.broadcast %mul3A_618 : f32 to vector<16xf32>
        %mul3A_620 = arith.mulf %mul3A_619, %max3A_600 : vector<16xf32>
        %mul3A_621 = arith.mulf %mul3A_620, %mul3A_617 : vector<16xf32>
        %mul3A_622 = arith.mulf %mul3A_621, %mul3A_617 : vector<16xf32>
        %sub3A_623 = arith.constant 1.500000e+00 : f32
        %sub3A_624 = vector.broadcast %sub3A_623 : f32 to vector<16xf32>
        %sub3A_625 = arith.subf %sub3A_624, %mul3A_622 : vector<16xf32>
        %mul3A_626 = arith.mulf %mul3A_617, %sub3A_625 : vector<16xf32>
        %mul3A_627 = arith.constant 5.000000e-01 : f32
        %mul3A_628 = vector.broadcast %mul3A_627 : f32 to vector<16xf32>
        %mul3A_629 = arith.mulf %mul3A_628, %max3A_600 : vector<16xf32>
        %mul3A_630 = arith.mulf %mul3A_629, %mul3A_626 : vector<16xf32>
        %mul3A_631 = arith.mulf %mul3A_630, %mul3A_626 : vector<16xf32>
        %sub3A_632 = arith.constant 1.500000e+00 : f32
        %sub3A_633 = vector.broadcast %sub3A_632 : f32 to vector<16xf32>
        %sub3A_634 = arith.subf %sub3A_633, %mul3A_631 : vector<16xf32>
        %mul3A_635 = arith.mulf %mul3A_626, %sub3A_634 : vector<16xf32>
        %mul3A_636 = arith.mulf %max3A_600, %mul3A_635 : vector<16xf32>
        %max3A_637 = arith.constant 9.99999996E-13 : f32
        %max3A_638 = vector.broadcast %max3A_637 : f32 to vector<16xf32>
        %max3A_639 = arith.maximumf %mul3A_636, %max3A_638 : vector<16xf32>
        %div3A_640 = arith.constant 1.000000e+00 : f32
        %div3A_641 = vector.broadcast %div3A_640 : f32 to vector<16xf32>
        %div3A_642 = arith.divf %div3A_641, %max3A_639 : vector<16xf32>
        %get3A_643 = arith.constant 0 : index
        %get3A_644 = tpu.vector_load %arg14[%get3A_643] {strides = array<i32>} : memref<128xf32, #tpu.memory_space<vmem>>, vector<16xf32>,
        %mul3A_645 = arith.mulf %get3A_644, %div3A_642 : vector<16xf32>
        %swap3A_646 = arith.constant 0 : index
        %swap3A_647 = tpu.vector_load %arg14[%swap3A_646] {strides = array<i32>} : memref<128xf32, #tpu.memory_space<vmem>>, vector<16xf32>,
        tpu.vector_store %arg14[%swap3A_646], %mul3A_645 {strides = array<i32>} : memref<128xf32, #tpu.memory_space<vmem>>, vector<16xf32>,
        %get3A_648 = arith.constant 16 : index
        %get3A_649 = tpu.vector_load %arg14[%get3A_648] {strides = array<i32>} : memref<128xf32, #tpu.memory_space<vmem>>, vector<16xf32>,
        %mul3A_650 = arith.mulf %get3A_649, %div3A_642 : vector<16xf32>
        %swap3A_651 = arith.constant 16 : index
        %swap3A_652 = tpu.vector_load %arg14[%swap3A_651] {strides = array<i32>} : memref<128xf32, #tpu.memory_space<vmem>>, vector<16xf32>,
        tpu.vector_store %arg14[%swap3A_651], %mul3A_650 {strides = array<i32>} : memref<128xf32, #tpu.memory_space<vmem>>, vector<16xf32>,
        %get3A_653 = arith.constant 32 : index
        %get3A_654 = tpu.vector_load %arg14[%get3A_653] {strides = array<i32>} : memref<128xf32, #tpu.memory_space<vmem>>, vector<16xf32>,
        %mul3A_655 = arith.mulf %get3A_654, %div3A_642 : vector<16xf32>
        %swap3A_656 = arith.constant 32 : index
        %swap3A_657 = tpu.vector_load %arg14[%swap3A_656] {strides = array<i32>} : memref<128xf32, #tpu.memory_space<vmem>>, vector<16xf32>,
        tpu.vector_store %arg14[%swap3A_656], %mul3A_655 {strides = array<i32>} : memref<128xf32, #tpu.memory_space<vmem>>, vector<16xf32>,
        %get3A_658 = arith.constant 48 : index
        %get3A_659 = tpu.vector_load %arg14[%get3A_658] {strides = array<i32>} : memref<128xf32, #tpu.memory_space<vmem>>, vector<16xf32>,
        %mul3A_660 = arith.mulf %get3A_659, %div3A_642 : vector<16xf32>
        %swap3A_661 = arith.constant 48 : index
        %swap3A_662 = tpu.vector_load %arg14[%swap3A_661] {strides = array<i32>} : memref<128xf32, #tpu.memory_space<vmem>>, vector<16xf32>,
        tpu.vector_store %arg14[%swap3A_661], %mul3A_660 {strides = array<i32>} : memref<128xf32, #tpu.memory_space<vmem>>, vector<16xf32>,
        %get3A_663 = arith.constant 64 : index
        %get3A_664 = tpu.vector_load %arg14[%get3A_663] {strides = array<i32>} : memref<128xf32, #tpu.memory_space<vmem>>, vector<16xf32>,
        %mul3A_665 = arith.mulf %get3A_664, %div3A_642 : vector<16xf32>
        %swap3A_666 = arith.constant 64 : index
        %swap3A_667 = tpu.vector_load %arg14[%swap3A_666] {strides = array<i32>} : memref<128xf32, #tpu.memory_space<vmem>>, vector<16xf32>,
        tpu.vector_store %arg14[%swap3A_666], %mul3A_665 {strides = array<i32>} : memref<128xf32, #tpu.memory_space<vmem>>, vector<16xf32>,
        %get3A_668 = arith.constant 80 : index
        %get3A_669 = tpu.vector_load %arg14[%get3A_668] {strides = array<i32>} : memref<128xf32, #tpu.memory_space<vmem>>, vector<16xf32>,
        %mul3A_670 = arith.mulf %get3A_669, %div3A_642 : vector<16xf32>
        %swap3A_671 = arith.constant 80 : index
        %swap3A_672 = tpu.vector_load %arg14[%swap3A_671] {strides = array<i32>} : memref<128xf32, #tpu.memory_space<vmem>>, vector<16xf32>,
        tpu.vector_store %arg14[%swap3A_671], %mul3A_670 {strides = array<i32>} : memref<128xf32, #tpu.memory_space<vmem>>, vector<16xf32>,
        %get3A_673 = arith.constant 96 : index
        %get3A_674 = tpu.vector_load %arg14[%get3A_673] {strides = array<i32>} : memref<128xf32, #tpu.memory_space<vmem>>, vector<16xf32>,
        %mul3A_675 = arith.mulf %get3A_674, %div3A_642 : vector<16xf32>
        %swap3A_676 = arith.constant 96 : index
        %swap3A_677 = tpu.vector_load %arg14[%swap3A_676] {strides = array<i32>} : memref<128xf32, #tpu.memory_space<vmem>>, vector<16xf32>,
        tpu.vector_store %arg14[%swap3A_676], %mul3A_675 {strides = array<i32>} : memref<128xf32, #tpu.memory_space<vmem>>, vector<16xf32>,
        %get3A_678 = arith.constant 112 : index
        %get3A_679 = tpu.vector_load %arg14[%get3A_678] {strides = array<i32>} : memref<128xf32, #tpu.memory_space<vmem>>, vector<16xf32>,
        %mul3A_680 = arith.mulf %get3A_679, %div3A_642 : vector<16xf32>
        %swap3A_681 = arith.constant 112 : index
        %swap3A_682 = tpu.vector_load %arg14[%swap3A_681] {strides = array<i32>} : memref<128xf32, #tpu.memory_space<vmem>>, vector<16xf32>,
        tpu.vector_store %arg14[%swap3A_681], %mul3A_680 {strides = array<i32>} : memref<128xf32, #tpu.memory_space<vmem>>, vector<16xf32>,
        "tpu.region"() ({
          %run_scoped3A = tpu.sem_alloc : memref<!tpu.dma_semaphore, #tpu.memory_space<semaphore_mem>>
          %dma_start3A_683 = arith.constant 0 : i32
          %dma_start3A_684 = tpu.memref_slice %arg4[%squeeze3A_491, %dma_start3A_683] : memref<100000x128xf32, #tpu.memory_space<hbm>> -> memref<1x128xf32, #tpu.memory_space<hbm>>
          %dma_start3A_685 = tpu.memref_squeeze %dma_start3A_684 : memref<1x128xf32, #tpu.memory_space<hbm>> -> memref<128xf32, #tpu.memory_space<hbm>>
          %dma_start3A_686 = arith.constant 0 : i32
          %dma_start3A_687 = tpu.memref_slice %arg4[%squeeze3A_491, %dma_start3A_686] : memref<100000x128xf32, #tpu.memory_space<hbm>> -> memref<1x128xf32, #tpu.memory_space<hbm>>
          %dma_start3A_688 = tpu.memref_squeeze %dma_start3A_687 : memref<1x128xf32, #tpu.memory_space<hbm>> -> memref<128xf32, #tpu.memory_space<hbm>>
          tpu.enqueue_dma source(%arg14 : memref<128xf32, #tpu.memory_space<vmem>>) target(%dma_start3A_688 : memref<128xf32, #tpu.memory_space<hbm>>) target_semaphore(%run_scoped3A : memref<!tpu.dma_semaphore, #tpu.memory_space<semaphore_mem>>)
          %dma_wait3A_689 = arith.constant 0 : i32
          %dma_wait3A_690 = tpu.memref_slice %arg4[%squeeze3A_491, %dma_wait3A_689] : memref<100000x128xf32, #tpu.memory_space<hbm>> -> memref<1x128xf32, #tpu.memory_space<hbm>>
          %dma_wait3A_691 = tpu.memref_squeeze %dma_wait3A_690 : memref<1x128xf32, #tpu.memory_space<hbm>> -> memref<128xf32, #tpu.memory_space<hbm>>
          %dma_wait3A_692 = arith.constant 0 : i32
          %dma_wait3A_693 = tpu.memref_slice %arg4[%squeeze3A_491, %dma_wait3A_692] : memref<100000x128xf32, #tpu.memory_space<hbm>> -> memref<1x128xf32, #tpu.memory_space<hbm>>
          %dma_wait3A_694 = tpu.memref_squeeze %dma_wait3A_693 : memref<1x128xf32, #tpu.memory_space<hbm>> -> memref<128xf32, #tpu.memory_space<hbm>>
          tpu.wait_dma2 semaphore(%run_scoped3A : memref<!tpu.dma_semaphore, #tpu.memory_space<semaphore_mem>>) src(%arg14 : memref<128xf32, #tpu.memory_space<vmem>>) dst(%dma_wait3A_694 : memref<128xf32, #tpu.memory_space<hbm>>)
          tpu.yield
        }) : () -> ()
      }
      %while3A_482 = arith.constant 1 : i32
      scf.for %while3A_483 = %while3A_480 to %while3A_476 step %while3A_482  : i32 {
        %get3A_484 = arith.index_cast %while3A_483 : i32 to index
        %get3A_485 = tpu.vector_load %arg16[%get3A_484] {strides = array<i32>} : memref<80xi32, #tpu.memory_space<vmem>>, vector<16xi32>,
        %slice3A_486 = vector.extract_strided_slice %get3A_485 {offsets = [0], sizes = [1], strides = [1]} : vector<16xi32> to vector<1xi32>
        %squeeze3A_487 = vector.extract %slice3A_486[0] : i32 from vector<1xi32>
        %get3A_488 = arith.index_cast %squeeze3A_487 : i32 to index
        %get3A_489 = tpu.vector_load %arg8[%get3A_488] {strides = array<i32>} : memref<16512xi32, #tpu.memory_space<vmem>>, vector<16xi32>,
        %slice3A_490 = vector.extract_strided_slice %get3A_489 {offsets = [0], sizes = [1], strides = [1]} : vector<16xi32> to vector<1xi32>
        %squeeze3A_491 = vector.extract %slice3A_490[0] : i32 from vector<1xi32>
        %get3A_492 = arith.index_cast %squeeze3A_487 : i32 to index
        %get3A_493 = tpu.vector_load %arg7[%get3A_492] {strides = array<i32>} : memref<16512xi32, #tpu.memory_space<vmem>>, vector<16xi32>,
        %slice3A_494 = vector.extract_strided_slice %get3A_493 {offsets = [0], sizes = [1], strides = [1]} : vector<16xi32> to vector<1xi32>
        %squeeze3A_495 = vector.extract %slice3A_494[0] : i32 from vector<1xi32>
        "tpu.region"() ({
          %run_scoped3A = tpu.sem_alloc : memref<!tpu.dma_semaphore, #tpu.memory_space<semaphore_mem>>
          %dma_start3A_683 = arith.constant 0 : i32
          %dma_start3A_684 = tpu.memref_slice %arg2[%squeeze3A_495, %dma_start3A_683] : memref<16384x128xf32, #tpu.memory_space<hbm>> -> memref<1x128xf32, #tpu.memory_space<hbm>>
          %dma_start3A_685 = tpu.memref_squeeze %dma_start3A_684 : memref<1x128xf32, #tpu.memory_space<hbm>> -> memref<128xf32, #tpu.memory_space<hbm>>
          %dma_start3A_686 = arith.constant 0 : i32
          %dma_start3A_687 = tpu.memref_slice %arg2[%squeeze3A_495, %dma_start3A_686] : memref<16384x128xf32, #tpu.memory_space<hbm>> -> memref<1x128xf32, #tpu.memory_space<hbm>>
          %dma_start3A_688 = tpu.memref_squeeze %dma_start3A_687 : memref<1x128xf32, #tpu.memory_space<hbm>> -> memref<128xf32, #tpu.memory_space<hbm>>
          tpu.enqueue_dma source(%dma_start3A_688 : memref<128xf32, #tpu.memory_space<hbm>>) target(%arg13 : memref<128xf32, #tpu.memory_space<vmem>>) target_semaphore(%run_scoped3A : memref<!tpu.dma_semaphore, #tpu.memory_space<semaphore_mem>>)
          %dma_wait3A_689 = arith.constant 0 : i32
          %dma_wait3A_690 = tpu.memref_slice %arg2[%squeeze3A_495, %dma_wait3A_689] : memref<16384x128xf32, #tpu.memory_space<hbm>> -> memref<1x128xf32, #tpu.memory_space<hbm>>
          %dma_wait3A_691 = tpu.memref_squeeze %dma_wait3A_690 : memref<1x128xf32, #tpu.memory_space<hbm>> -> memref<128xf32, #tpu.memory_space<hbm>>
          %dma_wait3A_692 = arith.constant 0 : i32
          %dma_wait3A_693 = tpu.memref_slice %arg2[%squeeze3A_495, %dma_wait3A_692] : memref<16384x128xf32, #tpu.memory_space<hbm>> -> memref<1x128xf32, #tpu.memory_space<hbm>>
          %dma_wait3A_694 = tpu.memref_squeeze %dma_wait3A_693 : memref<1x128xf32, #tpu.memory_space<hbm>> -> memref<128xf32, #tpu.memory_space<hbm>>
          tpu.wait_dma2 semaphore(%run_scoped3A : memref<!tpu.dma_semaphore, #tpu.memory_space<semaphore_mem>>) src(%dma_wait3A_694 : memref<128xf32, #tpu.memory_space<hbm>>) dst(%arg13 : memref<128xf32, #tpu.memory_space<vmem>>)
          tpu.yield
        }) : () -> ()
        "tpu.region"() ({
          %run_scoped3A = tpu.sem_alloc : memref<!tpu.dma_semaphore, #tpu.memory_space<semaphore_mem>>
          %dma_start3A_683 = arith.constant 0 : i32
          %dma_start3A_684 = tpu.memref_slice %arg4[%squeeze3A_491, %dma_start3A_683] : memref<100000x128xf32, #tpu.memory_space<hbm>> -> memref<1x128xf32, #tpu.memory_space<hbm>>
          %dma_start3A_685 = tpu.memref_squeeze %dma_start3A_684 : memref<1x128xf32, #tpu.memory_space<hbm>> -> memref<128xf32, #tpu.memory_space<hbm>>
          %dma_start3A_686 = arith.constant 0 : i32
          %dma_start3A_687 = tpu.memref_slice %arg4[%squeeze3A_491, %dma_start3A_686] : memref<100000x128xf32, #tpu.memory_space<hbm>> -> memref<1x128xf32, #tpu.memory_space<hbm>>
          %dma_start3A_688 = tpu.memref_squeeze %dma_start3A_687 : memref<1x128xf32, #tpu.memory_space<hbm>> -> memref<128xf32, #tpu.memory_space<hbm>>
          tpu.enqueue_dma source(%dma_start3A_688 : memref<128xf32, #tpu.memory_space<hbm>>) target(%arg14 : memref<128xf32, #tpu.memory_space<vmem>>) target_semaphore(%run_scoped3A : memref<!tpu.dma_semaphore, #tpu.memory_space<semaphore_mem>>)
          %dma_wait3A_689 = arith.constant 0 : i32
          %dma_wait3A_690 = tpu.memref_slice %arg4[%squeeze3A_491, %dma_wait3A_689] : memref<100000x128xf32, #tpu.memory_space<hbm>> -> memref<1x128xf32, #tpu.memory_space<hbm>>
          %dma_wait3A_691 = tpu.memref_squeeze %dma_wait3A_690 : memref<1x128xf32, #tpu.memory_space<hbm>> -> memref<128xf32, #tpu.memory_space<hbm>>
          %dma_wait3A_692 = arith.constant 0 : i32
          %dma_wait3A_693 = tpu.memref_slice %arg4[%squeeze3A_491, %dma_wait3A_692] : memref<100000x128xf32, #tpu.memory_space<hbm>> -> memref<1x128xf32, #tpu.memory_space<hbm>>
          %dma_wait3A_694 = tpu.memref_squeeze %dma_wait3A_693 : memref<1x128xf32, #tpu.memory_space<hbm>> -> memref<128xf32, #tpu.memory_space<hbm>>
          tpu.wait_dma2 semaphore(%run_scoped3A : memref<!tpu.dma_semaphore, #tpu.memory_space<semaphore_mem>>) src(%dma_wait3A_694 : memref<128xf32, #tpu.memory_space<hbm>>) dst(%arg14 : memref<128xf32, #tpu.memory_space<vmem>>)
          tpu.yield
        }) : () -> ()
        %broadcast_in_dim3A_496 = arith.constant 0.000000e+00 : f32
        %broadcast_in_dim3A_497 = vector.broadcast %broadcast_in_dim3A_496 : f32 to vector<16xf32>
        %get3A_498 = arith.constant 0 : index
        %get3A_499 = tpu.vector_load %arg14[%get3A_498] {strides = array<i32>} : memref<128xf32, #tpu.memory_space<vmem>>, vector<16xf32>,
        %get3A_500 = arith.constant 0 : index
        %get3A_501 = tpu.vector_load %arg13[%get3A_500] {strides = array<i32>} : memref<128xf32, #tpu.memory_space<vmem>>, vector<16xf32>,
        %add3A_502 = arith.addf %get3A_499, %get3A_501 : vector<16xf32>
        %mul3A_503 = arith.constant 5.000000e-01 : f32
        %mul3A_504 = vector.broadcast %mul3A_503 : f32 to vector<16xf32>
        %mul3A_505 = arith.mulf %add3A_502, %mul3A_504 : vector<16xf32>
        %swap3A_506 = arith.constant 0 : index
        %swap3A_507 = tpu.vector_load %arg14[%swap3A_506] {strides = array<i32>} : memref<128xf32, #tpu.memory_space<vmem>>, vector<16xf32>,
        tpu.vector_store %arg14[%swap3A_506], %mul3A_505 {strides = array<i32>} : memref<128xf32, #tpu.memory_space<vmem>>, vector<16xf32>,
        %mul3A_508 = arith.mulf %mul3A_505, %mul3A_505 : vector<16xf32>
        %add3A_509 = arith.addf %broadcast_in_dim3A_497, %mul3A_508 : vector<16xf32>
        %get3A_510 = arith.constant 16 : index
        %get3A_511 = tpu.vector_load %arg14[%get3A_510] {strides = array<i32>} : memref<128xf32, #tpu.memory_space<vmem>>, vector<16xf32>,
        %get3A_512 = arith.constant 16 : index
        %get3A_513 = tpu.vector_load %arg13[%get3A_512] {strides = array<i32>} : memref<128xf32, #tpu.memory_space<vmem>>, vector<16xf32>,
        %add3A_514 = arith.addf %get3A_511, %get3A_513 : vector<16xf32>
        %mul3A_515 = arith.constant 5.000000e-01 : f32
        %mul3A_516 = vector.broadcast %mul3A_515 : f32 to vector<16xf32>
        %mul3A_517 = arith.mulf %add3A_514, %mul3A_516 : vector<16xf32>
        %swap3A_518 = arith.constant 16 : index
        %swap3A_519 = tpu.vector_load %arg14[%swap3A_518] {strides = array<i32>} : memref<128xf32, #tpu.memory_space<vmem>>, vector<16xf32>,
        tpu.vector_store %arg14[%swap3A_518], %mul3A_517 {strides = array<i32>} : memref<128xf32, #tpu.memory_space<vmem>>, vector<16xf32>,
        %mul3A_520 = arith.mulf %mul3A_517, %mul3A_517 : vector<16xf32>
        %add3A_521 = arith.addf %add3A_509, %mul3A_520 : vector<16xf32>
        %get3A_522 = arith.constant 32 : index
        %get3A_523 = tpu.vector_load %arg14[%get3A_522] {strides = array<i32>} : memref<128xf32, #tpu.memory_space<vmem>>, vector<16xf32>,
        %get3A_524 = arith.constant 32 : index
        %get3A_525 = tpu.vector_load %arg13[%get3A_524] {strides = array<i32>} : memref<128xf32, #tpu.memory_space<vmem>>, vector<16xf32>,
        %add3A_526 = arith.addf %get3A_523, %get3A_525 : vector<16xf32>
        %mul3A_527 = arith.constant 5.000000e-01 : f32
        %mul3A_528 = vector.broadcast %mul3A_527 : f32 to vector<16xf32>
        %mul3A_529 = arith.mulf %add3A_526, %mul3A_528 : vector<16xf32>
        %swap3A_530 = arith.constant 32 : index
        %swap3A_531 = tpu.vector_load %arg14[%swap3A_530] {strides = array<i32>} : memref<128xf32, #tpu.memory_space<vmem>>, vector<16xf32>,
        tpu.vector_store %arg14[%swap3A_530], %mul3A_529 {strides = array<i32>} : memref<128xf32, #tpu.memory_space<vmem>>, vector<16xf32>,
        %mul3A_532 = arith.mulf %mul3A_529, %mul3A_529 : vector<16xf32>
        %add3A_533 = arith.addf %add3A_521, %mul3A_532 : vector<16xf32>
        %get3A_534 = arith.constant 48 : index
        %get3A_535 = tpu.vector_load %arg14[%get3A_534] {strides = array<i32>} : memref<128xf32, #tpu.memory_space<vmem>>, vector<16xf32>,
        %get3A_536 = arith.constant 48 : index
        %get3A_537 = tpu.vector_load %arg13[%get3A_536] {strides = array<i32>} : memref<128xf32, #tpu.memory_space<vmem>>, vector<16xf32>,
        %add3A_538 = arith.addf %get3A_535, %get3A_537 : vector<16xf32>
        %mul3A_539 = arith.constant 5.000000e-01 : f32
        %mul3A_540 = vector.broadcast %mul3A_539 : f32 to vector<16xf32>
        %mul3A_541 = arith.mulf %add3A_538, %mul3A_540 : vector<16xf32>
        %swap3A_542 = arith.constant 48 : index
        %swap3A_543 = tpu.vector_load %arg14[%swap3A_542] {strides = array<i32>} : memref<128xf32, #tpu.memory_space<vmem>>, vector<16xf32>,
        tpu.vector_store %arg14[%swap3A_542], %mul3A_541 {strides = array<i32>} : memref<128xf32, #tpu.memory_space<vmem>>, vector<16xf32>,
        %mul3A_544 = arith.mulf %mul3A_541, %mul3A_541 : vector<16xf32>
        %add3A_545 = arith.addf %add3A_533, %mul3A_544 : vector<16xf32>
        %get3A_546 = arith.constant 64 : index
        %get3A_547 = tpu.vector_load %arg14[%get3A_546] {strides = array<i32>} : memref<128xf32, #tpu.memory_space<vmem>>, vector<16xf32>,
        %get3A_548 = arith.constant 64 : index
        %get3A_549 = tpu.vector_load %arg13[%get3A_548] {strides = array<i32>} : memref<128xf32, #tpu.memory_space<vmem>>, vector<16xf32>,
        %add3A_550 = arith.addf %get3A_547, %get3A_549 : vector<16xf32>
        %mul3A_551 = arith.constant 5.000000e-01 : f32
        %mul3A_552 = vector.broadcast %mul3A_551 : f32 to vector<16xf32>
        %mul3A_553 = arith.mulf %add3A_550, %mul3A_552 : vector<16xf32>
        %swap3A_554 = arith.constant 64 : index
        %swap3A_555 = tpu.vector_load %arg14[%swap3A_554] {strides = array<i32>} : memref<128xf32, #tpu.memory_space<vmem>>, vector<16xf32>,
        tpu.vector_store %arg14[%swap3A_554], %mul3A_553 {strides = array<i32>} : memref<128xf32, #tpu.memory_space<vmem>>, vector<16xf32>,
        %mul3A_556 = arith.mulf %mul3A_553, %mul3A_553 : vector<16xf32>
        %add3A_557 = arith.addf %add3A_545, %mul3A_556 : vector<16xf32>
        %get3A_558 = arith.constant 80 : index
        %get3A_559 = tpu.vector_load %arg14[%get3A_558] {strides = array<i32>} : memref<128xf32, #tpu.memory_space<vmem>>, vector<16xf32>,
        %get3A_560 = arith.constant 80 : index
        %get3A_561 = tpu.vector_load %arg13[%get3A_560] {strides = array<i32>} : memref<128xf32, #tpu.memory_space<vmem>>, vector<16xf32>,
        %add3A_562 = arith.addf %get3A_559, %get3A_561 : vector<16xf32>
        %mul3A_563 = arith.constant 5.000000e-01 : f32
        %mul3A_564 = vector.broadcast %mul3A_563 : f32 to vector<16xf32>
        %mul3A_565 = arith.mulf %add3A_562, %mul3A_564 : vector<16xf32>
        %swap3A_566 = arith.constant 80 : index
        %swap3A_567 = tpu.vector_load %arg14[%swap3A_566] {strides = array<i32>} : memref<128xf32, #tpu.memory_space<vmem>>, vector<16xf32>,
        tpu.vector_store %arg14[%swap3A_566], %mul3A_565 {strides = array<i32>} : memref<128xf32, #tpu.memory_space<vmem>>, vector<16xf32>,
        %mul3A_568 = arith.mulf %mul3A_565, %mul3A_565 : vector<16xf32>
        %add3A_569 = arith.addf %add3A_557, %mul3A_568 : vector<16xf32>
        %get3A_570 = arith.constant 96 : index
        %get3A_571 = tpu.vector_load %arg14[%get3A_570] {strides = array<i32>} : memref<128xf32, #tpu.memory_space<vmem>>, vector<16xf32>,
        %get3A_572 = arith.constant 96 : index
        %get3A_573 = tpu.vector_load %arg13[%get3A_572] {strides = array<i32>} : memref<128xf32, #tpu.memory_space<vmem>>, vector<16xf32>,
        %add3A_574 = arith.addf %get3A_571, %get3A_573 : vector<16xf32>
        %mul3A_575 = arith.constant 5.000000e-01 : f32
        %mul3A_576 = vector.broadcast %mul3A_575 : f32 to vector<16xf32>
        %mul3A_577 = arith.mulf %add3A_574, %mul3A_576 : vector<16xf32>
        %swap3A_578 = arith.constant 96 : index
        %swap3A_579 = tpu.vector_load %arg14[%swap3A_578] {strides = array<i32>} : memref<128xf32, #tpu.memory_space<vmem>>, vector<16xf32>,
        tpu.vector_store %arg14[%swap3A_578], %mul3A_577 {strides = array<i32>} : memref<128xf32, #tpu.memory_space<vmem>>, vector<16xf32>,
        %mul3A_580 = arith.mulf %mul3A_577, %mul3A_577 : vector<16xf32>
        %add3A_581 = arith.addf %add3A_569, %mul3A_580 : vector<16xf32>
        %get3A_582 = arith.constant 112 : index
        %get3A_583 = tpu.vector_load %arg14[%get3A_582] {strides = array<i32>} : memref<128xf32, #tpu.memory_space<vmem>>, vector<16xf32>,
        %get3A_584 = arith.constant 112 : index
        %get3A_585 = tpu.vector_load %arg13[%get3A_584] {strides = array<i32>} : memref<128xf32, #tpu.memory_space<vmem>>, vector<16xf32>,
        %add3A_586 = arith.addf %get3A_583, %get3A_585 : vector<16xf32>
        %mul3A_587 = arith.constant 5.000000e-01 : f32
        %mul3A_588 = vector.broadcast %mul3A_587 : f32 to vector<16xf32>
        %mul3A_589 = arith.mulf %add3A_586, %mul3A_588 : vector<16xf32>
        %swap3A_590 = arith.constant 112 : index
        %swap3A_591 = tpu.vector_load %arg14[%swap3A_590] {strides = array<i32>} : memref<128xf32, #tpu.memory_space<vmem>>, vector<16xf32>,
        tpu.vector_store %arg14[%swap3A_590], %mul3A_589 {strides = array<i32>} : memref<128xf32, #tpu.memory_space<vmem>>, vector<16xf32>,
        %mul3A_592 = arith.mulf %mul3A_589, %mul3A_589 : vector<16xf32>
        %add3A_593 = arith.addf %add3A_581, %mul3A_592 : vector<16xf32>
        %reduce_sum3A = arith.constant true
        %reduce_sum3A_594 = vector.broadcast %reduce_sum3A : i1 to vector<16xi1>
        %reduce_sum3A_595 = tpu.scan <sum>, %add3A_593 masked %reduce_sum3A_594 : vector<16xf32>, vector<16xi1> -> vector<16xf32>
        %reduce_sum3A_596 = vector.extract %reduce_sum3A_595[15] : f32 from vector<16xf32>
        %broadcast_in_dim3A_597 = vector.broadcast %reduce_sum3A_596 : f32 to vector<16xf32>
        %max3A_598 = arith.constant 1.000000e-30 : f32
        %max3A_599 = vector.broadcast %max3A_598 : f32 to vector<16xf32>
        %max3A_600 = arith.maximumf %broadcast_in_dim3A_597, %max3A_599 : vector<16xf32>
        %bitcast3A_601 = vector.bitcast %max3A_600 : vector<16xf32> to vector<16xi32>
        %shift_right_logical3A_602 = arith.constant 1 : i32
        %shift_right_logical3A_603 = vector.broadcast %shift_right_logical3A_602 : i32 to vector<16xi32>
        %shift_right_logical3A_604 = arith.shrui %bitcast3A_601, %shift_right_logical3A_603 : vector<16xi32>
        %sub3A_605 = arith.constant 1597463007 : i32
        %sub3A_606 = vector.broadcast %sub3A_605 : i32 to vector<16xi32>
        %sub3A_607 = arith.subi %sub3A_606, %shift_right_logical3A_604 : vector<16xi32>
        %bitcast3A_608 = vector.bitcast %sub3A_607 : vector<16xi32> to vector<16xf32>
        %mul3A_609 = arith.constant 5.000000e-01 : f32
        %mul3A_610 = vector.broadcast %mul3A_609 : f32 to vector<16xf32>
        %mul3A_611 = arith.mulf %mul3A_610, %max3A_600 : vector<16xf32>
        %mul3A_612 = arith.mulf %mul3A_611, %bitcast3A_608 : vector<16xf32>
        %mul3A_613 = arith.mulf %mul3A_612, %bitcast3A_608 : vector<16xf32>
        %sub3A_614 = arith.constant 1.500000e+00 : f32
        %sub3A_615 = vector.broadcast %sub3A_614 : f32 to vector<16xf32>
        %sub3A_616 = arith.subf %sub3A_615, %mul3A_613 : vector<16xf32>
        %mul3A_617 = arith.mulf %bitcast3A_608, %sub3A_616 : vector<16xf32>
        %mul3A_618 = arith.constant 5.000000e-01 : f32
        %mul3A_619 = vector.broadcast %mul3A_618 : f32 to vector<16xf32>
        %mul3A_620 = arith.mulf %mul3A_619, %max3A_600 : vector<16xf32>
        %mul3A_621 = arith.mulf %mul3A_620, %mul3A_617 : vector<16xf32>
        %mul3A_622 = arith.mulf %mul3A_621, %mul3A_617 : vector<16xf32>
        %sub3A_623 = arith.constant 1.500000e+00 : f32
        %sub3A_624 = vector.broadcast %sub3A_623 : f32 to vector<16xf32>
        %sub3A_625 = arith.subf %sub3A_624, %mul3A_622 : vector<16xf32>
        %mul3A_626 = arith.mulf %mul3A_617, %sub3A_625 : vector<16xf32>
        %mul3A_627 = arith.constant 5.000000e-01 : f32
        %mul3A_628 = vector.broadcast %mul3A_627 : f32 to vector<16xf32>
        %mul3A_629 = arith.mulf %mul3A_628, %max3A_600 : vector<16xf32>
        %mul3A_630 = arith.mulf %mul3A_629, %mul3A_626 : vector<16xf32>
        %mul3A_631 = arith.mulf %mul3A_630, %mul3A_626 : vector<16xf32>
        %sub3A_632 = arith.constant 1.500000e+00 : f32
        %sub3A_633 = vector.broadcast %sub3A_632 : f32 to vector<16xf32>
        %sub3A_634 = arith.subf %sub3A_633, %mul3A_631 : vector<16xf32>
        %mul3A_635 = arith.mulf %mul3A_626, %sub3A_634 : vector<16xf32>
        %mul3A_636 = arith.mulf %max3A_600, %mul3A_635 : vector<16xf32>
        %max3A_637 = arith.constant 9.99999996E-13 : f32
        %max3A_638 = vector.broadcast %max3A_637 : f32 to vector<16xf32>
        %max3A_639 = arith.maximumf %mul3A_636, %max3A_638 : vector<16xf32>
        %div3A_640 = arith.constant 1.000000e+00 : f32
        %div3A_641 = vector.broadcast %div3A_640 : f32 to vector<16xf32>
        %div3A_642 = arith.divf %div3A_641, %max3A_639 : vector<16xf32>
        %get3A_643 = arith.constant 0 : index
        %get3A_644 = tpu.vector_load %arg14[%get3A_643] {strides = array<i32>} : memref<128xf32, #tpu.memory_space<vmem>>, vector<16xf32>,
        %mul3A_645 = arith.mulf %get3A_644, %div3A_642 : vector<16xf32>
        %swap3A_646 = arith.constant 0 : index
        %swap3A_647 = tpu.vector_load %arg14[%swap3A_646] {strides = array<i32>} : memref<128xf32, #tpu.memory_space<vmem>>, vector<16xf32>,
        tpu.vector_store %arg14[%swap3A_646], %mul3A_645 {strides = array<i32>} : memref<128xf32, #tpu.memory_space<vmem>>, vector<16xf32>,
        %get3A_648 = arith.constant 16 : index
        %get3A_649 = tpu.vector_load %arg14[%get3A_648] {strides = array<i32>} : memref<128xf32, #tpu.memory_space<vmem>>, vector<16xf32>,
        %mul3A_650 = arith.mulf %get3A_649, %div3A_642 : vector<16xf32>
        %swap3A_651 = arith.constant 16 : index
        %swap3A_652 = tpu.vector_load %arg14[%swap3A_651] {strides = array<i32>} : memref<128xf32, #tpu.memory_space<vmem>>, vector<16xf32>,
        tpu.vector_store %arg14[%swap3A_651], %mul3A_650 {strides = array<i32>} : memref<128xf32, #tpu.memory_space<vmem>>, vector<16xf32>,
        %get3A_653 = arith.constant 32 : index
        %get3A_654 = tpu.vector_load %arg14[%get3A_653] {strides = array<i32>} : memref<128xf32, #tpu.memory_space<vmem>>, vector<16xf32>,
        %mul3A_655 = arith.mulf %get3A_654, %div3A_642 : vector<16xf32>
        %swap3A_656 = arith.constant 32 : index
        %swap3A_657 = tpu.vector_load %arg14[%swap3A_656] {strides = array<i32>} : memref<128xf32, #tpu.memory_space<vmem>>, vector<16xf32>,
        tpu.vector_store %arg14[%swap3A_656], %mul3A_655 {strides = array<i32>} : memref<128xf32, #tpu.memory_space<vmem>>, vector<16xf32>,
        %get3A_658 = arith.constant 48 : index
        %get3A_659 = tpu.vector_load %arg14[%get3A_658] {strides = array<i32>} : memref<128xf32, #tpu.memory_space<vmem>>, vector<16xf32>,
        %mul3A_660 = arith.mulf %get3A_659, %div3A_642 : vector<16xf32>
        %swap3A_661 = arith.constant 48 : index
        %swap3A_662 = tpu.vector_load %arg14[%swap3A_661] {strides = array<i32>} : memref<128xf32, #tpu.memory_space<vmem>>, vector<16xf32>,
        tpu.vector_store %arg14[%swap3A_661], %mul3A_660 {strides = array<i32>} : memref<128xf32, #tpu.memory_space<vmem>>, vector<16xf32>,
        %get3A_663 = arith.constant 64 : index
        %get3A_664 = tpu.vector_load %arg14[%get3A_663] {strides = array<i32>} : memref<128xf32, #tpu.memory_space<vmem>>, vector<16xf32>,
        %mul3A_665 = arith.mulf %get3A_664, %div3A_642 : vector<16xf32>
        %swap3A_666 = arith.constant 64 : index
        %swap3A_667 = tpu.vector_load %arg14[%swap3A_666] {strides = array<i32>} : memref<128xf32, #tpu.memory_space<vmem>>, vector<16xf32>,
        tpu.vector_store %arg14[%swap3A_666], %mul3A_665 {strides = array<i32>} : memref<128xf32, #tpu.memory_space<vmem>>, vector<16xf32>,
        %get3A_668 = arith.constant 80 : index
        %get3A_669 = tpu.vector_load %arg14[%get3A_668] {strides = array<i32>} : memref<128xf32, #tpu.memory_space<vmem>>, vector<16xf32>,
        %mul3A_670 = arith.mulf %get3A_669, %div3A_642 : vector<16xf32>
        %swap3A_671 = arith.constant 80 : index
        %swap3A_672 = tpu.vector_load %arg14[%swap3A_671] {strides = array<i32>} : memref<128xf32, #tpu.memory_space<vmem>>, vector<16xf32>,
        tpu.vector_store %arg14[%swap3A_671], %mul3A_670 {strides = array<i32>} : memref<128xf32, #tpu.memory_space<vmem>>, vector<16xf32>,
        %get3A_673 = arith.constant 96 : index
        %get3A_674 = tpu.vector_load %arg14[%get3A_673] {strides = array<i32>} : memref<128xf32, #tpu.memory_space<vmem>>, vector<16xf32>,
        %mul3A_675 = arith.mulf %get3A_674, %div3A_642 : vector<16xf32>
        %swap3A_676 = arith.constant 96 : index
        %swap3A_677 = tpu.vector_load %arg14[%swap3A_676] {strides = array<i32>} : memref<128xf32, #tpu.memory_space<vmem>>, vector<16xf32>,
        tpu.vector_store %arg14[%swap3A_676], %mul3A_675 {strides = array<i32>} : memref<128xf32, #tpu.memory_space<vmem>>, vector<16xf32>,
        %get3A_678 = arith.constant 112 : index
        %get3A_679 = tpu.vector_load %arg14[%get3A_678] {strides = array<i32>} : memref<128xf32, #tpu.memory_space<vmem>>, vector<16xf32>,
        %mul3A_680 = arith.mulf %get3A_679, %div3A_642 : vector<16xf32>
        %swap3A_681 = arith.constant 112 : index
        %swap3A_682 = tpu.vector_load %arg14[%swap3A_681] {strides = array<i32>} : memref<128xf32, #tpu.memory_space<vmem>>, vector<16xf32>,
        tpu.vector_store %arg14[%swap3A_681], %mul3A_680 {strides = array<i32>} : memref<128xf32, #tpu.memory_space<vmem>>, vector<16xf32>,
        "tpu.region"() ({
          %run_scoped3A = tpu.sem_alloc : memref<!tpu.dma_semaphore, #tpu.memory_space<semaphore_mem>>
          %dma_start3A_683 = arith.constant 0 : i32
          %dma_start3A_684 = tpu.memref_slice %arg4[%squeeze3A_491, %dma_start3A_683] : memref<100000x128xf32, #tpu.memory_space<hbm>> -> memref<1x128xf32, #tpu.memory_space<hbm>>
          %dma_start3A_685 = tpu.memref_squeeze %dma_start3A_684 : memref<1x128xf32, #tpu.memory_space<hbm>> -> memref<128xf32, #tpu.memory_space<hbm>>
          %dma_start3A_686 = arith.constant 0 : i32
          %dma_start3A_687 = tpu.memref_slice %arg4[%squeeze3A_491, %dma_start3A_686] : memref<100000x128xf32, #tpu.memory_space<hbm>> -> memref<1x128xf32, #tpu.memory_space<hbm>>
          %dma_start3A_688 = tpu.memref_squeeze %dma_start3A_687 : memref<1x128xf32, #tpu.memory_space<hbm>> -> memref<128xf32, #tpu.memory_space<hbm>>
          tpu.enqueue_dma source(%arg14 : memref<128xf32, #tpu.memory_space<vmem>>) target(%dma_start3A_688 : memref<128xf32, #tpu.memory_space<hbm>>) target_semaphore(%run_scoped3A : memref<!tpu.dma_semaphore, #tpu.memory_space<semaphore_mem>>)
          %dma_wait3A_689 = arith.constant 0 : i32
          %dma_wait3A_690 = tpu.memref_slice %arg4[%squeeze3A_491, %dma_wait3A_689] : memref<100000x128xf32, #tpu.memory_space<hbm>> -> memref<1x128xf32, #tpu.memory_space<hbm>>
          %dma_wait3A_691 = tpu.memref_squeeze %dma_wait3A_690 : memref<1x128xf32, #tpu.memory_space<hbm>> -> memref<128xf32, #tpu.memory_space<hbm>>
          %dma_wait3A_692 = arith.constant 0 : i32
          %dma_wait3A_693 = tpu.memref_slice %arg4[%squeeze3A_491, %dma_wait3A_692] : memref<100000x128xf32, #tpu.memory_space<hbm>> -> memref<1x128xf32, #tpu.memory_space<hbm>>
          %dma_wait3A_694 = tpu.memref_squeeze %dma_wait3A_693 : memref<1x128xf32, #tpu.memory_space<hbm>> -> memref<128xf32, #tpu.memory_space<hbm>>
          tpu.wait_dma2 semaphore(%run_scoped3A : memref<!tpu.dma_semaphore, #tpu.memory_space<semaphore_mem>>) src(%arg14 : memref<128xf32, #tpu.memory_space<vmem>>) dst(%dma_wait3A_694 : memref<128xf32, #tpu.memory_space<hbm>>)
          tpu.yield
        }) : () -> ()
      }
    }
    %while3A_37 = arith.constant 1 : i32
    scf.for %while3A_38 = %while3A_35 to %while3A_31 step %while3A_37  : i32 {
      %mul3A_39 = arith.constant 64 : i32
      %mul3A_40 = arith.muli %while3A_38, %mul3A_39 : i32
      %add3A_41 = arith.constant 0 : i32
      %add3A_42 = arith.addi %mul3A_40, %add3A_41 : i32
      %get3A = arith.index_cast %add3A_42 : i32 to index
      %get3A_43 = tpu.vector_load %arg8[%get3A] {strides = array<i32>} : memref<16512xi32, #tpu.memory_space<vmem>>, vector<16xi32>,
      %add3A_44 = arith.constant 16 : i32
      %add3A_45 = arith.addi %mul3A_40, %add3A_44 : i32
      %get3A_46 = arith.index_cast %add3A_45 : i32 to index
      %get3A_47 = tpu.vector_load %arg8[%get3A_46] {strides = array<i32>} : memref<16512xi32, #tpu.memory_space<vmem>>, vector<16xi32>,
      %add3A_48 = arith.constant 32 : i32
      %add3A_49 = arith.addi %mul3A_40, %add3A_48 : i32
      %get3A_50 = arith.index_cast %add3A_49 : i32 to index
      %get3A_51 = tpu.vector_load %arg8[%get3A_50] {strides = array<i32>} : memref<16512xi32, #tpu.memory_space<vmem>>, vector<16xi32>,
      %add3A_52 = arith.constant 48 : i32
      %add3A_53 = arith.addi %mul3A_40, %add3A_52 : i32
      %get3A_54 = arith.index_cast %add3A_53 : i32 to index
      %get3A_55 = tpu.vector_load %arg8[%get3A_54] {strides = array<i32>} : memref<16512xi32, #tpu.memory_space<vmem>>, vector<16xi32>,
      %add3A_56 = arith.constant 0 : i32
      %add3A_57 = arith.addi %mul3A_40, %add3A_56 : i32
      %get3A_58 = arith.index_cast %add3A_57 : i32 to index
      %get3A_59 = tpu.vector_load %arg7[%get3A_58] {strides = array<i32>} : memref<16512xi32, #tpu.memory_space<vmem>>, vector<16xi32>,
      %add3A_60 = arith.constant 16 : i32
      %add3A_61 = arith.addi %mul3A_40, %add3A_60 : i32
      %get3A_62 = arith.index_cast %add3A_61 : i32 to index
      %get3A_63 = tpu.vector_load %arg7[%get3A_62] {strides = array<i32>} : memref<16512xi32, #tpu.memory_space<vmem>>, vector<16xi32>,
      %add3A_64 = arith.constant 32 : i32
      %add3A_65 = arith.addi %mul3A_40, %add3A_64 : i32
      %get3A_66 = arith.index_cast %add3A_65 : i32 to index
      %get3A_67 = tpu.vector_load %arg7[%get3A_66] {strides = array<i32>} : memref<16512xi32, #tpu.memory_space<vmem>>, vector<16xi32>,
      %add3A_68 = arith.constant 48 : i32
      %add3A_69 = arith.addi %mul3A_40, %add3A_68 : i32
      %get3A_70 = arith.index_cast %add3A_69 : i32 to index
      %get3A_71 = tpu.vector_load %arg7[%get3A_70] {strides = array<i32>} : memref<16512xi32, #tpu.memory_space<vmem>>, vector<16xi32>,
      %shift_right_logical3A = arith.constant 5 : i32
      %shift_right_logical3A_72 = vector.broadcast %shift_right_logical3A : i32 to vector<16xi32>
      %shift_right_logical3A_73 = arith.shrui %get3A_55, %shift_right_logical3A_72 : vector<16xi32>
      %rev3A = arith.constant 15 : i32
      %rev3A_74 = vector.broadcast %rev3A : i32 to vector<16xi32>
      %rev3A_75 = tpu.iota {dimensions = array<i32: 0>} : vector<16xi32>
      %rev3A_76 = arith.subi %rev3A_74, %rev3A_75 : vector<16xi32>
      %rev3A_77 = tpu.dynamic_gather %shift_right_logical3A_73[%rev3A_76] in [0] : vector<16xi32>, vector<16xi32> -> vector<16xi32>
      %rev3A_78 = arith.constant 15 : i32
      %rev3A_79 = vector.broadcast %rev3A_78 : i32 to vector<16xi32>
      %rev3A_80 = tpu.iota {dimensions = array<i32: 0>} : vector<16xi32>
      %rev3A_81 = arith.subi %rev3A_79, %rev3A_80 : vector<16xi32>
      %rev3A_82 = tpu.dynamic_gather %iota3A[%rev3A_81] in [0] : vector<16xi32>, vector<16xi32> -> vector<16xi32>
      %add3A_83 = arith.constant 48 : i32
      %add3A_84 = vector.broadcast %add3A_83 : i32 to vector<16xi32>
      %add3A_85 = arith.addi %rev3A_82, %add3A_84 : vector<16xi32>
      tpu.vector_store_idx %arg9[%rev3A_77], %add3A_85 : memref<3141xi32, #tpu.memory_space<vmem>>[vector<16xi32>], vector<16xi32>,
      %shift_right_logical3A_86 = arith.constant 5 : i32
      %shift_right_logical3A_87 = vector.broadcast %shift_right_logical3A_86 : i32 to vector<16xi32>
      %shift_right_logical3A_88 = arith.shrui %get3A_51, %shift_right_logical3A_87 : vector<16xi32>
      %rev3A_89 = arith.constant 15 : i32
      %rev3A_90 = vector.broadcast %rev3A_89 : i32 to vector<16xi32>
      %rev3A_91 = tpu.iota {dimensions = array<i32: 0>} : vector<16xi32>
      %rev3A_92 = arith.subi %rev3A_90, %rev3A_91 : vector<16xi32>
      %rev3A_93 = tpu.dynamic_gather %shift_right_logical3A_88[%rev3A_92] in [0] : vector<16xi32>, vector<16xi32> -> vector<16xi32>
      %rev3A_94 = arith.constant 15 : i32
      %rev3A_95 = vector.broadcast %rev3A_94 : i32 to vector<16xi32>
      %rev3A_96 = tpu.iota {dimensions = array<i32: 0>} : vector<16xi32>
      %rev3A_97 = arith.subi %rev3A_95, %rev3A_96 : vector<16xi32>
      %rev3A_98 = tpu.dynamic_gather %iota3A[%rev3A_97] in [0] : vector<16xi32>, vector<16xi32> -> vector<16xi32>
      %add3A_99 = arith.constant 32 : i32
      %add3A_100 = vector.broadcast %add3A_99 : i32 to vector<16xi32>
      %add3A_101 = arith.addi %rev3A_98, %add3A_100 : vector<16xi32>
      tpu.vector_store_idx %arg9[%rev3A_93], %add3A_101 : memref<3141xi32, #tpu.memory_space<vmem>>[vector<16xi32>], vector<16xi32>,
      %shift_right_logical3A_102 = arith.constant 5 : i32
      %shift_right_logical3A_103 = vector.broadcast %shift_right_logical3A_102 : i32 to vector<16xi32>
      %shift_right_logical3A_104 = arith.shrui %get3A_47, %shift_right_logical3A_103 : vector<16xi32>
      %rev3A_105 = arith.constant 15 : i32
      %rev3A_106 = vector.broadcast %rev3A_105 : i32 to vector<16xi32>
      %rev3A_107 = tpu.iota {dimensions = array<i32: 0>} : vector<16xi32>
      %rev3A_108 = arith.subi %rev3A_106, %rev3A_107 : vector<16xi32>
      %rev3A_109 = tpu.dynamic_gather %shift_right_logical3A_104[%rev3A_108] in [0] : vector<16xi32>, vector<16xi32> -> vector<16xi32>
      %rev3A_110 = arith.constant 15 : i32
      %rev3A_111 = vector.broadcast %rev3A_110 : i32 to vector<16xi32>
      %rev3A_112 = tpu.iota {dimensions = array<i32: 0>} : vector<16xi32>
      %rev3A_113 = arith.subi %rev3A_111, %rev3A_112 : vector<16xi32>
      %rev3A_114 = tpu.dynamic_gather %iota3A[%rev3A_113] in [0] : vector<16xi32>, vector<16xi32> -> vector<16xi32>
      %add3A_115 = arith.constant 16 : i32
      %add3A_116 = vector.broadcast %add3A_115 : i32 to vector<16xi32>
      %add3A_117 = arith.addi %rev3A_114, %add3A_116 : vector<16xi32>
      tpu.vector_store_idx %arg9[%rev3A_109], %add3A_117 : memref<3141xi32, #tpu.memory_space<vmem>>[vector<16xi32>], vector<16xi32>,
      %shift_right_logical3A_118 = arith.constant 5 : i32
      %shift_right_logical3A_119 = vector.broadcast %shift_right_logical3A_118 : i32 to vector<16xi32>
      %shift_right_logical3A_120 = arith.shrui %get3A_43, %shift_right_logical3A_119 : vector<16xi32>
      %rev3A_121 = arith.constant 15 : i32
      %rev3A_122 = vector.broadcast %rev3A_121 : i32 to vector<16xi32>
      %rev3A_123 = tpu.iota {dimensions = array<i32: 0>} : vector<16xi32>
      %rev3A_124 = arith.subi %rev3A_122, %rev3A_123 : vector<16xi32>
      %rev3A_125 = tpu.dynamic_gather %shift_right_logical3A_120[%rev3A_124] in [0] : vector<16xi32>, vector<16xi32> -> vector<16xi32>
      %rev3A_126 = arith.constant 15 : i32
      %rev3A_127 = vector.broadcast %rev3A_126 : i32 to vector<16xi32>
      %rev3A_128 = tpu.iota {dimensions = array<i32: 0>} : vector<16xi32>
      %rev3A_129 = arith.subi %rev3A_127, %rev3A_128 : vector<16xi32>
      %rev3A_130 = tpu.dynamic_gather %iota3A[%rev3A_129] in [0] : vector<16xi32>, vector<16xi32> -> vector<16xi32>
      %add3A_131 = arith.constant 0 : i32
      %add3A_132 = vector.broadcast %add3A_131 : i32 to vector<16xi32>
      %add3A_133 = arith.addi %rev3A_130, %add3A_132 : vector<16xi32>
      tpu.vector_store_idx %arg9[%rev3A_125], %add3A_133 : memref<3141xi32, #tpu.memory_space<vmem>>[vector<16xi32>], vector<16xi32>,
      %shift_right_logical3A_134 = arith.constant 5 : i32
      %shift_right_logical3A_135 = vector.broadcast %shift_right_logical3A_134 : i32 to vector<16xi32>
      %shift_right_logical3A_136 = arith.shrui %get3A_43, %shift_right_logical3A_135 : vector<16xi32>
      %gather3A = tpu.vector_load_idx %arg9[%shift_right_logical3A_136] : memref<3141xi32, #tpu.memory_space<vmem>>[vector<16xi32>], vector<16xi32>,
      %shift_right_logical3A_137 = arith.constant 5 : i32
      %shift_right_logical3A_138 = vector.broadcast %shift_right_logical3A_137 : i32 to vector<16xi32>
      %shift_right_logical3A_139 = arith.shrui %get3A_47, %shift_right_logical3A_138 : vector<16xi32>
      %gather3A_140 = tpu.vector_load_idx %arg9[%shift_right_logical3A_139] : memref<3141xi32, #tpu.memory_space<vmem>>[vector<16xi32>], vector<16xi32>,
      %shift_right_logical3A_141 = arith.constant 5 : i32
      %shift_right_logical3A_142 = vector.broadcast %shift_right_logical3A_141 : i32 to vector<16xi32>
      %shift_right_logical3A_143 = arith.shrui %get3A_51, %shift_right_logical3A_142 : vector<16xi32>
      %gather3A_144 = tpu.vector_load_idx %arg9[%shift_right_logical3A_143] : memref<3141xi32, #tpu.memory_space<vmem>>[vector<16xi32>], vector<16xi32>,
      %shift_right_logical3A_145 = arith.constant 5 : i32
      %shift_right_logical3A_146 = vector.broadcast %shift_right_logical3A_145 : i32 to vector<16xi32>
      %shift_right_logical3A_147 = arith.shrui %get3A_55, %shift_right_logical3A_146 : vector<16xi32>
      %gather3A_148 = tpu.vector_load_idx %arg9[%shift_right_logical3A_147] : memref<3141xi32, #tpu.memory_space<vmem>>[vector<16xi32>], vector<16xi32>,
      %add3A_149 = arith.constant 0 : i32
      %add3A_150 = vector.broadcast %add3A_149 : i32 to vector<16xi32>
      %add3A_151 = arith.addi %iota3A, %add3A_150 : vector<16xi32>
      %ne3A_152 = arith.cmpi ne, %gather3A, %add3A_151 : vector<16xi32>
      %add3A_153 = vector.broadcast %mul3A_40 : i32 to vector<16xi32>
      %add3A_154 = arith.addi %add3A_153, %add3A_151 : vector<16xi32>
      %lt3A = vector.broadcast %scan3A_5 : i32 to vector<16xi32>
      %lt3A_155 = arith.cmpi slt, %add3A_154, %lt3A : vector<16xi32>
      %and3A_156 = arith.andi %ne3A_152, %lt3A_155 : vector<16xi1>
      %add3A_157 = vector.broadcast %mul3A_40 : i32 to vector<16xi32>
      %add3A_158 = arith.addi %add3A_157, %add3A_151 : vector<16xi32>
      %swap3A = arith.constant 0 : i32
      %swap3A_159 = arith.index_cast %swap3A : i32 to index
      %swap3A_160 = tpu.vector_load %arg16[%swap3A_159] masked %and3A_156 {strides = array<i32>} : memref<80xi32, #tpu.memory_space<vmem>>, vector<16xi32>, vector<16xi1>
      tpu.vector_store %arg16[%swap3A_159], %add3A_158 masked %and3A_156 {strides = array<i32>} : memref<80xi32, #tpu.memory_space<vmem>>, vector<16xi32>, vector<16xi1>
      %all_reduce_population_count3A = tpu.all_reduce %and3A_156 {dim = 0 : i64, kind = #tpu.reduction_kind<sum>} : vector<16xi1> -> vector<16xi32>
      %slice3A = vector.extract_strided_slice %all_reduce_population_count3A {offsets = [0], sizes = [1], strides = [1]} : vector<16xi32> to vector<1xi32>
      %squeeze3A = vector.extract %slice3A[0] : i32 from vector<1xi32>
      %add3A_161 = arith.constant 0 : i32
      %add3A_162 = arith.addi %add3A_161, %squeeze3A : i32
      %add3A_163 = arith.constant 16 : i32
      %add3A_164 = vector.broadcast %add3A_163 : i32 to vector<16xi32>
      %add3A_165 = arith.addi %iota3A, %add3A_164 : vector<16xi32>
      %ne3A_166 = arith.cmpi ne, %gather3A_140, %add3A_165 : vector<16xi32>
      %add3A_167 = vector.broadcast %mul3A_40 : i32 to vector<16xi32>
      %add3A_168 = arith.addi %add3A_167, %add3A_165 : vector<16xi32>
      %lt3A_169 = vector.broadcast %scan3A_5 : i32 to vector<16xi32>
      %lt3A_170 = arith.cmpi slt, %add3A_168, %lt3A_169 : vector<16xi32>
      %and3A_171 = arith.andi %ne3A_166, %lt3A_170 : vector<16xi1>
      %add3A_172 = vector.broadcast %mul3A_40 : i32 to vector<16xi32>
      %add3A_173 = arith.addi %add3A_172, %add3A_165 : vector<16xi32>
      %swap3A_174 = arith.index_cast %add3A_162 : i32 to index
      %swap3A_175 = tpu.vector_load %arg16[%swap3A_174] masked %and3A_171 {strides = array<i32>} : memref<80xi32, #tpu.memory_space<vmem>>, vector<16xi32>, vector<16xi1>
      tpu.vector_store %arg16[%swap3A_174], %add3A_173 masked %and3A_171 {strides = array<i32>} : memref<80xi32, #tpu.memory_space<vmem>>, vector<16xi32>, vector<16xi1>
      %all_reduce_population_count3A_176 = tpu.all_reduce %and3A_171 {dim = 0 : i64, kind = #tpu.reduction_kind<sum>} : vector<16xi1> -> vector<16xi32>
      %slice3A_177 = vector.extract_strided_slice %all_reduce_population_count3A_176 {offsets = [0], sizes = [1], strides = [1]} : vector<16xi32> to vector<1xi32>
      %squeeze3A_178 = vector.extract %slice3A_177[0] : i32 from vector<1xi32>
      %add3A_179 = arith.addi %add3A_162, %squeeze3A_178 : i32
      %add3A_180 = arith.constant 32 : i32
      %add3A_181 = vector.broadcast %add3A_180 : i32 to vector<16xi32>
      %add3A_182 = arith.addi %iota3A, %add3A_181 : vector<16xi32>
      %ne3A_183 = arith.cmpi ne, %gather3A_144, %add3A_182 : vector<16xi32>
      %add3A_184 = vector.broadcast %mul3A_40 : i32 to vector<16xi32>
      %add3A_185 = arith.addi %add3A_184, %add3A_182 : vector<16xi32>
      %lt3A_186 = vector.broadcast %scan3A_5 : i32 to vector<16xi32>
      %lt3A_187 = arith.cmpi slt, %add3A_185, %lt3A_186 : vector<16xi32>
      %and3A_188 = arith.andi %ne3A_183, %lt3A_187 : vector<16xi1>
      %add3A_189 = vector.broadcast %mul3A_40 : i32 to vector<16xi32>
      %add3A_190 = arith.addi %add3A_189, %add3A_182 : vector<16xi32>
      %swap3A_191 = arith.index_cast %add3A_179 : i32 to index
      %swap3A_192 = tpu.vector_load %arg16[%swap3A_191] masked %and3A_188 {strides = array<i32>} : memref<80xi32, #tpu.memory_space<vmem>>, vector<16xi32>, vector<16xi1>
      tpu.vector_store %arg16[%swap3A_191], %add3A_190 masked %and3A_188 {strides = array<i32>} : memref<80xi32, #tpu.memory_space<vmem>>, vector<16xi32>, vector<16xi1>
      %all_reduce_population_count3A_193 = tpu.all_reduce %and3A_188 {dim = 0 : i64, kind = #tpu.reduction_kind<sum>} : vector<16xi1> -> vector<16xi32>
      %slice3A_194 = vector.extract_strided_slice %all_reduce_population_count3A_193 {offsets = [0], sizes = [1], strides = [1]} : vector<16xi32> to vector<1xi32>
      %squeeze3A_195 = vector.extract %slice3A_194[0] : i32 from vector<1xi32>
      %add3A_196 = arith.addi %add3A_179, %squeeze3A_195 : i32
      %add3A_197 = arith.constant 48 : i32
      %add3A_198 = vector.broadcast %add3A_197 : i32 to vector<16xi32>
      %add3A_199 = arith.addi %iota3A, %add3A_198 : vector<16xi32>
      %ne3A_200 = arith.cmpi ne, %gather3A_148, %add3A_199 : vector<16xi32>
      %add3A_201 = vector.broadcast %mul3A_40 : i32 to vector<16xi32>
      %add3A_202 = arith.addi %add3A_201, %add3A_199 : vector<16xi32>
      %lt3A_203 = vector.broadcast %scan3A_5 : i32 to vector<16xi32>
      %lt3A_204 = arith.cmpi slt, %add3A_202, %lt3A_203 : vector<16xi32>
      %and3A_205 = arith.andi %ne3A_200, %lt3A_204 : vector<16xi1>
      %add3A_206 = vector.broadcast %mul3A_40 : i32 to vector<16xi32>
      %add3A_207 = arith.addi %add3A_206, %add3A_199 : vector<16xi32>
      %swap3A_208 = arith.index_cast %add3A_196 : i32 to index
      %swap3A_209 = tpu.vector_load %arg16[%swap3A_208] masked %and3A_205 {strides = array<i32>} : memref<80xi32, #tpu.memory_space<vmem>>, vector<16xi32>, vector<16xi1>
      tpu.vector_store %arg16[%swap3A_208], %add3A_207 masked %and3A_205 {strides = array<i32>} : memref<80xi32, #tpu.memory_space<vmem>>, vector<16xi32>, vector<16xi1>
      %all_reduce_population_count3A_210 = tpu.all_reduce %and3A_205 {dim = 0 : i64, kind = #tpu.reduction_kind<sum>} : vector<16xi1> -> vector<16xi32>
      %slice3A_211 = vector.extract_strided_slice %all_reduce_population_count3A_210 {offsets = [0], sizes = [1], strides = [1]} : vector<16xi32> to vector<1xi32>
      %squeeze3A_212 = vector.extract %slice3A_211[0] : i32 from vector<1xi32>
      %add3A_213 = arith.addi %add3A_196, %squeeze3A_212 : i32
      %dma_start3A = tpu.memref_slice %arg8[%mul3A_40] : memref<16512xi32, #tpu.memory_space<vmem>> -> memref<64xi32, #tpu.memory_space<vmem>>
      %dma_start3A_214 = arith.constant 0 : i32
      %dma_start3A_215 = arith.constant 0 : i32
      %dma_start3A_216 = tpu.memref_slice %arg4[%dma_start3A_214, %dma_start3A_215] : memref<100000x128xf32, #tpu.memory_space<hbm>> -> memref<100000x128xf32, #tpu.memory_space<hbm>>
      tpu.enqueue_indirect_dma source(%dma_start3A_216 : memref<100000x128xf32, #tpu.memory_space<hbm>>) target(%arg10 : memref<64x128xf32, #tpu.memory_space<vmem>>) offsets(%dma_start3A : memref<64xi32, #tpu.memory_space<vmem>>) semaphore(%arg17 : memref<!tpu.dma_semaphore, #tpu.memory_space<semaphore_mem>>)
      %dma_start3A_217 = tpu.memref_slice %arg7[%mul3A_40] : memref<16512xi32, #tpu.memory_space<vmem>> -> memref<64xi32, #tpu.memory_space<vmem>>
      %dma_start3A_218 = arith.constant 0 : i32
      %dma_start3A_219 = arith.constant 0 : i32
      %dma_start3A_220 = tpu.memref_slice %arg2[%dma_start3A_218, %dma_start3A_219] : memref<16384x128xf32, #tpu.memory_space<hbm>> -> memref<16384x128xf32, #tpu.memory_space<hbm>>
      tpu.enqueue_indirect_dma source(%dma_start3A_220 : memref<16384x128xf32, #tpu.memory_space<hbm>>) target(%arg11 : memref<64x128xf32, #tpu.memory_space<vmem>>) offsets(%dma_start3A_217 : memref<64xi32, #tpu.memory_space<vmem>>) semaphore(%arg18 : memref<!tpu.dma_semaphore, #tpu.memory_space<semaphore_mem>>)
      %dma_wait3A = tpu.memref_slice %arg8[%mul3A_40] : memref<16512xi32, #tpu.memory_space<vmem>> -> memref<64xi32, #tpu.memory_space<vmem>>
      %dma_wait3A_221 = arith.constant 0 : i32
      %dma_wait3A_222 = arith.constant 0 : i32
      %dma_wait3A_223 = tpu.memref_slice %arg4[%dma_wait3A_221, %dma_wait3A_222] : memref<100000x128xf32, #tpu.memory_space<hbm>> -> memref<100000x128xf32, #tpu.memory_space<hbm>>
      tpu.wait_indirect_dma semaphore(%arg17 : memref<!tpu.dma_semaphore, #tpu.memory_space<semaphore_mem>>) src(%dma_wait3A_223 : memref<100000x128xf32, #tpu.memory_space<hbm>>) dst(%arg10 : memref<64x128xf32, #tpu.memory_space<vmem>>)
      %dma_wait3A_224 = tpu.memref_slice %arg7[%mul3A_40] : memref<16512xi32, #tpu.memory_space<vmem>> -> memref<64xi32, #tpu.memory_space<vmem>>
      %dma_wait3A_225 = arith.constant 0 : i32
      %dma_wait3A_226 = arith.constant 0 : i32
      %dma_wait3A_227 = tpu.memref_slice %arg2[%dma_wait3A_225, %dma_wait3A_226] : memref<16384x128xf32, #tpu.memory_space<hbm>> -> memref<16384x128xf32, #tpu.memory_space<hbm>>
      tpu.wait_indirect_dma semaphore(%arg18 : memref<!tpu.dma_semaphore, #tpu.memory_space<semaphore_mem>>) src(%dma_wait3A_227 : memref<16384x128xf32, #tpu.memory_space<hbm>>) dst(%arg11 : memref<64x128xf32, #tpu.memory_space<vmem>>)
      %broadcast_in_dim3A = arith.constant 0.000000e+00 : f32
      %broadcast_in_dim3A_228 = vector.broadcast %broadcast_in_dim3A : f32 to vector<16xf32>
      %broadcast_in_dim3A_229 = arith.constant 0.000000e+00 : f32
      %broadcast_in_dim3A_230 = vector.broadcast %broadcast_in_dim3A_229 : f32 to vector<16xf32>
      %broadcast_in_dim3A_231 = arith.constant 0.000000e+00 : f32
      %broadcast_in_dim3A_232 = vector.broadcast %broadcast_in_dim3A_231 : f32 to vector<16xf32>
      %broadcast_in_dim3A_233 = arith.constant 0.000000e+00 : f32
      %broadcast_in_dim3A_234 = vector.broadcast %broadcast_in_dim3A_233 : f32 to vector<16xf32>
      %scan3A_235 = arith.constant 0 : i32
      %scan3A_236 = arith.constant 128 : i32
      %scan3A_237 = arith.addi %scan3A_235, %scan3A_236 : i32
      %scan3A_238 = arith.constant 4 : i32
      %scan3A_239:4 = scf.for %scan3A_483 = %scan3A_235 to %scan3A_237 step %scan3A_238 iter_args(%scan3A_484 = %broadcast_in_dim3A_228, %scan3A_485 = %broadcast_in_dim3A_230, %scan3A_486 = %broadcast_in_dim3A_232, %scan3A_487 = %broadcast_in_dim3A_234) -> (vector<16xf32>, vector<16xf32>, vector<16xf32>, vector<16xf32>)  : i32 {
        %broadcast_in_dim3A_488 = vector.broadcast %scan3A_483 : i32 to vector<16xi32>
        %add3A_489 = arith.constant 0 : i32
        %add3A_490 = vector.broadcast %add3A_489 : i32 to vector<16xi32>
        %add3A_491 = arith.addi %iota3A, %add3A_490 : vector<16xi32>
        %gather3A_492 = tpu.vector_load_idx %arg10[%add3A_491, %broadcast_in_dim3A_488] : memref<64x128xf32, #tpu.memory_space<vmem>>[vector<16xi32>, vector<16xi32>], vector<16xf32>,
        %gather3A_493 = tpu.vector_load_idx %arg11[%add3A_491, %broadcast_in_dim3A_488] : memref<64x128xf32, #tpu.memory_space<vmem>>[vector<16xi32>, vector<16xi32>], vector<16xf32>,
        %add3A_494 = arith.addf %gather3A_492, %gather3A_493 : vector<16xf32>
        %mul3A_495 = arith.constant 5.000000e-01 : f32
        %mul3A_496 = vector.broadcast %mul3A_495 : f32 to vector<16xf32>
        %mul3A_497 = arith.mulf %add3A_494, %mul3A_496 : vector<16xf32>
        %add3A_498 = arith.constant 16 : i32
        %add3A_499 = vector.broadcast %add3A_498 : i32 to vector<16xi32>
        %add3A_500 = arith.addi %iota3A, %add3A_499 : vector<16xi32>
        %gather3A_501 = tpu.vector_load_idx %arg10[%add3A_500, %broadcast_in_dim3A_488] : memref<64x128xf32, #tpu.memory_space<vmem>>[vector<16xi32>, vector<16xi32>], vector<16xf32>,
        %gather3A_502 = tpu.vector_load_idx %arg11[%add3A_500, %broadcast_in_dim3A_488] : memref<64x128xf32, #tpu.memory_space<vmem>>[vector<16xi32>, vector<16xi32>], vector<16xf32>,
        %add3A_503 = arith.addf %gather3A_501, %gather3A_502 : vector<16xf32>
        %mul3A_504 = arith.constant 5.000000e-01 : f32
        %mul3A_505 = vector.broadcast %mul3A_504 : f32 to vector<16xf32>
        %mul3A_506 = arith.mulf %add3A_503, %mul3A_505 : vector<16xf32>
        %add3A_507 = arith.constant 32 : i32
        %add3A_508 = vector.broadcast %add3A_507 : i32 to vector<16xi32>
        %add3A_509 = arith.addi %iota3A, %add3A_508 : vector<16xi32>
        %gather3A_510 = tpu.vector_load_idx %arg10[%add3A_509, %broadcast_in_dim3A_488] : memref<64x128xf32, #tpu.memory_space<vmem>>[vector<16xi32>, vector<16xi32>], vector<16xf32>,
        %gather3A_511 = tpu.vector_load_idx %arg11[%add3A_509, %broadcast_in_dim3A_488] : memref<64x128xf32, #tpu.memory_space<vmem>>[vector<16xi32>, vector<16xi32>], vector<16xf32>,
        %add3A_512 = arith.addf %gather3A_510, %gather3A_511 : vector<16xf32>
        %mul3A_513 = arith.constant 5.000000e-01 : f32
        %mul3A_514 = vector.broadcast %mul3A_513 : f32 to vector<16xf32>
        %mul3A_515 = arith.mulf %add3A_512, %mul3A_514 : vector<16xf32>
        %add3A_516 = arith.constant 48 : i32
        %add3A_517 = vector.broadcast %add3A_516 : i32 to vector<16xi32>
        %add3A_518 = arith.addi %iota3A, %add3A_517 : vector<16xi32>
        %gather3A_519 = tpu.vector_load_idx %arg10[%add3A_518, %broadcast_in_dim3A_488] : memref<64x128xf32, #tpu.memory_space<vmem>>[vector<16xi32>, vector<16xi32>], vector<16xf32>,
        %gather3A_520 = tpu.vector_load_idx %arg11[%add3A_518, %broadcast_in_dim3A_488] : memref<64x128xf32, #tpu.memory_space<vmem>>[vector<16xi32>, vector<16xi32>], vector<16xf32>,
        %add3A_521 = arith.addf %gather3A_519, %gather3A_520 : vector<16xf32>
        %mul3A_522 = arith.constant 5.000000e-01 : f32
        %mul3A_523 = vector.broadcast %mul3A_522 : f32 to vector<16xf32>
        %mul3A_524 = arith.mulf %add3A_521, %mul3A_523 : vector<16xf32>
        %swap3A_525 = arith.constant 0 : index
        %swap3A_526 = tpu.vector_load %arg15[%swap3A_525] {strides = array<i32>} : memref<64xf32, #tpu.memory_space<vmem>>, vector<16xf32>,
        tpu.vector_store %arg15[%swap3A_525], %mul3A_497 {strides = array<i32>} : memref<64xf32, #tpu.memory_space<vmem>>, vector<16xf32>,
        %swap3A_527 = arith.constant 16 : index
        %swap3A_528 = tpu.vector_load %arg15[%swap3A_527] {strides = array<i32>} : memref<64xf32, #tpu.memory_space<vmem>>, vector<16xf32>,
        tpu.vector_store %arg15[%swap3A_527], %mul3A_506 {strides = array<i32>} : memref<64xf32, #tpu.memory_space<vmem>>, vector<16xf32>,
        %swap3A_529 = arith.constant 32 : index
        %swap3A_530 = tpu.vector_load %arg15[%swap3A_529] {strides = array<i32>} : memref<64xf32, #tpu.memory_space<vmem>>, vector<16xf32>,
        tpu.vector_store %arg15[%swap3A_529], %mul3A_515 {strides = array<i32>} : memref<64xf32, #tpu.memory_space<vmem>>, vector<16xf32>,
        %swap3A_531 = arith.constant 48 : index
        %swap3A_532 = tpu.vector_load %arg15[%swap3A_531] {strides = array<i32>} : memref<64xf32, #tpu.memory_space<vmem>>, vector<16xf32>,
        tpu.vector_store %arg15[%swap3A_531], %mul3A_524 {strides = array<i32>} : memref<64xf32, #tpu.memory_space<vmem>>, vector<16xf32>,
        %gather3A_533 = tpu.vector_load_idx %arg15[%gather3A] : memref<64xf32, #tpu.memory_space<vmem>>[vector<16xi32>], vector<16xf32>,
        %add3A_534 = arith.constant 0 : i32
        %add3A_535 = vector.broadcast %add3A_534 : i32 to vector<16xi32>
        %add3A_536 = arith.addi %iota3A, %add3A_535 : vector<16xi32>
        tpu.vector_store_idx %arg12[%add3A_536, %broadcast_in_dim3A_488], %gather3A_533 : memref<64x128xf32, #tpu.memory_space<vmem>>[vector<16xi32>, vector<16xi32>], vector<16xf32>,
        %mul3A_537 = arith.mulf %gather3A_533, %gather3A_533 : vector<16xf32>
        %add3A_538 = arith.addf %scan3A_484, %mul3A_537 : vector<16xf32>
        %gather3A_539 = tpu.vector_load_idx %arg15[%gather3A_140] : memref<64xf32, #tpu.memory_space<vmem>>[vector<16xi32>], vector<16xf32>,
        %add3A_540 = arith.constant 16 : i32
        %add3A_541 = vector.broadcast %add3A_540 : i32 to vector<16xi32>
        %add3A_542 = arith.addi %iota3A, %add3A_541 : vector<16xi32>
        tpu.vector_store_idx %arg12[%add3A_542, %broadcast_in_dim3A_488], %gather3A_539 : memref<64x128xf32, #tpu.memory_space<vmem>>[vector<16xi32>, vector<16xi32>], vector<16xf32>,
        %mul3A_543 = arith.mulf %gather3A_539, %gather3A_539 : vector<16xf32>
        %add3A_544 = arith.addf %scan3A_485, %mul3A_543 : vector<16xf32>
        %gather3A_545 = tpu.vector_load_idx %arg15[%gather3A_144] : memref<64xf32, #tpu.memory_space<vmem>>[vector<16xi32>], vector<16xf32>,
        %add3A_546 = arith.constant 32 : i32
        %add3A_547 = vector.broadcast %add3A_546 : i32 to vector<16xi32>
        %add3A_548 = arith.addi %iota3A, %add3A_547 : vector<16xi32>
        tpu.vector_store_idx %arg12[%add3A_548, %broadcast_in_dim3A_488], %gather3A_545 : memref<64x128xf32, #tpu.memory_space<vmem>>[vector<16xi32>, vector<16xi32>], vector<16xf32>,
        %mul3A_549 = arith.mulf %gather3A_545, %gather3A_545 : vector<16xf32>
        %add3A_550 = arith.addf %scan3A_486, %mul3A_549 : vector<16xf32>
        %gather3A_551 = tpu.vector_load_idx %arg15[%gather3A_148] : memref<64xf32, #tpu.memory_space<vmem>>[vector<16xi32>], vector<16xf32>,
        %add3A_552 = arith.constant 48 : i32
        %add3A_553 = vector.broadcast %add3A_552 : i32 to vector<16xi32>
        %add3A_554 = arith.addi %iota3A, %add3A_553 : vector<16xi32>
        tpu.vector_store_idx %arg12[%add3A_554, %broadcast_in_dim3A_488], %gather3A_551 : memref<64x128xf32, #tpu.memory_space<vmem>>[vector<16xi32>, vector<16xi32>], vector<16xf32>,
        %mul3A_555 = arith.mulf %gather3A_551, %gather3A_551 : vector<16xf32>
        %add3A_556 = arith.addf %scan3A_487, %mul3A_555 : vector<16xf32>
        %scan3A_557 = arith.constant 1 : i32
        %scan3A_558 = arith.addi %scan3A_483, %scan3A_557 : i32
        %broadcast_in_dim3A_559 = vector.broadcast %scan3A_558 : i32 to vector<16xi32>
        %add3A_560 = arith.constant 0 : i32
        %add3A_561 = vector.broadcast %add3A_560 : i32 to vector<16xi32>
        %add3A_562 = arith.addi %iota3A, %add3A_561 : vector<16xi32>
        %gather3A_563 = tpu.vector_load_idx %arg10[%add3A_562, %broadcast_in_dim3A_559] : memref<64x128xf32, #tpu.memory_space<vmem>>[vector<16xi32>, vector<16xi32>], vector<16xf32>,
        %gather3A_564 = tpu.vector_load_idx %arg11[%add3A_562, %broadcast_in_dim3A_559] : memref<64x128xf32, #tpu.memory_space<vmem>>[vector<16xi32>, vector<16xi32>], vector<16xf32>,
        %add3A_565 = arith.addf %gather3A_563, %gather3A_564 : vector<16xf32>
        %mul3A_566 = arith.constant 5.000000e-01 : f32
        %mul3A_567 = vector.broadcast %mul3A_566 : f32 to vector<16xf32>
        %mul3A_568 = arith.mulf %add3A_565, %mul3A_567 : vector<16xf32>
        %add3A_569 = arith.constant 16 : i32
        %add3A_570 = vector.broadcast %add3A_569 : i32 to vector<16xi32>
        %add3A_571 = arith.addi %iota3A, %add3A_570 : vector<16xi32>
        %gather3A_572 = tpu.vector_load_idx %arg10[%add3A_571, %broadcast_in_dim3A_559] : memref<64x128xf32, #tpu.memory_space<vmem>>[vector<16xi32>, vector<16xi32>], vector<16xf32>,
        %gather3A_573 = tpu.vector_load_idx %arg11[%add3A_571, %broadcast_in_dim3A_559] : memref<64x128xf32, #tpu.memory_space<vmem>>[vector<16xi32>, vector<16xi32>], vector<16xf32>,
        %add3A_574 = arith.addf %gather3A_572, %gather3A_573 : vector<16xf32>
        %mul3A_575 = arith.constant 5.000000e-01 : f32
        %mul3A_576 = vector.broadcast %mul3A_575 : f32 to vector<16xf32>
        %mul3A_577 = arith.mulf %add3A_574, %mul3A_576 : vector<16xf32>
        %add3A_578 = arith.constant 32 : i32
        %add3A_579 = vector.broadcast %add3A_578 : i32 to vector<16xi32>
        %add3A_580 = arith.addi %iota3A, %add3A_579 : vector<16xi32>
        %gather3A_581 = tpu.vector_load_idx %arg10[%add3A_580, %broadcast_in_dim3A_559] : memref<64x128xf32, #tpu.memory_space<vmem>>[vector<16xi32>, vector<16xi32>], vector<16xf32>,
        %gather3A_582 = tpu.vector_load_idx %arg11[%add3A_580, %broadcast_in_dim3A_559] : memref<64x128xf32, #tpu.memory_space<vmem>>[vector<16xi32>, vector<16xi32>], vector<16xf32>,
        %add3A_583 = arith.addf %gather3A_581, %gather3A_582 : vector<16xf32>
        %mul3A_584 = arith.constant 5.000000e-01 : f32
        %mul3A_585 = vector.broadcast %mul3A_584 : f32 to vector<16xf32>
        %mul3A_586 = arith.mulf %add3A_583, %mul3A_585 : vector<16xf32>
        %add3A_587 = arith.constant 48 : i32
        %add3A_588 = vector.broadcast %add3A_587 : i32 to vector<16xi32>
        %add3A_589 = arith.addi %iota3A, %add3A_588 : vector<16xi32>
        %gather3A_590 = tpu.vector_load_idx %arg10[%add3A_589, %broadcast_in_dim3A_559] : memref<64x128xf32, #tpu.memory_space<vmem>>[vector<16xi32>, vector<16xi32>], vector<16xf32>,
        %gather3A_591 = tpu.vector_load_idx %arg11[%add3A_589, %broadcast_in_dim3A_559] : memref<64x128xf32, #tpu.memory_space<vmem>>[vector<16xi32>, vector<16xi32>], vector<16xf32>,
        %add3A_592 = arith.addf %gather3A_590, %gather3A_591 : vector<16xf32>
        %mul3A_593 = arith.constant 5.000000e-01 : f32
        %mul3A_594 = vector.broadcast %mul3A_593 : f32 to vector<16xf32>
        %mul3A_595 = arith.mulf %add3A_592, %mul3A_594 : vector<16xf32>
        %swap3A_596 = arith.constant 0 : index
        %swap3A_597 = tpu.vector_load %arg15[%swap3A_596] {strides = array<i32>} : memref<64xf32, #tpu.memory_space<vmem>>, vector<16xf32>,
        tpu.vector_store %arg15[%swap3A_596], %mul3A_568 {strides = array<i32>} : memref<64xf32, #tpu.memory_space<vmem>>, vector<16xf32>,
        %swap3A_598 = arith.constant 16 : index
        %swap3A_599 = tpu.vector_load %arg15[%swap3A_598] {strides = array<i32>} : memref<64xf32, #tpu.memory_space<vmem>>, vector<16xf32>,
        tpu.vector_store %arg15[%swap3A_598], %mul3A_577 {strides = array<i32>} : memref<64xf32, #tpu.memory_space<vmem>>, vector<16xf32>,
        %swap3A_600 = arith.constant 32 : index
        %swap3A_601 = tpu.vector_load %arg15[%swap3A_600] {strides = array<i32>} : memref<64xf32, #tpu.memory_space<vmem>>, vector<16xf32>,
        tpu.vector_store %arg15[%swap3A_600], %mul3A_586 {strides = array<i32>} : memref<64xf32, #tpu.memory_space<vmem>>, vector<16xf32>,
        %swap3A_602 = arith.constant 48 : index
        %swap3A_603 = tpu.vector_load %arg15[%swap3A_602] {strides = array<i32>} : memref<64xf32, #tpu.memory_space<vmem>>, vector<16xf32>,
        tpu.vector_store %arg15[%swap3A_602], %mul3A_595 {strides = array<i32>} : memref<64xf32, #tpu.memory_space<vmem>>, vector<16xf32>,
        %gather3A_604 = tpu.vector_load_idx %arg15[%gather3A] : memref<64xf32, #tpu.memory_space<vmem>>[vector<16xi32>], vector<16xf32>,
        %add3A_605 = arith.constant 0 : i32
        %add3A_606 = vector.broadcast %add3A_605 : i32 to vector<16xi32>
        %add3A_607 = arith.addi %iota3A, %add3A_606 : vector<16xi32>
        tpu.vector_store_idx %arg12[%add3A_607, %broadcast_in_dim3A_559], %gather3A_604 : memref<64x128xf32, #tpu.memory_space<vmem>>[vector<16xi32>, vector<16xi32>], vector<16xf32>,
        %mul3A_608 = arith.mulf %gather3A_604, %gather3A_604 : vector<16xf32>
        %add3A_609 = arith.addf %add3A_538, %mul3A_608 : vector<16xf32>
        %gather3A_610 = tpu.vector_load_idx %arg15[%gather3A_140] : memref<64xf32, #tpu.memory_space<vmem>>[vector<16xi32>], vector<16xf32>,
        %add3A_611 = arith.constant 16 : i32
        %add3A_612 = vector.broadcast %add3A_611 : i32 to vector<16xi32>
        %add3A_613 = arith.addi %iota3A, %add3A_612 : vector<16xi32>
        tpu.vector_store_idx %arg12[%add3A_613, %broadcast_in_dim3A_559], %gather3A_610 : memref<64x128xf32, #tpu.memory_space<vmem>>[vector<16xi32>, vector<16xi32>], vector<16xf32>,
        %mul3A_614 = arith.mulf %gather3A_610, %gather3A_610 : vector<16xf32>
        %add3A_615 = arith.addf %add3A_544, %mul3A_614 : vector<16xf32>
        %gather3A_616 = tpu.vector_load_idx %arg15[%gather3A_144] : memref<64xf32, #tpu.memory_space<vmem>>[vector<16xi32>], vector<16xf32>,
        %add3A_617 = arith.constant 32 : i32
        %add3A_618 = vector.broadcast %add3A_617 : i32 to vector<16xi32>
        %add3A_619 = arith.addi %iota3A, %add3A_618 : vector<16xi32>
        tpu.vector_store_idx %arg12[%add3A_619, %broadcast_in_dim3A_559], %gather3A_616 : memref<64x128xf32, #tpu.memory_space<vmem>>[vector<16xi32>, vector<16xi32>], vector<16xf32>,
        %mul3A_620 = arith.mulf %gather3A_616, %gather3A_616 : vector<16xf32>
        %add3A_621 = arith.addf %add3A_550, %mul3A_620 : vector<16xf32>
        %gather3A_622 = tpu.vector_load_idx %arg15[%gather3A_148] : memref<64xf32, #tpu.memory_space<vmem>>[vector<16xi32>], vector<16xf32>,
        %add3A_623 = arith.constant 48 : i32
        %add3A_624 = vector.broadcast %add3A_623 : i32 to vector<16xi32>
        %add3A_625 = arith.addi %iota3A, %add3A_624 : vector<16xi32>
        tpu.vector_store_idx %arg12[%add3A_625, %broadcast_in_dim3A_559], %gather3A_622 : memref<64x128xf32, #tpu.memory_space<vmem>>[vector<16xi32>, vector<16xi32>], vector<16xf32>,
        %mul3A_626 = arith.mulf %gather3A_622, %gather3A_622 : vector<16xf32>
        %add3A_627 = arith.addf %add3A_556, %mul3A_626 : vector<16xf32>
        %scan3A_628 = arith.constant 2 : i32
        %scan3A_629 = arith.addi %scan3A_483, %scan3A_628 : i32
        %broadcast_in_dim3A_630 = vector.broadcast %scan3A_629 : i32 to vector<16xi32>
        %add3A_631 = arith.constant 0 : i32
        %add3A_632 = vector.broadcast %add3A_631 : i32 to vector<16xi32>
        %add3A_633 = arith.addi %iota3A, %add3A_632 : vector<16xi32>
        %gather3A_634 = tpu.vector_load_idx %arg10[%add3A_633, %broadcast_in_dim3A_630] : memref<64x128xf32, #tpu.memory_space<vmem>>[vector<16xi32>, vector<16xi32>], vector<16xf32>,
        %gather3A_635 = tpu.vector_load_idx %arg11[%add3A_633, %broadcast_in_dim3A_630] : memref<64x128xf32, #tpu.memory_space<vmem>>[vector<16xi32>, vector<16xi32>], vector<16xf32>,
        %add3A_636 = arith.addf %gather3A_634, %gather3A_635 : vector<16xf32>
        %mul3A_637 = arith.constant 5.000000e-01 : f32
        %mul3A_638 = vector.broadcast %mul3A_637 : f32 to vector<16xf32>
        %mul3A_639 = arith.mulf %add3A_636, %mul3A_638 : vector<16xf32>
        %add3A_640 = arith.constant 16 : i32
        %add3A_641 = vector.broadcast %add3A_640 : i32 to vector<16xi32>
        %add3A_642 = arith.addi %iota3A, %add3A_641 : vector<16xi32>
        %gather3A_643 = tpu.vector_load_idx %arg10[%add3A_642, %broadcast_in_dim3A_630] : memref<64x128xf32, #tpu.memory_space<vmem>>[vector<16xi32>, vector<16xi32>], vector<16xf32>,
        %gather3A_644 = tpu.vector_load_idx %arg11[%add3A_642, %broadcast_in_dim3A_630] : memref<64x128xf32, #tpu.memory_space<vmem>>[vector<16xi32>, vector<16xi32>], vector<16xf32>,
        %add3A_645 = arith.addf %gather3A_643, %gather3A_644 : vector<16xf32>
        %mul3A_646 = arith.constant 5.000000e-01 : f32
        %mul3A_647 = vector.broadcast %mul3A_646 : f32 to vector<16xf32>
        %mul3A_648 = arith.mulf %add3A_645, %mul3A_647 : vector<16xf32>
        %add3A_649 = arith.constant 32 : i32
        %add3A_650 = vector.broadcast %add3A_649 : i32 to vector<16xi32>
        %add3A_651 = arith.addi %iota3A, %add3A_650 : vector<16xi32>
        %gather3A_652 = tpu.vector_load_idx %arg10[%add3A_651, %broadcast_in_dim3A_630] : memref<64x128xf32, #tpu.memory_space<vmem>>[vector<16xi32>, vector<16xi32>], vector<16xf32>,
        %gather3A_653 = tpu.vector_load_idx %arg11[%add3A_651, %broadcast_in_dim3A_630] : memref<64x128xf32, #tpu.memory_space<vmem>>[vector<16xi32>, vector<16xi32>], vector<16xf32>,
        %add3A_654 = arith.addf %gather3A_652, %gather3A_653 : vector<16xf32>
        %mul3A_655 = arith.constant 5.000000e-01 : f32
        %mul3A_656 = vector.broadcast %mul3A_655 : f32 to vector<16xf32>
        %mul3A_657 = arith.mulf %add3A_654, %mul3A_656 : vector<16xf32>
        %add3A_658 = arith.constant 48 : i32
        %add3A_659 = vector.broadcast %add3A_658 : i32 to vector<16xi32>
        %add3A_660 = arith.addi %iota3A, %add3A_659 : vector<16xi32>
        %gather3A_661 = tpu.vector_load_idx %arg10[%add3A_660, %broadcast_in_dim3A_630] : memref<64x128xf32, #tpu.memory_space<vmem>>[vector<16xi32>, vector<16xi32>], vector<16xf32>,
        %gather3A_662 = tpu.vector_load_idx %arg11[%add3A_660, %broadcast_in_dim3A_630] : memref<64x128xf32, #tpu.memory_space<vmem>>[vector<16xi32>, vector<16xi32>], vector<16xf32>,
        %add3A_663 = arith.addf %gather3A_661, %gather3A_662 : vector<16xf32>
        %mul3A_664 = arith.constant 5.000000e-01 : f32
        %mul3A_665 = vector.broadcast %mul3A_664 : f32 to vector<16xf32>
        %mul3A_666 = arith.mulf %add3A_663, %mul3A_665 : vector<16xf32>
        %swap3A_667 = arith.constant 0 : index
        %swap3A_668 = tpu.vector_load %arg15[%swap3A_667] {strides = array<i32>} : memref<64xf32, #tpu.memory_space<vmem>>, vector<16xf32>,
        tpu.vector_store %arg15[%swap3A_667], %mul3A_639 {strides = array<i32>} : memref<64xf32, #tpu.memory_space<vmem>>, vector<16xf32>,
        %swap3A_669 = arith.constant 16 : index
        %swap3A_670 = tpu.vector_load %arg15[%swap3A_669] {strides = array<i32>} : memref<64xf32, #tpu.memory_space<vmem>>, vector<16xf32>,
        tpu.vector_store %arg15[%swap3A_669], %mul3A_648 {strides = array<i32>} : memref<64xf32, #tpu.memory_space<vmem>>, vector<16xf32>,
        %swap3A_671 = arith.constant 32 : index
        %swap3A_672 = tpu.vector_load %arg15[%swap3A_671] {strides = array<i32>} : memref<64xf32, #tpu.memory_space<vmem>>, vector<16xf32>,
        tpu.vector_store %arg15[%swap3A_671], %mul3A_657 {strides = array<i32>} : memref<64xf32, #tpu.memory_space<vmem>>, vector<16xf32>,
        %swap3A_673 = arith.constant 48 : index
        %swap3A_674 = tpu.vector_load %arg15[%swap3A_673] {strides = array<i32>} : memref<64xf32, #tpu.memory_space<vmem>>, vector<16xf32>,
        tpu.vector_store %arg15[%swap3A_673], %mul3A_666 {strides = array<i32>} : memref<64xf32, #tpu.memory_space<vmem>>, vector<16xf32>,
        %gather3A_675 = tpu.vector_load_idx %arg15[%gather3A] : memref<64xf32, #tpu.memory_space<vmem>>[vector<16xi32>], vector<16xf32>,
        %add3A_676 = arith.constant 0 : i32
        %add3A_677 = vector.broadcast %add3A_676 : i32 to vector<16xi32>
        %add3A_678 = arith.addi %iota3A, %add3A_677 : vector<16xi32>
        tpu.vector_store_idx %arg12[%add3A_678, %broadcast_in_dim3A_630], %gather3A_675 : memref<64x128xf32, #tpu.memory_space<vmem>>[vector<16xi32>, vector<16xi32>], vector<16xf32>,
        %mul3A_679 = arith.mulf %gather3A_675, %gather3A_675 : vector<16xf32>
        %add3A_680 = arith.addf %add3A_609, %mul3A_679 : vector<16xf32>
        %gather3A_681 = tpu.vector_load_idx %arg15[%gather3A_140] : memref<64xf32, #tpu.memory_space<vmem>>[vector<16xi32>], vector<16xf32>,
        %add3A_682 = arith.constant 16 : i32
        %add3A_683 = vector.broadcast %add3A_682 : i32 to vector<16xi32>
        %add3A_684 = arith.addi %iota3A, %add3A_683 : vector<16xi32>
        tpu.vector_store_idx %arg12[%add3A_684, %broadcast_in_dim3A_630], %gather3A_681 : memref<64x128xf32, #tpu.memory_space<vmem>>[vector<16xi32>, vector<16xi32>], vector<16xf32>,
        %mul3A_685 = arith.mulf %gather3A_681, %gather3A_681 : vector<16xf32>
        %add3A_686 = arith.addf %add3A_615, %mul3A_685 : vector<16xf32>
        %gather3A_687 = tpu.vector_load_idx %arg15[%gather3A_144] : memref<64xf32, #tpu.memory_space<vmem>>[vector<16xi32>], vector<16xf32>,
        %add3A_688 = arith.constant 32 : i32
        %add3A_689 = vector.broadcast %add3A_688 : i32 to vector<16xi32>
        %add3A_690 = arith.addi %iota3A, %add3A_689 : vector<16xi32>
        tpu.vector_store_idx %arg12[%add3A_690, %broadcast_in_dim3A_630], %gather3A_687 : memref<64x128xf32, #tpu.memory_space<vmem>>[vector<16xi32>, vector<16xi32>], vector<16xf32>,
        %mul3A_691 = arith.mulf %gather3A_687, %gather3A_687 : vector<16xf32>
        %add3A_692 = arith.addf %add3A_621, %mul3A_691 : vector<16xf32>
        %gather3A_693 = tpu.vector_load_idx %arg15[%gather3A_148] : memref<64xf32, #tpu.memory_space<vmem>>[vector<16xi32>], vector<16xf32>,
        %add3A_694 = arith.constant 48 : i32
        %add3A_695 = vector.broadcast %add3A_694 : i32 to vector<16xi32>
        %add3A_696 = arith.addi %iota3A, %add3A_695 : vector<16xi32>
        tpu.vector_store_idx %arg12[%add3A_696, %broadcast_in_dim3A_630], %gather3A_693 : memref<64x128xf32, #tpu.memory_space<vmem>>[vector<16xi32>, vector<16xi32>], vector<16xf32>,
        %mul3A_697 = arith.mulf %gather3A_693, %gather3A_693 : vector<16xf32>
        %add3A_698 = arith.addf %add3A_627, %mul3A_697 : vector<16xf32>
        %scan3A_699 = arith.constant 3 : i32
        %scan3A_700 = arith.addi %scan3A_483, %scan3A_699 : i32
        %broadcast_in_dim3A_701 = vector.broadcast %scan3A_700 : i32 to vector<16xi32>
        %add3A_702 = arith.constant 0 : i32
        %add3A_703 = vector.broadcast %add3A_702 : i32 to vector<16xi32>
        %add3A_704 = arith.addi %iota3A, %add3A_703 : vector<16xi32>
        %gather3A_705 = tpu.vector_load_idx %arg10[%add3A_704, %broadcast_in_dim3A_701] : memref<64x128xf32, #tpu.memory_space<vmem>>[vector<16xi32>, vector<16xi32>], vector<16xf32>,
        %gather3A_706 = tpu.vector_load_idx %arg11[%add3A_704, %broadcast_in_dim3A_701] : memref<64x128xf32, #tpu.memory_space<vmem>>[vector<16xi32>, vector<16xi32>], vector<16xf32>,
        %add3A_707 = arith.addf %gather3A_705, %gather3A_706 : vector<16xf32>
        %mul3A_708 = arith.constant 5.000000e-01 : f32
        %mul3A_709 = vector.broadcast %mul3A_708 : f32 to vector<16xf32>
        %mul3A_710 = arith.mulf %add3A_707, %mul3A_709 : vector<16xf32>
        %add3A_711 = arith.constant 16 : i32
        %add3A_712 = vector.broadcast %add3A_711 : i32 to vector<16xi32>
        %add3A_713 = arith.addi %iota3A, %add3A_712 : vector<16xi32>
        %gather3A_714 = tpu.vector_load_idx %arg10[%add3A_713, %broadcast_in_dim3A_701] : memref<64x128xf32, #tpu.memory_space<vmem>>[vector<16xi32>, vector<16xi32>], vector<16xf32>,
        %gather3A_715 = tpu.vector_load_idx %arg11[%add3A_713, %broadcast_in_dim3A_701] : memref<64x128xf32, #tpu.memory_space<vmem>>[vector<16xi32>, vector<16xi32>], vector<16xf32>,
        %add3A_716 = arith.addf %gather3A_714, %gather3A_715 : vector<16xf32>
        %mul3A_717 = arith.constant 5.000000e-01 : f32
        %mul3A_718 = vector.broadcast %mul3A_717 : f32 to vector<16xf32>
        %mul3A_719 = arith.mulf %add3A_716, %mul3A_718 : vector<16xf32>
        %add3A_720 = arith.constant 32 : i32
        %add3A_721 = vector.broadcast %add3A_720 : i32 to vector<16xi32>
        %add3A_722 = arith.addi %iota3A, %add3A_721 : vector<16xi32>
        %gather3A_723 = tpu.vector_load_idx %arg10[%add3A_722, %broadcast_in_dim3A_701] : memref<64x128xf32, #tpu.memory_space<vmem>>[vector<16xi32>, vector<16xi32>], vector<16xf32>,
        %gather3A_724 = tpu.vector_load_idx %arg11[%add3A_722, %broadcast_in_dim3A_701] : memref<64x128xf32, #tpu.memory_space<vmem>>[vector<16xi32>, vector<16xi32>], vector<16xf32>,
        %add3A_725 = arith.addf %gather3A_723, %gather3A_724 : vector<16xf32>
        %mul3A_726 = arith.constant 5.000000e-01 : f32
        %mul3A_727 = vector.broadcast %mul3A_726 : f32 to vector<16xf32>
        %mul3A_728 = arith.mulf %add3A_725, %mul3A_727 : vector<16xf32>
        %add3A_729 = arith.constant 48 : i32
        %add3A_730 = vector.broadcast %add3A_729 : i32 to vector<16xi32>
        %add3A_731 = arith.addi %iota3A, %add3A_730 : vector<16xi32>
        %gather3A_732 = tpu.vector_load_idx %arg10[%add3A_731, %broadcast_in_dim3A_701] : memref<64x128xf32, #tpu.memory_space<vmem>>[vector<16xi32>, vector<16xi32>], vector<16xf32>,
        %gather3A_733 = tpu.vector_load_idx %arg11[%add3A_731, %broadcast_in_dim3A_701] : memref<64x128xf32, #tpu.memory_space<vmem>>[vector<16xi32>, vector<16xi32>], vector<16xf32>,
        %add3A_734 = arith.addf %gather3A_732, %gather3A_733 : vector<16xf32>
        %mul3A_735 = arith.constant 5.000000e-01 : f32
        %mul3A_736 = vector.broadcast %mul3A_735 : f32 to vector<16xf32>
        %mul3A_737 = arith.mulf %add3A_734, %mul3A_736 : vector<16xf32>
        %swap3A_738 = arith.constant 0 : index
        %swap3A_739 = tpu.vector_load %arg15[%swap3A_738] {strides = array<i32>} : memref<64xf32, #tpu.memory_space<vmem>>, vector<16xf32>,
        tpu.vector_store %arg15[%swap3A_738], %mul3A_710 {strides = array<i32>} : memref<64xf32, #tpu.memory_space<vmem>>, vector<16xf32>,
        %swap3A_740 = arith.constant 16 : index
        %swap3A_741 = tpu.vector_load %arg15[%swap3A_740] {strides = array<i32>} : memref<64xf32, #tpu.memory_space<vmem>>, vector<16xf32>,
        tpu.vector_store %arg15[%swap3A_740], %mul3A_719 {strides = array<i32>} : memref<64xf32, #tpu.memory_space<vmem>>, vector<16xf32>,
        %swap3A_742 = arith.constant 32 : index
        %swap3A_743 = tpu.vector_load %arg15[%swap3A_742] {strides = array<i32>} : memref<64xf32, #tpu.memory_space<vmem>>, vector<16xf32>,
        tpu.vector_store %arg15[%swap3A_742], %mul3A_728 {strides = array<i32>} : memref<64xf32, #tpu.memory_space<vmem>>, vector<16xf32>,
        %swap3A_744 = arith.constant 48 : index
        %swap3A_745 = tpu.vector_load %arg15[%swap3A_744] {strides = array<i32>} : memref<64xf32, #tpu.memory_space<vmem>>, vector<16xf32>,
        tpu.vector_store %arg15[%swap3A_744], %mul3A_737 {strides = array<i32>} : memref<64xf32, #tpu.memory_space<vmem>>, vector<16xf32>,
        %gather3A_746 = tpu.vector_load_idx %arg15[%gather3A] : memref<64xf32, #tpu.memory_space<vmem>>[vector<16xi32>], vector<16xf32>,
        %add3A_747 = arith.constant 0 : i32
        %add3A_748 = vector.broadcast %add3A_747 : i32 to vector<16xi32>
        %add3A_749 = arith.addi %iota3A, %add3A_748 : vector<16xi32>
        tpu.vector_store_idx %arg12[%add3A_749, %broadcast_in_dim3A_701], %gather3A_746 : memref<64x128xf32, #tpu.memory_space<vmem>>[vector<16xi32>, vector<16xi32>], vector<16xf32>,
        %mul3A_750 = arith.mulf %gather3A_746, %gather3A_746 : vector<16xf32>
        %add3A_751 = arith.addf %add3A_680, %mul3A_750 : vector<16xf32>
        %gather3A_752 = tpu.vector_load_idx %arg15[%gather3A_140] : memref<64xf32, #tpu.memory_space<vmem>>[vector<16xi32>], vector<16xf32>,
        %add3A_753 = arith.constant 16 : i32
        %add3A_754 = vector.broadcast %add3A_753 : i32 to vector<16xi32>
        %add3A_755 = arith.addi %iota3A, %add3A_754 : vector<16xi32>
        tpu.vector_store_idx %arg12[%add3A_755, %broadcast_in_dim3A_701], %gather3A_752 : memref<64x128xf32, #tpu.memory_space<vmem>>[vector<16xi32>, vector<16xi32>], vector<16xf32>,
        %mul3A_756 = arith.mulf %gather3A_752, %gather3A_752 : vector<16xf32>
        %add3A_757 = arith.addf %add3A_686, %mul3A_756 : vector<16xf32>
        %gather3A_758 = tpu.vector_load_idx %arg15[%gather3A_144] : memref<64xf32, #tpu.memory_space<vmem>>[vector<16xi32>], vector<16xf32>,
        %add3A_759 = arith.constant 32 : i32
        %add3A_760 = vector.broadcast %add3A_759 : i32 to vector<16xi32>
        %add3A_761 = arith.addi %iota3A, %add3A_760 : vector<16xi32>
        tpu.vector_store_idx %arg12[%add3A_761, %broadcast_in_dim3A_701], %gather3A_758 : memref<64x128xf32, #tpu.memory_space<vmem>>[vector<16xi32>, vector<16xi32>], vector<16xf32>,
        %mul3A_762 = arith.mulf %gather3A_758, %gather3A_758 : vector<16xf32>
        %add3A_763 = arith.addf %add3A_692, %mul3A_762 : vector<16xf32>
        %gather3A_764 = tpu.vector_load_idx %arg15[%gather3A_148] : memref<64xf32, #tpu.memory_space<vmem>>[vector<16xi32>], vector<16xf32>,
        %add3A_765 = arith.constant 48 : i32
        %add3A_766 = vector.broadcast %add3A_765 : i32 to vector<16xi32>
        %add3A_767 = arith.addi %iota3A, %add3A_766 : vector<16xi32>
        tpu.vector_store_idx %arg12[%add3A_767, %broadcast_in_dim3A_701], %gather3A_764 : memref<64x128xf32, #tpu.memory_space<vmem>>[vector<16xi32>, vector<16xi32>], vector<16xf32>,
        %mul3A_768 = arith.mulf %gather3A_764, %gather3A_764 : vector<16xf32>
        %add3A_769 = arith.addf %add3A_698, %mul3A_768 : vector<16xf32>
        scf.yield %add3A_751, %add3A_757, %add3A_763, %add3A_769 : vector<16xf32>, vector<16xf32>, vector<16xf32>, vector<16xf32>
      }
      %scan3A_240 = arith.constant 128 : i32
      %max3A = arith.constant 1.000000e-30 : f32
      %max3A_241 = vector.broadcast %max3A : f32 to vector<16xf32>
      %max3A_242 = arith.maximumf %scan3A_239#0, %max3A_241 : vector<16xf32>
      %bitcast3A = vector.bitcast %max3A_242 : vector<16xf32> to vector<16xi32>
      %shift_right_logical3A_243 = arith.constant 1 : i32
      %shift_right_logical3A_244 = vector.broadcast %shift_right_logical3A_243 : i32 to vector<16xi32>
      %shift_right_logical3A_245 = arith.shrui %bitcast3A, %shift_right_logical3A_244 : vector<16xi32>
      %sub3A_246 = arith.constant 1597463007 : i32
      %sub3A_247 = vector.broadcast %sub3A_246 : i32 to vector<16xi32>
      %sub3A_248 = arith.subi %sub3A_247, %shift_right_logical3A_245 : vector<16xi32>
      %bitcast3A_249 = vector.bitcast %sub3A_248 : vector<16xi32> to vector<16xf32>
      %mul3A_250 = arith.constant 5.000000e-01 : f32
      %mul3A_251 = vector.broadcast %mul3A_250 : f32 to vector<16xf32>
      %mul3A_252 = arith.mulf %mul3A_251, %max3A_242 : vector<16xf32>
      %mul3A_253 = arith.mulf %mul3A_252, %bitcast3A_249 : vector<16xf32>
      %mul3A_254 = arith.mulf %mul3A_253, %bitcast3A_249 : vector<16xf32>
      %sub3A_255 = arith.constant 1.500000e+00 : f32
      %sub3A_256 = vector.broadcast %sub3A_255 : f32 to vector<16xf32>
      %sub3A_257 = arith.subf %sub3A_256, %mul3A_254 : vector<16xf32>
      %mul3A_258 = arith.mulf %bitcast3A_249, %sub3A_257 : vector<16xf32>
      %mul3A_259 = arith.constant 5.000000e-01 : f32
      %mul3A_260 = vector.broadcast %mul3A_259 : f32 to vector<16xf32>
      %mul3A_261 = arith.mulf %mul3A_260, %max3A_242 : vector<16xf32>
      %mul3A_262 = arith.mulf %mul3A_261, %mul3A_258 : vector<16xf32>
      %mul3A_263 = arith.mulf %mul3A_262, %mul3A_258 : vector<16xf32>
      %sub3A_264 = arith.constant 1.500000e+00 : f32
      %sub3A_265 = vector.broadcast %sub3A_264 : f32 to vector<16xf32>
      %sub3A_266 = arith.subf %sub3A_265, %mul3A_263 : vector<16xf32>
      %mul3A_267 = arith.mulf %mul3A_258, %sub3A_266 : vector<16xf32>
      %mul3A_268 = arith.constant 5.000000e-01 : f32
      %mul3A_269 = vector.broadcast %mul3A_268 : f32 to vector<16xf32>
      %mul3A_270 = arith.mulf %mul3A_269, %max3A_242 : vector<16xf32>
      %mul3A_271 = arith.mulf %mul3A_270, %mul3A_267 : vector<16xf32>
      %mul3A_272 = arith.mulf %mul3A_271, %mul3A_267 : vector<16xf32>
      %sub3A_273 = arith.constant 1.500000e+00 : f32
      %sub3A_274 = vector.broadcast %sub3A_273 : f32 to vector<16xf32>
      %sub3A_275 = arith.subf %sub3A_274, %mul3A_272 : vector<16xf32>
      %mul3A_276 = arith.mulf %mul3A_267, %sub3A_275 : vector<16xf32>
      %mul3A_277 = arith.mulf %max3A_242, %mul3A_276 : vector<16xf32>
      %max3A_278 = arith.constant 9.99999996E-13 : f32
      %max3A_279 = vector.broadcast %max3A_278 : f32 to vector<16xf32>
      %max3A_280 = arith.maximumf %mul3A_277, %max3A_279 : vector<16xf32>
      %div3A_281 = arith.constant 1.000000e+00 : f32
      %div3A_282 = vector.broadcast %div3A_281 : f32 to vector<16xf32>
      %div3A_283 = arith.divf %div3A_282, %max3A_280 : vector<16xf32>
      %max3A_284 = arith.constant 1.000000e-30 : f32
      %max3A_285 = vector.broadcast %max3A_284 : f32 to vector<16xf32>
      %max3A_286 = arith.maximumf %scan3A_239#1, %max3A_285 : vector<16xf32>
      %bitcast3A_287 = vector.bitcast %max3A_286 : vector<16xf32> to vector<16xi32>
      %shift_right_logical3A_288 = arith.constant 1 : i32
      %shift_right_logical3A_289 = vector.broadcast %shift_right_logical3A_288 : i32 to vector<16xi32>
      %shift_right_logical3A_290 = arith.shrui %bitcast3A_287, %shift_right_logical3A_289 : vector<16xi32>
      %sub3A_291 = arith.constant 1597463007 : i32
      %sub3A_292 = vector.broadcast %sub3A_291 : i32 to vector<16xi32>
      %sub3A_293 = arith.subi %sub3A_292, %shift_right_logical3A_290 : vector<16xi32>
      %bitcast3A_294 = vector.bitcast %sub3A_293 : vector<16xi32> to vector<16xf32>
      %mul3A_295 = arith.constant 5.000000e-01 : f32
      %mul3A_296 = vector.broadcast %mul3A_295 : f32 to vector<16xf32>
      %mul3A_297 = arith.mulf %mul3A_296, %max3A_286 : vector<16xf32>
      %mul3A_298 = arith.mulf %mul3A_297, %bitcast3A_294 : vector<16xf32>
      %mul3A_299 = arith.mulf %mul3A_298, %bitcast3A_294 : vector<16xf32>
      %sub3A_300 = arith.constant 1.500000e+00 : f32
      %sub3A_301 = vector.broadcast %sub3A_300 : f32 to vector<16xf32>
      %sub3A_302 = arith.subf %sub3A_301, %mul3A_299 : vector<16xf32>
      %mul3A_303 = arith.mulf %bitcast3A_294, %sub3A_302 : vector<16xf32>
      %mul3A_304 = arith.constant 5.000000e-01 : f32
      %mul3A_305 = vector.broadcast %mul3A_304 : f32 to vector<16xf32>
      %mul3A_306 = arith.mulf %mul3A_305, %max3A_286 : vector<16xf32>
      %mul3A_307 = arith.mulf %mul3A_306, %mul3A_303 : vector<16xf32>
      %mul3A_308 = arith.mulf %mul3A_307, %mul3A_303 : vector<16xf32>
      %sub3A_309 = arith.constant 1.500000e+00 : f32
      %sub3A_310 = vector.broadcast %sub3A_309 : f32 to vector<16xf32>
      %sub3A_311 = arith.subf %sub3A_310, %mul3A_308 : vector<16xf32>
      %mul3A_312 = arith.mulf %mul3A_303, %sub3A_311 : vector<16xf32>
      %mul3A_313 = arith.constant 5.000000e-01 : f32
      %mul3A_314 = vector.broadcast %mul3A_313 : f32 to vector<16xf32>
      %mul3A_315 = arith.mulf %mul3A_314, %max3A_286 : vector<16xf32>
      %mul3A_316 = arith.mulf %mul3A_315, %mul3A_312 : vector<16xf32>
      %mul3A_317 = arith.mulf %mul3A_316, %mul3A_312 : vector<16xf32>
      %sub3A_318 = arith.constant 1.500000e+00 : f32
      %sub3A_319 = vector.broadcast %sub3A_318 : f32 to vector<16xf32>
      %sub3A_320 = arith.subf %sub3A_319, %mul3A_317 : vector<16xf32>
      %mul3A_321 = arith.mulf %mul3A_312, %sub3A_320 : vector<16xf32>
      %mul3A_322 = arith.mulf %max3A_286, %mul3A_321 : vector<16xf32>
      %max3A_323 = arith.constant 9.99999996E-13 : f32
      %max3A_324 = vector.broadcast %max3A_323 : f32 to vector<16xf32>
      %max3A_325 = arith.maximumf %mul3A_322, %max3A_324 : vector<16xf32>
      %div3A_326 = arith.constant 1.000000e+00 : f32
      %div3A_327 = vector.broadcast %div3A_326 : f32 to vector<16xf32>
      %div3A_328 = arith.divf %div3A_327, %max3A_325 : vector<16xf32>
      %max3A_329 = arith.constant 1.000000e-30 : f32
      %max3A_330 = vector.broadcast %max3A_329 : f32 to vector<16xf32>
      %max3A_331 = arith.maximumf %scan3A_239#2, %max3A_330 : vector<16xf32>
      %bitcast3A_332 = vector.bitcast %max3A_331 : vector<16xf32> to vector<16xi32>
      %shift_right_logical3A_333 = arith.constant 1 : i32
      %shift_right_logical3A_334 = vector.broadcast %shift_right_logical3A_333 : i32 to vector<16xi32>
      %shift_right_logical3A_335 = arith.shrui %bitcast3A_332, %shift_right_logical3A_334 : vector<16xi32>
      %sub3A_336 = arith.constant 1597463007 : i32
      %sub3A_337 = vector.broadcast %sub3A_336 : i32 to vector<16xi32>
      %sub3A_338 = arith.subi %sub3A_337, %shift_right_logical3A_335 : vector<16xi32>
      %bitcast3A_339 = vector.bitcast %sub3A_338 : vector<16xi32> to vector<16xf32>
      %mul3A_340 = arith.constant 5.000000e-01 : f32
      %mul3A_341 = vector.broadcast %mul3A_340 : f32 to vector<16xf32>
      %mul3A_342 = arith.mulf %mul3A_341, %max3A_331 : vector<16xf32>
      %mul3A_343 = arith.mulf %mul3A_342, %bitcast3A_339 : vector<16xf32>
      %mul3A_344 = arith.mulf %mul3A_343, %bitcast3A_339 : vector<16xf32>
      %sub3A_345 = arith.constant 1.500000e+00 : f32
      %sub3A_346 = vector.broadcast %sub3A_345 : f32 to vector<16xf32>
      %sub3A_347 = arith.subf %sub3A_346, %mul3A_344 : vector<16xf32>
      %mul3A_348 = arith.mulf %bitcast3A_339, %sub3A_347 : vector<16xf32>
      %mul3A_349 = arith.constant 5.000000e-01 : f32
      %mul3A_350 = vector.broadcast %mul3A_349 : f32 to vector<16xf32>
      %mul3A_351 = arith.mulf %mul3A_350, %max3A_331 : vector<16xf32>
      %mul3A_352 = arith.mulf %mul3A_351, %mul3A_348 : vector<16xf32>
      %mul3A_353 = arith.mulf %mul3A_352, %mul3A_348 : vector<16xf32>
      %sub3A_354 = arith.constant 1.500000e+00 : f32
      %sub3A_355 = vector.broadcast %sub3A_354 : f32 to vector<16xf32>
      %sub3A_356 = arith.subf %sub3A_355, %mul3A_353 : vector<16xf32>
      %mul3A_357 = arith.mulf %mul3A_348, %sub3A_356 : vector<16xf32>
      %mul3A_358 = arith.constant 5.000000e-01 : f32
      %mul3A_359 = vector.broadcast %mul3A_358 : f32 to vector<16xf32>
      %mul3A_360 = arith.mulf %mul3A_359, %max3A_331 : vector<16xf32>
      %mul3A_361 = arith.mulf %mul3A_360, %mul3A_357 : vector<16xf32>
      %mul3A_362 = arith.mulf %mul3A_361, %mul3A_357 : vector<16xf32>
      %sub3A_363 = arith.constant 1.500000e+00 : f32
      %sub3A_364 = vector.broadcast %sub3A_363 : f32 to vector<16xf32>
      %sub3A_365 = arith.subf %sub3A_364, %mul3A_362 : vector<16xf32>
      %mul3A_366 = arith.mulf %mul3A_357, %sub3A_365 : vector<16xf32>
      %mul3A_367 = arith.mulf %max3A_331, %mul3A_366 : vector<16xf32>
      %max3A_368 = arith.constant 9.99999996E-13 : f32
      %max3A_369 = vector.broadcast %max3A_368 : f32 to vector<16xf32>
      %max3A_370 = arith.maximumf %mul3A_367, %max3A_369 : vector<16xf32>
      %div3A_371 = arith.constant 1.000000e+00 : f32
      %div3A_372 = vector.broadcast %div3A_371 : f32 to vector<16xf32>
      %div3A_373 = arith.divf %div3A_372, %max3A_370 : vector<16xf32>
      %max3A_374 = arith.constant 1.000000e-30 : f32
      %max3A_375 = vector.broadcast %max3A_374 : f32 to vector<16xf32>
      %max3A_376 = arith.maximumf %scan3A_239#3, %max3A_375 : vector<16xf32>
      %bitcast3A_377 = vector.bitcast %max3A_376 : vector<16xf32> to vector<16xi32>
      %shift_right_logical3A_378 = arith.constant 1 : i32
      %shift_right_logical3A_379 = vector.broadcast %shift_right_logical3A_378 : i32 to vector<16xi32>
      %shift_right_logical3A_380 = arith.shrui %bitcast3A_377, %shift_right_logical3A_379 : vector<16xi32>
      %sub3A_381 = arith.constant 1597463007 : i32
      %sub3A_382 = vector.broadcast %sub3A_381 : i32 to vector<16xi32>
      %sub3A_383 = arith.subi %sub3A_382, %shift_right_logical3A_380 : vector<16xi32>
      %bitcast3A_384 = vector.bitcast %sub3A_383 : vector<16xi32> to vector<16xf32>
      %mul3A_385 = arith.constant 5.000000e-01 : f32
      %mul3A_386 = vector.broadcast %mul3A_385 : f32 to vector<16xf32>
      %mul3A_387 = arith.mulf %mul3A_386, %max3A_376 : vector<16xf32>
      %mul3A_388 = arith.mulf %mul3A_387, %bitcast3A_384 : vector<16xf32>
      %mul3A_389 = arith.mulf %mul3A_388, %bitcast3A_384 : vector<16xf32>
      %sub3A_390 = arith.constant 1.500000e+00 : f32
      %sub3A_391 = vector.broadcast %sub3A_390 : f32 to vector<16xf32>
      %sub3A_392 = arith.subf %sub3A_391, %mul3A_389 : vector<16xf32>
      %mul3A_393 = arith.mulf %bitcast3A_384, %sub3A_392 : vector<16xf32>
      %mul3A_394 = arith.constant 5.000000e-01 : f32
      %mul3A_395 = vector.broadcast %mul3A_394 : f32 to vector<16xf32>
      %mul3A_396 = arith.mulf %mul3A_395, %max3A_376 : vector<16xf32>
      %mul3A_397 = arith.mulf %mul3A_396, %mul3A_393 : vector<16xf32>
      %mul3A_398 = arith.mulf %mul3A_397, %mul3A_393 : vector<16xf32>
      %sub3A_399 = arith.constant 1.500000e+00 : f32
      %sub3A_400 = vector.broadcast %sub3A_399 : f32 to vector<16xf32>
      %sub3A_401 = arith.subf %sub3A_400, %mul3A_398 : vector<16xf32>
      %mul3A_402 = arith.mulf %mul3A_393, %sub3A_401 : vector<16xf32>
      %mul3A_403 = arith.constant 5.000000e-01 : f32
      %mul3A_404 = vector.broadcast %mul3A_403 : f32 to vector<16xf32>
      %mul3A_405 = arith.mulf %mul3A_404, %max3A_376 : vector<16xf32>
      %mul3A_406 = arith.mulf %mul3A_405, %mul3A_402 : vector<16xf32>
      %mul3A_407 = arith.mulf %mul3A_406, %mul3A_402 : vector<16xf32>
      %sub3A_408 = arith.constant 1.500000e+00 : f32
      %sub3A_409 = vector.broadcast %sub3A_408 : f32 to vector<16xf32>
      %sub3A_410 = arith.subf %sub3A_409, %mul3A_407 : vector<16xf32>
      %mul3A_411 = arith.mulf %mul3A_402, %sub3A_410 : vector<16xf32>
      %mul3A_412 = arith.mulf %max3A_376, %mul3A_411 : vector<16xf32>
      %max3A_413 = arith.constant 9.99999996E-13 : f32
      %max3A_414 = vector.broadcast %max3A_413 : f32 to vector<16xf32>
      %max3A_415 = arith.maximumf %mul3A_412, %max3A_414 : vector<16xf32>
      %div3A_416 = arith.constant 1.000000e+00 : f32
      %div3A_417 = vector.broadcast %div3A_416 : f32 to vector<16xf32>
      %div3A_418 = arith.divf %div3A_417, %max3A_415 : vector<16xf32>
      %scan3A_419 = arith.constant 0 : i32
      %scan3A_420 = arith.constant 0 : i32
      %scan3A_421 = arith.constant 128 : i32
      %scan3A_422 = arith.addi %scan3A_420, %scan3A_421 : i32
      %scan3A_423 = arith.constant 4 : i32
      scf.for %scan3A_483 = %scan3A_420 to %scan3A_422 step %scan3A_423  : i32 {
        %broadcast_in_dim3A_484 = vector.broadcast %scan3A_483 : i32 to vector<16xi32>
        %add3A_485 = arith.constant 0 : i32
        %add3A_486 = vector.broadcast %add3A_485 : i32 to vector<16xi32>
        %add3A_487 = arith.addi %iota3A, %add3A_486 : vector<16xi32>
        %gather3A_488 = tpu.vector_load_idx %arg12[%add3A_487, %broadcast_in_dim3A_484] : memref<64x128xf32, #tpu.memory_space<vmem>>[vector<16xi32>, vector<16xi32>], vector<16xf32>,
        %mul3A_489 = arith.mulf %gather3A_488, %div3A_283 : vector<16xf32>
        tpu.vector_store_idx %arg12[%add3A_487, %broadcast_in_dim3A_484], %mul3A_489 : memref<64x128xf32, #tpu.memory_space<vmem>>[vector<16xi32>, vector<16xi32>], vector<16xf32>,
        %add3A_490 = arith.constant 16 : i32
        %add3A_491 = vector.broadcast %add3A_490 : i32 to vector<16xi32>
        %add3A_492 = arith.addi %iota3A, %add3A_491 : vector<16xi32>
        %gather3A_493 = tpu.vector_load_idx %arg12[%add3A_492, %broadcast_in_dim3A_484] : memref<64x128xf32, #tpu.memory_space<vmem>>[vector<16xi32>, vector<16xi32>], vector<16xf32>,
        %mul3A_494 = arith.mulf %gather3A_493, %div3A_328 : vector<16xf32>
        tpu.vector_store_idx %arg12[%add3A_492, %broadcast_in_dim3A_484], %mul3A_494 : memref<64x128xf32, #tpu.memory_space<vmem>>[vector<16xi32>, vector<16xi32>], vector<16xf32>,
        %add3A_495 = arith.constant 32 : i32
        %add3A_496 = vector.broadcast %add3A_495 : i32 to vector<16xi32>
        %add3A_497 = arith.addi %iota3A, %add3A_496 : vector<16xi32>
        %gather3A_498 = tpu.vector_load_idx %arg12[%add3A_497, %broadcast_in_dim3A_484] : memref<64x128xf32, #tpu.memory_space<vmem>>[vector<16xi32>, vector<16xi32>], vector<16xf32>,
        %mul3A_499 = arith.mulf %gather3A_498, %div3A_373 : vector<16xf32>
        tpu.vector_store_idx %arg12[%add3A_497, %broadcast_in_dim3A_484], %mul3A_499 : memref<64x128xf32, #tpu.memory_space<vmem>>[vector<16xi32>, vector<16xi32>], vector<16xf32>,
        %add3A_500 = arith.constant 48 : i32
        %add3A_501 = vector.broadcast %add3A_500 : i32 to vector<16xi32>
        %add3A_502 = arith.addi %iota3A, %add3A_501 : vector<16xi32>
        %gather3A_503 = tpu.vector_load_idx %arg12[%add3A_502, %broadcast_in_dim3A_484] : memref<64x128xf32, #tpu.memory_space<vmem>>[vector<16xi32>, vector<16xi32>], vector<16xf32>,
        %mul3A_504 = arith.mulf %gather3A_503, %div3A_418 : vector<16xf32>
        tpu.vector_store_idx %arg12[%add3A_502, %broadcast_in_dim3A_484], %mul3A_504 : memref<64x128xf32, #tpu.memory_space<vmem>>[vector<16xi32>, vector<16xi32>], vector<16xf32>,
        %scan3A_505 = arith.constant 1 : i32
        %scan3A_506 = arith.addi %scan3A_483, %scan3A_505 : i32
        %broadcast_in_dim3A_507 = vector.broadcast %scan3A_506 : i32 to vector<16xi32>
        %add3A_508 = arith.constant 0 : i32
        %add3A_509 = vector.broadcast %add3A_508 : i32 to vector<16xi32>
        %add3A_510 = arith.addi %iota3A, %add3A_509 : vector<16xi32>
        %gather3A_511 = tpu.vector_load_idx %arg12[%add3A_510, %broadcast_in_dim3A_507] : memref<64x128xf32, #tpu.memory_space<vmem>>[vector<16xi32>, vector<16xi32>], vector<16xf32>,
        %mul3A_512 = arith.mulf %gather3A_511, %div3A_283 : vector<16xf32>
        tpu.vector_store_idx %arg12[%add3A_510, %broadcast_in_dim3A_507], %mul3A_512 : memref<64x128xf32, #tpu.memory_space<vmem>>[vector<16xi32>, vector<16xi32>], vector<16xf32>,
        %add3A_513 = arith.constant 16 : i32
        %add3A_514 = vector.broadcast %add3A_513 : i32 to vector<16xi32>
        %add3A_515 = arith.addi %iota3A, %add3A_514 : vector<16xi32>
        %gather3A_516 = tpu.vector_load_idx %arg12[%add3A_515, %broadcast_in_dim3A_507] : memref<64x128xf32, #tpu.memory_space<vmem>>[vector<16xi32>, vector<16xi32>], vector<16xf32>,
        %mul3A_517 = arith.mulf %gather3A_516, %div3A_328 : vector<16xf32>
        tpu.vector_store_idx %arg12[%add3A_515, %broadcast_in_dim3A_507], %mul3A_517 : memref<64x128xf32, #tpu.memory_space<vmem>>[vector<16xi32>, vector<16xi32>], vector<16xf32>,
        %add3A_518 = arith.constant 32 : i32
        %add3A_519 = vector.broadcast %add3A_518 : i32 to vector<16xi32>
        %add3A_520 = arith.addi %iota3A, %add3A_519 : vector<16xi32>
        %gather3A_521 = tpu.vector_load_idx %arg12[%add3A_520, %broadcast_in_dim3A_507] : memref<64x128xf32, #tpu.memory_space<vmem>>[vector<16xi32>, vector<16xi32>], vector<16xf32>,
        %mul3A_522 = arith.mulf %gather3A_521, %div3A_373 : vector<16xf32>
        tpu.vector_store_idx %arg12[%add3A_520, %broadcast_in_dim3A_507], %mul3A_522 : memref<64x128xf32, #tpu.memory_space<vmem>>[vector<16xi32>, vector<16xi32>], vector<16xf32>,
        %add3A_523 = arith.constant 48 : i32
        %add3A_524 = vector.broadcast %add3A_523 : i32 to vector<16xi32>
        %add3A_525 = arith.addi %iota3A, %add3A_524 : vector<16xi32>
        %gather3A_526 = tpu.vector_load_idx %arg12[%add3A_525, %broadcast_in_dim3A_507] : memref<64x128xf32, #tpu.memory_space<vmem>>[vector<16xi32>, vector<16xi32>], vector<16xf32>,
        %mul3A_527 = arith.mulf %gather3A_526, %div3A_418 : vector<16xf32>
        tpu.vector_store_idx %arg12[%add3A_525, %broadcast_in_dim3A_507], %mul3A_527 : memref<64x128xf32, #tpu.memory_space<vmem>>[vector<16xi32>, vector<16xi32>], vector<16xf32>,
        %scan3A_528 = arith.constant 2 : i32
        %scan3A_529 = arith.addi %scan3A_483, %scan3A_528 : i32
        %broadcast_in_dim3A_530 = vector.broadcast %scan3A_529 : i32 to vector<16xi32>
        %add3A_531 = arith.constant 0 : i32
        %add3A_532 = vector.broadcast %add3A_531 : i32 to vector<16xi32>
        %add3A_533 = arith.addi %iota3A, %add3A_532 : vector<16xi32>
        %gather3A_534 = tpu.vector_load_idx %arg12[%add3A_533, %broadcast_in_dim3A_530] : memref<64x128xf32, #tpu.memory_space<vmem>>[vector<16xi32>, vector<16xi32>], vector<16xf32>,
        %mul3A_535 = arith.mulf %gather3A_534, %div3A_283 : vector<16xf32>
        tpu.vector_store_idx %arg12[%add3A_533, %broadcast_in_dim3A_530], %mul3A_535 : memref<64x128xf32, #tpu.memory_space<vmem>>[vector<16xi32>, vector<16xi32>], vector<16xf32>,
        %add3A_536 = arith.constant 16 : i32
        %add3A_537 = vector.broadcast %add3A_536 : i32 to vector<16xi32>
        %add3A_538 = arith.addi %iota3A, %add3A_537 : vector<16xi32>
        %gather3A_539 = tpu.vector_load_idx %arg12[%add3A_538, %broadcast_in_dim3A_530] : memref<64x128xf32, #tpu.memory_space<vmem>>[vector<16xi32>, vector<16xi32>], vector<16xf32>,
        %mul3A_540 = arith.mulf %gather3A_539, %div3A_328 : vector<16xf32>
        tpu.vector_store_idx %arg12[%add3A_538, %broadcast_in_dim3A_530], %mul3A_540 : memref<64x128xf32, #tpu.memory_space<vmem>>[vector<16xi32>, vector<16xi32>], vector<16xf32>,
        %add3A_541 = arith.constant 32 : i32
        %add3A_542 = vector.broadcast %add3A_541 : i32 to vector<16xi32>
        %add3A_543 = arith.addi %iota3A, %add3A_542 : vector<16xi32>
        %gather3A_544 = tpu.vector_load_idx %arg12[%add3A_543, %broadcast_in_dim3A_530] : memref<64x128xf32, #tpu.memory_space<vmem>>[vector<16xi32>, vector<16xi32>], vector<16xf32>,
        %mul3A_545 = arith.mulf %gather3A_544, %div3A_373 : vector<16xf32>
        tpu.vector_store_idx %arg12[%add3A_543, %broadcast_in_dim3A_530], %mul3A_545 : memref<64x128xf32, #tpu.memory_space<vmem>>[vector<16xi32>, vector<16xi32>], vector<16xf32>,
        %add3A_546 = arith.constant 48 : i32
        %add3A_547 = vector.broadcast %add3A_546 : i32 to vector<16xi32>
        %add3A_548 = arith.addi %iota3A, %add3A_547 : vector<16xi32>
        %gather3A_549 = tpu.vector_load_idx %arg12[%add3A_548, %broadcast_in_dim3A_530] : memref<64x128xf32, #tpu.memory_space<vmem>>[vector<16xi32>, vector<16xi32>], vector<16xf32>,
        %mul3A_550 = arith.mulf %gather3A_549, %div3A_418 : vector<16xf32>
        tpu.vector_store_idx %arg12[%add3A_548, %broadcast_in_dim3A_530], %mul3A_550 : memref<64x128xf32, #tpu.memory_space<vmem>>[vector<16xi32>, vector<16xi32>], vector<16xf32>,
        %scan3A_551 = arith.constant 3 : i32
        %scan3A_552 = arith.addi %scan3A_483, %scan3A_551 : i32
        %broadcast_in_dim3A_553 = vector.broadcast %scan3A_552 : i32 to vector<16xi32>
        %add3A_554 = arith.constant 0 : i32
        %add3A_555 = vector.broadcast %add3A_554 : i32 to vector<16xi32>
        %add3A_556 = arith.addi %iota3A, %add3A_555 : vector<16xi32>
        %gather3A_557 = tpu.vector_load_idx %arg12[%add3A_556, %broadcast_in_dim3A_553] : memref<64x128xf32, #tpu.memory_space<vmem>>[vector<16xi32>, vector<16xi32>], vector<16xf32>,
        %mul3A_558 = arith.mulf %gather3A_557, %div3A_283 : vector<16xf32>
        tpu.vector_store_idx %arg12[%add3A_556, %broadcast_in_dim3A_553], %mul3A_558 : memref<64x128xf32, #tpu.memory_space<vmem>>[vector<16xi32>, vector<16xi32>], vector<16xf32>,
        %add3A_559 = arith.constant 16 : i32
        %add3A_560 = vector.broadcast %add3A_559 : i32 to vector<16xi32>
        %add3A_561 = arith.addi %iota3A, %add3A_560 : vector<16xi32>
        %gather3A_562 = tpu.vector_load_idx %arg12[%add3A_561, %broadcast_in_dim3A_553] : memref<64x128xf32, #tpu.memory_space<vmem>>[vector<16xi32>, vector<16xi32>], vector<16xf32>,
        %mul3A_563 = arith.mulf %gather3A_562, %div3A_328 : vector<16xf32>
        tpu.vector_store_idx %arg12[%add3A_561, %broadcast_in_dim3A_553], %mul3A_563 : memref<64x128xf32, #tpu.memory_space<vmem>>[vector<16xi32>, vector<16xi32>], vector<16xf32>,
        %add3A_564 = arith.constant 32 : i32
        %add3A_565 = vector.broadcast %add3A_564 : i32 to vector<16xi32>
        %add3A_566 = arith.addi %iota3A, %add3A_565 : vector<16xi32>
        %gather3A_567 = tpu.vector_load_idx %arg12[%add3A_566, %broadcast_in_dim3A_553] : memref<64x128xf32, #tpu.memory_space<vmem>>[vector<16xi32>, vector<16xi32>], vector<16xf32>,
        %mul3A_568 = arith.mulf %gather3A_567, %div3A_373 : vector<16xf32>
        tpu.vector_store_idx %arg12[%add3A_566, %broadcast_in_dim3A_553], %mul3A_568 : memref<64x128xf32, #tpu.memory_space<vmem>>[vector<16xi32>, vector<16xi32>], vector<16xf32>,
        %add3A_569 = arith.constant 48 : i32
        %add3A_570 = vector.broadcast %add3A_569 : i32 to vector<16xi32>
        %add3A_571 = arith.addi %iota3A, %add3A_570 : vector<16xi32>
        %gather3A_572 = tpu.vector_load_idx %arg12[%add3A_571, %broadcast_in_dim3A_553] : memref<64x128xf32, #tpu.memory_space<vmem>>[vector<16xi32>, vector<16xi32>], vector<16xf32>,
        %mul3A_573 = arith.mulf %gather3A_572, %div3A_418 : vector<16xf32>
        tpu.vector_store_idx %arg12[%add3A_571, %broadcast_in_dim3A_553], %mul3A_573 : memref<64x128xf32, #tpu.memory_space<vmem>>[vector<16xi32>, vector<16xi32>], vector<16xf32>,
      }
      %scan3A_424 = arith.constant 128 : i32
      %dma_start3A_425 = arith.constant 0 : i32
      %dma_start3A_426 = arith.constant 0 : i32
      %dma_start3A_427 = tpu.memref_slice %arg12[%dma_start3A_425, %dma_start3A_426] : memref<64x128xf32, #tpu.memory_space<vmem>> -> memref<16x128xf32, #tpu.memory_space<vmem>>
      %dma_start3A_428 = arith.constant 0 : i32
      %dma_start3A_429 = arith.constant 0 : i32
      %dma_start3A_430 = tpu.memref_slice %arg4[%dma_start3A_428, %dma_start3A_429] : memref<100000x128xf32, #tpu.memory_space<hbm>> -> memref<100000x128xf32, #tpu.memory_space<hbm>>
      tpu.enqueue_indirect_dma source(%dma_start3A_427 : memref<16x128xf32, #tpu.memory_space<vmem>>) target(%dma_start3A_430 : memref<100000x128xf32, #tpu.memory_space<hbm>>) offsets(%get3A_43 : vector<16xi32>) semaphore(%arg17 : memref<!tpu.dma_semaphore, #tpu.memory_space<semaphore_mem>>)
      %dma_start3A_431 = arith.constant 16 : i32
      %dma_start3A_432 = arith.constant 0 : i32
      %dma_start3A_433 = tpu.memref_slice %arg12[%dma_start3A_431, %dma_start3A_432] : memref<64x128xf32, #tpu.memory_space<vmem>> -> memref<16x128xf32, #tpu.memory_space<vmem>>
      %dma_start3A_434 = arith.constant 0 : i32
      %dma_start3A_435 = arith.constant 0 : i32
      %dma_start3A_436 = tpu.memref_slice %arg4[%dma_start3A_434, %dma_start3A_435] : memref<100000x128xf32, #tpu.memory_space<hbm>> -> memref<100000x128xf32, #tpu.memory_space<hbm>>
      tpu.enqueue_indirect_dma source(%dma_start3A_433 : memref<16x128xf32, #tpu.memory_space<vmem>>) target(%dma_start3A_436 : memref<100000x128xf32, #tpu.memory_space<hbm>>) offsets(%get3A_47 : vector<16xi32>) semaphore(%arg17 : memref<!tpu.dma_semaphore, #tpu.memory_space<semaphore_mem>>)
      %dma_start3A_437 = arith.constant 32 : i32
      %dma_start3A_438 = arith.constant 0 : i32
      %dma_start3A_439 = tpu.memref_slice %arg12[%dma_start3A_437, %dma_start3A_438] : memref<64x128xf32, #tpu.memory_space<vmem>> -> memref<16x128xf32, #tpu.memory_space<vmem>>
      %dma_start3A_440 = arith.constant 0 : i32
      %dma_start3A_441 = arith.constant 0 : i32
      %dma_start3A_442 = tpu.memref_slice %arg4[%dma_start3A_440, %dma_start3A_441] : memref<100000x128xf32, #tpu.memory_space<hbm>> -> memref<100000x128xf32, #tpu.memory_space<hbm>>
      tpu.enqueue_indirect_dma source(%dma_start3A_439 : memref<16x128xf32, #tpu.memory_space<vmem>>) target(%dma_start3A_442 : memref<100000x128xf32, #tpu.memory_space<hbm>>) offsets(%get3A_51 : vector<16xi32>) semaphore(%arg17 : memref<!tpu.dma_semaphore, #tpu.memory_space<semaphore_mem>>)
      %dma_start3A_443 = arith.constant 48 : i32
      %dma_start3A_444 = arith.constant 0 : i32
      %dma_start3A_445 = tpu.memref_slice %arg12[%dma_start3A_443, %dma_start3A_444] : memref<64x128xf32, #tpu.memory_space<vmem>> -> memref<16x128xf32, #tpu.memory_space<vmem>>
      %dma_start3A_446 = arith.constant 0 : i32
      %dma_start3A_447 = arith.constant 0 : i32
      %dma_start3A_448 = tpu.memref_slice %arg4[%dma_start3A_446, %dma_start3A_447] : memref<100000x128xf32, #tpu.memory_space<hbm>> -> memref<100000x128xf32, #tpu.memory_space<hbm>>
      tpu.enqueue_indirect_dma source(%dma_start3A_445 : memref<16x128xf32, #tpu.memory_space<vmem>>) target(%dma_start3A_448 : memref<100000x128xf32, #tpu.memory_space<hbm>>) offsets(%get3A_55 : vector<16xi32>) semaphore(%arg17 : memref<!tpu.dma_semaphore, #tpu.memory_space<semaphore_mem>>)
      %dma_wait3A_449 = arith.constant 0 : i32
      %dma_wait3A_450 = arith.constant 0 : i32
      %dma_wait3A_451 = tpu.memref_slice %arg12[%dma_wait3A_449, %dma_wait3A_450] : memref<64x128xf32, #tpu.memory_space<vmem>> -> memref<16x128xf32, #tpu.memory_space<vmem>>
      %dma_wait3A_452 = arith.constant 0 : i32
      %dma_wait3A_453 = arith.constant 0 : i32
      %dma_wait3A_454 = tpu.memref_slice %arg4[%dma_wait3A_452, %dma_wait3A_453] : memref<100000x128xf32, #tpu.memory_space<hbm>> -> memref<100000x128xf32, #tpu.memory_space<hbm>>
      tpu.wait_indirect_dma semaphore(%arg17 : memref<!tpu.dma_semaphore, #tpu.memory_space<semaphore_mem>>) src(%dma_wait3A_451 : memref<16x128xf32, #tpu.memory_space<vmem>>) dst(%dma_wait3A_454 : memref<100000x128xf32, #tpu.memory_space<hbm>>)
      %dma_wait3A_455 = arith.constant 16 : i32
      %dma_wait3A_456 = arith.constant 0 : i32
      %dma_wait3A_457 = tpu.memref_slice %arg12[%dma_wait3A_455, %dma_wait3A_456] : memref<64x128xf32, #tpu.memory_space<vmem>> -> memref<16x128xf32, #tpu.memory_space<vmem>>
      %dma_wait3A_458 = arith.constant 0 : i32
      %dma_wait3A_459 = arith.constant 0 : i32
      %dma_wait3A_460 = tpu.memref_slice %arg4[%dma_wait3A_458, %dma_wait3A_459] : memref<100000x128xf32, #tpu.memory_space<hbm>> -> memref<100000x128xf32, #tpu.memory_space<hbm>>
      tpu.wait_indirect_dma semaphore(%arg17 : memref<!tpu.dma_semaphore, #tpu.memory_space<semaphore_mem>>) src(%dma_wait3A_457 : memref<16x128xf32, #tpu.memory_space<vmem>>) dst(%dma_wait3A_460 : memref<100000x128xf32, #tpu.memory_space<hbm>>)
      %dma_wait3A_461 = arith.constant 32 : i32
      %dma_wait3A_462 = arith.constant 0 : i32
      %dma_wait3A_463 = tpu.memref_slice %arg12[%dma_wait3A_461, %dma_wait3A_462] : memref<64x128xf32, #tpu.memory_space<vmem>> -> memref<16x128xf32, #tpu.memory_space<vmem>>
      %dma_wait3A_464 = arith.constant 0 : i32
      %dma_wait3A_465 = arith.constant 0 : i32
      %dma_wait3A_466 = tpu.memref_slice %arg4[%dma_wait3A_464, %dma_wait3A_465] : memref<100000x128xf32, #tpu.memory_space<hbm>> -> memref<100000x128xf32, #tpu.memory_space<hbm>>
      tpu.wait_indirect_dma semaphore(%arg17 : memref<!tpu.dma_semaphore, #tpu.memory_space<semaphore_mem>>) src(%dma_wait3A_463 : memref<16x128xf32, #tpu.memory_space<vmem>>) dst(%dma_wait3A_466 : memref<100000x128xf32, #tpu.memory_space<hbm>>)
      %dma_wait3A_467 = arith.constant 48 : i32
      %dma_wait3A_468 = arith.constant 0 : i32
      %dma_wait3A_469 = tpu.memref_slice %arg12[%dma_wait3A_467, %dma_wait3A_468] : memref<64x128xf32, #tpu.memory_space<vmem>> -> memref<16x128xf32, #tpu.memory_space<vmem>>
      %dma_wait3A_470 = arith.constant 0 : i32
      %dma_wait3A_471 = arith.constant 0 : i32
      %dma_wait3A_472 = tpu.memref_slice %arg4[%dma_wait3A_470, %dma_wait3A_471] : memref<100000x128xf32, #tpu.memory_space<hbm>> -> memref<100000x128xf32, #tpu.memory_space<hbm>>
      tpu.wait_indirect_dma semaphore(%arg17 : memref<!tpu.dma_semaphore, #tpu.memory_space<semaphore_mem>>) src(%dma_wait3A_469 : memref<16x128xf32, #tpu.memory_space<vmem>>) dst(%dma_wait3A_472 : memref<100000x128xf32, #tpu.memory_space<hbm>>)
      %while3A_473 = arith.constant 0 : i32
      %while3A_474 = arith.constant 0 : i32
      %while3A_475 = arith.subi %add3A_213, %while3A_474 : i32
      %while3A_476 = arith.addi %while3A_474, %while3A_475 : i32
      %while3A_477 = arith.constant 1 : i32
      %while3A_478 = arith.divsi %while3A_475, %while3A_477 : i32
      %while3A_479 = arith.muli %while3A_478, %while3A_477 : i32
      %while3A_480 = arith.addi %while3A_474, %while3A_479 : i32
      %while3A_481 = arith.constant 1 : i32
      scf.for %while3A_483 = %while3A_474 to %while3A_480 step %while3A_481  : i32 {
        %get3A_484 = arith.index_cast %while3A_483 : i32 to index
        %get3A_485 = tpu.vector_load %arg16[%get3A_484] {strides = array<i32>} : memref<80xi32, #tpu.memory_space<vmem>>, vector<16xi32>,
        %slice3A_486 = vector.extract_strided_slice %get3A_485 {offsets = [0], sizes = [1], strides = [1]} : vector<16xi32> to vector<1xi32>
        %squeeze3A_487 = vector.extract %slice3A_486[0] : i32 from vector<1xi32>
        %get3A_488 = arith.index_cast %squeeze3A_487 : i32 to index
        %get3A_489 = tpu.vector_load %arg8[%get3A_488] {strides = array<i32>} : memref<16512xi32, #tpu.memory_space<vmem>>, vector<16xi32>,
        %slice3A_490 = vector.extract_strided_slice %get3A_489 {offsets = [0], sizes = [1], strides = [1]} : vector<16xi32> to vector<1xi32>
        %squeeze3A_491 = vector.extract %slice3A_490[0] : i32 from vector<1xi32>
        %get3A_492 = arith.index_cast %squeeze3A_487 : i32 to index
        %get3A_493 = tpu.vector_load %arg7[%get3A_492] {strides = array<i32>} : memref<16512xi32, #tpu.memory_space<vmem>>, vector<16xi32>,
        %slice3A_494 = vector.extract_strided_slice %get3A_493 {offsets = [0], sizes = [1], strides = [1]} : vector<16xi32> to vector<1xi32>
        %squeeze3A_495 = vector.extract %slice3A_494[0] : i32 from vector<1xi32>
        "tpu.region"() ({
          %run_scoped3A = tpu.sem_alloc : memref<!tpu.dma_semaphore, #tpu.memory_space<semaphore_mem>>
          %dma_start3A_683 = arith.constant 0 : i32
          %dma_start3A_684 = tpu.memref_slice %arg2[%squeeze3A_495, %dma_start3A_683] : memref<16384x128xf32, #tpu.memory_space<hbm>> -> memref<1x128xf32, #tpu.memory_space<hbm>>
          %dma_start3A_685 = tpu.memref_squeeze %dma_start3A_684 : memref<1x128xf32, #tpu.memory_space<hbm>> -> memref<128xf32, #tpu.memory_space<hbm>>
          %dma_start3A_686 = arith.constant 0 : i32
          %dma_start3A_687 = tpu.memref_slice %arg2[%squeeze3A_495, %dma_start3A_686] : memref<16384x128xf32, #tpu.memory_space<hbm>> -> memref<1x128xf32, #tpu.memory_space<hbm>>
          %dma_start3A_688 = tpu.memref_squeeze %dma_start3A_687 : memref<1x128xf32, #tpu.memory_space<hbm>> -> memref<128xf32, #tpu.memory_space<hbm>>
          tpu.enqueue_dma source(%dma_start3A_688 : memref<128xf32, #tpu.memory_space<hbm>>) target(%arg13 : memref<128xf32, #tpu.memory_space<vmem>>) target_semaphore(%run_scoped3A : memref<!tpu.dma_semaphore, #tpu.memory_space<semaphore_mem>>)
          %dma_wait3A_689 = arith.constant 0 : i32
          %dma_wait3A_690 = tpu.memref_slice %arg2[%squeeze3A_495, %dma_wait3A_689] : memref<16384x128xf32, #tpu.memory_space<hbm>> -> memref<1x128xf32, #tpu.memory_space<hbm>>
          %dma_wait3A_691 = tpu.memref_squeeze %dma_wait3A_690 : memref<1x128xf32, #tpu.memory_space<hbm>> -> memref<128xf32, #tpu.memory_space<hbm>>
          %dma_wait3A_692 = arith.constant 0 : i32
          %dma_wait3A_693 = tpu.memref_slice %arg2[%squeeze3A_495, %dma_wait3A_692] : memref<16384x128xf32, #tpu.memory_space<hbm>> -> memref<1x128xf32, #tpu.memory_space<hbm>>
          %dma_wait3A_694 = tpu.memref_squeeze %dma_wait3A_693 : memref<1x128xf32, #tpu.memory_space<hbm>> -> memref<128xf32, #tpu.memory_space<hbm>>
          tpu.wait_dma2 semaphore(%run_scoped3A : memref<!tpu.dma_semaphore, #tpu.memory_space<semaphore_mem>>) src(%dma_wait3A_694 : memref<128xf32, #tpu.memory_space<hbm>>) dst(%arg13 : memref<128xf32, #tpu.memory_space<vmem>>)
          tpu.yield
        }) : () -> ()
        "tpu.region"() ({
          %run_scoped3A = tpu.sem_alloc : memref<!tpu.dma_semaphore, #tpu.memory_space<semaphore_mem>>
          %dma_start3A_683 = arith.constant 0 : i32
          %dma_start3A_684 = tpu.memref_slice %arg4[%squeeze3A_491, %dma_start3A_683] : memref<100000x128xf32, #tpu.memory_space<hbm>> -> memref<1x128xf32, #tpu.memory_space<hbm>>
          %dma_start3A_685 = tpu.memref_squeeze %dma_start3A_684 : memref<1x128xf32, #tpu.memory_space<hbm>> -> memref<128xf32, #tpu.memory_space<hbm>>
          %dma_start3A_686 = arith.constant 0 : i32
          %dma_start3A_687 = tpu.memref_slice %arg4[%squeeze3A_491, %dma_start3A_686] : memref<100000x128xf32, #tpu.memory_space<hbm>> -> memref<1x128xf32, #tpu.memory_space<hbm>>
          %dma_start3A_688 = tpu.memref_squeeze %dma_start3A_687 : memref<1x128xf32, #tpu.memory_space<hbm>> -> memref<128xf32, #tpu.memory_space<hbm>>
          tpu.enqueue_dma source(%dma_start3A_688 : memref<128xf32, #tpu.memory_space<hbm>>) target(%arg14 : memref<128xf32, #tpu.memory_space<vmem>>) target_semaphore(%run_scoped3A : memref<!tpu.dma_semaphore, #tpu.memory_space<semaphore_mem>>)
          %dma_wait3A_689 = arith.constant 0 : i32
          %dma_wait3A_690 = tpu.memref_slice %arg4[%squeeze3A_491, %dma_wait3A_689] : memref<100000x128xf32, #tpu.memory_space<hbm>> -> memref<1x128xf32, #tpu.memory_space<hbm>>
          %dma_wait3A_691 = tpu.memref_squeeze %dma_wait3A_690 : memref<1x128xf32, #tpu.memory_space<hbm>> -> memref<128xf32, #tpu.memory_space<hbm>>
          %dma_wait3A_692 = arith.constant 0 : i32
          %dma_wait3A_693 = tpu.memref_slice %arg4[%squeeze3A_491, %dma_wait3A_692] : memref<100000x128xf32, #tpu.memory_space<hbm>> -> memref<1x128xf32, #tpu.memory_space<hbm>>
          %dma_wait3A_694 = tpu.memref_squeeze %dma_wait3A_693 : memref<1x128xf32, #tpu.memory_space<hbm>> -> memref<128xf32, #tpu.memory_space<hbm>>
          tpu.wait_dma2 semaphore(%run_scoped3A : memref<!tpu.dma_semaphore, #tpu.memory_space<semaphore_mem>>) src(%dma_wait3A_694 : memref<128xf32, #tpu.memory_space<hbm>>) dst(%arg14 : memref<128xf32, #tpu.memory_space<vmem>>)
          tpu.yield
        }) : () -> ()
        %broadcast_in_dim3A_496 = arith.constant 0.000000e+00 : f32
        %broadcast_in_dim3A_497 = vector.broadcast %broadcast_in_dim3A_496 : f32 to vector<16xf32>
        %get3A_498 = arith.constant 0 : index
        %get3A_499 = tpu.vector_load %arg14[%get3A_498] {strides = array<i32>} : memref<128xf32, #tpu.memory_space<vmem>>, vector<16xf32>,
        %get3A_500 = arith.constant 0 : index
        %get3A_501 = tpu.vector_load %arg13[%get3A_500] {strides = array<i32>} : memref<128xf32, #tpu.memory_space<vmem>>, vector<16xf32>,
        %add3A_502 = arith.addf %get3A_499, %get3A_501 : vector<16xf32>
        %mul3A_503 = arith.constant 5.000000e-01 : f32
        %mul3A_504 = vector.broadcast %mul3A_503 : f32 to vector<16xf32>
        %mul3A_505 = arith.mulf %add3A_502, %mul3A_504 : vector<16xf32>
        %swap3A_506 = arith.constant 0 : index
        %swap3A_507 = tpu.vector_load %arg14[%swap3A_506] {strides = array<i32>} : memref<128xf32, #tpu.memory_space<vmem>>, vector<16xf32>,
        tpu.vector_store %arg14[%swap3A_506], %mul3A_505 {strides = array<i32>} : memref<128xf32, #tpu.memory_space<vmem>>, vector<16xf32>,
        %mul3A_508 = arith.mulf %mul3A_505, %mul3A_505 : vector<16xf32>
        %add3A_509 = arith.addf %broadcast_in_dim3A_497, %mul3A_508 : vector<16xf32>
        %get3A_510 = arith.constant 16 : index
        %get3A_511 = tpu.vector_load %arg14[%get3A_510] {strides = array<i32>} : memref<128xf32, #tpu.memory_space<vmem>>, vector<16xf32>,
        %get3A_512 = arith.constant 16 : index
        %get3A_513 = tpu.vector_load %arg13[%get3A_512] {strides = array<i32>} : memref<128xf32, #tpu.memory_space<vmem>>, vector<16xf32>,
        %add3A_514 = arith.addf %get3A_511, %get3A_513 : vector<16xf32>
        %mul3A_515 = arith.constant 5.000000e-01 : f32
        %mul3A_516 = vector.broadcast %mul3A_515 : f32 to vector<16xf32>
        %mul3A_517 = arith.mulf %add3A_514, %mul3A_516 : vector<16xf32>
        %swap3A_518 = arith.constant 16 : index
        %swap3A_519 = tpu.vector_load %arg14[%swap3A_518] {strides = array<i32>} : memref<128xf32, #tpu.memory_space<vmem>>, vector<16xf32>,
        tpu.vector_store %arg14[%swap3A_518], %mul3A_517 {strides = array<i32>} : memref<128xf32, #tpu.memory_space<vmem>>, vector<16xf32>,
        %mul3A_520 = arith.mulf %mul3A_517, %mul3A_517 : vector<16xf32>
        %add3A_521 = arith.addf %add3A_509, %mul3A_520 : vector<16xf32>
        %get3A_522 = arith.constant 32 : index
        %get3A_523 = tpu.vector_load %arg14[%get3A_522] {strides = array<i32>} : memref<128xf32, #tpu.memory_space<vmem>>, vector<16xf32>,
        %get3A_524 = arith.constant 32 : index
        %get3A_525 = tpu.vector_load %arg13[%get3A_524] {strides = array<i32>} : memref<128xf32, #tpu.memory_space<vmem>>, vector<16xf32>,
        %add3A_526 = arith.addf %get3A_523, %get3A_525 : vector<16xf32>
        %mul3A_527 = arith.constant 5.000000e-01 : f32
        %mul3A_528 = vector.broadcast %mul3A_527 : f32 to vector<16xf32>
        %mul3A_529 = arith.mulf %add3A_526, %mul3A_528 : vector<16xf32>
        %swap3A_530 = arith.constant 32 : index
        %swap3A_531 = tpu.vector_load %arg14[%swap3A_530] {strides = array<i32>} : memref<128xf32, #tpu.memory_space<vmem>>, vector<16xf32>,
        tpu.vector_store %arg14[%swap3A_530], %mul3A_529 {strides = array<i32>} : memref<128xf32, #tpu.memory_space<vmem>>, vector<16xf32>,
        %mul3A_532 = arith.mulf %mul3A_529, %mul3A_529 : vector<16xf32>
        %add3A_533 = arith.addf %add3A_521, %mul3A_532 : vector<16xf32>
        %get3A_534 = arith.constant 48 : index
        %get3A_535 = tpu.vector_load %arg14[%get3A_534] {strides = array<i32>} : memref<128xf32, #tpu.memory_space<vmem>>, vector<16xf32>,
        %get3A_536 = arith.constant 48 : index
        %get3A_537 = tpu.vector_load %arg13[%get3A_536] {strides = array<i32>} : memref<128xf32, #tpu.memory_space<vmem>>, vector<16xf32>,
        %add3A_538 = arith.addf %get3A_535, %get3A_537 : vector<16xf32>
        %mul3A_539 = arith.constant 5.000000e-01 : f32
        %mul3A_540 = vector.broadcast %mul3A_539 : f32 to vector<16xf32>
        %mul3A_541 = arith.mulf %add3A_538, %mul3A_540 : vector<16xf32>
        %swap3A_542 = arith.constant 48 : index
        %swap3A_543 = tpu.vector_load %arg14[%swap3A_542] {strides = array<i32>} : memref<128xf32, #tpu.memory_space<vmem>>, vector<16xf32>,
        tpu.vector_store %arg14[%swap3A_542], %mul3A_541 {strides = array<i32>} : memref<128xf32, #tpu.memory_space<vmem>>, vector<16xf32>,
        %mul3A_544 = arith.mulf %mul3A_541, %mul3A_541 : vector<16xf32>
        %add3A_545 = arith.addf %add3A_533, %mul3A_544 : vector<16xf32>
        %get3A_546 = arith.constant 64 : index
        %get3A_547 = tpu.vector_load %arg14[%get3A_546] {strides = array<i32>} : memref<128xf32, #tpu.memory_space<vmem>>, vector<16xf32>,
        %get3A_548 = arith.constant 64 : index
        %get3A_549 = tpu.vector_load %arg13[%get3A_548] {strides = array<i32>} : memref<128xf32, #tpu.memory_space<vmem>>, vector<16xf32>,
        %add3A_550 = arith.addf %get3A_547, %get3A_549 : vector<16xf32>
        %mul3A_551 = arith.constant 5.000000e-01 : f32
        %mul3A_552 = vector.broadcast %mul3A_551 : f32 to vector<16xf32>
        %mul3A_553 = arith.mulf %add3A_550, %mul3A_552 : vector<16xf32>
        %swap3A_554 = arith.constant 64 : index
        %swap3A_555 = tpu.vector_load %arg14[%swap3A_554] {strides = array<i32>} : memref<128xf32, #tpu.memory_space<vmem>>, vector<16xf32>,
        tpu.vector_store %arg14[%swap3A_554], %mul3A_553 {strides = array<i32>} : memref<128xf32, #tpu.memory_space<vmem>>, vector<16xf32>,
        %mul3A_556 = arith.mulf %mul3A_553, %mul3A_553 : vector<16xf32>
        %add3A_557 = arith.addf %add3A_545, %mul3A_556 : vector<16xf32>
        %get3A_558 = arith.constant 80 : index
        %get3A_559 = tpu.vector_load %arg14[%get3A_558] {strides = array<i32>} : memref<128xf32, #tpu.memory_space<vmem>>, vector<16xf32>,
        %get3A_560 = arith.constant 80 : index
        %get3A_561 = tpu.vector_load %arg13[%get3A_560] {strides = array<i32>} : memref<128xf32, #tpu.memory_space<vmem>>, vector<16xf32>,
        %add3A_562 = arith.addf %get3A_559, %get3A_561 : vector<16xf32>
        %mul3A_563 = arith.constant 5.000000e-01 : f32
        %mul3A_564 = vector.broadcast %mul3A_563 : f32 to vector<16xf32>
        %mul3A_565 = arith.mulf %add3A_562, %mul3A_564 : vector<16xf32>
        %swap3A_566 = arith.constant 80 : index
        %swap3A_567 = tpu.vector_load %arg14[%swap3A_566] {strides = array<i32>} : memref<128xf32, #tpu.memory_space<vmem>>, vector<16xf32>,
        tpu.vector_store %arg14[%swap3A_566], %mul3A_565 {strides = array<i32>} : memref<128xf32, #tpu.memory_space<vmem>>, vector<16xf32>,
        %mul3A_568 = arith.mulf %mul3A_565, %mul3A_565 : vector<16xf32>
        %add3A_569 = arith.addf %add3A_557, %mul3A_568 : vector<16xf32>
        %get3A_570 = arith.constant 96 : index
        %get3A_571 = tpu.vector_load %arg14[%get3A_570] {strides = array<i32>} : memref<128xf32, #tpu.memory_space<vmem>>, vector<16xf32>,
        %get3A_572 = arith.constant 96 : index
        %get3A_573 = tpu.vector_load %arg13[%get3A_572] {strides = array<i32>} : memref<128xf32, #tpu.memory_space<vmem>>, vector<16xf32>,
        %add3A_574 = arith.addf %get3A_571, %get3A_573 : vector<16xf32>
        %mul3A_575 = arith.constant 5.000000e-01 : f32
        %mul3A_576 = vector.broadcast %mul3A_575 : f32 to vector<16xf32>
        %mul3A_577 = arith.mulf %add3A_574, %mul3A_576 : vector<16xf32>
        %swap3A_578 = arith.constant 96 : index
        %swap3A_579 = tpu.vector_load %arg14[%swap3A_578] {strides = array<i32>} : memref<128xf32, #tpu.memory_space<vmem>>, vector<16xf32>,
        tpu.vector_store %arg14[%swap3A_578], %mul3A_577 {strides = array<i32>} : memref<128xf32, #tpu.memory_space<vmem>>, vector<16xf32>,
        %mul3A_580 = arith.mulf %mul3A_577, %mul3A_577 : vector<16xf32>
        %add3A_581 = arith.addf %add3A_569, %mul3A_580 : vector<16xf32>
        %get3A_582 = arith.constant 112 : index
        %get3A_583 = tpu.vector_load %arg14[%get3A_582] {strides = array<i32>} : memref<128xf32, #tpu.memory_space<vmem>>, vector<16xf32>,
        %get3A_584 = arith.constant 112 : index
        %get3A_585 = tpu.vector_load %arg13[%get3A_584] {strides = array<i32>} : memref<128xf32, #tpu.memory_space<vmem>>, vector<16xf32>,
        %add3A_586 = arith.addf %get3A_583, %get3A_585 : vector<16xf32>
        %mul3A_587 = arith.constant 5.000000e-01 : f32
        %mul3A_588 = vector.broadcast %mul3A_587 : f32 to vector<16xf32>
        %mul3A_589 = arith.mulf %add3A_586, %mul3A_588 : vector<16xf32>
        %swap3A_590 = arith.constant 112 : index
        %swap3A_591 = tpu.vector_load %arg14[%swap3A_590] {strides = array<i32>} : memref<128xf32, #tpu.memory_space<vmem>>, vector<16xf32>,
        tpu.vector_store %arg14[%swap3A_590], %mul3A_589 {strides = array<i32>} : memref<128xf32, #tpu.memory_space<vmem>>, vector<16xf32>,
        %mul3A_592 = arith.mulf %mul3A_589, %mul3A_589 : vector<16xf32>
        %add3A_593 = arith.addf %add3A_581, %mul3A_592 : vector<16xf32>
        %reduce_sum3A = arith.constant true
        %reduce_sum3A_594 = vector.broadcast %reduce_sum3A : i1 to vector<16xi1>
        %reduce_sum3A_595 = tpu.scan <sum>, %add3A_593 masked %reduce_sum3A_594 : vector<16xf32>, vector<16xi1> -> vector<16xf32>
        %reduce_sum3A_596 = vector.extract %reduce_sum3A_595[15] : f32 from vector<16xf32>
        %broadcast_in_dim3A_597 = vector.broadcast %reduce_sum3A_596 : f32 to vector<16xf32>
        %max3A_598 = arith.constant 1.000000e-30 : f32
        %max3A_599 = vector.broadcast %max3A_598 : f32 to vector<16xf32>
        %max3A_600 = arith.maximumf %broadcast_in_dim3A_597, %max3A_599 : vector<16xf32>
        %bitcast3A_601 = vector.bitcast %max3A_600 : vector<16xf32> to vector<16xi32>
        %shift_right_logical3A_602 = arith.constant 1 : i32
        %shift_right_logical3A_603 = vector.broadcast %shift_right_logical3A_602 : i32 to vector<16xi32>
        %shift_right_logical3A_604 = arith.shrui %bitcast3A_601, %shift_right_logical3A_603 : vector<16xi32>
        %sub3A_605 = arith.constant 1597463007 : i32
        %sub3A_606 = vector.broadcast %sub3A_605 : i32 to vector<16xi32>
        %sub3A_607 = arith.subi %sub3A_606, %shift_right_logical3A_604 : vector<16xi32>
        %bitcast3A_608 = vector.bitcast %sub3A_607 : vector<16xi32> to vector<16xf32>
        %mul3A_609 = arith.constant 5.000000e-01 : f32
        %mul3A_610 = vector.broadcast %mul3A_609 : f32 to vector<16xf32>
        %mul3A_611 = arith.mulf %mul3A_610, %max3A_600 : vector<16xf32>
        %mul3A_612 = arith.mulf %mul3A_611, %bitcast3A_608 : vector<16xf32>
        %mul3A_613 = arith.mulf %mul3A_612, %bitcast3A_608 : vector<16xf32>
        %sub3A_614 = arith.constant 1.500000e+00 : f32
        %sub3A_615 = vector.broadcast %sub3A_614 : f32 to vector<16xf32>
        %sub3A_616 = arith.subf %sub3A_615, %mul3A_613 : vector<16xf32>
        %mul3A_617 = arith.mulf %bitcast3A_608, %sub3A_616 : vector<16xf32>
        %mul3A_618 = arith.constant 5.000000e-01 : f32
        %mul3A_619 = vector.broadcast %mul3A_618 : f32 to vector<16xf32>
        %mul3A_620 = arith.mulf %mul3A_619, %max3A_600 : vector<16xf32>
        %mul3A_621 = arith.mulf %mul3A_620, %mul3A_617 : vector<16xf32>
        %mul3A_622 = arith.mulf %mul3A_621, %mul3A_617 : vector<16xf32>
        %sub3A_623 = arith.constant 1.500000e+00 : f32
        %sub3A_624 = vector.broadcast %sub3A_623 : f32 to vector<16xf32>
        %sub3A_625 = arith.subf %sub3A_624, %mul3A_622 : vector<16xf32>
        %mul3A_626 = arith.mulf %mul3A_617, %sub3A_625 : vector<16xf32>
        %mul3A_627 = arith.constant 5.000000e-01 : f32
        %mul3A_628 = vector.broadcast %mul3A_627 : f32 to vector<16xf32>
        %mul3A_629 = arith.mulf %mul3A_628, %max3A_600 : vector<16xf32>
        %mul3A_630 = arith.mulf %mul3A_629, %mul3A_626 : vector<16xf32>
        %mul3A_631 = arith.mulf %mul3A_630, %mul3A_626 : vector<16xf32>
        %sub3A_632 = arith.constant 1.500000e+00 : f32
        %sub3A_633 = vector.broadcast %sub3A_632 : f32 to vector<16xf32>
        %sub3A_634 = arith.subf %sub3A_633, %mul3A_631 : vector<16xf32>
        %mul3A_635 = arith.mulf %mul3A_626, %sub3A_634 : vector<16xf32>
        %mul3A_636 = arith.mulf %max3A_600, %mul3A_635 : vector<16xf32>
        %max3A_637 = arith.constant 9.99999996E-13 : f32
        %max3A_638 = vector.broadcast %max3A_637 : f32 to vector<16xf32>
        %max3A_639 = arith.maximumf %mul3A_636, %max3A_638 : vector<16xf32>
        %div3A_640 = arith.constant 1.000000e+00 : f32
        %div3A_641 = vector.broadcast %div3A_640 : f32 to vector<16xf32>
        %div3A_642 = arith.divf %div3A_641, %max3A_639 : vector<16xf32>
        %get3A_643 = arith.constant 0 : index
        %get3A_644 = tpu.vector_load %arg14[%get3A_643] {strides = array<i32>} : memref<128xf32, #tpu.memory_space<vmem>>, vector<16xf32>,
        %mul3A_645 = arith.mulf %get3A_644, %div3A_642 : vector<16xf32>
        %swap3A_646 = arith.constant 0 : index
        %swap3A_647 = tpu.vector_load %arg14[%swap3A_646] {strides = array<i32>} : memref<128xf32, #tpu.memory_space<vmem>>, vector<16xf32>,
        tpu.vector_store %arg14[%swap3A_646], %mul3A_645 {strides = array<i32>} : memref<128xf32, #tpu.memory_space<vmem>>, vector<16xf32>,
        %get3A_648 = arith.constant 16 : index
        %get3A_649 = tpu.vector_load %arg14[%get3A_648] {strides = array<i32>} : memref<128xf32, #tpu.memory_space<vmem>>, vector<16xf32>,
        %mul3A_650 = arith.mulf %get3A_649, %div3A_642 : vector<16xf32>
        %swap3A_651 = arith.constant 16 : index
        %swap3A_652 = tpu.vector_load %arg14[%swap3A_651] {strides = array<i32>} : memref<128xf32, #tpu.memory_space<vmem>>, vector<16xf32>,
        tpu.vector_store %arg14[%swap3A_651], %mul3A_650 {strides = array<i32>} : memref<128xf32, #tpu.memory_space<vmem>>, vector<16xf32>,
        %get3A_653 = arith.constant 32 : index
        %get3A_654 = tpu.vector_load %arg14[%get3A_653] {strides = array<i32>} : memref<128xf32, #tpu.memory_space<vmem>>, vector<16xf32>,
        %mul3A_655 = arith.mulf %get3A_654, %div3A_642 : vector<16xf32>
        %swap3A_656 = arith.constant 32 : index
        %swap3A_657 = tpu.vector_load %arg14[%swap3A_656] {strides = array<i32>} : memref<128xf32, #tpu.memory_space<vmem>>, vector<16xf32>,
        tpu.vector_store %arg14[%swap3A_656], %mul3A_655 {strides = array<i32>} : memref<128xf32, #tpu.memory_space<vmem>>, vector<16xf32>,
        %get3A_658 = arith.constant 48 : index
        %get3A_659 = tpu.vector_load %arg14[%get3A_658] {strides = array<i32>} : memref<128xf32, #tpu.memory_space<vmem>>, vector<16xf32>,
        %mul3A_660 = arith.mulf %get3A_659, %div3A_642 : vector<16xf32>
        %swap3A_661 = arith.constant 48 : index
        %swap3A_662 = tpu.vector_load %arg14[%swap3A_661] {strides = array<i32>} : memref<128xf32, #tpu.memory_space<vmem>>, vector<16xf32>,
        tpu.vector_store %arg14[%swap3A_661], %mul3A_660 {strides = array<i32>} : memref<128xf32, #tpu.memory_space<vmem>>, vector<16xf32>,
        %get3A_663 = arith.constant 64 : index
        %get3A_664 = tpu.vector_load %arg14[%get3A_663] {strides = array<i32>} : memref<128xf32, #tpu.memory_space<vmem>>, vector<16xf32>,
        %mul3A_665 = arith.mulf %get3A_664, %div3A_642 : vector<16xf32>
        %swap3A_666 = arith.constant 64 : index
        %swap3A_667 = tpu.vector_load %arg14[%swap3A_666] {strides = array<i32>} : memref<128xf32, #tpu.memory_space<vmem>>, vector<16xf32>,
        tpu.vector_store %arg14[%swap3A_666], %mul3A_665 {strides = array<i32>} : memref<128xf32, #tpu.memory_space<vmem>>, vector<16xf32>,
        %get3A_668 = arith.constant 80 : index
        %get3A_669 = tpu.vector_load %arg14[%get3A_668] {strides = array<i32>} : memref<128xf32, #tpu.memory_space<vmem>>, vector<16xf32>,
        %mul3A_670 = arith.mulf %get3A_669, %div3A_642 : vector<16xf32>
        %swap3A_671 = arith.constant 80 : index
        %swap3A_672 = tpu.vector_load %arg14[%swap3A_671] {strides = array<i32>} : memref<128xf32, #tpu.memory_space<vmem>>, vector<16xf32>,
        tpu.vector_store %arg14[%swap3A_671], %mul3A_670 {strides = array<i32>} : memref<128xf32, #tpu.memory_space<vmem>>, vector<16xf32>,
        %get3A_673 = arith.constant 96 : index
        %get3A_674 = tpu.vector_load %arg14[%get3A_673] {strides = array<i32>} : memref<128xf32, #tpu.memory_space<vmem>>, vector<16xf32>,
        %mul3A_675 = arith.mulf %get3A_674, %div3A_642 : vector<16xf32>
        %swap3A_676 = arith.constant 96 : index
        %swap3A_677 = tpu.vector_load %arg14[%swap3A_676] {strides = array<i32>} : memref<128xf32, #tpu.memory_space<vmem>>, vector<16xf32>,
        tpu.vector_store %arg14[%swap3A_676], %mul3A_675 {strides = array<i32>} : memref<128xf32, #tpu.memory_space<vmem>>, vector<16xf32>,
        %get3A_678 = arith.constant 112 : index
        %get3A_679 = tpu.vector_load %arg14[%get3A_678] {strides = array<i32>} : memref<128xf32, #tpu.memory_space<vmem>>, vector<16xf32>,
        %mul3A_680 = arith.mulf %get3A_679, %div3A_642 : vector<16xf32>
        %swap3A_681 = arith.constant 112 : index
        %swap3A_682 = tpu.vector_load %arg14[%swap3A_681] {strides = array<i32>} : memref<128xf32, #tpu.memory_space<vmem>>, vector<16xf32>,
        tpu.vector_store %arg14[%swap3A_681], %mul3A_680 {strides = array<i32>} : memref<128xf32, #tpu.memory_space<vmem>>, vector<16xf32>,
        "tpu.region"() ({
          %run_scoped3A = tpu.sem_alloc : memref<!tpu.dma_semaphore, #tpu.memory_space<semaphore_mem>>
          %dma_start3A_683 = arith.constant 0 : i32
          %dma_start3A_684 = tpu.memref_slice %arg4[%squeeze3A_491, %dma_start3A_683] : memref<100000x128xf32, #tpu.memory_space<hbm>> -> memref<1x128xf32, #tpu.memory_space<hbm>>
          %dma_start3A_685 = tpu.memref_squeeze %dma_start3A_684 : memref<1x128xf32, #tpu.memory_space<hbm>> -> memref<128xf32, #tpu.memory_space<hbm>>
          %dma_start3A_686 = arith.constant 0 : i32
          %dma_start3A_687 = tpu.memref_slice %arg4[%squeeze3A_491, %dma_start3A_686] : memref<100000x128xf32, #tpu.memory_space<hbm>> -> memref<1x128xf32, #tpu.memory_space<hbm>>
          %dma_start3A_688 = tpu.memref_squeeze %dma_start3A_687 : memref<1x128xf32, #tpu.memory_space<hbm>> -> memref<128xf32, #tpu.memory_space<hbm>>
          tpu.enqueue_dma source(%arg14 : memref<128xf32, #tpu.memory_space<vmem>>) target(%dma_start3A_688 : memref<128xf32, #tpu.memory_space<hbm>>) target_semaphore(%run_scoped3A : memref<!tpu.dma_semaphore, #tpu.memory_space<semaphore_mem>>)
          %dma_wait3A_689 = arith.constant 0 : i32
          %dma_wait3A_690 = tpu.memref_slice %arg4[%squeeze3A_491, %dma_wait3A_689] : memref<100000x128xf32, #tpu.memory_space<hbm>> -> memref<1x128xf32, #tpu.memory_space<hbm>>
          %dma_wait3A_691 = tpu.memref_squeeze %dma_wait3A_690 : memref<1x128xf32, #tpu.memory_space<hbm>> -> memref<128xf32, #tpu.memory_space<hbm>>
          %dma_wait3A_692 = arith.constant 0 : i32
          %dma_wait3A_693 = tpu.memref_slice %arg4[%squeeze3A_491, %dma_wait3A_692] : memref<100000x128xf32, #tpu.memory_space<hbm>> -> memref<1x128xf32, #tpu.memory_space<hbm>>
          %dma_wait3A_694 = tpu.memref_squeeze %dma_wait3A_693 : memref<1x128xf32, #tpu.memory_space<hbm>> -> memref<128xf32, #tpu.memory_space<hbm>>
          tpu.wait_dma2 semaphore(%run_scoped3A : memref<!tpu.dma_semaphore, #tpu.memory_space<semaphore_mem>>) src(%arg14 : memref<128xf32, #tpu.memory_space<vmem>>) dst(%dma_wait3A_694 : memref<128xf32, #tpu.memory_space<hbm>>)
          tpu.yield
        }) : () -> ()
      }
      %while3A_482 = arith.constant 1 : i32
      scf.for %while3A_483 = %while3A_480 to %while3A_476 step %while3A_482  : i32 {
        %get3A_484 = arith.index_cast %while3A_483 : i32 to index
        %get3A_485 = tpu.vector_load %arg16[%get3A_484] {strides = array<i32>} : memref<80xi32, #tpu.memory_space<vmem>>, vector<16xi32>,
        %slice3A_486 = vector.extract_strided_slice %get3A_485 {offsets = [0], sizes = [1], strides = [1]} : vector<16xi32> to vector<1xi32>
        %squeeze3A_487 = vector.extract %slice3A_486[0] : i32 from vector<1xi32>
        %get3A_488 = arith.index_cast %squeeze3A_487 : i32 to index
        %get3A_489 = tpu.vector_load %arg8[%get3A_488] {strides = array<i32>} : memref<16512xi32, #tpu.memory_space<vmem>>, vector<16xi32>,
        %slice3A_490 = vector.extract_strided_slice %get3A_489 {offsets = [0], sizes = [1], strides = [1]} : vector<16xi32> to vector<1xi32>
        %squeeze3A_491 = vector.extract %slice3A_490[0] : i32 from vector<1xi32>
        %get3A_492 = arith.index_cast %squeeze3A_487 : i32 to index
        %get3A_493 = tpu.vector_load %arg7[%get3A_492] {strides = array<i32>} : memref<16512xi32, #tpu.memory_space<vmem>>, vector<16xi32>,
        %slice3A_494 = vector.extract_strided_slice %get3A_493 {offsets = [0], sizes = [1], strides = [1]} : vector<16xi32> to vector<1xi32>
        %squeeze3A_495 = vector.extract %slice3A_494[0] : i32 from vector<1xi32>
        "tpu.region"() ({
          %run_scoped3A = tpu.sem_alloc : memref<!tpu.dma_semaphore, #tpu.memory_space<semaphore_mem>>
          %dma_start3A_683 = arith.constant 0 : i32
          %dma_start3A_684 = tpu.memref_slice %arg2[%squeeze3A_495, %dma_start3A_683] : memref<16384x128xf32, #tpu.memory_space<hbm>> -> memref<1x128xf32, #tpu.memory_space<hbm>>
          %dma_start3A_685 = tpu.memref_squeeze %dma_start3A_684 : memref<1x128xf32, #tpu.memory_space<hbm>> -> memref<128xf32, #tpu.memory_space<hbm>>
          %dma_start3A_686 = arith.constant 0 : i32
          %dma_start3A_687 = tpu.memref_slice %arg2[%squeeze3A_495, %dma_start3A_686] : memref<16384x128xf32, #tpu.memory_space<hbm>> -> memref<1x128xf32, #tpu.memory_space<hbm>>
          %dma_start3A_688 = tpu.memref_squeeze %dma_start3A_687 : memref<1x128xf32, #tpu.memory_space<hbm>> -> memref<128xf32, #tpu.memory_space<hbm>>
          tpu.enqueue_dma source(%dma_start3A_688 : memref<128xf32, #tpu.memory_space<hbm>>) target(%arg13 : memref<128xf32, #tpu.memory_space<vmem>>) target_semaphore(%run_scoped3A : memref<!tpu.dma_semaphore, #tpu.memory_space<semaphore_mem>>)
          %dma_wait3A_689 = arith.constant 0 : i32
          %dma_wait3A_690 = tpu.memref_slice %arg2[%squeeze3A_495, %dma_wait3A_689] : memref<16384x128xf32, #tpu.memory_space<hbm>> -> memref<1x128xf32, #tpu.memory_space<hbm>>
          %dma_wait3A_691 = tpu.memref_squeeze %dma_wait3A_690 : memref<1x128xf32, #tpu.memory_space<hbm>> -> memref<128xf32, #tpu.memory_space<hbm>>
          %dma_wait3A_692 = arith.constant 0 : i32
          %dma_wait3A_693 = tpu.memref_slice %arg2[%squeeze3A_495, %dma_wait3A_692] : memref<16384x128xf32, #tpu.memory_space<hbm>> -> memref<1x128xf32, #tpu.memory_space<hbm>>
          %dma_wait3A_694 = tpu.memref_squeeze %dma_wait3A_693 : memref<1x128xf32, #tpu.memory_space<hbm>> -> memref<128xf32, #tpu.memory_space<hbm>>
          tpu.wait_dma2 semaphore(%run_scoped3A : memref<!tpu.dma_semaphore, #tpu.memory_space<semaphore_mem>>) src(%dma_wait3A_694 : memref<128xf32, #tpu.memory_space<hbm>>) dst(%arg13 : memref<128xf32, #tpu.memory_space<vmem>>)
          tpu.yield
        }) : () -> ()
        "tpu.region"() ({
          %run_scoped3A = tpu.sem_alloc : memref<!tpu.dma_semaphore, #tpu.memory_space<semaphore_mem>>
          %dma_start3A_683 = arith.constant 0 : i32
          %dma_start3A_684 = tpu.memref_slice %arg4[%squeeze3A_491, %dma_start3A_683] : memref<100000x128xf32, #tpu.memory_space<hbm>> -> memref<1x128xf32, #tpu.memory_space<hbm>>
          %dma_start3A_685 = tpu.memref_squeeze %dma_start3A_684 : memref<1x128xf32, #tpu.memory_space<hbm>> -> memref<128xf32, #tpu.memory_space<hbm>>
          %dma_start3A_686 = arith.constant 0 : i32
          %dma_start3A_687 = tpu.memref_slice %arg4[%squeeze3A_491, %dma_start3A_686] : memref<100000x128xf32, #tpu.memory_space<hbm>> -> memref<1x128xf32, #tpu.memory_space<hbm>>
          %dma_start3A_688 = tpu.memref_squeeze %dma_start3A_687 : memref<1x128xf32, #tpu.memory_space<hbm>> -> memref<128xf32, #tpu.memory_space<hbm>>
          tpu.enqueue_dma source(%dma_start3A_688 : memref<128xf32, #tpu.memory_space<hbm>>) target(%arg14 : memref<128xf32, #tpu.memory_space<vmem>>) target_semaphore(%run_scoped3A : memref<!tpu.dma_semaphore, #tpu.memory_space<semaphore_mem>>)
          %dma_wait3A_689 = arith.constant 0 : i32
          %dma_wait3A_690 = tpu.memref_slice %arg4[%squeeze3A_491, %dma_wait3A_689] : memref<100000x128xf32, #tpu.memory_space<hbm>> -> memref<1x128xf32, #tpu.memory_space<hbm>>
          %dma_wait3A_691 = tpu.memref_squeeze %dma_wait3A_690 : memref<1x128xf32, #tpu.memory_space<hbm>> -> memref<128xf32, #tpu.memory_space<hbm>>
          %dma_wait3A_692 = arith.constant 0 : i32
          %dma_wait3A_693 = tpu.memref_slice %arg4[%squeeze3A_491, %dma_wait3A_692] : memref<100000x128xf32, #tpu.memory_space<hbm>> -> memref<1x128xf32, #tpu.memory_space<hbm>>
          %dma_wait3A_694 = tpu.memref_squeeze %dma_wait3A_693 : memref<1x128xf32, #tpu.memory_space<hbm>> -> memref<128xf32, #tpu.memory_space<hbm>>
          tpu.wait_dma2 semaphore(%run_scoped3A : memref<!tpu.dma_semaphore, #tpu.memory_space<semaphore_mem>>) src(%dma_wait3A_694 : memref<128xf32, #tpu.memory_space<hbm>>) dst(%arg14 : memref<128xf32, #tpu.memory_space<vmem>>)
          tpu.yield
        }) : () -> ()
        %broadcast_in_dim3A_496 = arith.constant 0.000000e+00 : f32
        %broadcast_in_dim3A_497 = vector.broadcast %broadcast_in_dim3A_496 : f32 to vector<16xf32>
        %get3A_498 = arith.constant 0 : index
        %get3A_499 = tpu.vector_load %arg14[%get3A_498] {strides = array<i32>} : memref<128xf32, #tpu.memory_space<vmem>>, vector<16xf32>,
        %get3A_500 = arith.constant 0 : index
        %get3A_501 = tpu.vector_load %arg13[%get3A_500] {strides = array<i32>} : memref<128xf32, #tpu.memory_space<vmem>>, vector<16xf32>,
        %add3A_502 = arith.addf %get3A_499, %get3A_501 : vector<16xf32>
        %mul3A_503 = arith.constant 5.000000e-01 : f32
        %mul3A_504 = vector.broadcast %mul3A_503 : f32 to vector<16xf32>
        %mul3A_505 = arith.mulf %add3A_502, %mul3A_504 : vector<16xf32>
        %swap3A_506 = arith.constant 0 : index
        %swap3A_507 = tpu.vector_load %arg14[%swap3A_506] {strides = array<i32>} : memref<128xf32, #tpu.memory_space<vmem>>, vector<16xf32>,
        tpu.vector_store %arg14[%swap3A_506], %mul3A_505 {strides = array<i32>} : memref<128xf32, #tpu.memory_space<vmem>>, vector<16xf32>,
        %mul3A_508 = arith.mulf %mul3A_505, %mul3A_505 : vector<16xf32>
        %add3A_509 = arith.addf %broadcast_in_dim3A_497, %mul3A_508 : vector<16xf32>
        %get3A_510 = arith.constant 16 : index
        %get3A_511 = tpu.vector_load %arg14[%get3A_510] {strides = array<i32>} : memref<128xf32, #tpu.memory_space<vmem>>, vector<16xf32>,
        %get3A_512 = arith.constant 16 : index
        %get3A_513 = tpu.vector_load %arg13[%get3A_512] {strides = array<i32>} : memref<128xf32, #tpu.memory_space<vmem>>, vector<16xf32>,
        %add3A_514 = arith.addf %get3A_511, %get3A_513 : vector<16xf32>
        %mul3A_515 = arith.constant 5.000000e-01 : f32
        %mul3A_516 = vector.broadcast %mul3A_515 : f32 to vector<16xf32>
        %mul3A_517 = arith.mulf %add3A_514, %mul3A_516 : vector<16xf32>
        %swap3A_518 = arith.constant 16 : index
        %swap3A_519 = tpu.vector_load %arg14[%swap3A_518] {strides = array<i32>} : memref<128xf32, #tpu.memory_space<vmem>>, vector<16xf32>,
        tpu.vector_store %arg14[%swap3A_518], %mul3A_517 {strides = array<i32>} : memref<128xf32, #tpu.memory_space<vmem>>, vector<16xf32>,
        %mul3A_520 = arith.mulf %mul3A_517, %mul3A_517 : vector<16xf32>
        %add3A_521 = arith.addf %add3A_509, %mul3A_520 : vector<16xf32>
        %get3A_522 = arith.constant 32 : index
        %get3A_523 = tpu.vector_load %arg14[%get3A_522] {strides = array<i32>} : memref<128xf32, #tpu.memory_space<vmem>>, vector<16xf32>,
        %get3A_524 = arith.constant 32 : index
        %get3A_525 = tpu.vector_load %arg13[%get3A_524] {strides = array<i32>} : memref<128xf32, #tpu.memory_space<vmem>>, vector<16xf32>,
        %add3A_526 = arith.addf %get3A_523, %get3A_525 : vector<16xf32>
        %mul3A_527 = arith.constant 5.000000e-01 : f32
        %mul3A_528 = vector.broadcast %mul3A_527 : f32 to vector<16xf32>
        %mul3A_529 = arith.mulf %add3A_526, %mul3A_528 : vector<16xf32>
        %swap3A_530 = arith.constant 32 : index
        %swap3A_531 = tpu.vector_load %arg14[%swap3A_530] {strides = array<i32>} : memref<128xf32, #tpu.memory_space<vmem>>, vector<16xf32>,
        tpu.vector_store %arg14[%swap3A_530], %mul3A_529 {strides = array<i32>} : memref<128xf32, #tpu.memory_space<vmem>>, vector<16xf32>,
        %mul3A_532 = arith.mulf %mul3A_529, %mul3A_529 : vector<16xf32>
        %add3A_533 = arith.addf %add3A_521, %mul3A_532 : vector<16xf32>
        %get3A_534 = arith.constant 48 : index
        %get3A_535 = tpu.vector_load %arg14[%get3A_534] {strides = array<i32>} : memref<128xf32, #tpu.memory_space<vmem>>, vector<16xf32>,
        %get3A_536 = arith.constant 48 : index
        %get3A_537 = tpu.vector_load %arg13[%get3A_536] {strides = array<i32>} : memref<128xf32, #tpu.memory_space<vmem>>, vector<16xf32>,
        %add3A_538 = arith.addf %get3A_535, %get3A_537 : vector<16xf32>
        %mul3A_539 = arith.constant 5.000000e-01 : f32
        %mul3A_540 = vector.broadcast %mul3A_539 : f32 to vector<16xf32>
        %mul3A_541 = arith.mulf %add3A_538, %mul3A_540 : vector<16xf32>
        %swap3A_542 = arith.constant 48 : index
        %swap3A_543 = tpu.vector_load %arg14[%swap3A_542] {strides = array<i32>} : memref<128xf32, #tpu.memory_space<vmem>>, vector<16xf32>,
        tpu.vector_store %arg14[%swap3A_542], %mul3A_541 {strides = array<i32>} : memref<128xf32, #tpu.memory_space<vmem>>, vector<16xf32>,
        %mul3A_544 = arith.mulf %mul3A_541, %mul3A_541 : vector<16xf32>
        %add3A_545 = arith.addf %add3A_533, %mul3A_544 : vector<16xf32>
        %get3A_546 = arith.constant 64 : index
        %get3A_547 = tpu.vector_load %arg14[%get3A_546] {strides = array<i32>} : memref<128xf32, #tpu.memory_space<vmem>>, vector<16xf32>,
        %get3A_548 = arith.constant 64 : index
        %get3A_549 = tpu.vector_load %arg13[%get3A_548] {strides = array<i32>} : memref<128xf32, #tpu.memory_space<vmem>>, vector<16xf32>,
        %add3A_550 = arith.addf %get3A_547, %get3A_549 : vector<16xf32>
        %mul3A_551 = arith.constant 5.000000e-01 : f32
        %mul3A_552 = vector.broadcast %mul3A_551 : f32 to vector<16xf32>
        %mul3A_553 = arith.mulf %add3A_550, %mul3A_552 : vector<16xf32>
        %swap3A_554 = arith.constant 64 : index
        %swap3A_555 = tpu.vector_load %arg14[%swap3A_554] {strides = array<i32>} : memref<128xf32, #tpu.memory_space<vmem>>, vector<16xf32>,
        tpu.vector_store %arg14[%swap3A_554], %mul3A_553 {strides = array<i32>} : memref<128xf32, #tpu.memory_space<vmem>>, vector<16xf32>,
        %mul3A_556 = arith.mulf %mul3A_553, %mul3A_553 : vector<16xf32>
        %add3A_557 = arith.addf %add3A_545, %mul3A_556 : vector<16xf32>
        %get3A_558 = arith.constant 80 : index
        %get3A_559 = tpu.vector_load %arg14[%get3A_558] {strides = array<i32>} : memref<128xf32, #tpu.memory_space<vmem>>, vector<16xf32>,
        %get3A_560 = arith.constant 80 : index
        %get3A_561 = tpu.vector_load %arg13[%get3A_560] {strides = array<i32>} : memref<128xf32, #tpu.memory_space<vmem>>, vector<16xf32>,
        %add3A_562 = arith.addf %get3A_559, %get3A_561 : vector<16xf32>
        %mul3A_563 = arith.constant 5.000000e-01 : f32
        %mul3A_564 = vector.broadcast %mul3A_563 : f32 to vector<16xf32>
        %mul3A_565 = arith.mulf %add3A_562, %mul3A_564 : vector<16xf32>
        %swap3A_566 = arith.constant 80 : index
        %swap3A_567 = tpu.vector_load %arg14[%swap3A_566] {strides = array<i32>} : memref<128xf32, #tpu.memory_space<vmem>>, vector<16xf32>,
        tpu.vector_store %arg14[%swap3A_566], %mul3A_565 {strides = array<i32>} : memref<128xf32, #tpu.memory_space<vmem>>, vector<16xf32>,
        %mul3A_568 = arith.mulf %mul3A_565, %mul3A_565 : vector<16xf32>
        %add3A_569 = arith.addf %add3A_557, %mul3A_568 : vector<16xf32>
        %get3A_570 = arith.constant 96 : index
        %get3A_571 = tpu.vector_load %arg14[%get3A_570] {strides = array<i32>} : memref<128xf32, #tpu.memory_space<vmem>>, vector<16xf32>,
        %get3A_572 = arith.constant 96 : index
        %get3A_573 = tpu.vector_load %arg13[%get3A_572] {strides = array<i32>} : memref<128xf32, #tpu.memory_space<vmem>>, vector<16xf32>,
        %add3A_574 = arith.addf %get3A_571, %get3A_573 : vector<16xf32>
        %mul3A_575 = arith.constant 5.000000e-01 : f32
        %mul3A_576 = vector.broadcast %mul3A_575 : f32 to vector<16xf32>
        %mul3A_577 = arith.mulf %add3A_574, %mul3A_576 : vector<16xf32>
        %swap3A_578 = arith.constant 96 : index
        %swap3A_579 = tpu.vector_load %arg14[%swap3A_578] {strides = array<i32>} : memref<128xf32, #tpu.memory_space<vmem>>, vector<16xf32>,
        tpu.vector_store %arg14[%swap3A_578], %mul3A_577 {strides = array<i32>} : memref<128xf32, #tpu.memory_space<vmem>>, vector<16xf32>,
        %mul3A_580 = arith.mulf %mul3A_577, %mul3A_577 : vector<16xf32>
        %add3A_581 = arith.addf %add3A_569, %mul3A_580 : vector<16xf32>
        %get3A_582 = arith.constant 112 : index
        %get3A_583 = tpu.vector_load %arg14[%get3A_582] {strides = array<i32>} : memref<128xf32, #tpu.memory_space<vmem>>, vector<16xf32>,
        %get3A_584 = arith.constant 112 : index
        %get3A_585 = tpu.vector_load %arg13[%get3A_584] {strides = array<i32>} : memref<128xf32, #tpu.memory_space<vmem>>, vector<16xf32>,
        %add3A_586 = arith.addf %get3A_583, %get3A_585 : vector<16xf32>
        %mul3A_587 = arith.constant 5.000000e-01 : f32
        %mul3A_588 = vector.broadcast %mul3A_587 : f32 to vector<16xf32>
        %mul3A_589 = arith.mulf %add3A_586, %mul3A_588 : vector<16xf32>
        %swap3A_590 = arith.constant 112 : index
        %swap3A_591 = tpu.vector_load %arg14[%swap3A_590] {strides = array<i32>} : memref<128xf32, #tpu.memory_space<vmem>>, vector<16xf32>,
        tpu.vector_store %arg14[%swap3A_590], %mul3A_589 {strides = array<i32>} : memref<128xf32, #tpu.memory_space<vmem>>, vector<16xf32>,
        %mul3A_592 = arith.mulf %mul3A_589, %mul3A_589 : vector<16xf32>
        %add3A_593 = arith.addf %add3A_581, %mul3A_592 : vector<16xf32>
        %reduce_sum3A = arith.constant true
        %reduce_sum3A_594 = vector.broadcast %reduce_sum3A : i1 to vector<16xi1>
        %reduce_sum3A_595 = tpu.scan <sum>, %add3A_593 masked %reduce_sum3A_594 : vector<16xf32>, vector<16xi1> -> vector<16xf32>
        %reduce_sum3A_596 = vector.extract %reduce_sum3A_595[15] : f32 from vector<16xf32>
        %broadcast_in_dim3A_597 = vector.broadcast %reduce_sum3A_596 : f32 to vector<16xf32>
        %max3A_598 = arith.constant 1.000000e-30 : f32
        %max3A_599 = vector.broadcast %max3A_598 : f32 to vector<16xf32>
        %max3A_600 = arith.maximumf %broadcast_in_dim3A_597, %max3A_599 : vector<16xf32>
        %bitcast3A_601 = vector.bitcast %max3A_600 : vector<16xf32> to vector<16xi32>
        %shift_right_logical3A_602 = arith.constant 1 : i32
        %shift_right_logical3A_603 = vector.broadcast %shift_right_logical3A_602 : i32 to vector<16xi32>
        %shift_right_logical3A_604 = arith.shrui %bitcast3A_601, %shift_right_logical3A_603 : vector<16xi32>
        %sub3A_605 = arith.constant 1597463007 : i32
        %sub3A_606 = vector.broadcast %sub3A_605 : i32 to vector<16xi32>
        %sub3A_607 = arith.subi %sub3A_606, %shift_right_logical3A_604 : vector<16xi32>
        %bitcast3A_608 = vector.bitcast %sub3A_607 : vector<16xi32> to vector<16xf32>
        %mul3A_609 = arith.constant 5.000000e-01 : f32
        %mul3A_610 = vector.broadcast %mul3A_609 : f32 to vector<16xf32>
        %mul3A_611 = arith.mulf %mul3A_610, %max3A_600 : vector<16xf32>
        %mul3A_612 = arith.mulf %mul3A_611, %bitcast3A_608 : vector<16xf32>
        %mul3A_613 = arith.mulf %mul3A_612, %bitcast3A_608 : vector<16xf32>
        %sub3A_614 = arith.constant 1.500000e+00 : f32
        %sub3A_615 = vector.broadcast %sub3A_614 : f32 to vector<16xf32>
        %sub3A_616 = arith.subf %sub3A_615, %mul3A_613 : vector<16xf32>
        %mul3A_617 = arith.mulf %bitcast3A_608, %sub3A_616 : vector<16xf32>
        %mul3A_618 = arith.constant 5.000000e-01 : f32
        %mul3A_619 = vector.broadcast %mul3A_618 : f32 to vector<16xf32>
        %mul3A_620 = arith.mulf %mul3A_619, %max3A_600 : vector<16xf32>
        %mul3A_621 = arith.mulf %mul3A_620, %mul3A_617 : vector<16xf32>
        %mul3A_622 = arith.mulf %mul3A_621, %mul3A_617 : vector<16xf32>
        %sub3A_623 = arith.constant 1.500000e+00 : f32
        %sub3A_624 = vector.broadcast %sub3A_623 : f32 to vector<16xf32>
        %sub3A_625 = arith.subf %sub3A_624, %mul3A_622 : vector<16xf32>
        %mul3A_626 = arith.mulf %mul3A_617, %sub3A_625 : vector<16xf32>
        %mul3A_627 = arith.constant 5.000000e-01 : f32
        %mul3A_628 = vector.broadcast %mul3A_627 : f32 to vector<16xf32>
        %mul3A_629 = arith.mulf %mul3A_628, %max3A_600 : vector<16xf32>
        %mul3A_630 = arith.mulf %mul3A_629, %mul3A_626 : vector<16xf32>
        %mul3A_631 = arith.mulf %mul3A_630, %mul3A_626 : vector<16xf32>
        %sub3A_632 = arith.constant 1.500000e+00 : f32
        %sub3A_633 = vector.broadcast %sub3A_632 : f32 to vector<16xf32>
        %sub3A_634 = arith.subf %sub3A_633, %mul3A_631 : vector<16xf32>
        %mul3A_635 = arith.mulf %mul3A_626, %sub3A_634 : vector<16xf32>
        %mul3A_636 = arith.mulf %max3A_600, %mul3A_635 : vector<16xf32>
        %max3A_637 = arith.constant 9.99999996E-13 : f32
        %max3A_638 = vector.broadcast %max3A_637 : f32 to vector<16xf32>
        %max3A_639 = arith.maximumf %mul3A_636, %max3A_638 : vector<16xf32>
        %div3A_640 = arith.constant 1.000000e+00 : f32
        %div3A_641 = vector.broadcast %div3A_640 : f32 to vector<16xf32>
        %div3A_642 = arith.divf %div3A_641, %max3A_639 : vector<16xf32>
        %get3A_643 = arith.constant 0 : index
        %get3A_644 = tpu.vector_load %arg14[%get3A_643] {strides = array<i32>} : memref<128xf32, #tpu.memory_space<vmem>>, vector<16xf32>,
        %mul3A_645 = arith.mulf %get3A_644, %div3A_642 : vector<16xf32>
        %swap3A_646 = arith.constant 0 : index
        %swap3A_647 = tpu.vector_load %arg14[%swap3A_646] {strides = array<i32>} : memref<128xf32, #tpu.memory_space<vmem>>, vector<16xf32>,
        tpu.vector_store %arg14[%swap3A_646], %mul3A_645 {strides = array<i32>} : memref<128xf32, #tpu.memory_space<vmem>>, vector<16xf32>,
        %get3A_648 = arith.constant 16 : index
        %get3A_649 = tpu.vector_load %arg14[%get3A_648] {strides = array<i32>} : memref<128xf32, #tpu.memory_space<vmem>>, vector<16xf32>,
        %mul3A_650 = arith.mulf %get3A_649, %div3A_642 : vector<16xf32>
        %swap3A_651 = arith.constant 16 : index
        %swap3A_652 = tpu.vector_load %arg14[%swap3A_651] {strides = array<i32>} : memref<128xf32, #tpu.memory_space<vmem>>, vector<16xf32>,
        tpu.vector_store %arg14[%swap3A_651], %mul3A_650 {strides = array<i32>} : memref<128xf32, #tpu.memory_space<vmem>>, vector<16xf32>,
        %get3A_653 = arith.constant 32 : index
        %get3A_654 = tpu.vector_load %arg14[%get3A_653] {strides = array<i32>} : memref<128xf32, #tpu.memory_space<vmem>>, vector<16xf32>,
        %mul3A_655 = arith.mulf %get3A_654, %div3A_642 : vector<16xf32>
        %swap3A_656 = arith.constant 32 : index
        %swap3A_657 = tpu.vector_load %arg14[%swap3A_656] {strides = array<i32>} : memref<128xf32, #tpu.memory_space<vmem>>, vector<16xf32>,
        tpu.vector_store %arg14[%swap3A_656], %mul3A_655 {strides = array<i32>} : memref<128xf32, #tpu.memory_space<vmem>>, vector<16xf32>,
        %get3A_658 = arith.constant 48 : index
        %get3A_659 = tpu.vector_load %arg14[%get3A_658] {strides = array<i32>} : memref<128xf32, #tpu.memory_space<vmem>>, vector<16xf32>,
        %mul3A_660 = arith.mulf %get3A_659, %div3A_642 : vector<16xf32>
        %swap3A_661 = arith.constant 48 : index
        %swap3A_662 = tpu.vector_load %arg14[%swap3A_661] {strides = array<i32>} : memref<128xf32, #tpu.memory_space<vmem>>, vector<16xf32>,
        tpu.vector_store %arg14[%swap3A_661], %mul3A_660 {strides = array<i32>} : memref<128xf32, #tpu.memory_space<vmem>>, vector<16xf32>,
        %get3A_663 = arith.constant 64 : index
        %get3A_664 = tpu.vector_load %arg14[%get3A_663] {strides = array<i32>} : memref<128xf32, #tpu.memory_space<vmem>>, vector<16xf32>,
        %mul3A_665 = arith.mulf %get3A_664, %div3A_642 : vector<16xf32>
        %swap3A_666 = arith.constant 64 : index
        %swap3A_667 = tpu.vector_load %arg14[%swap3A_666] {strides = array<i32>} : memref<128xf32, #tpu.memory_space<vmem>>, vector<16xf32>,
        tpu.vector_store %arg14[%swap3A_666], %mul3A_665 {strides = array<i32>} : memref<128xf32, #tpu.memory_space<vmem>>, vector<16xf32>,
        %get3A_668 = arith.constant 80 : index
        %get3A_669 = tpu.vector_load %arg14[%get3A_668] {strides = array<i32>} : memref<128xf32, #tpu.memory_space<vmem>>, vector<16xf32>,
        %mul3A_670 = arith.mulf %get3A_669, %div3A_642 : vector<16xf32>
        %swap3A_671 = arith.constant 80 : index
        %swap3A_672 = tpu.vector_load %arg14[%swap3A_671] {strides = array<i32>} : memref<128xf32, #tpu.memory_space<vmem>>, vector<16xf32>,
        tpu.vector_store %arg14[%swap3A_671], %mul3A_670 {strides = array<i32>} : memref<128xf32, #tpu.memory_space<vmem>>, vector<16xf32>,
        %get3A_673 = arith.constant 96 : index
        %get3A_674 = tpu.vector_load %arg14[%get3A_673] {strides = array<i32>} : memref<128xf32, #tpu.memory_space<vmem>>, vector<16xf32>,
        %mul3A_675 = arith.mulf %get3A_674, %div3A_642 : vector<16xf32>
        %swap3A_676 = arith.constant 96 : index
        %swap3A_677 = tpu.vector_load %arg14[%swap3A_676] {strides = array<i32>} : memref<128xf32, #tpu.memory_space<vmem>>, vector<16xf32>,
        tpu.vector_store %arg14[%swap3A_676], %mul3A_675 {strides = array<i32>} : memref<128xf32, #tpu.memory_space<vmem>>, vector<16xf32>,
        %get3A_678 = arith.constant 112 : index
        %get3A_679 = tpu.vector_load %arg14[%get3A_678] {strides = array<i32>} : memref<128xf32, #tpu.memory_space<vmem>>, vector<16xf32>,
        %mul3A_680 = arith.mulf %get3A_679, %div3A_642 : vector<16xf32>
        %swap3A_681 = arith.constant 112 : index
        %swap3A_682 = tpu.vector_load %arg14[%swap3A_681] {strides = array<i32>} : memref<128xf32, #tpu.memory_space<vmem>>, vector<16xf32>,
        tpu.vector_store %arg14[%swap3A_681], %mul3A_680 {strides = array<i32>} : memref<128xf32, #tpu.memory_space<vmem>>, vector<16xf32>,
        "tpu.region"() ({
          %run_scoped3A = tpu.sem_alloc : memref<!tpu.dma_semaphore, #tpu.memory_space<semaphore_mem>>
          %dma_start3A_683 = arith.constant 0 : i32
          %dma_start3A_684 = tpu.memref_slice %arg4[%squeeze3A_491, %dma_start3A_683] : memref<100000x128xf32, #tpu.memory_space<hbm>> -> memref<1x128xf32, #tpu.memory_space<hbm>>
          %dma_start3A_685 = tpu.memref_squeeze %dma_start3A_684 : memref<1x128xf32, #tpu.memory_space<hbm>> -> memref<128xf32, #tpu.memory_space<hbm>>
          %dma_start3A_686 = arith.constant 0 : i32
          %dma_start3A_687 = tpu.memref_slice %arg4[%squeeze3A_491, %dma_start3A_686] : memref<100000x128xf32, #tpu.memory_space<hbm>> -> memref<1x128xf32, #tpu.memory_space<hbm>>
          %dma_start3A_688 = tpu.memref_squeeze %dma_start3A_687 : memref<1x128xf32, #tpu.memory_space<hbm>> -> memref<128xf32, #tpu.memory_space<hbm>>
          tpu.enqueue_dma source(%arg14 : memref<128xf32, #tpu.memory_space<vmem>>) target(%dma_start3A_688 : memref<128xf32, #tpu.memory_space<hbm>>) target_semaphore(%run_scoped3A : memref<!tpu.dma_semaphore, #tpu.memory_space<semaphore_mem>>)
          %dma_wait3A_689 = arith.constant 0 : i32
          %dma_wait3A_690 = tpu.memref_slice %arg4[%squeeze3A_491, %dma_wait3A_689] : memref<100000x128xf32, #tpu.memory_space<hbm>> -> memref<1x128xf32, #tpu.memory_space<hbm>>
          %dma_wait3A_691 = tpu.memref_squeeze %dma_wait3A_690 : memref<1x128xf32, #tpu.memory_space<hbm>> -> memref<128xf32, #tpu.memory_space<hbm>>
          %dma_wait3A_692 = arith.constant 0 : i32
          %dma_wait3A_693 = tpu.memref_slice %arg4[%squeeze3A_491, %dma_wait3A_692] : memref<100000x128xf32, #tpu.memory_space<hbm>> -> memref<1x128xf32, #tpu.memory_space<hbm>>
          %dma_wait3A_694 = tpu.memref_squeeze %dma_wait3A_693 : memref<1x128xf32, #tpu.memory_space<hbm>> -> memref<128xf32, #tpu.memory_space<hbm>>
          tpu.wait_dma2 semaphore(%run_scoped3A : memref<!tpu.dma_semaphore, #tpu.memory_space<semaphore_mem>>) src(%arg14 : memref<128xf32, #tpu.memory_space<vmem>>) dst(%dma_wait3A_694 : memref<128xf32, #tpu.memory_space<hbm>>)
          tpu.yield
        }) : () -> ()
      }
    }
    return
  }
}

</mosaic_0001>

<sc_bundles>
// kernel: kernel.3.cloned.1.call-start
scs
__scs_entry_jumppad:
0x0: {  	(pc) =	sbr.rel $0x88, $3  }
0x1: {  	(tag) =	ssettag $0x0;
	lr =	simm.s32 $0x1  }
0x2: {  	[smem:$0x3F9E] =	sst lr;
	_ =	strace $0xD0000000  }
0x3: {  	_ = 	snop  }
0x4: {  	_ = 	snop  }
0x5: {  	_ = 	snop  }
0x6: {  	_ = 	snop  }
0x7: {  	_ = 	snop  }
__scs_overlays_trampoline_lowered:
0x8: {  	[smem:$0x3FAD] =	sst s0  }
0x9: {  	[smem:$0x3FAE] =	sst s1  }
0xa: {  	[smem:$0x3FAF] =	sst s2  }
0xb: {  	[smem:$0x3FB0] =	sst s3  }
0xc: {  	[smem:$0x3FB1] =	sst s4  }
0xd: {  	[smem:$0x3FB2] =	sst s5  }
0xe: {  	[smem:$0x3FB3] =	sst s6  }
0xf: {  	[smem:$0x3FB4] =	sst s7  }
0x10: {  	[smem:$0x3FB5] =	sst s8  }
0x11: {  	[smem:$0x3FB6] =	sst s9;
	s0 =	simm.s32 @!p0 $0x0  }
0x12: {  	s1 =	sld [smem:$0x3F9C];
	s0 =	simm.s32 @p0 $0x1  }
0x13: {  	[smem:$0x3FB7] =	sst s0;
	s0 =	simm.s32 @!p1 $0x0  }
0x14: {  	s2 =	sld [smem:$0x3F9B];
	s0 =	simm.s32 @p1 $0x1  }
0x15: {  	[smem:$0x3FB8] =	sst s0;
	s0 =	simm.s32 @!p2 $0x0  }
0x16: {  	s3 =	sld [smem:$0x3FDB];
	s0 =	simm.s32 @p2 $0x1  }
0x17: {  	s4 =	simm.s32 $0x1BF5;
	[smem:$0x3FBA] =	sst s0  }
0x18: {  	s0 =	sld [smem:$0x3F9D];
	_ =	swait.ge [sflag:s4], $0x0  }
0x19: {  	s7 =	sld [smem:$0x3F9E]  }
0x1a: {  	s8 =	sadd.s32 $0xFFFFE003, lr  }
0x1b: {  	s9 =	sadd.s32 $0xFFFFFEF7, lr;
	s5 =	simm.s32 $0xFFFFFFFF;
	p2 =	slt.u32 s8, $0xFFFFF086  }
0x1c: {  	p1 =	slt.u32 s9, $0xF7A;
	s5 =	simm.s32 @!p2 $0x0  }
0x1d: {  	s5 =	simm.s32 @p1 $0x1;
	p0 =	seq.s32 s7, s2  }
0x1e: {  	s7 =	smul.u32 @!p0 $0xF7A, s2;
	p2 =	seq.s32 @!p0 s5, $0x0  }
0x1f: {  	s9 =	smul.u32 $0xF7A, s1;
	s8 =	simm.s32 @!p0 $0x1BF5;
	p2 =	por !p2, p0  }
0x20: {  	[sflag:s8] =	ssyncset.s32 @!p0 $0xFFFFF086;
	s6 =	sadd.s32 @!p0 s3, s7;
	s7 =	simm.s32 @!p0 $0x108  }
0x21: {  	s3 =	sadd.s32 s3, s9;
	s6 =	sadd.s32 @!p0 $0x88, s6;
	s7 =	simm.s32 @p2 $0x1082  }
0x22: {  	[simem:s7], [sflag:s8] =	dma.local @!p0 [hbm:s6], $0xF7A  }
0x23: {  	s9 =	sor.u32 $0xD0000000, s2;
	s6 =	simm.s32 $0x108;
	_ =	swait.ge @!p0 [sflag:s8], $0x0  }
0x24: {  	s3 =	sadd.s32 $0x88, s3;
	s6 =	simm.s32 @!p1 $0x1082;
	[sflag:s4] =	ssyncset.s32 $0xFFFFF086  }
0x25: {  	[simem:s6], [sflag:s4] =	dma.local [hbm:s3], $0xF7A  }
0x26: {  	[smem:$0x3F9E] =	sst s1;
	(tag) =	ssettag s2;
	_ =	strace s9  }
0x27: {  	s1 =	sld [smem:$0x3FAE]  }
0x28: {  	s2 =	sld [smem:$0x3FAF]  }
0x29: {  	s4 =	sld [smem:$0x3FB1]  }
0x2a: {  	p0 =	seq.s32 s5, $0x0;
	s5 =	sld [smem:$0x3FB2]  }
0x2b: {  	s6 =	sld [smem:$0x3FB3]  }
0x2c: {  	s7 =	sld [smem:$0x3FB4]  }
0x2d: {  	s3 =	simm.s32 $0x108;
	s8 =	sld [smem:$0x3FB5]  }
0x2e: {  	s3 =	simm.s32 @!p0 $0x1082;
	s9 =	sld [smem:$0x3FB6]  }
0x2f: {  	lr =	sadd.s32 s0, s3;
	s0 =	sld [smem:$0x3FAD]  }
0x30: {  	s3 =	sld [smem:$0x3FB0]  }
0x31: {  	[smem:$0x3FB9] =	sst s10  }
0x32: {  	s10 =	sld [smem:$0x3FB7];
	_ =	sdelay $0x3  }
0x33: {  	p0 =	seq.s32 s10, $0x1;
	s10 =	sld [smem:$0x3FB9];
	_ =	sdelay $0x3  }
0x34: {  	[smem:$0x3FB9] =	sst s10  }
0x35: {  	s10 =	sld [smem:$0x3FB8];
	_ =	sdelay $0x3  }
0x36: {  	p1 =	seq.s32 s10, $0x1;
	s10 =	sld [smem:$0x3FB9];
	_ =	sdelay $0x3  }
0x37: {  	[smem:$0x3FB9] =	sst s10  }
0x38: {  	s10 =	sld [smem:$0x3FBA]  }
0x39: {  	_ = 	snop;
	(pc) =	sbr.ind lr, $3  }
0x3a: {  	_ = 	snop  }
0x3b: {  	_ = 	snop  }
0x3c: {  	p2 =	seq.s32 s10, $0x1;
	s10 =	sld [smem:$0x3FB9]  }
0x3d: {  	_ =	shalt  }
0x3e: {  	_ =	shalt  }
0x3f: {  	_ =	shalt  }
0x40: {  	_ =	shalt  }
0x41: {  	_ =	shalt  }
0x42: {  	_ =	shalt  }
0x43: {  	_ =	shalt  }
0x44: {  	_ =	shalt  }
0x45: {  	_ =	shalt  }
0x46: {  	_ =	shalt  }
0x47: {  	_ =	shalt  }
0x48: {  	_ =	shalt  }
0x49: {  	_ =	shalt  }
0x4a: {  	_ =	shalt  }
0x4b: {  	_ =	shalt  }
0x4c: {  	_ =	shalt  }
0x4d: {  	_ =	shalt  }
0x4e: {  	_ =	shalt  }
0x4f: {  	_ =	shalt  }
0x50: {  	_ =	shalt  }
0x51: {  	_ =	shalt  }
0x52: {  	_ =	shalt  }
0x53: {  	_ =	shalt  }
0x54: {  	_ =	shalt  }
0x55: {  	_ =	shalt  }
0x56: {  	_ =	shalt  }
0x57: {  	_ =	shalt  }
0x58: {  	_ =	shalt  }
0x59: {  	_ =	shalt  }
0x5a: {  	_ =	shalt  }
0x5b: {  	_ =	shalt  }
0x5c: {  	_ =	shalt  }
0x5d: {  	_ =	shalt  }
0x5e: {  	_ =	shalt  }
0x5f: {  	_ =	shalt  }
0x60: {  	_ =	shalt  }
0x61: {  	_ =	shalt  }
0x62: {  	_ =	shalt  }
0x63: {  	_ =	shalt  }
0x64: {  	_ =	shalt  }
0x65: {  	_ =	shalt  }
0x66: {  	_ =	shalt  }
0x67: {  	_ =	shalt  }
0x68: {  	_ =	shalt  }
0x69: {  	_ =	shalt  }
0x6a: {  	_ =	shalt  }
0x6b: {  	_ =	shalt  }
0x6c: {  	_ =	shalt  }
0x6d: {  	_ =	shalt  }
0x6e: {  	_ =	shalt  }
0x6f: {  	_ =	shalt  }
0x70: {  	_ =	shalt  }
0x71: {  	_ =	shalt  }
0x72: {  	_ =	shalt  }
0x73: {  	_ =	shalt  }
0x74: {  	_ =	shalt  }
0x75: {  	_ =	shalt  }
0x76: {  	_ =	shalt  }
0x77: {  	_ =	shalt  }
0x78: {  	_ =	shalt  }
0x79: {  	_ =	shalt  }
0x7a: {  	_ =	shalt  }
0x7b: {  	_ =	shalt  }
0x7c: {  	_ =	shalt  }
0x7d: {  	_ =	shalt  }
0x7e: {  	_ =	shalt  }
0x7f: {  	_ =	shalt  }
0x80: {  	_ =	shalt  }
0x81: {  	_ =	shalt  }
0x82: {  	_ =	shalt  }
0x83: {  	_ =	shalt  }
0x84: {  	_ =	shalt  }
0x85: {  	_ =	shalt  }
0x86: {  	_ =	shalt  }
0x87: {  	_ =	shalt  }
.Lfunc_end0:
.L_simem_size_0:
called_computation_lowered:
.L_overlay_start_0:
0x88: {  	s2 =	sld [smem:$0x3FD9]  }
0x89: {  	s3 =	sld [smem:$0x3FFE];
	_ =	sdelay $0x1  }
0x8a: {  	s1 =	srdreg.scid  }
0x8b: {  	s0 =	sand.u32 $0x1, s1  }
0x8c: {  	s18 =	sshll.u32 s0, $0xA;
	s2 =	sadd.s32 s3, s2  }
0x8d: {  	s2 =	sadd.s32 s2, s18  }
0x8e: {  	[smem:$0x3FC5] =	sst s2  }
0x8f: {  	_ = 	snop  }
0x90: {  	s2 =	sld [smem:$0x3FC9]  }
0x91: {  	s19 =	sld [smem:$0x3FC8]  }
0x92: {  	s4 =	sld [smem:$0x3FD0];
	(tm) =	ssettm $0x1  }
0x93: {  	s5 =	sld [smem:$0x3FFB];
	_ =	sdelay $0x3  }
0x94: {  	_ =	strace s5  }
0x95: {  	s5 =	sld [smem:$0x3FFC];
	_ =	sdelay $0x3  }
0x96: {  	_ =	strace s5  }
0x97: {  	s5 =	sld [smem:$0x3FFD];
	_ =	sdelay $0x3  }
0x98: {  	_ =	strace s5  }
0x99: {  	_ =	strace $0x8FFFFFFF  }
0x9a: {  	s20 =	sld [smem:$0x3FDB];
	_ =	sdelay $0x1  }
0x9b: {  	s6 =	simm.s32 $_scs_section_size  }
0x9c: {  	s7 =	simm.s32 $_size__tile_overlayer_lowered;
	s8 =	simm.s32 $_tile_overlayer_lowered  }
0x9d: {  	s23 =	simm.s32 $0x1BFF;
	s22 =	sshll.u32 s8, $0x1;
	s5 =	sadd.s32 s6, s20  }
0x9e: {  	s9 =	simm.s32 $0x0;
	s21 =	sshll.u32 s7, $0x1;
	s7 =	sadd.s32 s22, s5  }
0x9f: {  	[timem:s9], [sflag:s23] =	dma.local [hbm:s7], s21  }
0xa0: {  	_ =	swait.ge [sflag:s23], s21  }
0xa1: {  	s6 =	ssub.s32 $0x0, s21;
	[sflag:s23] =	ssyncset.done $0x0  }
0xa2: {  	[sflag:s23] =	ssyncadd.s32 s6;
	_ =	sdelay $0x1  }
0xa3: {  	s24 =	simm.s32 $0x1B8B  }
0xa4: {  	_ =	swait.ge [sflag:s24], $0x1  }
0xa5: {  	[sflag:s24] =	ssyncset.done $0x0  }
0xa6: {  	s25 =	simm.s32 $0x1B8E;
	[sflag:s24] =	ssyncadd.s32 $0xFFFFFFFF  }
0xa7: {  	s26 =	simm.s32 $execute0_lowered;
	[smem:$0x3FD2] =	sst s25  }
0xa8: {  	s6 =	sshll.u32 s26, $0x1;
	_ =	strace $0x80000046;
	[dreg:$0x1] =	wrdreg $0xFFFFFFFF  }
0xa9: {  	s28 =	simm.s32 $_size_execute0_lowered;
	s5 =	sadd.s32 s5, s6;
	[dreg:$0x0] =	wrdreg $0x0  }
0xaa: {  	s6 =	sshll.u32 s28, $0x1;
	[dreg:$0x2] =	wrdreg s5  }
0xab: {  	[dreg:$0x3] =	wrdreg s6  }
0xac: {  	[dreg:$0x4] =	wrdreg $0xC0  }
0xad: {  	_ =	task [dreg:s9], $0x5FFFF  }
0xae: {  	[dreg:$0x1] =	wrdreg $0xFFFFFFFF  }
0xaf: {  	[dreg:$0x0] =	wrdreg $0x60  }
0xb0: {  	[dreg:$0x2] =	wrdreg s2  }
0xb1: {  	[dreg:$0x3] =	wrdreg s19  }
0xb2: {  	[dreg:$0x4] =	wrdreg s4  }
0xb3: {  	[dreg:$0x5] =	wrdreg $0x9  }
0xb4: {  	_ =	task.clear_ibuf [dreg:s9], $0x6FFFF;
	_ =	strace $0x90000046  }
0xb5: {  	s29 =	simm.s32 $0x9;
	_ =	strace $0x80000048  }
0xb6: {  	_ =	swait.ge [sflag:s29], $0x1  }
0xb7: {  	[sflag:s29] =	ssyncadd.s32 $0xFFFFFFFF  }
0xb8: {  	_ =	strace $0x90000048  }
0xb9: {  	_ =	sfence  }
0xba: {  	s30 =	sld [smem:$0x0];
	_ =	sdelay $0x2  }
0xbb: {  	s31 =	sshll.u32 s1, $0xD;
	s1 =	sshrl.u32 s1, $0x2  }
0xbc: {  	s3 =	sand.u32 $0x4000, s31;
	s1 =	sadd.s32 s1, s30  }
0xbd: {  	s0 =	sor.u32 s3, s0;
	s1 =	sshll.u32 s1, $0x11  }
0xbe: {  	s0 =	sor.u32 s1, s0  }
0xbf: {  	s0 =	sadd.s32 $0x8F2B, s0  }
0xc0: {  	[sflag:s0] =	ssyncadd.remote.s32 $0x1  }
0xc1: {  	_ =	sfence.sel $0xFFFF  }
0xc2: {  	[dreg:$0x0] =	wrdreg $0xFFFFFFFF;
	(pc) =	sbr.abs _section_cstart, $3  }
0xc3: {  	[dreg:$0x1] =	wrdreg $0xFFFFFFFF  }
0xc4: {  	_ =	task.clear_ibuf [dreg:s9], $0x2FFFF;
	_ =	strace $0x9FFFFFFF  }
0xc5: {  	(tm) =	ssettm $0x7FFFFFFF  }
tec
execute0_lowered:
.L_overlay_start_1:
0x0: {  	(tag) =	ssettag $0x1  }
0x1: {  	s1 =	rddreg [dreg:$0x0]  }
0x2: {  	s2 =	rddreg [dreg:$0x1];
	s0 =	srdreg.scid  }
0x3: {  	s3 =	rddreg [dreg:$0x2];
	s5 =	simm.s32 $0x0;
	s4 =	stileid.u32  }
0x4: {  	s9 =	simm.s32 $0xC100;
	s10 =	simm.s32 $0x12F00;
	s12 =	simm.s32 $0xCD80  }
0x5: {  	s13 =	simm.s32 $0xED80;
	s14 =	simm.s32 $0x2;
	s15 =	simm.s32 $0x12E80  }
0x6: {  	v0 =	vlaneseq.u32;
	s16 =	simm.s32 $0x10D80;
	s17 =	simm.s32 $0x11580;
	s18 =	simm.s32 $0x11D80  }
0x7: {  	s19 =	simm.s32 $0x12580;
	s20 =	simm.s32 $0x12D80;
	s21 =	simm.s32 $0x12E00;
	v1 =	vmul.u32 $0xFFFFFFFF, v0  }
.Ltmp0:
0x8: {  	s6 =	sand.u32 $0x1, s0;
	s31 =	sshll.u32 s4, $0x1;
	v7 =	vmul.u32 $0x80, v0;
	(pc) =	sbr.rel .LBB2_1-.Ltmp0, $4  }
0x9: {  	s0 =	rddreg [dreg:$0x3];
	v8 =	vor.u32 $0x10, v0;
	v9 =	vor.u32 $0x20, v0;
	s7 =	ssub.s32 $0x2, s6;
	s11 =	sor.u32 s6, s31;
	v1 =	vadd.s32 $0xF, v1  }
0xa: {  	s22 =	simm.s32 $0x0;
	[smem:$0x7FF] =	sst s5;
	v10 =	vor.u32 $0x30, v0;
	s8 =	sshrl.u32 s7, $0x1;
	v3 =	vmov s11;
	v2 =	vperm.xlane v0, v1  }
0xb: {  	_ =	strace $0x80000047;
	s11 =	simm.s32 $0x40;
	v11 =	vor.u32 $0x800, v7;
	v12 =	vor.u32 $0x1000, v7;
	v13 =	vor.u32 $0x1800, v7;
	s7 =	ssub.s32 s7, s8  }
0xc: {  	s8 =	simm.s32 $0x1;
	s6 =	smax.u32 s7, $0x1;
	s7 =	simm.s32 $0x3;
	v4 =	vadd.s32 $0x30, v2;
	v5 =	vadd.s32 $0x20, v2;
	v6 =	vadd.s32 $0x10, v2  }
.LBB2_14:
0xd: {  	s22 =	sadd.s32 $0x1, s22  }
0xe: {  	p0 =	sne.s32 s22, s6  }
.Ltmp1:
0xf: {  	_ = 	snop;
	(pc) =	sbr.rel @!p0 .LBB2_15-.Ltmp1, $1  }
0x10: {  	_ =	sdelay $0x3  }
.LBB2_1:
0x11: {  	[tilespmem:s5], [sflag:$0x3] =	stream.linear.gather [hbm4b:s2+s5], $0x4000, $0x38;
	[tilespmem:$0x12F80] =	vst v63  }
0x12: {  	_ =	swait.ge [sflag:s7], $0x4000  }
0x13: {  	[sflag:s7] =	ssyncset.done $0x0  }
0x14: {  	s23 =	simm.s32 $0x20;
	[sflag:s7] =	ssyncadd.s32 $0xFFFFC000  }
0x15: {  	v14 =	vld [tilespmem:s23+$0xFFFFFFE0];
	_ =	sdelay $0x4  }
0x16: {  	v15 =	vand.u32 $0x1F, v14  }
0x17: {  	vm0 =	veq.s32 v15, v3  }
0x18: {  	[tilespmem:s5+$0x8080] =	vst.msk vm0, v14;
	v14 =	vor.u32 s5, v0;
	v15 =	vmpcnt.ones.xlane vm0  }
0x19: {  	[tilespmem:s5+$0x4000] =	vst.msk vm0, v14  }
0x1a: {  	v14 =	vld [tilespmem:s23+$0xFFFFFFF0];
	(v2sf) =	vpush v15, $0x0;
	_ =	sdelay $0x4  }
0x1b: {  	v15 =	vand.u32 $0x1F, v14  }
0x1c: {  	vm13 =	veq.s32 v15, v3  }
0x1d: {  	v15 =	vmpcnt.ones.xlane vm13;
	_ =	sdelay $0x1  }
0x1e: {  	(v2sf) =	vpush v15, $0x0;
	_ =	sdelay $0x5  }
0x1f: {  	s24 =	spop (v2sf)  }
0x20: {  	s25 =	simm.s32 $0x10;
	s24 =	sadd.s32 $0x0, s24  }
0x21: {  	[tilespmem:s24+$0x8080] =	vst.msk vm13, v14;
	v14 =	vor.u32 s25, v0  }
0x22: {  	[tilespmem:s24+$0x4000] =	vst.msk vm13, v14  }
0x23: {  	v14 =	vld [tilespmem:s23+$0x0];
	_ =	sdelay $0x4  }
0x24: {  	v15 =	vand.u32 $0x1F, v14;
	s26 =	spop (v2sf)  }
0x25: {  	s29 =	simm.s32 $0x20;
	s24 =	sadd.s32 s24, s26;
	vm14 =	veq.s32 v15, v3  }
0x26: {  	[tilespmem:s24+$0x8080] =	vst.msk vm14, v14;
	v14 =	vor.u32 s29, v0;
	v15 =	vmpcnt.ones.xlane vm14  }
0x27: {  	[tilespmem:s24+$0x4000] =	vst.msk vm14, v14  }
0x28: {  	v14 =	vld [tilespmem:s23+$0x10];
	(v2sf) =	vpush v15, $0x0;
	_ =	sdelay $0x4  }
0x29: {  	v15 =	vand.u32 $0x1F, v14  }
0x2a: {  	vm15 =	veq.s32 v15, v3  }
0x2b: {  	v15 =	vmpcnt.ones.xlane vm15;
	_ =	sdelay $0x1  }
0x2c: {  	(v2sf) =	vpush v15, $0x0;
	_ =	sdelay $0x5  }
0x2d: {  	s30 =	spop (v2sf)  }
0x2e: {  	s31 =	simm.s32 $0x30;
	s26 =	sadd.s32 s24, s30  }
0x2f: {  	[tilespmem:s26+$0x8080] =	vst.msk vm15, v14;
	v14 =	vor.u32 s31, v0  }
0x30: {  	s23 =	simm.s32 $0x60;
	[tilespmem:s26+$0x4000] =	vst.msk vm15, v14  }
0x31: {  	v14 =	vld [tilespmem:s23+$0xFFFFFFE0];
	_ =	sdelay $0x4  }
0x32: {  	s25 =	simm.s32 $0x4;
	s24 =	simm.s32 $0x0;
	v15 =	vand.u32 $0x1F, v14;
	s28 =	spop (v2sf)  }
.LBB2_2:
0x33: {  	s25 =	sadd.s32 $0x4, s25;
	vm0 =	veq.s32 v15, v3;
	s26 =	sadd.s32 s26, s28;
	s24 =	sadd.s32 $0x40, s24  }
0x34: {  	p0 =	slt.u32 s25, $0x3FC;
	[tilespmem:s26+$0x8080] =	vst.msk vm0, v14;
	v14 =	vor.u32 s24, v0;
	v15 =	vmpcnt.ones.xlane vm0  }
0x35: {  	[tilespmem:s26+$0x4000] =	vst.msk vm0, v14  }
0x36: {  	v14 =	vld [tilespmem:s23+$0xFFFFFFF0];
	(v2sf) =	vpush v15, $0x0;
	_ =	sdelay $0x4  }
0x37: {  	v15 =	vand.u32 $0x1F, v14  }
0x38: {  	vm0 =	veq.s32 v15, v3  }
0x39: {  	v15 =	vmpcnt.ones.xlane vm0;
	_ =	sdelay $0x1  }
0x3a: {  	(v2sf) =	vpush v15, $0x0;
	_ =	sdelay $0x5  }
0x3b: {  	s28 =	spop (v2sf)  }
0x3c: {  	s26 =	sadd.s32 s26, s28;
	s28 =	sadd.s32 $0x10, s24  }
0x3d: {  	[tilespmem:s26+$0x8080] =	vst.msk vm0, v14;
	v14 =	vor.u32 s28, v0  }
0x3e: {  	[tilespmem:s26+$0x4000] =	vst.msk vm0, v14  }
0x3f: {  	v14 =	vld [tilespmem:s23+$0x0];
	_ =	sdelay $0x4  }
0x40: {  	v15 =	vand.u32 $0x1F, v14;
	s28 =	spop (v2sf)  }
0x41: {  	s26 =	sadd.s32 s26, s28;
	s28 =	sadd.s32 $0x20, s24;
	vm0 =	veq.s32 v15, v3  }
0x42: {  	[tilespmem:s26+$0x8080] =	vst.msk vm0, v14;
	v14 =	vor.u32 s28, v0;
	v15 =	vmpcnt.ones.xlane vm0  }
0x43: {  	[tilespmem:s26+$0x4000] =	vst.msk vm0, v14  }
0x44: {  	v14 =	vld [tilespmem:s23+$0x10];
	(v2sf) =	vpush v15, $0x0;
	_ =	sdelay $0x4  }
0x45: {  	v15 =	vand.u32 $0x1F, v14  }
0x46: {  	vm0 =	veq.s32 v15, v3  }
0x47: {  	v15 =	vmpcnt.ones.xlane vm0;
	_ =	sdelay $0x1  }
0x48: {  	(v2sf) =	vpush v15, $0x0;
	_ =	sdelay $0x5  }
0x49: {  	s28 =	spop (v2sf)  }
0x4a: {  	s26 =	sadd.s32 s26, s28;
	s28 =	sadd.s32 $0x30, s24  }
0x4b: {  	[tilespmem:s26+$0x8080] =	vst.msk vm0, v14;
	v14 =	vor.u32 s28, v0  }
0x4c: {  	s23 =	sadd.s32 $0x40, s23;
	[tilespmem:s26+$0x4000] =	vst.msk vm0, v14  }
0x4d: {  	v14 =	vld [tilespmem:s23+$0xFFFFFFE0]  }
.Ltmp2:
0x4e: {  	(pc) =	sbr.rel @p0 .LBB2_2-.Ltmp2, $2  }
0x4f: {  	_ =	sdelay $0x2  }
0x50: {  	v15 =	vand.u32 $0x1F, v14;
	s28 =	spop (v2sf)  }
0x51: {  	vm0 =	veq.s32 v15, v3;
	s25 =	sadd.s32 s26, s28;
	s24 =	sadd.s32 $0x40, s24  }
0x52: {  	[tilespmem:s25+$0x8080] =	vst.msk vm0, v14;
	v14 =	vor.u32 s24, v0;
	v15 =	vmpcnt.ones.xlane vm0  }
0x53: {  	[tilespmem:s25+$0x4000] =	vst.msk vm0, v14  }
0x54: {  	v14 =	vld [tilespmem:s23+$0xFFFFFFF0];
	(v2sf) =	vpush v15, $0x0;
	_ =	sdelay $0x4  }
0x55: {  	v15 =	vand.u32 $0x1F, v14  }
0x56: {  	vm13 =	veq.s32 v15, v3  }
0x57: {  	v15 =	vmpcnt.ones.xlane vm13;
	_ =	sdelay $0x1  }
0x58: {  	(v2sf) =	vpush v15, $0x0;
	_ =	sdelay $0x5  }
0x59: {  	s31 =	spop (v2sf)  }
0x5a: {  	s28 =	sadd.s32 $0x10, s24;
	s25 =	sadd.s32 s25, s31  }
0x5b: {  	[tilespmem:s25+$0x8080] =	vst.msk vm13, v14;
	v14 =	vor.u32 s28, v0  }
0x5c: {  	[tilespmem:s25+$0x4000] =	vst.msk vm13, v14  }
0x5d: {  	v14 =	vld [tilespmem:s23+$0x0];
	_ =	sdelay $0x4  }
0x5e: {  	v15 =	vand.u32 $0x1F, v14;
	s29 =	spop (v2sf)  }
0x5f: {  	s30 =	sadd.s32 $0x20, s24;
	s25 =	sadd.s32 s25, s29;
	vm14 =	veq.s32 v15, v3  }
0x60: {  	[tilespmem:s25+$0x8080] =	vst.msk vm14, v14;
	v14 =	vor.u32 s30, v0  }
0x61: {  	[tilespmem:s25+$0x4000] =	vst.msk vm14, v14  }
0x62: {  	v14 =	vld [tilespmem:s23+$0x10];
	_ =	sdelay $0x4  }
0x63: {  	v15 =	vand.u32 $0x1F, v14  }
0x64: {  	v16 =	vmpcnt.ones.xlane vm14;
	vm15 =	veq.s32 v15, v3  }
0x65: {  	v15 =	vmpcnt.ones.xlane vm15  }
0x66: {  	(v2sf) =	vpush v16, $0x0  }
0x67: {  	(v2sf) =	vpush v15, $0x0;
	_ =	sdelay $0xd  }
0x68: {  	s31 =	spop (v2sf)  }
0x69: {  	s24 =	sadd.s32 $0x30, s24;
	s23 =	sadd.s32 s25, s31;
	s26 =	spop (v2sf)  }
0x6a: {  	[tilespmem:s23+$0x8080] =	vst.msk vm15, v14;
	v14 =	vor.u32 s24, v0;
	s24 =	sadd.s32 s23, s26  }
0x6b: {  	[tilespmem:s23+$0x4000] =	vst.msk vm15, v14;
	p0 =	slt.s32 s24, $0x1  }
0x6c: {  	v14 =	vld.msk @!p0 [tilespmem:s24+$0x807F ss:$0x0], $0xffff;
	_ =	sdelay $0x1  }
0x6d: {  	s28 =	sadd.s32 $0x3F, s24  }
0x6e: {  	s29 =	sand.u32 $0x3F, s28  }
0x6f: {  	s30 =	sshra.s32 s28, $0x1F;
	p1 =	slt.s32 s28, $0x1;
	p2 =	sne.s32 s29, $0x0  }
0x70: {  	s31 =	sshrl.u32 s30, $0x1A;
	p1 =	por !p1, !p2;
	[tilespmem:s24+$0x8080] =	vst @!p0 v14  }
0x71: {  	s25 =	simm.s32 $0x1;
	s23 =	sadd.s32 s31, s28;
	p1 =	por !p1, !p1;
	v15 =	vld.msk @!p0 [tilespmem:s24+$0x3FFF ss:$0x0], $0xffff  }
0x72: {  	s23 =	sshra.s32 s23, $0x6;
	s25 =	simm.s32 @!p1 $0x0  }
0x73: {  	s23 =	ssub.s32 s23, s25;
	[tilespmem:s24+$0x8090] =	vst @!p0 v14  }
0x74: {  	[tilespmem:s24+$0x80A0] =	vst @!p0 v14;
	p1 =	slt.s32 s23, $0x1  }
.Ltmp3:
0x75: {  	[tilespmem:s24+$0x80B0] =	vst @!p0 v14;
	(pc) =	sbr.rel @p1 .LBB2_14-.Ltmp3, $4  }
0x76: {  	[tilespmem:s24+$0x4000] =	vst @!p0 v15  }
0x77: {  	[tilespmem:s24+$0x4010] =	vst @!p0 v15  }
0x78: {  	[tilespmem:s24+$0x4020] =	vst @!p0 v15  }
0x79: {  	[tilespmem:s24+$0x4030] =	vst @!p0 v15  }
.Ltmp4:
0x7a: {  	(pc) =	sbr.rel .LBB2_5-.Ltmp4, $2  }
0x7b: {  	_ =	sdelay $0x2  }
0x7c: {  	v14 =	vmov s24;
	s24 =	simm.s32 $0x0;
	s25 =	simm.s32 $0x0  }
.LBB2_12:
0x7d: {  	_ =	sdelay $0x2  }
0x7e: {  	v23 =	vpop (erf)  }
0x7f: {  	v17 =	vmul.f32 v23, v17  }
0x80: {  	v16 =	vmul.f32 v23, v16  }
0x81: {  	v18 =	vmul.f32 v23, v18;
	[tilespmem:$0x12E00] =	vst v17  }
0x82: {  	v60 =	vmul.f32 v23, v20;
	[tilespmem:$0x12E20] =	vst v16  }
0x83: {  	v61 =	vmul.f32 v23, v22;
	[tilespmem:$0x12E30] =	vst v18  }
0x84: {  	v62 =	vmul.f32 v23, v21;
	[tilespmem:$0x12E50] =	vst v60  }
0x85: {  	v15 =	vmul.f32 v23, v15;
	[tilespmem:$0x12E70] =	vst v61  }
0x86: {  	v63 =	vmul.f32 v23, v19;
	[tilespmem:$0x12E60] =	vst v62  }
0x87: {  	[tilespmem:$0x12E10] =	vst v15  }
0x88: {  	[tilespmem:$0x12E40] =	vst v63  }
0x89: {  	[hbm4b:s28+s5] =	stream.linear.scatter [tilespmem:s21], [sflag:$0x3], $0x80, $0x38;
	[tilespmem:$0x12F80] =	vst v63  }
0x8a: {  	_ =	swait.ge [sflag:s7], $0x80  }
0x8b: {  	[sflag:s7] =	ssyncset.done $0x0  }
0x8c: {  	[sflag:s7] =	ssyncadd.s32 $0xFFFFFF80  }
.LBB2_13:
0x8d: {  	s25 =	sadd.s32 $0x1, s25  }
0x8e: {  	p0 =	sne.s32 s25, s23  }
.Ltmp5:
0x8f: {  	_ = 	snop;
	(pc) =	sbr.rel @!p0 .LBB2_14-.Ltmp5, $1  }
0x90: {  	_ =	sdelay $0x3  }
.LBB2_5:
0x91: {  	s28 =	sshll.u32 s25, $0x6  }
0x92: {  	v15 =	vld [tilespmem:s28+$0x80B0]  }
0x93: {  	v16 =	vld [tilespmem:s28+$0x80A0]  }
0x94: {  	v17 =	vld [tilespmem:s28+$0x8090]  }
0x95: {  	v18 =	vld [tilespmem:s28+$0x8080];
	_ =	sdelay $0x1  }
0x96: {  	v19 =	vshrl.u32 v15, $0x5  }
0x97: {  	v21 =	vshrl.u32 v16, $0x5;
	v20 =	vperm.xlane v19, v1  }
0x98: {  	v24 =	vshrl.u32 v17, $0x5;
	v22 =	vperm.xlane v21, v1  }
0x99: {  	v25 =	vshrl.u32 v18, $0x5;
	v23 =	vperm.xlane v24, v1  }
0x9a: {  	v26 =	vperm.xlane v25, v1;
	_ =	sdelay $0x2  }
0x9b: {  	[tilespmem:v20+s9+$0x0] =	vst.idx.msk $0xffff, v4  }
0x9c: {  	[tilespmem:v22+s9+$0x0] =	vst.idx.msk $0xffff, v5  }
0x9d: {  	[tilespmem:v23+s9+$0x0] =	vst.idx.msk $0xffff, v6  }
0x9e: {  	[tilespmem:v26+s9+$0x0] =	vst.idx.msk $0xffff, v2  }
0x9f: {  	v23 =	vld.idx.msk [tilespmem:v25+s9+$0x0], $0xffff  }
0xa0: {  	v22 =	vld.idx.msk [tilespmem:v24+s9+$0x0], $0xffff  }
0xa1: {  	v20 =	vld.idx.msk [tilespmem:v21+s9+$0x0], $0xffff;
	_ =	sdelay $0x1  }
0xa2: {  	v26 =	vor.u32 s28, v9;
	v24 =	vor.u32 s28, v0;
	v25 =	vor.u32 s28, v8  }
0xa3: {  	vm3 =	vlt.s32 v26, v14;
	vm1 =	vlt.s32 v24, v14;
	vm0 =	vne.s32 v23, v0  }
0xa4: {  	vm2 =	vlt.s32 v25, v14;
	vm12 =	vne.s32 v22, v8;
	vm0 =	vmand vm1, vm0  }
0xa5: {  	vm13 =	vne.s32 v20, v9;
	vm1 =	vmand vm2, vm12;
	v21 =	vmpcnt.ones.xlane vm0  }
0xa6: {  	vm2 =	vmand vm3, vm13;
	v27 =	vmpcnt.ones.xlane vm1  }
0xa7: {  	(v2sf) =	vpush v21, $0x0;
	v21 =	vmpcnt.ones.xlane vm2  }
0xa8: {  	(v2sf) =	vpush v27, $0x0  }
0xa9: {  	(v2sf) =	vpush v21, $0x0;
	_ =	sdelay $0x9  }
0xaa: {  	v21 =	vld.idx.msk [tilespmem:v19+s9+$0x0], $0xffff;
	_ =	sdelay $0x2  }
0xab: {  	s26 =	spop (v2sf)  }
0xac: {  	[tilespmem:s10+$0x0] =	vst.msk vm0, v24;
	v19 =	vor.u32 s28, v10;
	s29 =	spop (v2sf)  }
0xad: {  	vm15 =	vlt.s32 v19, v14;
	vm14 =	vne.s32 v21, v10;
	[tilespmem:s26+$0x12F00] =	vst.msk vm1, v25;
	s26 =	sadd.s32 s26, s29;
	s30 =	spop (v2sf)  }
0xae: {  	vm0 =	vmand vm15, vm14;
	[tilespmem:s26+$0x12F00] =	vst.msk vm2, v26;
	s26 =	sadd.s32 s26, s30  }
0xaf: {  	s31 =	sadd.s32 $0x8080, s28;
	[tilespmem:s26+$0x12F00] =	vst.msk vm0, v19  }
0xb0: {  	v19 =	vmov s24;
	[tilespmem:s12], [sflag:$0x1] =	stream.indirect.gather [hbm4b:s3+s11], $0x80, s31, s11, $0xb8;
	[tilespmem:$0x12F80] =	vst v63  }
0xb1: {  	s28 =	sadd.s32 $0x4000, s28;
	v19 =	vand.u32 $0x7C, v19  }
0xb2: {  	v19 =	vbroadcast v19, $0x0;
	[tilespmem:s13], [sflag:$0x2] =	stream.indirect.gather [hbm4b:s1+s11], $0x80, s28, s11, $0xb8;
	[tilespmem:$0x12F80] =	vst v63  }
0xb3: {  	_ =	swait.ge [sflag:s8], $0x2000  }
0xb4: {  	v24 =	vor.u32 v7, v19;
	[sflag:s8] =	ssyncset.done $0x0  }
0xb5: {  	v25 =	vor.u32 v12, v19;
	[sflag:s8] =	ssyncadd.s32 $0xFFFFE000  }
0xb6: {  	v26 =	vor.u32 v11, v19;
	_ =	swait.ge [sflag:s14], $0x2000  }
0xb7: {  	[sflag:s14] =	ssyncset.done $0x0  }
0xb8: {  	[sflag:s14] =	ssyncadd.s32 $0xFFFFE000  }
0xb9: {  	v27 =	vld.idx.msk [tilespmem:v24+s12+$0x0], $0xffff  }
0xba: {  	v19 =	vor.u32 v13, v19;
	v28 =	vld.idx.msk [tilespmem:v25+s13+$0x0], $0xffff  }
0xbb: {  	v29 =	vld.idx.msk [tilespmem:v26+s13+$0x0], $0xffff  }
0xbc: {  	v30 =	vld.idx.msk [tilespmem:v24+s13+$0x0], $0xffff  }
0xbd: {  	v31 =	vld.idx.msk [tilespmem:v25+s12+$0x0], $0xffff  }
0xbe: {  	v32 =	vld.idx.msk [tilespmem:v26+s12+$0x0], $0xffff  }
0xbf: {  	v33 =	vld.idx.msk [tilespmem:v19+s12+$0x0], $0xffff  }
0xc0: {  	v34 =	vld.idx.msk [tilespmem:v19+s13+$0x0], $0xffff;
	_ =	sdelay $0x1  }
0xc1: {  	v27 =	vadd.f32 v30, v27  }
0xc2: {  	v29 =	vadd.f32 v29, v32  }
0xc3: {  	v28 =	vadd.f32 v28, v31;
	v27 =	vmul.f32 $5.000000000e-01, v27  }
0xc4: {  	v30 =	vadd.f32 v34, v33;
	v29 =	vmul.f32 $5.000000000e-01, v29  }
0xc5: {  	v28 =	vmul.f32 $5.000000000e-01, v28;
	[tilespmem:$0x12E80] =	vst v27  }
0xc6: {  	v27 =	vmul.f32 $5.000000000e-01, v30;
	[tilespmem:$0x12E90] =	vst v29  }
0xc7: {  	[tilespmem:$0x12EA0] =	vst v28  }
0xc8: {  	[tilespmem:$0x12EB0] =	vst v27  }
0xc9: {  	v27 =	vld.idx.msk [tilespmem:v23+s15+$0x0], $0xffff;
	_ =	sdelay $0x4  }
0xca: {  	[tilespmem:v24+s16+$0x0] =	vst.idx.msk $0xffff, v27  }
0xcb: {  	v24 =	vld.idx.msk [tilespmem:v22+s15+$0x0], $0xffff;
	_ =	sdelay $0x4  }
0xcc: {  	[tilespmem:v26+s16+$0x0] =	vst.idx.msk $0xffff, v24  }
0xcd: {  	v26 =	vld.idx.msk [tilespmem:v20+s15+$0x0], $0xffff;
	_ =	sdelay $0x1  }
0xce: {  	s28 =	simm.s32 $0x1  }
0xcf: {  	v28 =	vmov s28  }
0xd0: {  	v28 =	vand.u32 $0x7D, v28  }
0xd1: {  	[tilespmem:v25+s16+$0x0] =	vst.idx.msk $0xffff, v26;
	v25 =	vbroadcast v28, $0x0  }
0xd2: {  	v28 =	vld.idx.msk [tilespmem:v21+s15+$0x0], $0xffff  }
0xd3: {  	v29 =	vor.u32 v12, v25  }
0xd4: {  	v30 =	vor.u32 v7, v25  }
0xd5: {  	v31 =	vor.u32 v13, v25;
	_ =	sdelay $0x1  }
0xd6: {  	[tilespmem:v19+s16+$0x0] =	vst.idx.msk $0xffff, v28  }
0xd7: {  	v19 =	vor.u32 v11, v25;
	v25 =	vld.idx.msk [tilespmem:v29+s13+$0x0], $0xffff  }
0xd8: {  	v47 =	vld.idx.msk [tilespmem:v30+s13+$0x0], $0xffff  }
0xd9: {  	v48 =	vld.idx.msk [tilespmem:v31+s13+$0x0], $0xffff  }
0xda: {  	v49 =	vld.idx.msk [tilespmem:v31+s12+$0x0], $0xffff  }
0xdb: {  	v36 =	vld.idx.msk [tilespmem:v29+s12+$0x0], $0xffff  }
0xdc: {  	v37 =	vld.idx.msk [tilespmem:v30+s12+$0x0], $0xffff  }
0xdd: {  	v35 =	vld.idx.msk [tilespmem:v19+s12+$0x0], $0xffff  }
0xde: {  	v38 =	vld.idx.msk [tilespmem:v19+s13+$0x0], $0xffff;
	_ =	sdelay $0x1  }
0xdf: {  	v33 =	vadd.f32 v48, v49  }
0xe0: {  	v25 =	vadd.f32 v25, v36  }
0xe1: {  	v32 =	vadd.f32 v47, v37;
	v33 =	vmul.f32 $5.000000000e-01, v33  }
0xe2: {  	v25 =	vmul.f32 $5.000000000e-01, v25;
	v50 =	vadd.f32 v38, v35  }
0xe3: {  	v32 =	vmul.f32 $5.000000000e-01, v32;
	[tilespmem:$0x12EB0] =	vst v33  }
0xe4: {  	[tilespmem:$0x12EA0] =	vst v25;
	v51 =	vmul.f32 $5.000000000e-01, v50  }
0xe5: {  	[tilespmem:$0x12E80] =	vst v32  }
0xe6: {  	[tilespmem:$0x12E90] =	vst v51  }
0xe7: {  	v25 =	vld.idx.msk [tilespmem:v23+s15+$0x0], $0xffff;
	_ =	sdelay $0x4  }
0xe8: {  	[tilespmem:v30+s16+$0x0] =	vst.idx.msk $0xffff, v25  }
0xe9: {  	v32 =	vld.idx.msk [tilespmem:v22+s15+$0x0], $0xffff;
	_ =	sdelay $0x4  }
0xea: {  	[tilespmem:v19+s16+$0x0] =	vst.idx.msk $0xffff, v32  }
0xeb: {  	v52 =	vld.idx.msk [tilespmem:v20+s15+$0x0], $0xffff;
	_ =	sdelay $0x1  }
0xec: {  	s28 =	simm.s32 $0x2  }
0xed: {  	v19 =	vmov s28  }
0xee: {  	v19 =	vand.u32 $0x7E, v19  }
0xef: {  	v19 =	vbroadcast v19, $0x0;
	[tilespmem:v29+s16+$0x0] =	vst.idx.msk $0xffff, v52  }
0xf0: {  	v53 =	vld.idx.msk [tilespmem:v21+s15+$0x0], $0xffff  }
0xf1: {  	v29 =	vor.u32 v13, v19  }
0xf2: {  	v30 =	vor.u32 v12, v19;
	_ =	sdelay $0x2  }
0xf3: {  	[tilespmem:v31+s16+$0x0] =	vst.idx.msk $0xffff, v53;
	v31 =	vor.u32 v7, v19  }
0xf4: {  	v33 =	vld.idx.msk [tilespmem:v29+s13+$0x0], $0xffff  }
0xf5: {  	v19 =	vor.u32 v11, v19;
	v54 =	vld.idx.msk [tilespmem:v30+s13+$0x0], $0xffff  }
0xf6: {  	v55 =	vld.idx.msk [tilespmem:v29+s12+$0x0], $0xffff  }
0xf7: {  	v56 =	vld.idx.msk [tilespmem:v30+s12+$0x0], $0xffff  }
0xf8: {  	v39 =	vld.idx.msk [tilespmem:v31+s13+$0x0], $0xffff  }
0xf9: {  	v40 =	vld.idx.msk [tilespmem:v31+s12+$0x0], $0xffff  }
0xfa: {  	v41 =	vld.idx.msk [tilespmem:v19+s13+$0x0], $0xffff  }
0xfb: {  	v42 =	vld.idx.msk [tilespmem:v19+s12+$0x0], $0xffff;
	_ =	sdelay $0x1  }
0xfc: {  	v33 =	vadd.f32 v33, v55  }
0xfd: {  	v35 =	vadd.f32 v54, v56  }
0xfe: {  	v33 =	vmul.f32 $5.000000000e-01, v33;
	v57 =	vadd.f32 v39, v40  }
0xff: {  	v35 =	vmul.f32 $5.000000000e-01, v35;
	v58 =	vadd.f32 v41, v42  }
0x100: {  	[tilespmem:$0x12EB0] =	vst v33;
	v59 =	vmul.f32 $5.000000000e-01, v57  }
0x101: {  	[tilespmem:$0x12EA0] =	vst v35;
	v60 =	vmul.f32 $5.000000000e-01, v58  }
0x102: {  	[tilespmem:$0x12E80] =	vst v59  }
0x103: {  	[tilespmem:$0x12E90] =	vst v60  }
0x104: {  	v39 =	vld.idx.msk [tilespmem:v23+s15+$0x0], $0xffff;
	_ =	sdelay $0x4  }
0x105: {  	[tilespmem:v31+s16+$0x0] =	vst.idx.msk $0xffff, v39  }
0x106: {  	v61 =	vld.idx.msk [tilespmem:v22+s15+$0x0], $0xffff;
	_ =	sdelay $0x4  }
0x107: {  	[tilespmem:v19+s16+$0x0] =	vst.idx.msk $0xffff, v61  }
0x108: {  	v44 =	vld.idx.msk [tilespmem:v20+s15+$0x0], $0xffff;
	_ =	sdelay $0x1  }
0x109: {  	s28 =	simm.s32 $0x3  }
0x10a: {  	v19 =	vmov s28  }
0x10b: {  	v19 =	vand.u32 $0x7F, v19  }
0x10c: {  	v19 =	vbroadcast v19, $0x0;
	[tilespmem:v30+s16+$0x0] =	vst.idx.msk $0xffff, v44  }
0x10d: {  	v45 =	vld.idx.msk [tilespmem:v21+s15+$0x0], $0xffff  }
0x10e: {  	v43 =	vor.u32 v7, v19;
	_ =	sdelay $0x1  }
0x10f: {  	v37 =	vor.u32 v12, v19;
	_ =	sdelay $0x1  }
0x110: {  	v33 =	vor.u32 v13, v19;
	[tilespmem:v29+s16+$0x0] =	vst.idx.msk $0xffff, v45  }
0x111: {  	v29 =	vld.idx.msk [tilespmem:v43+s12+$0x0], $0xffff  }
0x112: {  	v42 =	vor.u32 v11, v19;
	v30 =	vld.idx.msk [tilespmem:v43+s13+$0x0], $0xffff  }
0x113: {  	v35 =	vld.idx.msk [tilespmem:v37+s13+$0x0], $0xffff  }
0x114: {  	v62 =	vld.idx.msk [tilespmem:v37+s12+$0x0], $0xffff  }
0x115: {  	v63 =	vld.idx.msk [tilespmem:v33+s12+$0x0], $0xffff  }
0x116: {  	v46 =	vld.idx.msk [tilespmem:v33+s13+$0x0], $0xffff  }
0x117: {  	v47 =	vld.idx.msk [tilespmem:v42+s13+$0x0], $0xffff  }
0x118: {  	v48 =	vld.idx.msk [tilespmem:v42+s12+$0x0], $0xffff;
	_ =	sdelay $0x1  }
0x119: {  	v28 =	vmul.f32 v28, v28;
	v31 =	vmul.f32 v27, v27;
	v27 =	vadd.f32 v30, v29  }
0x11a: {  	v36 =	vmul.f32 v25, v25;
	v30 =	vmul.f32 v24, v24;
	v24 =	vadd.f32 v35, v62  }
0x11b: {  	v29 =	vmul.f32 v26, v26;
	v26 =	vmul.f32 $5.000000000e-01, v27;
	v27 =	vadd.f32 v46, v63  }
0x11c: {  	v34 =	vmul.f32 v52, v52;
	v25 =	vadd.f32 v47, v48;
	v24 =	vmul.f32 $5.000000000e-01, v24  }
0x11d: {  	v41 =	vmul.f32 v61, v61;
	[tilespmem:$0x12E80] =	vst v26;
	v26 =	vmul.f32 $5.000000000e-01, v27  }
0x11e: {  	v19 =	vmpcnt.ones.xlane vm0;
	[tilespmem:$0x12EA0] =	vst v24;
	v24 =	vmul.f32 $5.000000000e-01, v25  }
0x11f: {  	v40 =	vmul.f32 v44, v44;
	v38 =	vmul.f32 v45, v45;
	[tilespmem:$0x12EB0] =	vst v26  }
0x120: {  	v35 =	vmul.f32 v32, v32;
	v32 =	vmul.f32 v53, v53;
	v27 =	vimm.f32 $0.0e+00;
	[tilespmem:$0x12E90] =	vst v24  }
0x121: {  	s28 =	simm.s32 $0x4;
	v25 =	vimm.f32 $0.0e+00;
	v26 =	vimm.f32 $0.0e+00;
	v24 =	vimm.f32 $0.0e+00;
	v44 =	vld.idx.msk [tilespmem:v23+s15+$0x0], $0xffff  }
.LBB2_6:
0x122: {  	p0 =	slt.u32 s28, $0x7C;
	s29 =	smov.u32 s28;
	s28 =	sadd.s32 $0x4, s28  }
0x123: {  	v27 =	vadd.f32 v31, v27;
	_ =	sdelay $0x1  }
0x124: {  	v31 =	vmul.f32 v39, v39;
	v27 =	vadd.f32 v36, v27;
	_ =	sdelay $0x1  }
0x125: {  	v27 =	vadd.f32 v31, v27;
	v31 =	vmul.f32 v44, v44;
	[tilespmem:v43+s16+$0x0] =	vst.idx.msk $0xffff, v44  }
0x126: {  	v36 =	vld.idx.msk [tilespmem:v22+s15+$0x0], $0xffff  }
0x127: {  	v27 =	vadd.f32 v31, v27  }
0x128: {  	v26 =	vadd.f32 v30, v26;
	_ =	sdelay $0x1  }
0x129: {  	v26 =	vadd.f32 v35, v26;
	_ =	sdelay $0x1  }
0x12a: {  	v26 =	vadd.f32 v41, v26;
	v30 =	vmul.f32 v36, v36;
	[tilespmem:v42+s16+$0x0] =	vst.idx.msk $0xffff, v36  }
0x12b: {  	v31 =	vld.idx.msk [tilespmem:v20+s15+$0x0], $0xffff  }
0x12c: {  	v26 =	vadd.f32 v30, v26  }
0x12d: {  	v25 =	vadd.f32 v29, v25;
	_ =	sdelay $0x1  }
0x12e: {  	v25 =	vadd.f32 v34, v25  }
0x12f: {  	v29 =	vmov s29  }
0x130: {  	v29 =	vand.u32 $0x7C, v29;
	v25 =	vadd.f32 v40, v25;
	v30 =	vmul.f32 v31, v31;
	[tilespmem:v37+s16+$0x0] =	vst.idx.msk $0xffff, v31  }
0x131: {  	v29 =	vbroadcast v29, $0x0;
	v31 =	vld.idx.msk [tilespmem:v21+s15+$0x0], $0xffff  }
0x132: {  	v24 =	vadd.f32 v28, v24;
	v25 =	vadd.f32 v30, v25  }
0x133: {  	v28 =	vor.u32 v7, v29;
	v30 =	vor.u32 v11, v29  }
0x134: {  	v24 =	vadd.f32 v32, v24;
	v34 =	vor.u32 v12, v29;
	v35 =	vor.u32 v13, v29;
	_ =	sdelay $0x1  }
0x135: {  	v24 =	vadd.f32 v38, v24  }
0x136: {  	v29 =	vmul.f32 v31, v31;
	[tilespmem:v33+s16+$0x0] =	vst.idx.msk $0xffff, v31  }
0x137: {  	v31 =	vld.idx.msk [tilespmem:v28+s12+$0x0], $0xffff  }
0x138: {  	v24 =	vadd.f32 v29, v24;
	v32 =	vld.idx.msk [tilespmem:v34+s13+$0x0], $0xffff  }
0x139: {  	v29 =	vld.idx.msk [tilespmem:v30+s13+$0x0], $0xffff  }
0x13a: {  	v33 =	vld.idx.msk [tilespmem:v28+s13+$0x0], $0xffff  }
0x13b: {  	v36 =	vld.idx.msk [tilespmem:v34+s12+$0x0], $0xffff  }
0x13c: {  	v37 =	vld.idx.msk [tilespmem:v30+s12+$0x0], $0xffff  }
0x13d: {  	v38 =	vld.idx.msk [tilespmem:v35+s12+$0x0], $0xffff  }
0x13e: {  	v39 =	vld.idx.msk [tilespmem:v35+s13+$0x0], $0xffff;
	_ =	sdelay $0x1  }
0x13f: {  	v31 =	vadd.f32 v33, v31  }
0x140: {  	v32 =	vadd.f32 v32, v36  }
0x141: {  	v31 =	vmul.f32 $5.000000000e-01, v31;
	v29 =	vadd.f32 v29, v37  }
0x142: {  	v32 =	vmul.f32 $5.000000000e-01, v32  }
0x143: {  	v29 =	vmul.f32 $5.000000000e-01, v29;
	v33 =	vadd.f32 v39, v38  }
0x144: {  	[tilespmem:$0x12E80] =	vst v31  }
0x145: {  	v31 =	vmul.f32 $5.000000000e-01, v33;
	[tilespmem:$0x12E90] =	vst v29  }
0x146: {  	[tilespmem:$0x12EA0] =	vst v32  }
0x147: {  	[tilespmem:$0x12EB0] =	vst v31  }
0x148: {  	v29 =	vld.idx.msk [tilespmem:v23+s15+$0x0], $0xffff;
	_ =	sdelay $0x5  }
0x149: {  	v31 =	vmul.f32 v29, v29;
	[tilespmem:v28+s16+$0x0] =	vst.idx.msk $0xffff, v29  }
0x14a: {  	v28 =	vld.idx.msk [tilespmem:v22+s15+$0x0], $0xffff;
	_ =	sdelay $0x5  }
0x14b: {  	[tilespmem:v30+s16+$0x0] =	vst.idx.msk $0xffff, v28;
	v30 =	vmul.f32 v28, v28  }
0x14c: {  	v28 =	vld.idx.msk [tilespmem:v20+s15+$0x0], $0xffff;
	_ =	sdelay $0x3  }
0x14d: {  	s30 =	sadd.s32 $0x1, s29  }
0x14e: {  	v32 =	vmov s30  }
0x14f: {  	v29 =	vmul.f32 v28, v28;
	[tilespmem:v34+s16+$0x0] =	vst.idx.msk $0xffff, v28;
	v28 =	vand.u32 $0x7D, v32  }
0x150: {  	v32 =	vld.idx.msk [tilespmem:v21+s15+$0x0], $0xffff;
	v33 =	vbroadcast v28, $0x0;
	_ =	sdelay $0x1  }
0x151: {  	v34 =	vor.u32 v12, v33  }
0x152: {  	v36 =	vor.u32 v7, v33  }
0x153: {  	v37 =	vor.u32 v13, v33;
	_ =	sdelay $0x1  }
0x154: {  	v28 =	vmul.f32 v32, v32;
	[tilespmem:v35+s16+$0x0] =	vst.idx.msk $0xffff, v32;
	v32 =	vor.u32 v11, v33  }
0x155: {  	v33 =	vld.idx.msk [tilespmem:v34+s13+$0x0], $0xffff  }
0x156: {  	v35 =	vld.idx.msk [tilespmem:v36+s13+$0x0], $0xffff  }
0x157: {  	v38 =	vld.idx.msk [tilespmem:v37+s13+$0x0], $0xffff  }
0x158: {  	v39 =	vld.idx.msk [tilespmem:v37+s12+$0x0], $0xffff  }
0x159: {  	v40 =	vld.idx.msk [tilespmem:v32+s12+$0x0], $0xffff  }
0x15a: {  	v41 =	vld.idx.msk [tilespmem:v34+s12+$0x0], $0xffff  }
0x15b: {  	v42 =	vld.idx.msk [tilespmem:v36+s12+$0x0], $0xffff  }
0x15c: {  	v43 =	vld.idx.msk [tilespmem:v32+s13+$0x0], $0xffff;
	_ =	sdelay $0x1  }
0x15d: {  	v38 =	vadd.f32 v38, v39;
	_ =	sdelay $0x1  }
0x15e: {  	v33 =	vadd.f32 v33, v41;
	v38 =	vmul.f32 $5.000000000e-01, v38  }
0x15f: {  	v35 =	vadd.f32 v35, v42  }
0x160: {  	v39 =	vadd.f32 v43, v40;
	v33 =	vmul.f32 $5.000000000e-01, v33;
	[tilespmem:$0x12EB0] =	vst v38  }
0x161: {  	v35 =	vmul.f32 $5.000000000e-01, v35  }
0x162: {  	v38 =	vmul.f32 $5.000000000e-01, v39;
	[tilespmem:$0x12EA0] =	vst v33  }
0x163: {  	[tilespmem:$0x12E80] =	vst v35  }
0x164: {  	[tilespmem:$0x12E90] =	vst v38  }
0x165: {  	v33 =	vld.idx.msk [tilespmem:v23+s15+$0x0], $0xffff;
	_ =	sdelay $0x5  }
0x166: {  	[tilespmem:v36+s16+$0x0] =	vst.idx.msk $0xffff, v33;
	v36 =	vmul.f32 v33, v33  }
0x167: {  	v33 =	vld.idx.msk [tilespmem:v22+s15+$0x0], $0xffff;
	_ =	sdelay $0x5  }
0x168: {  	v35 =	vmul.f32 v33, v33;
	[tilespmem:v32+s16+$0x0] =	vst.idx.msk $0xffff, v33  }
0x169: {  	v32 =	vld.idx.msk [tilespmem:v20+s15+$0x0], $0xffff;
	_ =	sdelay $0x3  }
0x16a: {  	s30 =	sadd.s32 $0x2, s29  }
0x16b: {  	v33 =	vmov s30  }
0x16c: {  	[tilespmem:v34+s16+$0x0] =	vst.idx.msk $0xffff, v32;
	v34 =	vmul.f32 v32, v32;
	v32 =	vand.u32 $0x7E, v33  }
0x16d: {  	v33 =	vld.idx.msk [tilespmem:v21+s15+$0x0], $0xffff;
	v38 =	vbroadcast v32, $0x0;
	_ =	sdelay $0x1  }
0x16e: {  	v42 =	vor.u32 v13, v38  }
0x16f: {  	v40 =	vor.u32 v12, v38;
	_ =	sdelay $0x2  }
0x170: {  	v32 =	vmul.f32 v33, v33;
	[tilespmem:v37+s16+$0x0] =	vst.idx.msk $0xffff, v33;
	v33 =	vor.u32 v7, v38  }
0x171: {  	v37 =	vld.idx.msk [tilespmem:v42+s13+$0x0], $0xffff  }
0x172: {  	v38 =	vor.u32 v11, v38;
	v39 =	vld.idx.msk [tilespmem:v40+s13+$0x0], $0xffff  }
0x173: {  	v41 =	vld.idx.msk [tilespmem:v42+s12+$0x0], $0xffff  }
0x174: {  	v43 =	vld.idx.msk [tilespmem:v40+s12+$0x0], $0xffff  }
0x175: {  	v44 =	vld.idx.msk [tilespmem:v33+s13+$0x0], $0xffff  }
0x176: {  	v45 =	vld.idx.msk [tilespmem:v33+s12+$0x0], $0xffff  }
0x177: {  	v46 =	vld.idx.msk [tilespmem:v38+s13+$0x0], $0xffff  }
0x178: {  	v47 =	vld.idx.msk [tilespmem:v38+s12+$0x0], $0xffff  }
0x179: {  	v37 =	vadd.f32 v37, v41  }
0x17a: {  	v39 =	vadd.f32 v39, v43  }
0x17b: {  	v37 =	vmul.f32 $5.000000000e-01, v37  }
0x17c: {  	v41 =	vadd.f32 v44, v45;
	v39 =	vmul.f32 $5.000000000e-01, v39  }
0x17d: {  	[tilespmem:$0x12EB0] =	vst v37  }
0x17e: {  	v37 =	vmul.f32 $5.000000000e-01, v41;
	v41 =	vadd.f32 v46, v47;
	[tilespmem:$0x12EA0] =	vst v39;
	_ =	sdelay $0x1  }
0x17f: {  	v39 =	vmul.f32 $5.000000000e-01, v41;
	[tilespmem:$0x12E80] =	vst v37;
	_ =	sdelay $0x1  }
0x180: {  	[tilespmem:$0x12E90] =	vst v39  }
0x181: {  	v39 =	vld.idx.msk [tilespmem:v23+s15+$0x0], $0xffff;
	_ =	sdelay $0x5  }
0x182: {  	[tilespmem:v33+s16+$0x0] =	vst.idx.msk $0xffff, v39  }
0x183: {  	v33 =	vld.idx.msk [tilespmem:v22+s15+$0x0], $0xffff;
	_ =	sdelay $0x5  }
0x184: {  	v41 =	vmul.f32 v33, v33;
	[tilespmem:v38+s16+$0x0] =	vst.idx.msk $0xffff, v33  }
0x185: {  	v33 =	vld.idx.msk [tilespmem:v20+s15+$0x0], $0xffff;
	_ =	sdelay $0x3  }
0x186: {  	s29 =	sadd.s32 $0x3, s29  }
0x187: {  	v37 =	vmov s29  }
0x188: {  	[tilespmem:v40+s16+$0x0] =	vst.idx.msk $0xffff, v33;
	v40 =	vmul.f32 v33, v33;
	v33 =	vand.u32 $0x7F, v37  }
0x189: {  	v38 =	vld.idx.msk [tilespmem:v21+s15+$0x0], $0xffff;
	v44 =	vbroadcast v33, $0x0;
	_ =	sdelay $0x1  }
0x18a: {  	v43 =	vor.u32 v7, v44;
	_ =	sdelay $0x1  }
0x18b: {  	v37 =	vor.u32 v12, v44;
	_ =	sdelay $0x1  }
0x18c: {  	v33 =	vor.u32 v13, v44;
	[tilespmem:v42+s16+$0x0] =	vst.idx.msk $0xffff, v38;
	v38 =	vmul.f32 v38, v38  }
0x18d: {  	v45 =	vld.idx.msk [tilespmem:v43+s12+$0x0], $0xffff  }
0x18e: {  	v42 =	vor.u32 v11, v44;
	v46 =	vld.idx.msk [tilespmem:v43+s13+$0x0], $0xffff  }
0x18f: {  	v44 =	vld.idx.msk [tilespmem:v37+s13+$0x0], $0xffff  }
0x190: {  	v47 =	vld.idx.msk [tilespmem:v37+s12+$0x0], $0xffff  }
0x191: {  	v48 =	vld.idx.msk [tilespmem:v33+s12+$0x0], $0xffff  }
0x192: {  	v49 =	vld.idx.msk [tilespmem:v33+s13+$0x0], $0xffff  }
0x193: {  	v50 =	vld.idx.msk [tilespmem:v42+s13+$0x0], $0xffff  }
0x194: {  	v45 =	vadd.f32 v46, v45;
	v46 =	vld.idx.msk [tilespmem:v42+s12+$0x0], $0xffff;
	_ =	sdelay $0x1  }
0x195: {  	v45 =	vmul.f32 $5.000000000e-01, v45;
	v44 =	vadd.f32 v44, v47;
	_ =	sdelay $0x1  }
0x196: {  	v44 =	vmul.f32 $5.000000000e-01, v44;
	v47 =	vadd.f32 v49, v48;
	[tilespmem:$0x12E80] =	vst v45;
	_ =	sdelay $0x1  }
0x197: {  	v45 =	vadd.f32 v50, v46;
	v46 =	vmul.f32 $5.000000000e-01, v47;
	[tilespmem:$0x12EA0] =	vst v44  }
.Ltmp6:
0x198: {  	(pc) =	sbr.rel @p0 .LBB2_6-.Ltmp6, $3  }
0x199: {  	v44 =	vmul.f32 $5.000000000e-01, v45;
	[tilespmem:$0x12EB0] =	vst v46;
	_ =	sdelay $0x1  }
0x19a: {  	[tilespmem:$0x12E90] =	vst v44  }
0x19b: {  	v44 =	vld.idx.msk [tilespmem:v23+s15+$0x0], $0xffff  }
0x19c: {  	v23 =	vadd.f32 v31, v27;
	_ =	sdelay $0x1  }
0x19d: {  	v27 =	vmul.f32 v39, v39;
	v23 =	vadd.f32 v36, v23;
	_ =	sdelay $0x1  }
0x19e: {  	v23 =	vadd.f32 v27, v23;
	v27 =	vmul.f32 v44, v44;
	_ =	sdelay $0x1  }
0x19f: {  	v23 =	vadd.f32 v27, v23;
	_ =	sdelay $0x1  }
0x1a0: {  	[tilespmem:v43+s16+$0x0] =	vst.idx.msk $0xffff, v44;
	v23 =	vmax.f32 v23, $1.000000000e-30  }
0x1a1: {  	v22 =	vld.idx.msk [tilespmem:v22+s15+$0x0], $0xffff;
	v27 =	vshrl.u32 v23, $0x1;
	v50 =	vmul.f32 $5.000000000e-01, v23  }
0x1a2: {  	v26 =	vadd.f32 v30, v26;
	v27 =	vsub.s32 $0x5F3759DF, v27  }
0x1a3: {  	v51 =	vmul.f32 v27, v50  }
0x1a4: {  	v26 =	vadd.f32 v35, v26  }
0x1a5: {  	v30 =	vmul.f32 v27, v51  }
0x1a6: {  	v26 =	vadd.f32 v41, v26;
	v52 =	vmul.f32 v22, v22  }
0x1a7: {  	v30 =	vsub.f32 $1.500000000e+00, v30  }
0x1a8: {  	v26 =	vadd.f32 v52, v26  }
0x1a9: {  	[tilespmem:v42+s16+$0x0] =	vst.idx.msk $0xffff, v22;
	v22 =	vmul.f32 v27, v30  }
0x1aa: {  	v25 =	vadd.f32 v29, v25;
	v20 =	vld.idx.msk [tilespmem:v20+s15+$0x0], $0xffff;
	v26 =	vmax.f32 v26, $1.000000000e-30  }
0x1ab: {  	v29 =	vshrl.u32 v26, $0x1;
	v53 =	vmul.f32 $5.000000000e-01, v26;
	v27 =	vmul.f32 v22, v50  }
0x1ac: {  	v25 =	vadd.f32 v34, v25;
	v29 =	vsub.s32 $0x5F3759DF, v29  }
0x1ad: {  	v54 =	vmul.f32 v29, v53;
	v27 =	vmul.f32 v27, v22  }
0x1ae: {  	v25 =	vadd.f32 v40, v25  }
0x1af: {  	v55 =	vmul.f32 v20, v20;
	v34 =	vmul.f32 v29, v54;
	v27 =	vsub.f32 $1.500000000e+00, v27;
	_ =	sdelay $0x1  }
0x1b0: {  	[tilespmem:v37+s16+$0x0] =	vst.idx.msk $0xffff, v20;
	v20 =	vadd.f32 v55, v25;
	v25 =	vsub.f32 $1.500000000e+00, v34;
	v22 =	vmul.f32 v27, v22  }
0x1b1: {  	v24 =	vadd.f32 v28, v24;
	v21 =	vld.idx.msk [tilespmem:v21+s15+$0x0], $0xffff  }
0x1b2: {  	v28 =	vmax.f32 v20, $1.000000000e-30;
	v25 =	vmul.f32 v29, v25;
	v27 =	vmul.f32 v22, v50  }
0x1b3: {  	v20 =	vadd.f32 v32, v24;
	v24 =	vshrl.u32 v28, $0x1;
	v29 =	vmul.f32 $5.000000000e-01, v28  }
0x1b4: {  	v24 =	vsub.s32 $0x5F3759DF, v24;
	v56 =	vmul.f32 v25, v53;
	v27 =	vmul.f32 v27, v22  }
0x1b5: {  	v20 =	vadd.f32 v38, v20;
	v57 =	vmul.f32 v24, v29  }
0x1b6: {  	v58 =	vmul.f32 v21, v21;
	v31 =	vmul.f32 v56, v25;
	v27 =	vsub.f32 $1.500000000e+00, v27  }
0x1b7: {  	v32 =	vmul.f32 v24, v57  }
0x1b8: {  	v20 =	vadd.f32 v58, v20;
	v22 =	vmul.f32 v27, v22;
	v27 =	vsub.f32 $1.500000000e+00, v31  }
0x1b9: {  	v59 =	vsub.f32 $1.500000000e+00, v32  }
0x1ba: {  	v22 =	vmul.f32 v22, v23;
	v23 =	vmul.f32 v27, v25;
	v25 =	vmax.f32 v20, $1.000000000e-30  }
0x1bb: {  	s28 =	simm.s32 $0x0;
	v20 =	vmul.f32 v24, v59;
	v24 =	vshrl.u32 v25, $0x1;
	v27 =	vmul.f32 $5.000000000e-01, v25  }
0x1bc: {  	v60 =	vmov s28;
	v30 =	vmul.f32 v23, v53;
	v24 =	vsub.s32 $0x5F3759DF, v24  }
0x1bd: {  	v31 =	vand.u32 $0x7C, v60;
	v61 =	vmul.f32 v20, v29;
	v62 =	vmul.f32 v24, v27  }
0x1be: {  	v31 =	vbroadcast v31, $0x0;
	v30 =	vmul.f32 v30, v23  }
0x1bf: {  	v22 =	vmax.f32 v22, $9.999999960e-13;
	v32 =	vmul.f32 v61, v20;
	v34 =	vmul.f32 v24, v62  }
0x1c0: {  	v63 =	vor.u32 v7, v31;
	(erf) = vrcp.f32 v22;
	v22 =	vsub.f32 $1.500000000e+00, v30  }
0x1c1: {  	v32 =	vsub.f32 $1.500000000e+00, v32;
	v34 =	vsub.f32 $1.500000000e+00, v34  }
0x1c2: {  	v22 =	vmul.f32 v22, v23  }
0x1c3: {  	v23 =	vmul.f32 v32, v20;
	v24 =	vmul.f32 v24, v34  }
0x1c4: {  	[tilespmem:v33+s16+$0x0] =	vst.idx.msk $0xffff, v21;
	v20 =	vmul.f32 v22, v26  }
0x1c5: {  	v21 =	vmul.f32 v23, v29;
	v26 =	vld.idx.msk [tilespmem:v63+s16+$0x0], $0xffff;
	v22 =	vmul.f32 v24, v27  }
0x1c6: {  	v20 =	vmax.f32 v20, $9.999999960e-13  }
0x1c7: {  	v21 =	vmul.f32 v21, v23;
	v22 =	vmul.f32 v22, v24  }
0x1c8: {  	v29 =	vor.u32 v11, v31  }
0x1c9: {  	(erf) = vrcp.f32 v20;
	v21 =	vsub.f32 $1.500000000e+00, v21;
	v20 =	vpop (erf);
	v22 =	vsub.f32 $1.500000000e+00, v22  }
0x1ca: {  	v26 =	vmul.f32 v26, v20  }
0x1cb: {  	v21 =	vmul.f32 v21, v23;
	v22 =	vmul.f32 v22, v24;
	_ =	sdelay $0x1  }
0x1cc: {  	[tilespmem:v63+s16+$0x0] =	vst.idx.msk $0xffff, v26;
	v21 =	vmul.f32 v21, v28;
	v23 =	vmul.f32 v22, v27  }
0x1cd: {  	v24 =	vld.idx.msk [tilespmem:v29+s16+$0x0], $0xffff  }
0x1ce: {  	v21 =	vmax.f32 v21, $9.999999960e-13;
	v23 =	vmul.f32 v23, v22;
	_ =	sdelay $0x1  }
0x1cf: {  	v26 =	vor.u32 v12, v31;
	(erf) = vrcp.f32 v21;
	v23 =	vsub.f32 $1.500000000e+00, v23  }
0x1d0: {  	v21 =	vpop (erf)  }
0x1d1: {  	v24 =	vmul.f32 v24, v21;
	v22 =	vmul.f32 v23, v22;
	_ =	sdelay $0x1  }
0x1d2: {  	[tilespmem:v29+s16+$0x0] =	vst.idx.msk $0xffff, v24;
	v22 =	vmul.f32 v22, v25  }
0x1d3: {  	v23 =	vld.idx.msk [tilespmem:v26+s16+$0x0], $0xffff  }
0x1d4: {  	v22 =	vmax.f32 v22, $9.999999960e-13;
	_ =	sdelay $0x1  }
0x1d5: {  	v24 =	vor.u32 v13, v31;
	(erf) = vrcp.f32 v22  }
0x1d6: {  	v22 =	vpop (erf)  }
0x1d7: {  	v23 =	vmul.f32 v23, v22  }
0x1d8: {  	s28 =	simm.s32 $0x1  }
0x1d9: {  	[tilespmem:v26+s16+$0x0] =	vst.idx.msk $0xffff, v23;
	v23 =	vmov s28  }
0x1da: {  	v25 =	vld.idx.msk [tilespmem:v24+s16+$0x0], $0xffff;
	v23 =	vand.u32 $0x7D, v23  }
0x1db: {  	v26 =	vbroadcast v23, $0x0;
	_ =	sdelay $0x1  }
0x1dc: {  	v27 =	vor.u32 v7, v26  }
0x1dd: {  	v23 =	vpop (erf)  }
0x1de: {  	v25 =	vmul.f32 v25, v23;
	_ =	sdelay $0x1  }
0x1df: {  	[tilespmem:v24+s16+$0x0] =	vst.idx.msk $0xffff, v25  }
0x1e0: {  	v24 =	vld.idx.msk [tilespmem:v27+s16+$0x0], $0xffff;
	_ =	sdelay $0x2  }
0x1e1: {  	v25 =	vor.u32 v11, v26;
	_ =	sdelay $0x1  }
0x1e2: {  	v24 =	vmul.f32 v24, v20;
	_ =	sdelay $0x1  }
0x1e3: {  	[tilespmem:v27+s16+$0x0] =	vst.idx.msk $0xffff, v24  }
0x1e4: {  	v24 =	vld.idx.msk [tilespmem:v25+s16+$0x0], $0xffff;
	_ =	sdelay $0x2  }
0x1e5: {  	v27 =	vor.u32 v12, v26;
	_ =	sdelay $0x1  }
0x1e6: {  	v24 =	vmul.f32 v24, v21;
	_ =	sdelay $0x1  }
0x1e7: {  	[tilespmem:v25+s16+$0x0] =	vst.idx.msk $0xffff, v24  }
0x1e8: {  	v24 =	vld.idx.msk [tilespmem:v27+s16+$0x0], $0xffff;
	_ =	sdelay $0x2  }
0x1e9: {  	v25 =	vor.u32 v13, v26;
	_ =	sdelay $0x1  }
0x1ea: {  	v24 =	vmul.f32 v24, v22  }
0x1eb: {  	s28 =	simm.s32 $0x2  }
0x1ec: {  	[tilespmem:v27+s16+$0x0] =	vst.idx.msk $0xffff, v24;
	v24 =	vmov s28  }
0x1ed: {  	v26 =	vld.idx.msk [tilespmem:v25+s16+$0x0], $0xffff;
	v24 =	vand.u32 $0x7E, v24  }
0x1ee: {  	v24 =	vbroadcast v24, $0x0;
	_ =	sdelay $0x1  }
0x1ef: {  	v27 =	vor.u32 v7, v24;
	_ =	sdelay $0x1  }
0x1f0: {  	v26 =	vmul.f32 v26, v23;
	_ =	sdelay $0x1  }
0x1f1: {  	[tilespmem:v25+s16+$0x0] =	vst.idx.msk $0xffff, v26  }
0x1f2: {  	v25 =	vld.idx.msk [tilespmem:v27+s16+$0x0], $0xffff;
	_ =	sdelay $0x2  }
0x1f3: {  	v26 =	vor.u32 v11, v24;
	_ =	sdelay $0x1  }
0x1f4: {  	v25 =	vmul.f32 v25, v20;
	_ =	sdelay $0x1  }
0x1f5: {  	[tilespmem:v27+s16+$0x0] =	vst.idx.msk $0xffff, v25  }
0x1f6: {  	v25 =	vld.idx.msk [tilespmem:v26+s16+$0x0], $0xffff;
	_ =	sdelay $0x2  }
0x1f7: {  	v27 =	vor.u32 v12, v24;
	_ =	sdelay $0x1  }
0x1f8: {  	v25 =	vmul.f32 v25, v21;
	_ =	sdelay $0x1  }
0x1f9: {  	[tilespmem:v26+s16+$0x0] =	vst.idx.msk $0xffff, v25  }
0x1fa: {  	v25 =	vld.idx.msk [tilespmem:v27+s16+$0x0], $0xffff;
	_ =	sdelay $0x2  }
0x1fb: {  	v24 =	vor.u32 v13, v24;
	_ =	sdelay $0x1  }
0x1fc: {  	v25 =	vmul.f32 v25, v22  }
0x1fd: {  	s28 =	simm.s32 $0x3  }
0x1fe: {  	[tilespmem:v27+s16+$0x0] =	vst.idx.msk $0xffff, v25;
	v25 =	vmov s28  }
0x1ff: {  	v26 =	vld.idx.msk [tilespmem:v24+s16+$0x0], $0xffff;
	v25 =	vand.u32 $0x7F, v25  }
0x200: {  	v25 =	vbroadcast v25, $0x0;
	_ =	sdelay $0x1  }
0x201: {  	v27 =	vor.u32 v7, v25;
	_ =	sdelay $0x1  }
0x202: {  	v26 =	vmul.f32 v26, v23;
	_ =	sdelay $0x1  }
0x203: {  	[tilespmem:v24+s16+$0x0] =	vst.idx.msk $0xffff, v26  }
0x204: {  	v24 =	vld.idx.msk [tilespmem:v27+s16+$0x0], $0xffff;
	_ =	sdelay $0x2  }
0x205: {  	v26 =	vor.u32 v11, v25;
	_ =	sdelay $0x1  }
0x206: {  	v24 =	vmul.f32 v24, v20;
	_ =	sdelay $0x1  }
0x207: {  	[tilespmem:v27+s16+$0x0] =	vst.idx.msk $0xffff, v24  }
0x208: {  	v24 =	vld.idx.msk [tilespmem:v26+s16+$0x0], $0xffff;
	_ =	sdelay $0x2  }
0x209: {  	v27 =	vor.u32 v12, v25;
	_ =	sdelay $0x1  }
0x20a: {  	v24 =	vmul.f32 v24, v21;
	_ =	sdelay $0x1  }
0x20b: {  	[tilespmem:v26+s16+$0x0] =	vst.idx.msk $0xffff, v24  }
0x20c: {  	v24 =	vld.idx.msk [tilespmem:v27+s16+$0x0], $0xffff;
	_ =	sdelay $0x2  }
0x20d: {  	v25 =	vor.u32 v13, v25;
	_ =	sdelay $0x1  }
0x20e: {  	v24 =	vmul.f32 v24, v22  }
0x20f: {  	s28 =	simm.s32 $0x4  }
0x210: {  	[tilespmem:v27+s16+$0x0] =	vst.idx.msk $0xffff, v24;
	v24 =	vmov s28  }
0x211: {  	v27 =	vld.idx.msk [tilespmem:v25+s16+$0x0], $0xffff;
	v24 =	vand.u32 $0x7C, v24  }
0x212: {  	v24 =	vbroadcast v24, $0x0;
	_ =	sdelay $0x1  }
0x213: {  	v26 =	vor.u32 v7, v24;
	_ =	sdelay $0x1  }
0x214: {  	s29 =	simm.s32 $0x8;
	v27 =	vmul.f32 v27, v23  }
.LBB2_8:
0x215: {  	_ = 	snop  }
0x216: {  	p0 =	slt.u32 s29, $0x7C;
	s30 =	smov.u32 s29;
	s29 =	sadd.s32 $0x4, s29;
	[tilespmem:v25+s16+$0x0] =	vst.idx.msk $0xffff, v27  }
0x217: {  	v25 =	vld.idx.msk [tilespmem:v26+s16+$0x0], $0xffff;
	_ =	sdelay $0x3  }
0x218: {  	v27 =	vor.u32 v11, v24;
	_ =	sdelay $0x1  }
0x219: {  	v25 =	vmul.f32 v25, v20;
	_ =	sdelay $0x1  }
0x21a: {  	[tilespmem:v26+s16+$0x0] =	vst.idx.msk $0xffff, v25  }
0x21b: {  	v25 =	vld.idx.msk [tilespmem:v27+s16+$0x0], $0xffff;
	_ =	sdelay $0x3  }
0x21c: {  	v26 =	vor.u32 v12, v24;
	_ =	sdelay $0x1  }
0x21d: {  	v25 =	vmul.f32 v25, v21;
	_ =	sdelay $0x1  }
0x21e: {  	[tilespmem:v27+s16+$0x0] =	vst.idx.msk $0xffff, v25  }
0x21f: {  	v25 =	vld.idx.msk [tilespmem:v26+s16+$0x0], $0xffff;
	_ =	sdelay $0x3  }
0x220: {  	v24 =	vor.u32 v13, v24;
	_ =	sdelay $0x1  }
0x221: {  	v25 =	vmul.f32 v25, v22;
	_ =	sdelay $0x1  }
0x222: {  	s31 =	sadd.s32 $0x1, s28;
	[tilespmem:v26+s16+$0x0] =	vst.idx.msk $0xffff, v25  }
0x223: {  	v26 =	vmov s31;
	v25 =	vld.idx.msk [tilespmem:v24+s16+$0x0], $0xffff  }
0x224: {  	v26 =	vand.u32 $0x7D, v26  }
0x225: {  	v26 =	vbroadcast v26, $0x0;
	_ =	sdelay $0x1  }
0x226: {  	v27 =	vor.u32 v7, v26;
	_ =	sdelay $0x1  }
0x227: {  	v25 =	vmul.f32 v25, v23;
	_ =	sdelay $0x1  }
0x228: {  	[tilespmem:v24+s16+$0x0] =	vst.idx.msk $0xffff, v25  }
0x229: {  	v24 =	vld.idx.msk [tilespmem:v27+s16+$0x0], $0xffff;
	_ =	sdelay $0x3  }
0x22a: {  	v25 =	vor.u32 v11, v26;
	_ =	sdelay $0x1  }
0x22b: {  	v24 =	vmul.f32 v24, v20;
	_ =	sdelay $0x1  }
0x22c: {  	[tilespmem:v27+s16+$0x0] =	vst.idx.msk $0xffff, v24  }
0x22d: {  	v24 =	vld.idx.msk [tilespmem:v25+s16+$0x0], $0xffff;
	_ =	sdelay $0x3  }
0x22e: {  	v27 =	vor.u32 v12, v26;
	_ =	sdelay $0x1  }
0x22f: {  	v24 =	vmul.f32 v24, v21;
	_ =	sdelay $0x1  }
0x230: {  	[tilespmem:v25+s16+$0x0] =	vst.idx.msk $0xffff, v24  }
0x231: {  	v24 =	vld.idx.msk [tilespmem:v27+s16+$0x0], $0xffff;
	_ =	sdelay $0x3  }
0x232: {  	v25 =	vor.u32 v13, v26;
	_ =	sdelay $0x1  }
0x233: {  	v24 =	vmul.f32 v24, v22;
	_ =	sdelay $0x1  }
0x234: {  	s31 =	sadd.s32 $0x2, s28;
	[tilespmem:v27+s16+$0x0] =	vst.idx.msk $0xffff, v24  }
0x235: {  	v26 =	vmov s31;
	v24 =	vld.idx.msk [tilespmem:v25+s16+$0x0], $0xffff  }
0x236: {  	v26 =	vand.u32 $0x7E, v26  }
0x237: {  	v26 =	vbroadcast v26, $0x0;
	_ =	sdelay $0x1  }
0x238: {  	v27 =	vor.u32 v7, v26;
	_ =	sdelay $0x1  }
0x239: {  	v24 =	vmul.f32 v24, v23;
	_ =	sdelay $0x1  }
0x23a: {  	[tilespmem:v25+s16+$0x0] =	vst.idx.msk $0xffff, v24  }
0x23b: {  	v24 =	vld.idx.msk [tilespmem:v27+s16+$0x0], $0xffff;
	_ =	sdelay $0x3  }
0x23c: {  	v25 =	vor.u32 v11, v26;
	_ =	sdelay $0x1  }
0x23d: {  	v24 =	vmul.f32 v24, v20;
	_ =	sdelay $0x1  }
0x23e: {  	[tilespmem:v27+s16+$0x0] =	vst.idx.msk $0xffff, v24  }
0x23f: {  	v24 =	vld.idx.msk [tilespmem:v25+s16+$0x0], $0xffff;
	_ =	sdelay $0x3  }
0x240: {  	v27 =	vor.u32 v12, v26;
	_ =	sdelay $0x1  }
0x241: {  	v24 =	vmul.f32 v24, v21;
	_ =	sdelay $0x1  }
0x242: {  	[tilespmem:v25+s16+$0x0] =	vst.idx.msk $0xffff, v24  }
0x243: {  	v24 =	vld.idx.msk [tilespmem:v27+s16+$0x0], $0xffff;
	_ =	sdelay $0x3  }
0x244: {  	v25 =	vor.u32 v13, v26;
	_ =	sdelay $0x1  }
0x245: {  	v24 =	vmul.f32 v24, v22;
	_ =	sdelay $0x1  }
0x246: {  	s31 =	sadd.s32 $0x3, s28;
	s28 =	smov.u32 s30;
	[tilespmem:v27+s16+$0x0] =	vst.idx.msk $0xffff, v24  }
0x247: {  	v26 =	vmov s31;
	v24 =	vld.idx.msk [tilespmem:v25+s16+$0x0], $0xffff  }
0x248: {  	v26 =	vand.u32 $0x7F, v26  }
0x249: {  	v26 =	vbroadcast v26, $0x0;
	_ =	sdelay $0x1  }
0x24a: {  	v27 =	vor.u32 v7, v26;
	_ =	sdelay $0x1  }
0x24b: {  	v24 =	vmul.f32 v24, v23;
	_ =	sdelay $0x1  }
0x24c: {  	[tilespmem:v25+s16+$0x0] =	vst.idx.msk $0xffff, v24  }
0x24d: {  	v24 =	vld.idx.msk [tilespmem:v27+s16+$0x0], $0xffff;
	_ =	sdelay $0x3  }
0x24e: {  	v25 =	vor.u32 v11, v26;
	_ =	sdelay $0x1  }
0x24f: {  	v24 =	vmul.f32 v24, v20;
	_ =	sdelay $0x1  }
0x250: {  	[tilespmem:v27+s16+$0x0] =	vst.idx.msk $0xffff, v24  }
0x251: {  	v24 =	vld.idx.msk [tilespmem:v25+s16+$0x0], $0xffff;
	_ =	sdelay $0x3  }
0x252: {  	v27 =	vor.u32 v12, v26;
	_ =	sdelay $0x1  }
0x253: {  	v24 =	vmul.f32 v24, v21;
	_ =	sdelay $0x1  }
0x254: {  	[tilespmem:v25+s16+$0x0] =	vst.idx.msk $0xffff, v24  }
0x255: {  	v24 =	vld.idx.msk [tilespmem:v27+s16+$0x0], $0xffff;
	_ =	sdelay $0x3  }
0x256: {  	v25 =	vor.u32 v13, v26;
	_ =	sdelay $0x1  }
0x257: {  	v24 =	vmul.f32 v24, v22;
	_ =	sdelay $0x1  }
0x258: {  	[tilespmem:v27+s16+$0x0] =	vst.idx.msk $0xffff, v24  }
0x259: {  	v24 =	vmov s28;
	v27 =	vld.idx.msk [tilespmem:v25+s16+$0x0], $0xffff  }
0x25a: {  	v24 =	vand.u32 $0x7C, v24  }
.Ltmp7:
0x25b: {  	v24 =	vbroadcast v24, $0x0;
	(pc) =	sbr.rel @p0 .LBB2_8-.Ltmp7, $3  }
0x25c: {  	_ = 	snop  }
0x25d: {  	v26 =	vor.u32 v7, v24;
	_ =	sdelay $0x1  }
0x25e: {  	v27 =	vmul.f32 v27, v23  }
0x25f: {  	_ =	sdelay $0x3  }
0x260: {  	[tilespmem:v25+s16+$0x0] =	vst.idx.msk $0xffff, v27  }
0x261: {  	v25 =	vld.idx.msk [tilespmem:v26+s16+$0x0], $0xffff;
	_ =	sdelay $0x2  }
0x262: {  	v46 =	vor.u32 v11, v24;
	_ =	sdelay $0x1  }
0x263: {  	v25 =	vmul.f32 v25, v20;
	_ =	sdelay $0x1  }
0x264: {  	[tilespmem:v26+s16+$0x0] =	vst.idx.msk $0xffff, v25  }
0x265: {  	v25 =	vld.idx.msk [tilespmem:v46+s16+$0x0], $0xffff;
	_ =	sdelay $0x2  }
0x266: {  	v47 =	vor.u32 v12, v24;
	_ =	sdelay $0x1  }
0x267: {  	v25 =	vmul.f32 v25, v21;
	_ =	sdelay $0x1  }
0x268: {  	[tilespmem:v46+s16+$0x0] =	vst.idx.msk $0xffff, v25  }
0x269: {  	v25 =	vld.idx.msk [tilespmem:v47+s16+$0x0], $0xffff;
	_ =	sdelay $0x2  }
0x26a: {  	v48 =	vor.u32 v13, v24;
	_ =	sdelay $0x1  }
0x26b: {  	v25 =	vmul.f32 v25, v22  }
0x26c: {  	s29 =	sadd.s32 $0x1, s28  }
0x26d: {  	v49 =	vmov s29;
	[tilespmem:v47+s16+$0x0] =	vst.idx.msk $0xffff, v25  }
0x26e: {  	v25 =	vand.u32 $0x7D, v49;
	v26 =	vld.idx.msk [tilespmem:v48+s16+$0x0], $0xffff  }
0x26f: {  	v25 =	vbroadcast v25, $0x0;
	_ =	sdelay $0x1  }
0x270: {  	v50 =	vor.u32 v7, v25;
	_ =	sdelay $0x1  }
0x271: {  	v26 =	vmul.f32 v26, v23;
	_ =	sdelay $0x1  }
0x272: {  	[tilespmem:v48+s16+$0x0] =	vst.idx.msk $0xffff, v26  }
0x273: {  	v24 =	vld.idx.msk [tilespmem:v50+s16+$0x0], $0xffff;
	_ =	sdelay $0x2  }
0x274: {  	v51 =	vor.u32 v11, v25;
	_ =	sdelay $0x1  }
0x275: {  	v24 =	vmul.f32 v24, v20;
	_ =	sdelay $0x1  }
0x276: {  	[tilespmem:v50+s16+$0x0] =	vst.idx.msk $0xffff, v24  }
0x277: {  	v24 =	vld.idx.msk [tilespmem:v51+s16+$0x0], $0xffff;
	_ =	sdelay $0x2  }
0x278: {  	v52 =	vor.u32 v12, v25;
	_ =	sdelay $0x1  }
0x279: {  	v24 =	vmul.f32 v24, v21;
	_ =	sdelay $0x1  }
0x27a: {  	[tilespmem:v51+s16+$0x0] =	vst.idx.msk $0xffff, v24  }
0x27b: {  	v24 =	vld.idx.msk [tilespmem:v52+s16+$0x0], $0xffff;
	_ =	sdelay $0x2  }
0x27c: {  	v25 =	vor.u32 v13, v25;
	_ =	sdelay $0x1  }
0x27d: {  	v24 =	vmul.f32 v24, v22  }
0x27e: {  	s29 =	sadd.s32 $0x2, s28  }
0x27f: {  	v53 =	vmov s29;
	[tilespmem:v52+s16+$0x0] =	vst.idx.msk $0xffff, v24  }
0x280: {  	v24 =	vand.u32 $0x7E, v53;
	v26 =	vld.idx.msk [tilespmem:v25+s16+$0x0], $0xffff  }
0x281: {  	v24 =	vbroadcast v24, $0x0;
	_ =	sdelay $0x1  }
0x282: {  	v54 =	vor.u32 v7, v24;
	_ =	sdelay $0x1  }
0x283: {  	v26 =	vmul.f32 v26, v23;
	_ =	sdelay $0x1  }
0x284: {  	[tilespmem:v25+s16+$0x0] =	vst.idx.msk $0xffff, v26  }
0x285: {  	v25 =	vld.idx.msk [tilespmem:v54+s16+$0x0], $0xffff;
	_ =	sdelay $0x2  }
0x286: {  	v55 =	vor.u32 v11, v24;
	_ =	sdelay $0x1  }
0x287: {  	v25 =	vmul.f32 v25, v20;
	_ =	sdelay $0x1  }
0x288: {  	[tilespmem:v54+s16+$0x0] =	vst.idx.msk $0xffff, v25  }
0x289: {  	v25 =	vld.idx.msk [tilespmem:v55+s16+$0x0], $0xffff;
	_ =	sdelay $0x2  }
0x28a: {  	v56 =	vor.u32 v12, v24;
	_ =	sdelay $0x1  }
0x28b: {  	v25 =	vmul.f32 v25, v21;
	_ =	sdelay $0x1  }
0x28c: {  	[tilespmem:v55+s16+$0x0] =	vst.idx.msk $0xffff, v25  }
0x28d: {  	v25 =	vld.idx.msk [tilespmem:v56+s16+$0x0], $0xffff;
	_ =	sdelay $0x2  }
0x28e: {  	v24 =	vor.u32 v13, v24;
	_ =	sdelay $0x1  }
0x28f: {  	v25 =	vmul.f32 v25, v22  }
0x290: {  	s30 =	sadd.s32 $0x3, s28  }
0x291: {  	v57 =	vmov s30;
	[tilespmem:v56+s16+$0x0] =	vst.idx.msk $0xffff, v25  }
0x292: {  	v25 =	vand.u32 $0x7F, v57;
	v26 =	vld.idx.msk [tilespmem:v24+s16+$0x0], $0xffff  }
0x293: {  	v25 =	vbroadcast v25, $0x0;
	_ =	sdelay $0x1  }
0x294: {  	v58 =	vor.u32 v7, v25;
	_ =	sdelay $0x1  }
0x295: {  	v26 =	vmul.f32 v26, v23;
	_ =	sdelay $0x1  }
0x296: {  	[tilespmem:v24+s16+$0x0] =	vst.idx.msk $0xffff, v26  }
0x297: {  	v24 =	vld.idx.msk [tilespmem:v58+s16+$0x0], $0xffff;
	_ =	sdelay $0x2  }
0x298: {  	v59 =	vor.u32 v11, v25;
	_ =	sdelay $0x1  }
0x299: {  	v60 =	vmul.f32 v24, v20;
	_ =	sdelay $0x1  }
0x29a: {  	[tilespmem:v58+s16+$0x0] =	vst.idx.msk $0xffff, v60  }
0x29b: {  	v20 =	vld.idx.msk [tilespmem:v59+s16+$0x0], $0xffff;
	_ =	sdelay $0x2  }
0x29c: {  	v61 =	vor.u32 v12, v25;
	_ =	sdelay $0x1  }
0x29d: {  	v20 =	vmul.f32 v20, v21;
	_ =	sdelay $0x1  }
0x29e: {  	[tilespmem:v59+s16+$0x0] =	vst.idx.msk $0xffff, v20  }
0x29f: {  	v20 =	vld.idx.msk [tilespmem:v61+s16+$0x0], $0xffff;
	_ =	sdelay $0x2  }
0x2a0: {  	v62 =	vor.u32 v13, v25;
	_ =	sdelay $0x1  }
0x2a1: {  	v20 =	vmul.f32 v20, v22  }
0x2a2: {  	(v2sf) =	vpush v19, $0x0  }
0x2a3: {  	[tilespmem:v61+s16+$0x0] =	vst.idx.msk $0xffff, v20  }
0x2a4: {  	v63 =	vld.idx.msk [tilespmem:v62+s16+$0x0], $0xffff;
	_ =	sdelay $0x4  }
0x2a5: {  	v19 =	vmul.f32 v63, v23;
	_ =	sdelay $0x1  }
0x2a6: {  	vm0 =	vmmov $0xffff;
	[tilespmem:v62+s16+$0x0] =	vst.idx.msk $0xffff, v19  }
0x2a7: {  	[hbm4b:s3+s5] =	stream.indirect_vreg.scatter [tilespmem:s16], [sflag:$0x1], $0x80, v18, vm0, $0xb8;
	[tilespmem:$0x12F80] =	vst v63  }
0x2a8: {  	_ = 	snop  }
0x2a9: {  	[hbm4b:s3+s5] =	stream.indirect_vreg.scatter [tilespmem:s17], [sflag:$0x1], $0x80, v17, vm0, $0xb8;
	[tilespmem:$0x12F80] =	vst v63  }
0x2aa: {  	_ = 	snop  }
0x2ab: {  	[hbm4b:s3+s5] =	stream.indirect_vreg.scatter [tilespmem:s18], [sflag:$0x1], $0x80, v16, vm0, $0xb8;
	[tilespmem:$0x12F80] =	vst v63  }
0x2ac: {  	s31 =	spop (v2sf)  }
0x2ad: {  	[hbm4b:s3+s5] =	stream.indirect_vreg.scatter [tilespmem:s19], [sflag:$0x1], $0x80, v15, vm0, $0xb8;
	[tilespmem:$0x12F80] =	vst v63  }
0x2ae: {  	_ =	swait.ge [sflag:s8], $0x800  }
0x2af: {  	[sflag:s8] =	ssyncset.done $0x0  }
0x2b0: {  	[sflag:s8] =	ssyncadd.s32 $0xFFFFF800  }
0x2b1: {  	_ =	swait.ge [sflag:s8], $0x800  }
0x2b2: {  	[sflag:s8] =	ssyncset.done $0x0  }
0x2b3: {  	s29 =	sadd.s32 s26, s31;
	[sflag:s8] =	ssyncadd.s32 $0xFFFFF800  }
0x2b4: {  	p0 =	slt.s32 s29, $0x1;
	_ =	swait.ge [sflag:s8], $0x800  }
.Ltmp8:
0x2b5: {  	[sflag:s8] =	ssyncset.done $0x0;
	(pc) =	sbr.rel @p0 .LBB2_13-.Ltmp8, $4  }
0x2b6: {  	[sflag:s8] =	ssyncadd.s32 $0xFFFFF800  }
0x2b7: {  	_ =	swait.ge [sflag:s8], $0x800  }
0x2b8: {  	[sflag:s8] =	ssyncset.done $0x0  }
0x2b9: {  	s26 =	simm.s32 $0x12F00;
	[sflag:s8] =	ssyncadd.s32 $0xFFFFF800  }
0x2ba: {  	v15 =	vld [tilespmem:s26+$0x0];
	_ =	sdelay $0x4  }
0x2bb: {  	(v2sf) =	vpush v15, $0x0;
	_ =	sdelay $0xe  }
0x2bc: {  	s28 =	spop (v2sf)  }
0x2bd: {  	v15 =	vld [tilespmem:s28+$0x4000];
	_ =	sdelay $0x2  }
0x2be: {  	v16 =	vld [tilespmem:s28+$0x8080];
	_ =	sdelay $0x1  }
0x2bf: {  	(v2sf) =	vpush v15, $0x0;
	_ =	sdelay $0x2  }
0x2c0: {  	(v2sf) =	vpush v16, $0x0;
	_ =	sdelay $0xb  }
0x2c1: {  	s28 =	spop (v2sf)  }
0x2c2: {  	s28 =	sshll.u32 s28, $0x4  }
0x2c3: {  	s28 =	sand.u32 $0x1FFFFFF0, s28  }
0x2c4: {  	s30 =	spop (v2sf);
	s28 =	sadd.s32 s1, s28  }
0x2c5: {  	[tilespmem:s20], [sflag:$0x3] =	stream.linear.gather [hbm4b:s28+s5], $0x80, $0x38;
	[tilespmem:$0x12F80] =	vst v63  }
0x2c6: {  	s28 =	sshll.u32 s30, $0x4;
	_ =	swait.ge [sflag:s7], $0x80  }
0x2c7: {  	s28 =	sand.u32 $0x1FFFFFF0, s28;
	[sflag:s7] =	ssyncset.done $0x0  }
0x2c8: {  	s28 =	sadd.s32 s3, s28;
	[sflag:s7] =	ssyncadd.s32 $0xFFFFFF80  }
0x2c9: {  	[tilespmem:s21], [sflag:$0x3] =	stream.linear.gather [hbm4b:s28+s5], $0x80, $0x38;
	[tilespmem:$0x12F80] =	vst v63  }
0x2ca: {  	_ =	swait.ge [sflag:s7], $0x80  }
0x2cb: {  	[sflag:s7] =	ssyncset.done $0x0  }
0x2cc: {  	[sflag:s7] =	ssyncadd.s32 $0xFFFFFF80  }
0x2cd: {  	v15 =	vld [tilespmem:$0x12D80]  }
0x2ce: {  	v16 =	vld [tilespmem:$0x12DA0]  }
0x2cf: {  	v17 =	vld [tilespmem:$0x12D90]  }
0x2d0: {  	v18 =	vld [tilespmem:$0x12E10]  }
0x2d1: {  	v19 =	vld [tilespmem:$0x12E00]  }
0x2d2: {  	v20 =	vld [tilespmem:$0x12E20];
	_ =	sdelay $0x1  }
0x2d3: {  	v21 =	vld [tilespmem:$0x12DB0]  }
0x2d4: {  	v22 =	vld [tilespmem:$0x12E30]  }
0x2d5: {  	v17 =	vadd.f32 v17, v18;
	v18 =	vadd.f32 v15, v19;
	v19 =	vld [tilespmem:$0x12DC0]  }
0x2d6: {  	v16 =	vadd.f32 v16, v20;
	v20 =	vld [tilespmem:$0x12E40]  }
0x2d7: {  	v23 =	vld [tilespmem:$0x12DD0];
	v15 =	vmul.f32 $5.000000000e-01, v17;
	v17 =	vmul.f32 $5.000000000e-01, v18  }
0x2d8: {  	v24 =	vld [tilespmem:$0x12E50]  }
0x2d9: {  	v27 =	vld [tilespmem:$0x12DF0];
	v21 =	vadd.f32 v21, v22;
	v18 =	vmul.f32 v15, v15;
	v25 =	vmul.f32 v17, v17  }
0x2da: {  	v22 =	vld [tilespmem:$0x12DE0];
	v16 =	vmul.f32 $5.000000000e-01, v16  }
0x2db: {  	v19 =	vadd.f32 v19, v20;
	v25 =	vadd.f32 v18, v25;
	v18 =	vmul.f32 $5.000000000e-01, v21;
	v21 =	vld [tilespmem:$0x12E60]  }
0x2dc: {  	v56 =	vld [tilespmem:$0x12E70];
	v26 =	vmul.f32 v16, v16  }
0x2dd: {  	v19 =	vmul.f32 $5.000000000e-01, v19  }
0x2de: {  	v23 =	vadd.f32 v23, v24;
	v20 =	vadd.f32 v26, v25;
	v55 =	vmul.f32 v18, v18  }
0x2df: {  	v58 =	vmul.f32 v19, v19  }
0x2e0: {  	v57 =	vadd.f32 v55, v20;
	v20 =	vmul.f32 $5.000000000e-01, v23;
	v21 =	vadd.f32 v22, v21  }
0x2e1: {  	v59 =	vadd.f32 v27, v56  }
0x2e2: {  	v22 =	vadd.f32 v58, v57;
	v23 =	vmul.f32 v20, v20;
	v21 =	vmul.f32 $5.000000000e-01, v21;
	_ =	sdelay $0x1  }
0x2e3: {  	v23 =	vadd.f32 v23, v22;
	v22 =	vmul.f32 $5.000000000e-01, v59;
	v60 =	vmul.f32 v21, v21;
	_ =	sdelay $0x1  }
0x2e4: {  	v24 =	vmul.f32 v22, v22;
	v23 =	vadd.f32 v60, v23;
	_ =	sdelay $0x1  }
0x2e5: {  	v23 =	vadd.f32 v24, v23;
	_ =	sdelay $0x1  }
0x2e6: {  	(xrf2) =	vadd.scan.msk.f32 $0xffff, v23;
	_ =	sdelay $0x9  }
0x2e7: {  	v23, _, _ =	vpop (xrf2)  }
0x2e8: {  	v23 =	vmax.f32 v23, $1.000000000e-30  }
0x2e9: {  	v23 =	vbroadcast v23, $0xF;
	_ =	sdelay $0x1  }
0x2ea: {  	v61 =	vshrl.u32 v23, $0x1;
	v62 =	vmul.f32 $5.000000000e-01, v23  }
0x2eb: {  	v24 =	vsub.s32 $0x5F3759DF, v61  }
0x2ec: {  	v63 =	vmul.f32 v24, v62;
	_ =	sdelay $0x1  }
0x2ed: {  	v26 =	vmul.f32 v24, v63;
	_ =	sdelay $0x1  }
0x2ee: {  	v26 =	vsub.f32 $1.500000000e+00, v26;
	_ =	sdelay $0x1  }
0x2ef: {  	v24 =	vmul.f32 v24, v26;
	_ =	sdelay $0x1  }
0x2f0: {  	v26 =	vmul.f32 v24, v62;
	_ =	sdelay $0x1  }
0x2f1: {  	v26 =	vmul.f32 v26, v24;
	_ =	sdelay $0x1  }
0x2f2: {  	v26 =	vsub.f32 $1.500000000e+00, v26;
	_ =	sdelay $0x1  }
0x2f3: {  	v24 =	vmul.f32 v26, v24;
	_ =	sdelay $0x1  }
0x2f4: {  	v25 =	vmul.f32 v24, v62;
	_ =	sdelay $0x1  }
0x2f5: {  	v25 =	vmul.f32 v25, v24;
	_ =	sdelay $0x1  }
0x2f6: {  	v25 =	vsub.f32 $1.500000000e+00, v25;
	_ =	sdelay $0x1  }
0x2f7: {  	v24 =	vmul.f32 v25, v24;
	_ =	sdelay $0x1  }
0x2f8: {  	v23 =	vmul.f32 v24, v23;
	_ =	sdelay $0x1  }
0x2f9: {  	[tilespmem:$0x12E20] =	vst v16;
	v23 =	vmax.f32 v23, $9.999999960e-13  }
0x2fa: {  	p0 =	sne.s32 s29, $0x1;
	[tilespmem:$0x12E10] =	vst v15;
	(erf) = vrcp.f32 v23  }
.Ltmp9:
0x2fb: {  	[tilespmem:$0x12E00] =	vst v17;
	(pc) =	sbr.rel @!p0 .LBB2_12-.Ltmp9, $4  }
0x2fc: {  	[tilespmem:$0x12E30] =	vst v18  }
0x2fd: {  	[tilespmem:$0x12E40] =	vst v19  }
0x2fe: {  	[tilespmem:$0x12E50] =	vst v20  }
0x2ff: {  	s29 =	sadd.s32 $0xFFFFFFFF, s29;
	[tilespmem:$0x12E60] =	vst v21  }
.LBB2_11:
0x300: {  	p0 =	sne.s32 s29, $0x1;
	s29 =	sadd.s32 $0xFFFFFFFF, s29;
	s26 =	sadd.s32 $0x1, s26  }
0x301: {  	_ =	sdelay $0x4  }
0x302: {  	v23 =	vpop (erf)  }
0x303: {  	v17 =	vmul.f32 v23, v17;
	v15 =	vmul.f32 v23, v15  }
0x304: {  	v16 =	vmul.f32 v23, v16;
	v18 =	vmul.f32 v23, v18  }
0x305: {  	[tilespmem:$0x12E00] =	vst v17;
	v17 =	vmul.f32 v23, v19;
	v19 =	vmul.f32 v23, v20  }
0x306: {  	v20 =	vmul.f32 v23, v22;
	[tilespmem:$0x12E20] =	vst v16;
	v16 =	vmul.f32 v23, v21  }
0x307: {  	[tilespmem:$0x12E30] =	vst v18  }
0x308: {  	[tilespmem:$0x12E50] =	vst v19  }
0x309: {  	[tilespmem:$0x12E70] =	vst v20  }
0x30a: {  	[tilespmem:$0x12E60] =	vst v16  }
0x30b: {  	[tilespmem:$0x12E10] =	vst v15  }
0x30c: {  	[tilespmem:$0x12E40] =	vst v17  }
0x30d: {  	[hbm4b:s28+s5] =	stream.linear.scatter [tilespmem:s21], [sflag:$0x3], $0x80, $0x38;
	[tilespmem:$0x12F80] =	vst v63  }
0x30e: {  	_ =	swait.ge [sflag:s7], $0x80  }
0x30f: {  	[sflag:s7] =	ssyncset.done $0x0  }
0x310: {  	[sflag:s7] =	ssyncadd.s32 $0xFFFFFF80  }
0x311: {  	v15 =	vld [tilespmem:s26+$0x0];
	_ =	sdelay $0x4  }
0x312: {  	(v2sf) =	vpush v15, $0x0;
	_ =	sdelay $0xe  }
0x313: {  	s28 =	spop (v2sf)  }
0x314: {  	v15 =	vld [tilespmem:s28+$0x4000];
	_ =	sdelay $0x1  }
0x315: {  	v16 =	vld [tilespmem:s28+$0x8080];
	_ =	sdelay $0x2  }
0x316: {  	(v2sf) =	vpush v15, $0x0;
	_ =	sdelay $0x1  }
0x317: {  	(v2sf) =	vpush v16, $0x0;
	_ =	sdelay $0xc  }
0x318: {  	s28 =	spop (v2sf)  }
0x319: {  	s28 =	sshll.u32 s28, $0x4  }
0x31a: {  	s28 =	sand.u32 $0x1FFFFFF0, s28;
	s30 =	spop (v2sf)  }
0x31b: {  	s28 =	sadd.s32 s1, s28;
	s30 =	sshll.u32 s30, $0x4  }
0x31c: {  	[tilespmem:s20], [sflag:$0x3] =	stream.linear.gather [hbm4b:s28+s5], $0x80, $0x38;
	[tilespmem:$0x12F80] =	vst v63  }
0x31d: {  	s28 =	sand.u32 $0x1FFFFFF0, s30;
	_ =	swait.ge [sflag:s7], $0x80  }
0x31e: {  	s28 =	sadd.s32 s3, s28;
	[sflag:s7] =	ssyncset.done $0x0  }
0x31f: {  	[sflag:s7] =	ssyncadd.s32 $0xFFFFFF80  }
0x320: {  	[tilespmem:s21], [sflag:$0x3] =	stream.linear.gather [hbm4b:s28+s5], $0x80, $0x38;
	[tilespmem:$0x12F80] =	vst v63  }
0x321: {  	_ =	swait.ge [sflag:s7], $0x80  }
0x322: {  	[sflag:s7] =	ssyncset.done $0x0  }
0x323: {  	[sflag:s7] =	ssyncadd.s32 $0xFFFFFF80  }
0x324: {  	v15 =	vld [tilespmem:$0x12D80]  }
0x325: {  	v16 =	vld [tilespmem:$0x12DA0]  }
0x326: {  	v17 =	vld [tilespmem:$0x12E20]  }
0x327: {  	v18 =	vld [tilespmem:$0x12D90]  }
0x328: {  	v19 =	vld [tilespmem:$0x12E10]  }
0x329: {  	v20 =	vld [tilespmem:$0x12E00]  }
0x32a: {  	v21 =	vld [tilespmem:$0x12DD0]  }
0x32b: {  	v16 =	vadd.f32 v16, v17;
	v22 =	vld [tilespmem:$0x12DE0]  }
0x32c: {  	v23 =	vld [tilespmem:$0x12DB0]  }
0x32d: {  	v17 =	vadd.f32 v18, v19;
	v16 =	vmul.f32 $5.000000000e-01, v16;
	v18 =	vld [tilespmem:$0x12E30]  }
0x32e: {  	v19 =	vadd.f32 v15, v20;
	v20 =	vld [tilespmem:$0x12DC0]  }
0x32f: {  	v15 =	vmul.f32 $5.000000000e-01, v17;
	[tilespmem:$0x12E20] =	vst v16;
	v24 =	vld [tilespmem:$0x12E40]  }
0x330: {  	v17 =	vmul.f32 $5.000000000e-01, v19;
	v25 =	vld [tilespmem:$0x12DF0]  }
0x331: {  	[tilespmem:$0x12E10] =	vst v15;
	v19 =	vmul.f32 v15, v15;
	v26 =	vld [tilespmem:$0x12E50]  }
0x332: {  	[tilespmem:$0x12E00] =	vst v17;
	v27 =	vmul.f32 v17, v17;
	v18 =	vadd.f32 v23, v18  }
0x333: {  	v23 =	vmul.f32 v16, v16  }
0x334: {  	v19 =	vadd.f32 v19, v27;
	v18 =	vmul.f32 $5.000000000e-01, v18;
	v20 =	vadd.f32 v20, v24;
	v24 =	vld [tilespmem:$0x12E60];
	_ =	sdelay $0x1  }
0x335: {  	v23 =	vadd.f32 v23, v19;
	[tilespmem:$0x12E30] =	vst v18;
	v27 =	vmul.f32 v18, v18;
	v19 =	vmul.f32 $5.000000000e-01, v20;
	v28 =	vld [tilespmem:$0x12E70]  }
0x336: {  	v20 =	vadd.f32 v21, v26  }
0x337: {  	v21 =	vadd.f32 v27, v23;
	[tilespmem:$0x12E40] =	vst v19;
	v23 =	vmul.f32 v19, v19  }
0x338: {  	v20 =	vmul.f32 $5.000000000e-01, v20;
	v22 =	vadd.f32 v22, v24  }
0x339: {  	v23 =	vadd.f32 v23, v21  }
0x33a: {  	v24 =	vmul.f32 v20, v20;
	[tilespmem:$0x12E50] =	vst v20;
	v21 =	vmul.f32 $5.000000000e-01, v22;
	v22 =	vadd.f32 v25, v28;
	_ =	sdelay $0x1  }
0x33b: {  	v23 =	vadd.f32 v24, v23;
	[tilespmem:$0x12E60] =	vst v21;
	v24 =	vmul.f32 v21, v21;
	v22 =	vmul.f32 $5.000000000e-01, v22;
	_ =	sdelay $0x1  }
0x33c: {  	v23 =	vadd.f32 v24, v23;
	v24 =	vmul.f32 v22, v22;
	_ =	sdelay $0x1  }
0x33d: {  	v23 =	vadd.f32 v24, v23;
	_ =	sdelay $0x1  }
0x33e: {  	(xrf2) =	vadd.scan.msk.f32 $0xffff, v23;
	_ =	sdelay $0x9  }
0x33f: {  	v23, _, _ =	vpop (xrf2)  }
0x340: {  	v23 =	vmax.f32 v23, $1.000000000e-30  }
0x341: {  	v23 =	vbroadcast v23, $0xF;
	_ =	sdelay $0x1  }
0x342: {  	v24 =	vshrl.u32 v23, $0x1;
	v25 =	vmul.f32 $5.000000000e-01, v23  }
0x343: {  	v24 =	vsub.s32 $0x5F3759DF, v24  }
0x344: {  	v26 =	vmul.f32 v24, v25;
	_ =	sdelay $0x1  }
0x345: {  	v26 =	vmul.f32 v24, v26;
	_ =	sdelay $0x1  }
0x346: {  	v26 =	vsub.f32 $1.500000000e+00, v26;
	_ =	sdelay $0x1  }
0x347: {  	v24 =	vmul.f32 v24, v26;
	_ =	sdelay $0x1  }
0x348: {  	v26 =	vmul.f32 v24, v25;
	_ =	sdelay $0x1  }
0x349: {  	v26 =	vmul.f32 v26, v24;
	_ =	sdelay $0x1  }
0x34a: {  	v26 =	vsub.f32 $1.500000000e+00, v26;
	_ =	sdelay $0x1  }
0x34b: {  	v24 =	vmul.f32 v26, v24;
	_ =	sdelay $0x1  }
0x34c: {  	v25 =	vmul.f32 v24, v25;
	_ =	sdelay $0x1  }
0x34d: {  	v25 =	vmul.f32 v25, v24;
	_ =	sdelay $0x1  }
0x34e: {  	v25 =	vsub.f32 $1.500000000e+00, v25;
	_ =	sdelay $0x1  }
0x34f: {  	v24 =	vmul.f32 v25, v24  }
.Ltmp10:
0x350: {  	(pc) =	sbr.rel @p0 .LBB2_11-.Ltmp10, $3  }
0x351: {  	v23 =	vmul.f32 v24, v23;
	_ =	sdelay $0x1  }
0x352: {  	v23 =	vmax.f32 v23, $9.999999960e-13  }
0x353: {  	(erf) = vrcp.f32 v23  }
.Ltmp11:
0x354: {  	_ = 	snop;
	(pc) =	sbr.rel .LBB2_12-.Ltmp11, $1  }
0x355: {  	_ =	sdelay $0x3  }
.LBB2_15:
0x356: {  	_ =	sfence.sel $0x180000  }
0x357: {  	[bflag:$0x0] =	sbarrier.arrive $0xFFFF  }
0x358: {  	p0 =	sne.s32 s4, $0x0;
	_ =	strace $0x90000047  }
0x359: {  	s0 =	sadd.s32 @!p0 $0x100000, s0;
	[bflag:$0x2] =	sbarrier.arrive $0xFFFF  }
0x35a: {  	[sflag:s0] =	ssyncadd.tile.s32 @!p0 $0x1;
	_ =	shalt  }
.Lfunc_end2:
_tile_overlayer_lowered:
.L_overlay_start_2:
0x35b: {  	(tag) =	ssettag $0x2  }
0x35c: {  	s0 =	rddreg [dreg:$0x0];
	s2 =	stileid.u32  }
0x35d: {  	s1 =	rddreg [dreg:$0x1];
	p0 =	sne.s32 s2, $0x0  }
0x35e: {  	s3 =	rddreg [dreg:$0x2];
	[bflag:$0x3] =	sbarrier.arrive $0xFFFF;
	s2 =	simm.s32 @!p0 $0x1C03  }
0x35f: {  	[timem:s3], [sflag:s2] =	dma.local @!p0 [hbm:s0], s1  }
0x360: {  	s0 =	simm.s32 @!p0 $0x3  }
0x361: {  	_ =	swait.ge @!p0 [sflag:s0], s1  }
0x362: {  	s1 =	ssub.s32 @!p0 $0x0, s1;
	[sflag:s0] =	ssyncset.done @!p0 $0x0  }
0x363: {  	[sflag:s0] =	ssyncadd.s32 @!p0 s1  }
0x364: {  	[bflag:$0x3] =	sbarrier.arrive $0xFFFF  }
0x365: {  	_ =	shalt  }

</sc_bundles>
